<compile_context>
chip_gen: v7x
topology: tpu7x:2x2x1
jax: 0.10.2.dev20260603
libtpu: 0.0.44.dev20260713+nightly
codegen_flags: <defaults>
</compile_context>

<pallas_src>
import jax
import jax.numpy as jnp
from jax import lax
from jax.experimental import pallas as pl
from jax.experimental.pallas import tpu as pltpu
from jax.experimental.pallas import tpu_sc as plsc

PAIR_DIM = 32
B = 32
N = 255
NP1 = 256
NUM_CORES = 2
NUM_SUBCORES = 16
L = 16

KB = 3
NIT = N // KB
SPTOT = B * N * N
EDTOT = B * N * N * 3
SPW = 784
EDW = 2320


def _sc_body(spf, edf, w_edge, w_sp, w_vnode, out,
             tsp, ted, vno, spw, edw, blk, ssem, esem, osem):
    b = lax.axis_index("s") * NUM_CORES + lax.axis_index("c")

    pltpu.sync_copy(w_sp, tsp)
    pltpu.sync_copy(w_edge, ted)
    pltpu.sync_copy(w_vnode, vno)

    v0 = vno[0, pl.ds(0, L)]
    v1 = vno[0, pl.ds(L, L)]

    def fill(j, _):
        blk[0, 0, j, pl.ds(0, L)] = v0
        blk[0, 0, j, pl.ds(L, L)] = v1
        return 0

    lax.fori_loop(0, NP1, fill, 0)
    pltpu.sync_copy(blk.at[0, 0], out.at[b, 0])

    third = jnp.float32(1.0 / 3.0)
    iota = lax.iota(jnp.int32, L)
    iota3 = iota * 3

    def sp_window(t):
        s0 = (b * N + t * KB) * N
        a0 = jnp.minimum(s0 - lax.rem(s0, 16), SPTOT - SPW)
        return pl.multiple_of(a0, 16), s0

    def ed_window(t):
        e0 = (b * N + t * KB) * (3 * N)
        b0 = jnp.minimum(e0 - lax.rem(e0, 16), EDTOT - EDW)
        return pl.multiple_of(b0, 16), e0

    def issue_idx(t, s):
        a0, _ = sp_window(t)
        b0, _ = ed_window(t)
        pltpu.async_copy(spf.at[pl.ds(a0, SPW)], spw.at[s], ssem.at[s])
        pltpu.async_copy(edf.at[pl.ds(b0, EDW)], edw.at[s], esem.at[s])

    def wait_idx(s):
        pltpu.make_async_copy(spf.at[pl.ds(0, SPW)], spw.at[s], ssem.at[s]).wait()
        pltpu.make_async_copy(edf.at[pl.ds(0, EDW)], edw.at[s], esem.at[s]).wait()

    def wait_out(s):
        pltpu.make_async_copy(blk.at[s], out.at[b, pl.ds(1, KB)], osem.at[s]).wait()

    issue_idx(0, 0)

    def step(t, _):
        slot = lax.rem(t, 2)
        nxt = 1 - slot

        @pl.when(t + 1 < NIT)
        def _():
            issue_idx(t + 1, nxt)

        a0, s0 = sp_window(t)
        b0, e0 = ed_window(t)
        sh_sp = s0 - a0
        sh_ed = e0 - b0

        wait_idx(slot)

        @pl.when(t >= 2)
        def _():
            wait_out(slot)

        for kk in range(KB):

            def group(g, _, kk=kk):
                j0 = g * L
                p = sh_sp + kk * N + (j0 - 1)
                spr = plsc.load_gather(spw.at[slot], [jnp.maximum(p + iota, 0)])
                ev = jnp.maximum(sh_ed + 3 * (kk * N + j0 - 1) + iota3, 0)
                i0 = plsc.load_gather(edw.at[slot], [ev])
                i1 = plsc.load_gather(edw.at[slot], [ev + 1])
                i2 = plsc.load_gather(edw.at[slot], [ev + 2])
                for l in range(L):
                    j = j0 + l
                    spv = spr[l]
                    e0v = i0[l]
                    e1v = i1[l]
                    e2v = i2[l]
                    acc0 = tsp[spv, pl.ds(0, L)] + third * (
                        ted[e0v, pl.ds(0, L)]
                        + ted[e1v, pl.ds(0, L)]
                        + ted[e2v, pl.ds(0, L)]
                    )
                    acc1 = tsp[spv, pl.ds(L, L)] + third * (
                        ted[e0v, pl.ds(L, L)]
                        + ted[e1v, pl.ds(L, L)]
                        + ted[e2v, pl.ds(L, L)]
                    )
                    blk[slot, kk, j, pl.ds(0, L)] = acc0
                    blk[slot, kk, j, pl.ds(L, L)] = acc1
                return 0

            lax.fori_loop(0, NP1 // L, group, 0)
            blk[slot, kk, 0, pl.ds(0, L)] = v0
            blk[slot, kk, 0, pl.ds(L, L)] = v1

        pltpu.async_copy(
            blk.at[slot], out.at[b, pl.ds(t * KB + 1, KB)], osem.at[slot]
        )
        return 0

    lax.fori_loop(0, NIT, step, 0)
    wait_out(1)
    wait_out(0)


@jax.jit
def kernel(shortest_path, edge_feat, graph_attn_bias, W_edge, W_sp, W_vnode):
    del graph_attn_bias
    spf = shortest_path.reshape(SPTOT)
    edf = edge_feat.reshape(EDTOT)

    mesh = plsc.VectorSubcoreMesh(
        core_axis_name="c", subcore_axis_name="s",
        num_cores=NUM_CORES, num_subcores=NUM_SUBCORES,
    )
    run = pl.kernel(
        _sc_body,
        out_type=jax.ShapeDtypeStruct((B, NP1, NP1, PAIR_DIM), jnp.float32),
        mesh=mesh,
        compiler_params=pltpu.CompilerParams(
            needs_layout_passes=False,
            use_tc_tiling_on_sc=False,
            disable_bounds_checks=True,
        ),
        scratch_types=[
            pltpu.VMEM((512, PAIR_DIM), jnp.float32),
            pltpu.VMEM((1024, PAIR_DIM), jnp.float32),
            pltpu.VMEM((1, PAIR_DIM), jnp.float32),
            pltpu.VMEM((2, SPW), jnp.int32),
            pltpu.VMEM((2, EDW), jnp.int32),
            pltpu.VMEM((2, KB, NP1, PAIR_DIM), jnp.float32),
            pltpu.SemaphoreType.DMA((2,)),
            pltpu.SemaphoreType.DMA((2,)),
            pltpu.SemaphoreType.DMA((2,)),
        ],
    )
    return run(spf, edf, W_edge, W_sp, W_vnode)

# --- scband reference (transcript-rebuilt; emitter-appended) ---
"""Pipeline reference for scband-edge-feature-67611375173972 (READ-ONLY COPY).

The authoritative reference and input builder live on the scoring server;
editing this copy changes nothing except your own understanding.
"""

import jax, jax.numpy as jnp
import numpy as np

PAIR_DIM = 32
NUM_EDGE = 1024
NUM_SPATIAL = 512
B, N = 32, 255


def setup_inputs(seed: int = 0) -> dict:
    key = jax.random.key(seed)
    k1, k2, k3, k4, k5, k6 = jax.random.split(key, 6)
    shortest_path = jax.random.randint(k1, (B, N, N), 0, NUM_SPATIAL, dtype=jnp.int32)
    edge_feat = jax.random.randint(k2, (B, N, N, 3), 0, NUM_EDGE, dtype=jnp.int32)
    graph_attn_bias = jax.random.normal(k3, (B, N + 1, N + 1, PAIR_DIM), dtype=jnp.float32)
    W_edge = 0.02 * jax.random.normal(k4, (NUM_EDGE, PAIR_DIM), dtype=jnp.float32)
    W_edge = W_edge.at[0].set(0.0)  # padding_idx=0
    W_sp = 0.02 * jax.random.normal(k5, (NUM_SPATIAL, PAIR_DIM), dtype=jnp.float32)
    W_sp = W_sp.at[0].set(0.0)  # padding_idx=0
    W_vnode = 0.02 * jax.random.normal(k6, (1, PAIR_DIM), dtype=jnp.float32)
    return {
        "shortest_path": shortest_path,
        "edge_feat": edge_feat,
        "graph_attn_bias": graph_attn_bias,
        "W_edge": W_edge,
        "W_sp": W_sp,
        "W_vnode": W_vnode,
    }


def reference(shortest_path, edge_feat, graph_attn_bias, W_edge, W_sp, W_vnode):
    pair_dim = W_vnode.shape[-1]
    # graph_attn_bias[:, 1:, 1:, :] = shortest_path_encoder(shortest_path)
    sp_emb = jnp.take(W_sp, shortest_path, axis=0)  # [B, N, N, D]
    bias = graph_attn_bias.at[:, 1:, 1:, :].set(sp_emb)
    # virtual-node distance embedding
    t = W_vnode.reshape(1, 1, pair_dim)
    bias = bias.at[:, 1:, 0, :].set(t)
    bias = bias.at[:, 0, :, :].set(t)
    # edge_input = edge_encoder(edge_feat).mean(-2)
    edge_emb = jnp.take(W_edge, edge_feat, axis=0).mean(axis=-2)  # [B, N, N, D]
    bias = bias.at[:, 1:, 1:, :].set(bias[:, 1:, 1:, :] + edge_emb)
    return bias

if __name__ == "__main__":
    import jax
    _d = setup_inputs()
    print(jax.jit(kernel)(*tuple(_d.values())))

</pallas_src>

<mosaic_0001>
#map = affine_map<(d0, d1) -> (0)>
#map1 = affine_map<(d0, d1) -> (0, 0)>
#map2 = affine_map<(d0, d1) -> (0, 0, 0, 0)>
module attributes {stable_mosaic.version = 14 : i64} {
  func.func @_sc_body(%arg0: i32, %arg1: i32, %arg2: memref<2080800xi32, #tpu.memory_space<hbm>>, %arg3: memref<6242400xi32, #tpu.memory_space<hbm>>, %arg4: memref<1024x32xf32, #tpu.memory_space<hbm>>, %arg5: memref<512x32xf32, #tpu.memory_space<hbm>>, %arg6: memref<1x32xf32, #tpu.memory_space<hbm>>, %arg7: memref<32x256x256x32xf32, #tpu.memory_space<hbm>>, %arg8: memref<512x32xf32, #tpu.memory_space<vmem>>, %arg9: memref<1024x32xf32, #tpu.memory_space<vmem>>, %arg10: memref<1x32xf32, #tpu.memory_space<vmem>>, %arg11: memref<2x784xi32, #tpu.memory_space<vmem>>, %arg12: memref<2x2320xi32, #tpu.memory_space<vmem>>, %arg13: memref<2x3x256x32xf32, #tpu.memory_space<vmem>>, %arg14: memref<2x!tpu.dma_semaphore, #tpu.memory_space<semaphore_mem>>, %arg15: memref<2x!tpu.dma_semaphore, #tpu.memory_space<semaphore_mem>>, %arg16: memref<2x!tpu.dma_semaphore, #tpu.memory_space<semaphore_mem>>) attributes {dimension_semantics = [#tpu.dimension_semantics<core_parallel>, #tpu.dimension_semantics<subcore_parallel>], iteration_bounds = array<i64: 2, 16>, scalar_prefetch = 0 : i64, scratch_operands = 9 : i64, tpu.core_type = #tpu.core_type<sc_vector_subcore>, window_params = [{transform_indices = #map}, {transform_indices = #map}, {transform_indices = #map1}, {transform_indices = #map1}, {transform_indices = #map1}, {transform_indices = #map2}]} {
    %mul3A = arith.constant 2 : i32
    %mul3A_0 = arith.muli %arg1, %mul3A : i32
    %add3A = arith.addi %mul3A_0, %arg0 : i32
    "tpu.region"() ({
      %run_scoped3A_117 = tpu.sem_alloc : memref<!tpu.dma_semaphore, #tpu.memory_space<semaphore_mem>>
      tpu.enqueue_dma source(%arg5 : memref<512x32xf32, #tpu.memory_space<hbm>>) target(%arg8 : memref<512x32xf32, #tpu.memory_space<vmem>>) target_semaphore(%run_scoped3A_117 : memref<!tpu.dma_semaphore, #tpu.memory_space<semaphore_mem>>)
      tpu.wait_dma2 semaphore(%run_scoped3A_117 : memref<!tpu.dma_semaphore, #tpu.memory_space<semaphore_mem>>) src(%arg5 : memref<512x32xf32, #tpu.memory_space<hbm>>) dst(%arg8 : memref<512x32xf32, #tpu.memory_space<vmem>>)
      tpu.yield
    }) : () -> ()
    "tpu.region"() ({
      %run_scoped3A_117 = tpu.sem_alloc : memref<!tpu.dma_semaphore, #tpu.memory_space<semaphore_mem>>
      tpu.enqueue_dma source(%arg4 : memref<1024x32xf32, #tpu.memory_space<hbm>>) target(%arg9 : memref<1024x32xf32, #tpu.memory_space<vmem>>) target_semaphore(%run_scoped3A_117 : memref<!tpu.dma_semaphore, #tpu.memory_space<semaphore_mem>>)
      tpu.wait_dma2 semaphore(%run_scoped3A_117 : memref<!tpu.dma_semaphore, #tpu.memory_space<semaphore_mem>>) src(%arg4 : memref<1024x32xf32, #tpu.memory_space<hbm>>) dst(%arg9 : memref<1024x32xf32, #tpu.memory_space<vmem>>)
      tpu.yield
    }) : () -> ()
    "tpu.region"() ({
      %run_scoped3A_117 = tpu.sem_alloc : memref<!tpu.dma_semaphore, #tpu.memory_space<semaphore_mem>>
      tpu.enqueue_dma source(%arg6 : memref<1x32xf32, #tpu.memory_space<hbm>>) target(%arg10 : memref<1x32xf32, #tpu.memory_space<vmem>>) target_semaphore(%run_scoped3A_117 : memref<!tpu.dma_semaphore, #tpu.memory_space<semaphore_mem>>)
      tpu.wait_dma2 semaphore(%run_scoped3A_117 : memref<!tpu.dma_semaphore, #tpu.memory_space<semaphore_mem>>) src(%arg6 : memref<1x32xf32, #tpu.memory_space<hbm>>) dst(%arg10 : memref<1x32xf32, #tpu.memory_space<vmem>>)
      tpu.yield
    }) : () -> ()
    %get3A = arith.constant 0 : i32
    %get3A_1 = arith.index_cast %get3A : i32 to index
    %get3A_2 = arith.constant 0 : index
    %get3A_3 = tpu.vector_load %arg10[%get3A_1, %get3A_2] {strides = array<i32>} : memref<1x32xf32, #tpu.memory_space<vmem>>, vector<16xf32>,
    %get3A_4 = arith.constant 0 : i32
    %get3A_5 = arith.index_cast %get3A_4 : i32 to index
    %get3A_6 = arith.constant 16 : index
    %get3A_7 = tpu.vector_load %arg10[%get3A_5, %get3A_6] {strides = array<i32>} : memref<1x32xf32, #tpu.memory_space<vmem>>, vector<16xf32>,
    %scan3A = arith.constant 0 : i32
    %scan3A_8 = arith.constant 0 : i32
    %scan3A_9 = arith.constant 256 : i32
    %scan3A_10 = arith.addi %scan3A_8, %scan3A_9 : i32
    %scan3A_11 = arith.constant 1 : i32
    %scan3A_12 = scf.for %scan3A_117 = %scan3A_8 to %scan3A_10 step %scan3A_11 iter_args(%scan3A_118 = %scan3A) -> (i32)  : i32 {
      %swap3A = arith.constant 0 : i32
      %swap3A_119 = arith.constant 0 : i32
      %swap3A_120 = arith.index_cast %swap3A : i32 to index
      %swap3A_121 = arith.index_cast %swap3A_119 : i32 to index
      %swap3A_122 = arith.index_cast %scan3A_117 : i32 to index
      %swap3A_123 = arith.constant 0 : index
      %swap3A_124 = tpu.vector_load %arg13[%swap3A_120, %swap3A_121, %swap3A_122, %swap3A_123] {strides = array<i32>} : memref<2x3x256x32xf32, #tpu.memory_space<vmem>>, vector<16xf32>,
      tpu.vector_store %arg13[%swap3A_120, %swap3A_121, %swap3A_122, %swap3A_123], %get3A_3 {strides = array<i32>} : memref<2x3x256x32xf32, #tpu.memory_space<vmem>>, vector<16xf32>,
      %swap3A_125 = arith.constant 0 : i32
      %swap3A_126 = arith.constant 0 : i32
      %swap3A_127 = arith.index_cast %swap3A_125 : i32 to index
      %swap3A_128 = arith.index_cast %swap3A_126 : i32 to index
      %swap3A_129 = arith.index_cast %scan3A_117 : i32 to index
      %swap3A_130 = arith.constant 16 : index
      %swap3A_131 = tpu.vector_load %arg13[%swap3A_127, %swap3A_128, %swap3A_129, %swap3A_130] {strides = array<i32>} : memref<2x3x256x32xf32, #tpu.memory_space<vmem>>, vector<16xf32>,
      tpu.vector_store %arg13[%swap3A_127, %swap3A_128, %swap3A_129, %swap3A_130], %get3A_7 {strides = array<i32>} : memref<2x3x256x32xf32, #tpu.memory_space<vmem>>, vector<16xf32>,
      %scan3A_132 = arith.constant 0 : i32
      scf.yield %scan3A_132 : i32
    }
    %scan3A_13 = arith.constant 256 : i32
    %run_scoped3A = arith.constant 0 : i32
    %run_scoped3A_14 = arith.constant 0 : i32
    %run_scoped3A_15 = arith.constant 0 : i32
    "tpu.region"() ({
      %run_scoped3A_117 = tpu.sem_alloc : memref<!tpu.dma_semaphore, #tpu.memory_space<semaphore_mem>>
      %dma_start3A_118 = arith.constant 0 : i32
      %dma_start3A_119 = arith.constant 0 : i32
      %dma_start3A_120 = tpu.memref_slice %arg13[%run_scoped3A, %run_scoped3A_14, %dma_start3A_118, %dma_start3A_119] : memref<2x3x256x32xf32, #tpu.memory_space<vmem>> -> memref<1x1x256x32xf32, #tpu.memory_space<vmem>>
      %dma_start3A_121 = tpu.memref_squeeze %dma_start3A_120 : memref<1x1x256x32xf32, #tpu.memory_space<vmem>> -> memref<256x32xf32, #tpu.memory_space<vmem>>
      %dma_start3A_122 = arith.constant 0 : i32
      %dma_start3A_123 = arith.constant 0 : i32
      %dma_start3A_124 = tpu.memref_slice %arg7[%add3A, %run_scoped3A_15, %dma_start3A_122, %dma_start3A_123] : memref<32x256x256x32xf32, #tpu.memory_space<hbm>> -> memref<1x1x256x32xf32, #tpu.memory_space<hbm>>
      %dma_start3A_125 = tpu.memref_squeeze %dma_start3A_124 : memref<1x1x256x32xf32, #tpu.memory_space<hbm>> -> memref<256x32xf32, #tpu.memory_space<hbm>>
      %dma_start3A_126 = arith.constant 0 : i32
      %dma_start3A_127 = arith.constant 0 : i32
      %dma_start3A_128 = tpu.memref_slice %arg7[%add3A, %run_scoped3A_15, %dma_start3A_126, %dma_start3A_127] : memref<32x256x256x32xf32, #tpu.memory_space<hbm>> -> memref<1x1x256x32xf32, #tpu.memory_space<hbm>>
      %dma_start3A_129 = tpu.memref_squeeze %dma_start3A_128 : memref<1x1x256x32xf32, #tpu.memory_space<hbm>> -> memref<256x32xf32, #tpu.memory_space<hbm>>
      %dma_start3A_130 = arith.constant 0 : i32
      %dma_start3A_131 = arith.constant 0 : i32
      %dma_start3A_132 = tpu.memref_slice %arg13[%run_scoped3A, %run_scoped3A_14, %dma_start3A_130, %dma_start3A_131] : memref<2x3x256x32xf32, #tpu.memory_space<vmem>> -> memref<1x1x256x32xf32, #tpu.memory_space<vmem>>
      %dma_start3A_133 = tpu.memref_squeeze %dma_start3A_132 : memref<1x1x256x32xf32, #tpu.memory_space<vmem>> -> memref<256x32xf32, #tpu.memory_space<vmem>>
      tpu.enqueue_dma source(%dma_start3A_133 : memref<256x32xf32, #tpu.memory_space<vmem>>) target(%dma_start3A_129 : memref<256x32xf32, #tpu.memory_space<hbm>>) target_semaphore(%run_scoped3A_117 : memref<!tpu.dma_semaphore, #tpu.memory_space<semaphore_mem>>)
      %dma_wait3A_134 = arith.constant 0 : i32
      %dma_wait3A_135 = arith.constant 0 : i32
      %dma_wait3A_136 = tpu.memref_slice %arg13[%run_scoped3A, %run_scoped3A_14, %dma_wait3A_134, %dma_wait3A_135] : memref<2x3x256x32xf32, #tpu.memory_space<vmem>> -> memref<1x1x256x32xf32, #tpu.memory_space<vmem>>
      %dma_wait3A_137 = tpu.memref_squeeze %dma_wait3A_136 : memref<1x1x256x32xf32, #tpu.memory_space<vmem>> -> memref<256x32xf32, #tpu.memory_space<vmem>>
      %dma_wait3A_138 = arith.constant 0 : i32
      %dma_wait3A_139 = arith.constant 0 : i32
      %dma_wait3A_140 = tpu.memref_slice %arg7[%add3A, %run_scoped3A_15, %dma_wait3A_138, %dma_wait3A_139] : memref<32x256x256x32xf32, #tpu.memory_space<hbm>> -> memref<1x1x256x32xf32, #tpu.memory_space<hbm>>
      %dma_wait3A_141 = tpu.memref_squeeze %dma_wait3A_140 : memref<1x1x256x32xf32, #tpu.memory_space<hbm>> -> memref<256x32xf32, #tpu.memory_space<hbm>>
      %dma_wait3A_142 = arith.constant 0 : i32
      %dma_wait3A_143 = arith.constant 0 : i32
      %dma_wait3A_144 = tpu.memref_slice %arg7[%add3A, %run_scoped3A_15, %dma_wait3A_142, %dma_wait3A_143] : memref<32x256x256x32xf32, #tpu.memory_space<hbm>> -> memref<1x1x256x32xf32, #tpu.memory_space<hbm>>
      %dma_wait3A_145 = tpu.memref_squeeze %dma_wait3A_144 : memref<1x1x256x32xf32, #tpu.memory_space<hbm>> -> memref<256x32xf32, #tpu.memory_space<hbm>>
      %dma_wait3A_146 = arith.constant 0 : i32
      %dma_wait3A_147 = arith.constant 0 : i32
      %dma_wait3A_148 = tpu.memref_slice %arg13[%run_scoped3A, %run_scoped3A_14, %dma_wait3A_146, %dma_wait3A_147] : memref<2x3x256x32xf32, #tpu.memory_space<vmem>> -> memref<1x1x256x32xf32, #tpu.memory_space<vmem>>
      %dma_wait3A_149 = tpu.memref_squeeze %dma_wait3A_148 : memref<1x1x256x32xf32, #tpu.memory_space<vmem>> -> memref<256x32xf32, #tpu.memory_space<vmem>>
      tpu.wait_dma2 semaphore(%run_scoped3A_117 : memref<!tpu.dma_semaphore, #tpu.memory_space<semaphore_mem>>) src(%dma_wait3A_149 : memref<256x32xf32, #tpu.memory_space<vmem>>) dst(%dma_wait3A_145 : memref<256x32xf32, #tpu.memory_space<hbm>>)
      tpu.yield
    }) : () -> ()
    %iota3A = tpu.iota {dimensions = array<i32: 0>} : vector<16xi32>
    %mul3A_16 = arith.constant 3 : i32
    %mul3A_17 = vector.broadcast %mul3A_16 : i32 to vector<16xi32>
    %mul3A_18 = arith.muli %iota3A, %mul3A_17 : vector<16xi32>
    %mul3A_19 = arith.constant 255 : i32
    %mul3A_20 = arith.muli %add3A, %mul3A_19 : i32
    %add3A_21 = arith.constant 0 : i32
    %add3A_22 = arith.addi %mul3A_20, %add3A_21 : i32
    %mul3A_23 = arith.constant 255 : i32
    %mul3A_24 = arith.muli %add3A_22, %mul3A_23 : i32
    %rem3A = arith.constant 16 : i32
    %rem3A_25 = arith.remsi %mul3A_24, %rem3A : i32
    %sub3A = arith.subi %mul3A_24, %rem3A_25 : i32
    %min3A = arith.constant 2080016 : i32
    %min3A_26 = arith.minsi %sub3A, %min3A : i32
    %multiple_of3A = tpu.assume_multiple %min3A_26, 16 : i32
    %mul3A_27 = arith.constant 255 : i32
    %mul3A_28 = arith.muli %add3A, %mul3A_27 : i32
    %add3A_29 = arith.constant 0 : i32
    %add3A_30 = arith.addi %mul3A_28, %add3A_29 : i32
    %mul3A_31 = arith.constant 765 : i32
    %mul3A_32 = arith.muli %add3A_30, %mul3A_31 : i32
    %rem3A_33 = arith.constant 16 : i32
    %rem3A_34 = arith.remsi %mul3A_32, %rem3A_33 : i32
    %sub3A_35 = arith.subi %mul3A_32, %rem3A_34 : i32
    %min3A_36 = arith.constant 6240080 : i32
    %min3A_37 = arith.minsi %sub3A_35, %min3A_36 : i32
    %multiple_of3A_38 = tpu.assume_multiple %min3A_37, 16 : i32
    %dma_start3A = arith.constant 0 : i32
    %dma_start3A_39 = arith.constant 0 : i32
    %dma_start3A_40 = arith.constant 0 : i32
    %dma_start3A_41 = tpu.memref_slice %arg11[%dma_start3A, %dma_start3A_40] : memref<2x784xi32, #tpu.memory_space<vmem>> -> memref<1x784xi32, #tpu.memory_space<vmem>>
    %dma_start3A_42 = tpu.memref_squeeze %dma_start3A_41 : memref<1x784xi32, #tpu.memory_space<vmem>> -> memref<784xi32, #tpu.memory_space<vmem>>
    %dma_start3A_43 = tpu.memref_slice %arg2[%multiple_of3A] : memref<2080800xi32, #tpu.memory_space<hbm>> -> memref<784xi32, #tpu.memory_space<hbm>>
    %dma_start3A_44 = tpu.memref_slice %arg14[%dma_start3A_39] : memref<2x!tpu.dma_semaphore, #tpu.memory_space<semaphore_mem>> -> memref<1x!tpu.dma_semaphore, #tpu.memory_space<semaphore_mem>>
    %dma_start3A_45 = tpu.memref_squeeze %dma_start3A_44 : memref<1x!tpu.dma_semaphore, #tpu.memory_space<semaphore_mem>> -> memref<!tpu.dma_semaphore, #tpu.memory_space<semaphore_mem>>
    %dma_start3A_46 = arith.constant 0 : i32
    %dma_start3A_47 = tpu.memref_slice %arg11[%dma_start3A, %dma_start3A_46] : memref<2x784xi32, #tpu.memory_space<vmem>> -> memref<1x784xi32, #tpu.memory_space<vmem>>
    %dma_start3A_48 = tpu.memref_squeeze %dma_start3A_47 : memref<1x784xi32, #tpu.memory_space<vmem>> -> memref<784xi32, #tpu.memory_space<vmem>>
    %dma_start3A_49 = tpu.memref_slice %arg2[%multiple_of3A] : memref<2080800xi32, #tpu.memory_space<hbm>> -> memref<784xi32, #tpu.memory_space<hbm>>
    tpu.enqueue_dma source(%dma_start3A_49 : memref<784xi32, #tpu.memory_space<hbm>>) target(%dma_start3A_48 : memref<784xi32, #tpu.memory_space<vmem>>) target_semaphore(%dma_start3A_45 : memref<!tpu.dma_semaphore, #tpu.memory_space<semaphore_mem>>)
    %dma_start3A_50 = arith.constant 0 : i32
    %dma_start3A_51 = arith.constant 0 : i32
    %dma_start3A_52 = arith.constant 0 : i32
    %dma_start3A_53 = tpu.memref_slice %arg12[%dma_start3A_50, %dma_start3A_52] : memref<2x2320xi32, #tpu.memory_space<vmem>> -> memref<1x2320xi32, #tpu.memory_space<vmem>>
    %dma_start3A_54 = tpu.memref_squeeze %dma_start3A_53 : memref<1x2320xi32, #tpu.memory_space<vmem>> -> memref<2320xi32, #tpu.memory_space<vmem>>
    %dma_start3A_55 = tpu.memref_slice %arg3[%multiple_of3A_38] : memref<6242400xi32, #tpu.memory_space<hbm>> -> memref<2320xi32, #tpu.memory_space<hbm>>
    %dma_start3A_56 = tpu.memref_slice %arg15[%dma_start3A_51] : memref<2x!tpu.dma_semaphore, #tpu.memory_space<semaphore_mem>> -> memref<1x!tpu.dma_semaphore, #tpu.memory_space<semaphore_mem>>
    %dma_start3A_57 = tpu.memref_squeeze %dma_start3A_56 : memref<1x!tpu.dma_semaphore, #tpu.memory_space<semaphore_mem>> -> memref<!tpu.dma_semaphore, #tpu.memory_space<semaphore_mem>>
    %dma_start3A_58 = arith.constant 0 : i32
    %dma_start3A_59 = tpu.memref_slice %arg12[%dma_start3A_50, %dma_start3A_58] : memref<2x2320xi32, #tpu.memory_space<vmem>> -> memref<1x2320xi32, #tpu.memory_space<vmem>>
    %dma_start3A_60 = tpu.memref_squeeze %dma_start3A_59 : memref<1x2320xi32, #tpu.memory_space<vmem>> -> memref<2320xi32, #tpu.memory_space<vmem>>
    %dma_start3A_61 = tpu.memref_slice %arg3[%multiple_of3A_38] : memref<6242400xi32, #tpu.memory_space<hbm>> -> memref<2320xi32, #tpu.memory_space<hbm>>
    tpu.enqueue_dma source(%dma_start3A_61 : memref<2320xi32, #tpu.memory_space<hbm>>) target(%dma_start3A_60 : memref<2320xi32, #tpu.memory_space<vmem>>) target_semaphore(%dma_start3A_57 : memref<!tpu.dma_semaphore, #tpu.memory_space<semaphore_mem>>)
    %scan3A_62 = arith.constant 0.333333343 : f32
    %scan3A_63 = arith.constant 0 : i32
    %scan3A_64 = arith.constant 0 : i32
    %scan3A_65 = arith.constant 85 : i32
    %scan3A_66 = arith.addi %scan3A_64, %scan3A_65 : i32
    %scan3A_67 = arith.constant 1 : i32
    %scan3A_68 = scf.for %scan3A_117 = %scan3A_64 to %scan3A_66 step %scan3A_67 iter_args(%scan3A_118 = %scan3A_63) -> (i32)  : i32 {
      %rem3A_119 = arith.constant 2 : i32
      %rem3A_120 = arith.remsi %scan3A_117, %rem3A_119 : i32
      %sub3A_121 = arith.constant 1 : i32
      %sub3A_122 = arith.subi %sub3A_121, %rem3A_120 : i32
      %add3A_123 = arith.constant 1 : i32
      %add3A_124 = arith.addi %scan3A_117, %add3A_123 : i32
      %lt3A = arith.constant 85 : i32
      %lt3A_125 = arith.cmpi slt, %add3A_124, %lt3A : i32
      %convert_element_type3A = arith.extui %lt3A_125 : i1 to i32
      %cond3A = arith.constant 0 : i32
      %cond3A_126 = arith.cmpi ne, %convert_element_type3A, %cond3A : i32
      scf.if %cond3A_126 {
        %add3A_270 = arith.constant 1 : i32
        %add3A_271 = arith.addi %scan3A_117, %add3A_270 : i32
        %mul3A_272 = arith.constant 255 : i32
        %mul3A_273 = arith.muli %add3A, %mul3A_272 : i32
        %mul3A_274 = arith.constant 3 : i32
        %mul3A_275 = arith.muli %add3A_271, %mul3A_274 : i32
        %add3A_276 = arith.addi %mul3A_273, %mul3A_275 : i32
        %mul3A_277 = arith.constant 255 : i32
        %mul3A_278 = arith.muli %add3A_276, %mul3A_277 : i32
        %rem3A_279 = arith.constant 16 : i32
        %rem3A_280 = arith.remsi %mul3A_278, %rem3A_279 : i32
        %sub3A_281 = arith.subi %mul3A_278, %rem3A_280 : i32
        %min3A_282 = arith.constant 2080016 : i32
        %min3A_283 = arith.minsi %sub3A_281, %min3A_282 : i32
        %multiple_of3A_284 = tpu.assume_multiple %min3A_283, 16 : i32
        %mul3A_285 = arith.constant 255 : i32
        %mul3A_286 = arith.muli %add3A, %mul3A_285 : i32
        %mul3A_287 = arith.constant 3 : i32
        %mul3A_288 = arith.muli %add3A_271, %mul3A_287 : i32
        %add3A_289 = arith.addi %mul3A_286, %mul3A_288 : i32
        %mul3A_290 = arith.constant 765 : i32
        %mul3A_291 = arith.muli %add3A_289, %mul3A_290 : i32
        %rem3A_292 = arith.constant 16 : i32
        %rem3A_293 = arith.remsi %mul3A_291, %rem3A_292 : i32
        %sub3A_294 = arith.subi %mul3A_291, %rem3A_293 : i32
        %min3A_295 = arith.constant 6240080 : i32
        %min3A_296 = arith.minsi %sub3A_294, %min3A_295 : i32
        %multiple_of3A_297 = tpu.assume_multiple %min3A_296, 16 : i32
        %dma_start3A_298 = arith.constant 0 : i32
        %dma_start3A_299 = tpu.memref_slice %arg11[%sub3A_122, %dma_start3A_298] : memref<2x784xi32, #tpu.memory_space<vmem>> -> memref<1x784xi32, #tpu.memory_space<vmem>>
        %dma_start3A_300 = tpu.memref_squeeze %dma_start3A_299 : memref<1x784xi32, #tpu.memory_space<vmem>> -> memref<784xi32, #tpu.memory_space<vmem>>
        %dma_start3A_301 = tpu.memref_slice %arg2[%multiple_of3A_284] : memref<2080800xi32, #tpu.memory_space<hbm>> -> memref<784xi32, #tpu.memory_space<hbm>>
        %dma_start3A_302 = tpu.memref_slice %arg14[%sub3A_122] : memref<2x!tpu.dma_semaphore, #tpu.memory_space<semaphore_mem>> -> memref<1x!tpu.dma_semaphore, #tpu.memory_space<semaphore_mem>>
        %dma_start3A_303 = tpu.memref_squeeze %dma_start3A_302 : memref<1x!tpu.dma_semaphore, #tpu.memory_space<semaphore_mem>> -> memref<!tpu.dma_semaphore, #tpu.memory_space<semaphore_mem>>
        %dma_start3A_304 = arith.constant 0 : i32
        %dma_start3A_305 = tpu.memref_slice %arg11[%sub3A_122, %dma_start3A_304] : memref<2x784xi32, #tpu.memory_space<vmem>> -> memref<1x784xi32, #tpu.memory_space<vmem>>
        %dma_start3A_306 = tpu.memref_squeeze %dma_start3A_305 : memref<1x784xi32, #tpu.memory_space<vmem>> -> memref<784xi32, #tpu.memory_space<vmem>>
        %dma_start3A_307 = tpu.memref_slice %arg2[%multiple_of3A_284] : memref<2080800xi32, #tpu.memory_space<hbm>> -> memref<784xi32, #tpu.memory_space<hbm>>
        tpu.enqueue_dma source(%dma_start3A_307 : memref<784xi32, #tpu.memory_space<hbm>>) target(%dma_start3A_306 : memref<784xi32, #tpu.memory_space<vmem>>) target_semaphore(%dma_start3A_303 : memref<!tpu.dma_semaphore, #tpu.memory_space<semaphore_mem>>)
        %dma_start3A_308 = arith.constant 0 : i32
        %dma_start3A_309 = tpu.memref_slice %arg12[%sub3A_122, %dma_start3A_308] : memref<2x2320xi32, #tpu.memory_space<vmem>> -> memref<1x2320xi32, #tpu.memory_space<vmem>>
        %dma_start3A_310 = tpu.memref_squeeze %dma_start3A_309 : memref<1x2320xi32, #tpu.memory_space<vmem>> -> memref<2320xi32, #tpu.memory_space<vmem>>
        %dma_start3A_311 = tpu.memref_slice %arg3[%multiple_of3A_297] : memref<6242400xi32, #tpu.memory_space<hbm>> -> memref<2320xi32, #tpu.memory_space<hbm>>
        %dma_start3A_312 = tpu.memref_slice %arg15[%sub3A_122] : memref<2x!tpu.dma_semaphore, #tpu.memory_space<semaphore_mem>> -> memref<1x!tpu.dma_semaphore, #tpu.memory_space<semaphore_mem>>
        %dma_start3A_313 = tpu.memref_squeeze %dma_start3A_312 : memref<1x!tpu.dma_semaphore, #tpu.memory_space<semaphore_mem>> -> memref<!tpu.dma_semaphore, #tpu.memory_space<semaphore_mem>>
        %dma_start3A_314 = arith.constant 0 : i32
        %dma_start3A_315 = tpu.memref_slice %arg12[%sub3A_122, %dma_start3A_314] : memref<2x2320xi32, #tpu.memory_space<vmem>> -> memref<1x2320xi32, #tpu.memory_space<vmem>>
        %dma_start3A_316 = tpu.memref_squeeze %dma_start3A_315 : memref<1x2320xi32, #tpu.memory_space<vmem>> -> memref<2320xi32, #tpu.memory_space<vmem>>
        %dma_start3A_317 = tpu.memref_slice %arg3[%multiple_of3A_297] : memref<6242400xi32, #tpu.memory_space<hbm>> -> memref<2320xi32, #tpu.memory_space<hbm>>
        tpu.enqueue_dma source(%dma_start3A_317 : memref<2320xi32, #tpu.memory_space<hbm>>) target(%dma_start3A_316 : memref<2320xi32, #tpu.memory_space<vmem>>) target_semaphore(%dma_start3A_313 : memref<!tpu.dma_semaphore, #tpu.memory_space<semaphore_mem>>)
      } else {
      }
      %mul3A_127 = arith.constant 255 : i32
      %mul3A_128 = arith.muli %add3A, %mul3A_127 : i32
      %mul3A_129 = arith.constant 3 : i32
      %mul3A_130 = arith.muli %scan3A_117, %mul3A_129 : i32
      %add3A_131 = arith.addi %mul3A_128, %mul3A_130 : i32
      %mul3A_132 = arith.constant 255 : i32
      %mul3A_133 = arith.muli %add3A_131, %mul3A_132 : i32
      %rem3A_134 = arith.constant 16 : i32
      %rem3A_135 = arith.remsi %mul3A_133, %rem3A_134 : i32
      %sub3A_136 = arith.subi %mul3A_133, %rem3A_135 : i32
      %min3A_137 = arith.constant 2080016 : i32
      %min3A_138 = arith.minsi %sub3A_136, %min3A_137 : i32
      %multiple_of3A_139 = tpu.assume_multiple %min3A_138, 16 : i32
      %mul3A_140 = arith.constant 255 : i32
      %mul3A_141 = arith.muli %add3A, %mul3A_140 : i32
      %mul3A_142 = arith.constant 3 : i32
      %mul3A_143 = arith.muli %scan3A_117, %mul3A_142 : i32
      %add3A_144 = arith.addi %mul3A_141, %mul3A_143 : i32
      %mul3A_145 = arith.constant 765 : i32
      %mul3A_146 = arith.muli %add3A_144, %mul3A_145 : i32
      %rem3A_147 = arith.constant 16 : i32
      %rem3A_148 = arith.remsi %mul3A_146, %rem3A_147 : i32
      %sub3A_149 = arith.subi %mul3A_146, %rem3A_148 : i32
      %min3A_150 = arith.constant 6240080 : i32
      %min3A_151 = arith.minsi %sub3A_149, %min3A_150 : i32
      %multiple_of3A_152 = tpu.assume_multiple %min3A_151, 16 : i32
      %sub3A_153 = arith.subi %mul3A_133, %multiple_of3A_139 : i32
      %sub3A_154 = arith.subi %mul3A_146, %multiple_of3A_152 : i32
      %dma_wait3A_155 = arith.constant 0 : i32
      %dma_wait3A_156 = tpu.memref_slice %arg11[%rem3A_120, %dma_wait3A_155] : memref<2x784xi32, #tpu.memory_space<vmem>> -> memref<1x784xi32, #tpu.memory_space<vmem>>
      %dma_wait3A_157 = tpu.memref_squeeze %dma_wait3A_156 : memref<1x784xi32, #tpu.memory_space<vmem>> -> memref<784xi32, #tpu.memory_space<vmem>>
      %dma_wait3A_158 = arith.constant 0 : i32
      %dma_wait3A_159 = tpu.memref_slice %arg2[%dma_wait3A_158] : memref<2080800xi32, #tpu.memory_space<hbm>> -> memref<784xi32, #tpu.memory_space<hbm>>
      %dma_wait3A_160 = tpu.memref_slice %arg14[%rem3A_120] : memref<2x!tpu.dma_semaphore, #tpu.memory_space<semaphore_mem>> -> memref<1x!tpu.dma_semaphore, #tpu.memory_space<semaphore_mem>>
      %dma_wait3A_161 = tpu.memref_squeeze %dma_wait3A_160 : memref<1x!tpu.dma_semaphore, #tpu.memory_space<semaphore_mem>> -> memref<!tpu.dma_semaphore, #tpu.memory_space<semaphore_mem>>
      %dma_wait3A_162 = arith.constant 0 : i32
      %dma_wait3A_163 = tpu.memref_slice %arg11[%rem3A_120, %dma_wait3A_162] : memref<2x784xi32, #tpu.memory_space<vmem>> -> memref<1x784xi32, #tpu.memory_space<vmem>>
      %dma_wait3A_164 = tpu.memref_squeeze %dma_wait3A_163 : memref<1x784xi32, #tpu.memory_space<vmem>> -> memref<784xi32, #tpu.memory_space<vmem>>
      %dma_wait3A_165 = arith.constant 0 : i32
      %dma_wait3A_166 = tpu.memref_slice %arg2[%dma_wait3A_165] : memref<2080800xi32, #tpu.memory_space<hbm>> -> memref<784xi32, #tpu.memory_space<hbm>>
      tpu.wait_dma2 semaphore(%dma_wait3A_161 : memref<!tpu.dma_semaphore, #tpu.memory_space<semaphore_mem>>) src(%dma_wait3A_166 : memref<784xi32, #tpu.memory_space<hbm>>) dst(%dma_wait3A_164 : memref<784xi32, #tpu.memory_space<vmem>>)
      %dma_wait3A_167 = arith.constant 0 : i32
      %dma_wait3A_168 = tpu.memref_slice %arg12[%rem3A_120, %dma_wait3A_167] : memref<2x2320xi32, #tpu.memory_space<vmem>> -> memref<1x2320xi32, #tpu.memory_space<vmem>>
      %dma_wait3A_169 = tpu.memref_squeeze %dma_wait3A_168 : memref<1x2320xi32, #tpu.memory_space<vmem>> -> memref<2320xi32, #tpu.memory_space<vmem>>
      %dma_wait3A_170 = arith.constant 0 : i32
      %dma_wait3A_171 = tpu.memref_slice %arg3[%dma_wait3A_170] : memref<6242400xi32, #tpu.memory_space<hbm>> -> memref<2320xi32, #tpu.memory_space<hbm>>
      %dma_wait3A_172 = tpu.memref_slice %arg15[%rem3A_120] : memref<2x!tpu.dma_semaphore, #tpu.memory_space<semaphore_mem>> -> memref<1x!tpu.dma_semaphore, #tpu.memory_space<semaphore_mem>>
      %dma_wait3A_173 = tpu.memref_squeeze %dma_wait3A_172 : memref<1x!tpu.dma_semaphore, #tpu.memory_space<semaphore_mem>> -> memref<!tpu.dma_semaphore, #tpu.memory_space<semaphore_mem>>
      %dma_wait3A_174 = arith.constant 0 : i32
      %dma_wait3A_175 = tpu.memref_slice %arg12[%rem3A_120, %dma_wait3A_174] : memref<2x2320xi32, #tpu.memory_space<vmem>> -> memref<1x2320xi32, #tpu.memory_space<vmem>>
      %dma_wait3A_176 = tpu.memref_squeeze %dma_wait3A_175 : memref<1x2320xi32, #tpu.memory_space<vmem>> -> memref<2320xi32, #tpu.memory_space<vmem>>
      %dma_wait3A_177 = arith.constant 0 : i32
      %dma_wait3A_178 = tpu.memref_slice %arg3[%dma_wait3A_177] : memref<6242400xi32, #tpu.memory_space<hbm>> -> memref<2320xi32, #tpu.memory_space<hbm>>
      tpu.wait_dma2 semaphore(%dma_wait3A_173 : memref<!tpu.dma_semaphore, #tpu.memory_space<semaphore_mem>>) src(%dma_wait3A_178 : memref<2320xi32, #tpu.memory_space<hbm>>) dst(%dma_wait3A_176 : memref<2320xi32, #tpu.memory_space<vmem>>)
      %ge3A = arith.constant 2 : i32
      %ge3A_179 = arith.cmpi sge, %scan3A_117, %ge3A : i32
      %convert_element_type3A_180 = arith.extui %ge3A_179 : i1 to i32
      %cond3A_181 = arith.constant 0 : i32
      %cond3A_182 = arith.cmpi ne, %convert_element_type3A_180, %cond3A_181 : i32
      scf.if %cond3A_182 {
        %dma_wait3A_270 = arith.constant 0 : i32
        %dma_wait3A_271 = arith.constant 0 : i32
        %dma_wait3A_272 = arith.constant 0 : i32
        %dma_wait3A_273 = tpu.memref_slice %arg13[%rem3A_120, %dma_wait3A_270, %dma_wait3A_271, %dma_wait3A_272] : memref<2x3x256x32xf32, #tpu.memory_space<vmem>> -> memref<1x3x256x32xf32, #tpu.memory_space<vmem>>
        %dma_wait3A_274 = tpu.memref_squeeze %dma_wait3A_273 : memref<1x3x256x32xf32, #tpu.memory_space<vmem>> -> memref<3x256x32xf32, #tpu.memory_space<vmem>>
        %dma_wait3A_275 = arith.constant 1 : i32
        %dma_wait3A_276 = arith.constant 0 : i32
        %dma_wait3A_277 = arith.constant 0 : i32
        %dma_wait3A_278 = tpu.memref_slice %arg7[%add3A, %dma_wait3A_275, %dma_wait3A_276, %dma_wait3A_277] : memref<32x256x256x32xf32, #tpu.memory_space<hbm>> -> memref<1x3x256x32xf32, #tpu.memory_space<hbm>>
        %dma_wait3A_279 = tpu.memref_squeeze %dma_wait3A_278 : memref<1x3x256x32xf32, #tpu.memory_space<hbm>> -> memref<3x256x32xf32, #tpu.memory_space<hbm>>
        %dma_wait3A_280 = tpu.memref_slice %arg16[%rem3A_120] : memref<2x!tpu.dma_semaphore, #tpu.memory_space<semaphore_mem>> -> memref<1x!tpu.dma_semaphore, #tpu.memory_space<semaphore_mem>>
        %dma_wait3A_281 = tpu.memref_squeeze %dma_wait3A_280 : memref<1x!tpu.dma_semaphore, #tpu.memory_space<semaphore_mem>> -> memref<!tpu.dma_semaphore, #tpu.memory_space<semaphore_mem>>
        %dma_wait3A_282 = arith.constant 1 : i32
        %dma_wait3A_283 = arith.constant 0 : i32
        %dma_wait3A_284 = arith.constant 0 : i32
        %dma_wait3A_285 = tpu.memref_slice %arg7[%add3A, %dma_wait3A_282, %dma_wait3A_283, %dma_wait3A_284] : memref<32x256x256x32xf32, #tpu.memory_space<hbm>> -> memref<1x3x256x32xf32, #tpu.memory_space<hbm>>
        %dma_wait3A_286 = tpu.memref_squeeze %dma_wait3A_285 : memref<1x3x256x32xf32, #tpu.memory_space<hbm>> -> memref<3x256x32xf32, #tpu.memory_space<hbm>>
        %dma_wait3A_287 = arith.constant 0 : i32
        %dma_wait3A_288 = arith.constant 0 : i32
        %dma_wait3A_289 = arith.constant 0 : i32
        %dma_wait3A_290 = tpu.memref_slice %arg13[%rem3A_120, %dma_wait3A_287, %dma_wait3A_288, %dma_wait3A_289] : memref<2x3x256x32xf32, #tpu.memory_space<vmem>> -> memref<1x3x256x32xf32, #tpu.memory_space<vmem>>
        %dma_wait3A_291 = tpu.memref_squeeze %dma_wait3A_290 : memref<1x3x256x32xf32, #tpu.memory_space<vmem>> -> memref<3x256x32xf32, #tpu.memory_space<vmem>>
        tpu.wait_dma2 semaphore(%dma_wait3A_281 : memref<!tpu.dma_semaphore, #tpu.memory_space<semaphore_mem>>) src(%dma_wait3A_291 : memref<3x256x32xf32, #tpu.memory_space<vmem>>) dst(%dma_wait3A_286 : memref<3x256x32xf32, #tpu.memory_space<hbm>>)
      } else {
      }
      %scan3A_183 = arith.constant 0 : i32
      %scan3A_184 = arith.constant 0 : i32
      %scan3A_185 = arith.constant 16 : i32
      %scan3A_186 = arith.addi %scan3A_184, %scan3A_185 : i32
      %scan3A_187 = arith.constant 1 : i32
      %scan3A_188 = scf.for %scan3A_270 = %scan3A_184 to %scan3A_186 step %scan3A_187 iter_args(%scan3A_271 = %scan3A_183) -> (i32)  : i32 {
        %mul3A_272 = arith.constant 16 : i32
        %mul3A_273 = arith.muli %scan3A_270, %mul3A_272 : i32
        %add3A_274 = arith.constant 0 : i32
        %add3A_275 = arith.addi %sub3A_153, %add3A_274 : i32
        %sub3A_276 = arith.constant 1 : i32
        %sub3A_277 = arith.subi %mul3A_273, %sub3A_276 : i32
        %add3A_278 = arith.addi %add3A_275, %sub3A_277 : i32
        %add3A_279 = vector.broadcast %add3A_278 : i32 to vector<16xi32>
        %add3A_280 = arith.addi %add3A_279, %iota3A : vector<16xi32>
        %max3A = arith.constant 0 : i32
        %max3A_281 = vector.broadcast %max3A : i32 to vector<16xi32>
        %max3A_282 = arith.maxsi %add3A_280, %max3A_281 : vector<16xi32>
        %gather3A = arith.constant 0 : i32
        %gather3A_283 = tpu.memref_slice %arg11[%rem3A_120, %gather3A] : memref<2x784xi32, #tpu.memory_space<vmem>> -> memref<1x784xi32, #tpu.memory_space<vmem>>
        %gather3A_284 = tpu.memref_squeeze %gather3A_283 : memref<1x784xi32, #tpu.memory_space<vmem>> -> memref<784xi32, #tpu.memory_space<vmem>>
        %gather3A_285 = tpu.vector_load_idx %gather3A_284[%max3A_282] : memref<784xi32, #tpu.memory_space<vmem>>[vector<16xi32>], vector<16xi32>,
        %add3A_286 = arith.constant 0 : i32
        %add3A_287 = arith.addi %add3A_286, %mul3A_273 : i32
        %sub3A_288 = arith.constant 1 : i32
        %sub3A_289 = arith.subi %add3A_287, %sub3A_288 : i32
        %mul3A_290 = arith.constant 3 : i32
        %mul3A_291 = arith.muli %mul3A_290, %sub3A_289 : i32
        %add3A_292 = arith.addi %sub3A_154, %mul3A_291 : i32
        %add3A_293 = vector.broadcast %add3A_292 : i32 to vector<16xi32>
        %add3A_294 = arith.addi %add3A_293, %mul3A_18 : vector<16xi32>
        %max3A_295 = arith.constant 0 : i32
        %max3A_296 = vector.broadcast %max3A_295 : i32 to vector<16xi32>
        %max3A_297 = arith.maxsi %add3A_294, %max3A_296 : vector<16xi32>
        %gather3A_298 = arith.constant 0 : i32
        %gather3A_299 = tpu.memref_slice %arg12[%rem3A_120, %gather3A_298] : memref<2x2320xi32, #tpu.memory_space<vmem>> -> memref<1x2320xi32, #tpu.memory_space<vmem>>
        %gather3A_300 = tpu.memref_squeeze %gather3A_299 : memref<1x2320xi32, #tpu.memory_space<vmem>> -> memref<2320xi32, #tpu.memory_space<vmem>>
        %gather3A_301 = tpu.vector_load_idx %gather3A_300[%max3A_297] : memref<2320xi32, #tpu.memory_space<vmem>>[vector<16xi32>], vector<16xi32>,
        %add3A_302 = arith.constant 1 : i32
        %add3A_303 = vector.broadcast %add3A_302 : i32 to vector<16xi32>
        %add3A_304 = arith.addi %max3A_297, %add3A_303 : vector<16xi32>
        %gather3A_305 = arith.constant 0 : i32
        %gather3A_306 = tpu.memref_slice %arg12[%rem3A_120, %gather3A_305] : memref<2x2320xi32, #tpu.memory_space<vmem>> -> memref<1x2320xi32, #tpu.memory_space<vmem>>
        %gather3A_307 = tpu.memref_squeeze %gather3A_306 : memref<1x2320xi32, #tpu.memory_space<vmem>> -> memref<2320xi32, #tpu.memory_space<vmem>>
        %gather3A_308 = tpu.vector_load_idx %gather3A_307[%add3A_304] : memref<2320xi32, #tpu.memory_space<vmem>>[vector<16xi32>], vector<16xi32>,
        %add3A_309 = arith.constant 2 : i32
        %add3A_310 = vector.broadcast %add3A_309 : i32 to vector<16xi32>
        %add3A_311 = arith.addi %max3A_297, %add3A_310 : vector<16xi32>
        %gather3A_312 = arith.constant 0 : i32
        %gather3A_313 = tpu.memref_slice %arg12[%rem3A_120, %gather3A_312] : memref<2x2320xi32, #tpu.memory_space<vmem>> -> memref<1x2320xi32, #tpu.memory_space<vmem>>
        %gather3A_314 = tpu.memref_squeeze %gather3A_313 : memref<1x2320xi32, #tpu.memory_space<vmem>> -> memref<2320xi32, #tpu.memory_space<vmem>>
        %gather3A_315 = tpu.vector_load_idx %gather3A_314[%add3A_311] : memref<2320xi32, #tpu.memory_space<vmem>>[vector<16xi32>], vector<16xi32>,
        %add3A_316 = arith.constant 0 : i32
        %add3A_317 = arith.addi %mul3A_273, %add3A_316 : i32
        %slice3A = vector.extract_strided_slice %gather3A_285 {offsets = [0], sizes = [1], strides = [1]} : vector<16xi32> to vector<1xi32>
        %squeeze3A = vector.extract %slice3A[0] : i32 from vector<1xi32>
        %slice3A_318 = vector.extract_strided_slice %gather3A_301 {offsets = [0], sizes = [1], strides = [1]} : vector<16xi32> to vector<1xi32>
        %squeeze3A_319 = vector.extract %slice3A_318[0] : i32 from vector<1xi32>
        %slice3A_320 = vector.extract_strided_slice %gather3A_308 {offsets = [0], sizes = [1], strides = [1]} : vector<16xi32> to vector<1xi32>
        %squeeze3A_321 = vector.extract %slice3A_320[0] : i32 from vector<1xi32>
        %slice3A_322 = vector.extract_strided_slice %gather3A_315 {offsets = [0], sizes = [1], strides = [1]} : vector<16xi32> to vector<1xi32>
        %squeeze3A_323 = vector.extract %slice3A_322[0] : i32 from vector<1xi32>
        %get3A_324 = arith.index_cast %squeeze3A : i32 to index
        %get3A_325 = arith.constant 0 : index
        %get3A_326 = tpu.vector_load %arg8[%get3A_324, %get3A_325] {strides = array<i32>} : memref<512x32xf32, #tpu.memory_space<vmem>>, vector<16xf32>,
        %get3A_327 = arith.index_cast %squeeze3A_319 : i32 to index
        %get3A_328 = arith.constant 0 : index
        %get3A_329 = tpu.vector_load %arg9[%get3A_327, %get3A_328] {strides = array<i32>} : memref<1024x32xf32, #tpu.memory_space<vmem>>, vector<16xf32>,
        %get3A_330 = arith.index_cast %squeeze3A_321 : i32 to index
        %get3A_331 = arith.constant 0 : index
        %get3A_332 = tpu.vector_load %arg9[%get3A_330, %get3A_331] {strides = array<i32>} : memref<1024x32xf32, #tpu.memory_space<vmem>>, vector<16xf32>,
        %add3A_333 = arith.addf %get3A_329, %get3A_332 : vector<16xf32>
        %get3A_334 = arith.index_cast %squeeze3A_323 : i32 to index
        %get3A_335 = arith.constant 0 : index
        %get3A_336 = tpu.vector_load %arg9[%get3A_334, %get3A_335] {strides = array<i32>} : memref<1024x32xf32, #tpu.memory_space<vmem>>, vector<16xf32>,
        %add3A_337 = arith.addf %add3A_333, %get3A_336 : vector<16xf32>
        %mul3A_338 = vector.broadcast %scan3A_62 : f32 to vector<16xf32>
        %mul3A_339 = arith.mulf %mul3A_338, %add3A_337 : vector<16xf32>
        %add3A_340 = arith.addf %get3A_326, %mul3A_339 : vector<16xf32>
        %get3A_341 = arith.index_cast %squeeze3A : i32 to index
        %get3A_342 = arith.constant 16 : index
        %get3A_343 = tpu.vector_load %arg8[%get3A_341, %get3A_342] {strides = array<i32>} : memref<512x32xf32, #tpu.memory_space<vmem>>, vector<16xf32>,
        %get3A_344 = arith.index_cast %squeeze3A_319 : i32 to index
        %get3A_345 = arith.constant 16 : index
        %get3A_346 = tpu.vector_load %arg9[%get3A_344, %get3A_345] {strides = array<i32>} : memref<1024x32xf32, #tpu.memory_space<vmem>>, vector<16xf32>,
        %get3A_347 = arith.index_cast %squeeze3A_321 : i32 to index
        %get3A_348 = arith.constant 16 : index
        %get3A_349 = tpu.vector_load %arg9[%get3A_347, %get3A_348] {strides = array<i32>} : memref<1024x32xf32, #tpu.memory_space<vmem>>, vector<16xf32>,
        %add3A_350 = arith.addf %get3A_346, %get3A_349 : vector<16xf32>
        %get3A_351 = arith.index_cast %squeeze3A_323 : i32 to index
        %get3A_352 = arith.constant 16 : index
        %get3A_353 = tpu.vector_load %arg9[%get3A_351, %get3A_352] {strides = array<i32>} : memref<1024x32xf32, #tpu.memory_space<vmem>>, vector<16xf32>,
        %add3A_354 = arith.addf %add3A_350, %get3A_353 : vector<16xf32>
        %mul3A_355 = vector.broadcast %scan3A_62 : f32 to vector<16xf32>
        %mul3A_356 = arith.mulf %mul3A_355, %add3A_354 : vector<16xf32>
        %add3A_357 = arith.addf %get3A_343, %mul3A_356 : vector<16xf32>
        %swap3A_358 = arith.constant 0 : i32
        %swap3A_359 = arith.index_cast %rem3A_120 : i32 to index
        %swap3A_360 = arith.index_cast %swap3A_358 : i32 to index
        %swap3A_361 = arith.index_cast %add3A_317 : i32 to index
        %swap3A_362 = arith.constant 0 : index
        %swap3A_363 = tpu.vector_load %arg13[%swap3A_359, %swap3A_360, %swap3A_361, %swap3A_362] {strides = array<i32>} : memref<2x3x256x32xf32, #tpu.memory_space<vmem>>, vector<16xf32>,
        tpu.vector_store %arg13[%swap3A_359, %swap3A_360, %swap3A_361, %swap3A_362], %add3A_340 {strides = array<i32>} : memref<2x3x256x32xf32, #tpu.memory_space<vmem>>, vector<16xf32>,
        %swap3A_364 = arith.constant 0 : i32
        %swap3A_365 = arith.index_cast %rem3A_120 : i32 to index
        %swap3A_366 = arith.index_cast %swap3A_364 : i32 to index
        %swap3A_367 = arith.index_cast %add3A_317 : i32 to index
        %swap3A_368 = arith.constant 16 : index
        %swap3A_369 = tpu.vector_load %arg13[%swap3A_365, %swap3A_366, %swap3A_367, %swap3A_368] {strides = array<i32>} : memref<2x3x256x32xf32, #tpu.memory_space<vmem>>, vector<16xf32>,
        tpu.vector_store %arg13[%swap3A_365, %swap3A_366, %swap3A_367, %swap3A_368], %add3A_357 {strides = array<i32>} : memref<2x3x256x32xf32, #tpu.memory_space<vmem>>, vector<16xf32>,
        %add3A_370 = arith.constant 1 : i32
        %add3A_371 = arith.addi %mul3A_273, %add3A_370 : i32
        %slice3A_372 = vector.extract_strided_slice %gather3A_285 {offsets = [1], sizes = [1], strides = [1]} : vector<16xi32> to vector<1xi32>
        %squeeze3A_373 = vector.extract %slice3A_372[0] : i32 from vector<1xi32>
        %slice3A_374 = vector.extract_strided_slice %gather3A_301 {offsets = [1], sizes = [1], strides = [1]} : vector<16xi32> to vector<1xi32>
        %squeeze3A_375 = vector.extract %slice3A_374[0] : i32 from vector<1xi32>
        %slice3A_376 = vector.extract_strided_slice %gather3A_308 {offsets = [1], sizes = [1], strides = [1]} : vector<16xi32> to vector<1xi32>
        %squeeze3A_377 = vector.extract %slice3A_376[0] : i32 from vector<1xi32>
        %slice3A_378 = vector.extract_strided_slice %gather3A_315 {offsets = [1], sizes = [1], strides = [1]} : vector<16xi32> to vector<1xi32>
        %squeeze3A_379 = vector.extract %slice3A_378[0] : i32 from vector<1xi32>
        %get3A_380 = arith.index_cast %squeeze3A_373 : i32 to index
        %get3A_381 = arith.constant 0 : index
        %get3A_382 = tpu.vector_load %arg8[%get3A_380, %get3A_381] {strides = array<i32>} : memref<512x32xf32, #tpu.memory_space<vmem>>, vector<16xf32>,
        %get3A_383 = arith.index_cast %squeeze3A_375 : i32 to index
        %get3A_384 = arith.constant 0 : index
        %get3A_385 = tpu.vector_load %arg9[%get3A_383, %get3A_384] {strides = array<i32>} : memref<1024x32xf32, #tpu.memory_space<vmem>>, vector<16xf32>,
        %get3A_386 = arith.index_cast %squeeze3A_377 : i32 to index
        %get3A_387 = arith.constant 0 : index
        %get3A_388 = tpu.vector_load %arg9[%get3A_386, %get3A_387] {strides = array<i32>} : memref<1024x32xf32, #tpu.memory_space<vmem>>, vector<16xf32>,
        %add3A_389 = arith.addf %get3A_385, %get3A_388 : vector<16xf32>
        %get3A_390 = arith.index_cast %squeeze3A_379 : i32 to index
        %get3A_391 = arith.constant 0 : index
        %get3A_392 = tpu.vector_load %arg9[%get3A_390, %get3A_391] {strides = array<i32>} : memref<1024x32xf32, #tpu.memory_space<vmem>>, vector<16xf32>,
        %add3A_393 = arith.addf %add3A_389, %get3A_392 : vector<16xf32>
        %mul3A_394 = vector.broadcast %scan3A_62 : f32 to vector<16xf32>
        %mul3A_395 = arith.mulf %mul3A_394, %add3A_393 : vector<16xf32>
        %add3A_396 = arith.addf %get3A_382, %mul3A_395 : vector<16xf32>
        %get3A_397 = arith.index_cast %squeeze3A_373 : i32 to index
        %get3A_398 = arith.constant 16 : index
        %get3A_399 = tpu.vector_load %arg8[%get3A_397, %get3A_398] {strides = array<i32>} : memref<512x32xf32, #tpu.memory_space<vmem>>, vector<16xf32>,
        %get3A_400 = arith.index_cast %squeeze3A_375 : i32 to index
        %get3A_401 = arith.constant 16 : index
        %get3A_402 = tpu.vector_load %arg9[%get3A_400, %get3A_401] {strides = array<i32>} : memref<1024x32xf32, #tpu.memory_space<vmem>>, vector<16xf32>,
        %get3A_403 = arith.index_cast %squeeze3A_377 : i32 to index
        %get3A_404 = arith.constant 16 : index
        %get3A_405 = tpu.vector_load %arg9[%get3A_403, %get3A_404] {strides = array<i32>} : memref<1024x32xf32, #tpu.memory_space<vmem>>, vector<16xf32>,
        %add3A_406 = arith.addf %get3A_402, %get3A_405 : vector<16xf32>
        %get3A_407 = arith.index_cast %squeeze3A_379 : i32 to index
        %get3A_408 = arith.constant 16 : index
        %get3A_409 = tpu.vector_load %arg9[%get3A_407, %get3A_408] {strides = array<i32>} : memref<1024x32xf32, #tpu.memory_space<vmem>>, vector<16xf32>,
        %add3A_410 = arith.addf %add3A_406, %get3A_409 : vector<16xf32>
        %mul3A_411 = vector.broadcast %scan3A_62 : f32 to vector<16xf32>
        %mul3A_412 = arith.mulf %mul3A_411, %add3A_410 : vector<16xf32>
        %add3A_413 = arith.addf %get3A_399, %mul3A_412 : vector<16xf32>
        %swap3A_414 = arith.constant 0 : i32
        %swap3A_415 = arith.index_cast %rem3A_120 : i32 to index
        %swap3A_416 = arith.index_cast %swap3A_414 : i32 to index
        %swap3A_417 = arith.index_cast %add3A_371 : i32 to index
        %swap3A_418 = arith.constant 0 : index
        %swap3A_419 = tpu.vector_load %arg13[%swap3A_415, %swap3A_416, %swap3A_417, %swap3A_418] {strides = array<i32>} : memref<2x3x256x32xf32, #tpu.memory_space<vmem>>, vector<16xf32>,
        tpu.vector_store %arg13[%swap3A_415, %swap3A_416, %swap3A_417, %swap3A_418], %add3A_396 {strides = array<i32>} : memref<2x3x256x32xf32, #tpu.memory_space<vmem>>, vector<16xf32>,
        %swap3A_420 = arith.constant 0 : i32
        %swap3A_421 = arith.index_cast %rem3A_120 : i32 to index
        %swap3A_422 = arith.index_cast %swap3A_420 : i32 to index
        %swap3A_423 = arith.index_cast %add3A_371 : i32 to index
        %swap3A_424 = arith.constant 16 : index
        %swap3A_425 = tpu.vector_load %arg13[%swap3A_421, %swap3A_422, %swap3A_423, %swap3A_424] {strides = array<i32>} : memref<2x3x256x32xf32, #tpu.memory_space<vmem>>, vector<16xf32>,
        tpu.vector_store %arg13[%swap3A_421, %swap3A_422, %swap3A_423, %swap3A_424], %add3A_413 {strides = array<i32>} : memref<2x3x256x32xf32, #tpu.memory_space<vmem>>, vector<16xf32>,
        %add3A_426 = arith.constant 2 : i32
        %add3A_427 = arith.addi %mul3A_273, %add3A_426 : i32
        %slice3A_428 = vector.extract_strided_slice %gather3A_285 {offsets = [2], sizes = [1], strides = [1]} : vector<16xi32> to vector<1xi32>
        %squeeze3A_429 = vector.extract %slice3A_428[0] : i32 from vector<1xi32>
        %slice3A_430 = vector.extract_strided_slice %gather3A_301 {offsets = [2], sizes = [1], strides = [1]} : vector<16xi32> to vector<1xi32>
        %squeeze3A_431 = vector.extract %slice3A_430[0] : i32 from vector<1xi32>
        %slice3A_432 = vector.extract_strided_slice %gather3A_308 {offsets = [2], sizes = [1], strides = [1]} : vector<16xi32> to vector<1xi32>
        %squeeze3A_433 = vector.extract %slice3A_432[0] : i32 from vector<1xi32>
        %slice3A_434 = vector.extract_strided_slice %gather3A_315 {offsets = [2], sizes = [1], strides = [1]} : vector<16xi32> to vector<1xi32>
        %squeeze3A_435 = vector.extract %slice3A_434[0] : i32 from vector<1xi32>
        %get3A_436 = arith.index_cast %squeeze3A_429 : i32 to index
        %get3A_437 = arith.constant 0 : index
        %get3A_438 = tpu.vector_load %arg8[%get3A_436, %get3A_437] {strides = array<i32>} : memref<512x32xf32, #tpu.memory_space<vmem>>, vector<16xf32>,
        %get3A_439 = arith.index_cast %squeeze3A_431 : i32 to index
        %get3A_440 = arith.constant 0 : index
        %get3A_441 = tpu.vector_load %arg9[%get3A_439, %get3A_440] {strides = array<i32>} : memref<1024x32xf32, #tpu.memory_space<vmem>>, vector<16xf32>,
        %get3A_442 = arith.index_cast %squeeze3A_433 : i32 to index
        %get3A_443 = arith.constant 0 : index
        %get3A_444 = tpu.vector_load %arg9[%get3A_442, %get3A_443] {strides = array<i32>} : memref<1024x32xf32, #tpu.memory_space<vmem>>, vector<16xf32>,
        %add3A_445 = arith.addf %get3A_441, %get3A_444 : vector<16xf32>
        %get3A_446 = arith.index_cast %squeeze3A_435 : i32 to index
        %get3A_447 = arith.constant 0 : index
        %get3A_448 = tpu.vector_load %arg9[%get3A_446, %get3A_447] {strides = array<i32>} : memref<1024x32xf32, #tpu.memory_space<vmem>>, vector<16xf32>,
        %add3A_449 = arith.addf %add3A_445, %get3A_448 : vector<16xf32>
        %mul3A_450 = vector.broadcast %scan3A_62 : f32 to vector<16xf32>
        %mul3A_451 = arith.mulf %mul3A_450, %add3A_449 : vector<16xf32>
        %add3A_452 = arith.addf %get3A_438, %mul3A_451 : vector<16xf32>
        %get3A_453 = arith.index_cast %squeeze3A_429 : i32 to index
        %get3A_454 = arith.constant 16 : index
        %get3A_455 = tpu.vector_load %arg8[%get3A_453, %get3A_454] {strides = array<i32>} : memref<512x32xf32, #tpu.memory_space<vmem>>, vector<16xf32>,
        %get3A_456 = arith.index_cast %squeeze3A_431 : i32 to index
        %get3A_457 = arith.constant 16 : index
        %get3A_458 = tpu.vector_load %arg9[%get3A_456, %get3A_457] {strides = array<i32>} : memref<1024x32xf32, #tpu.memory_space<vmem>>, vector<16xf32>,
        %get3A_459 = arith.index_cast %squeeze3A_433 : i32 to index
        %get3A_460 = arith.constant 16 : index
        %get3A_461 = tpu.vector_load %arg9[%get3A_459, %get3A_460] {strides = array<i32>} : memref<1024x32xf32, #tpu.memory_space<vmem>>, vector<16xf32>,
        %add3A_462 = arith.addf %get3A_458, %get3A_461 : vector<16xf32>
        %get3A_463 = arith.index_cast %squeeze3A_435 : i32 to index
        %get3A_464 = arith.constant 16 : index
        %get3A_465 = tpu.vector_load %arg9[%get3A_463, %get3A_464] {strides = array<i32>} : memref<1024x32xf32, #tpu.memory_space<vmem>>, vector<16xf32>,
        %add3A_466 = arith.addf %add3A_462, %get3A_465 : vector<16xf32>
        %mul3A_467 = vector.broadcast %scan3A_62 : f32 to vector<16xf32>
        %mul3A_468 = arith.mulf %mul3A_467, %add3A_466 : vector<16xf32>
        %add3A_469 = arith.addf %get3A_455, %mul3A_468 : vector<16xf32>
        %swap3A_470 = arith.constant 0 : i32
        %swap3A_471 = arith.index_cast %rem3A_120 : i32 to index
        %swap3A_472 = arith.index_cast %swap3A_470 : i32 to index
        %swap3A_473 = arith.index_cast %add3A_427 : i32 to index
        %swap3A_474 = arith.constant 0 : index
        %swap3A_475 = tpu.vector_load %arg13[%swap3A_471, %swap3A_472, %swap3A_473, %swap3A_474] {strides = array<i32>} : memref<2x3x256x32xf32, #tpu.memory_space<vmem>>, vector<16xf32>,
        tpu.vector_store %arg13[%swap3A_471, %swap3A_472, %swap3A_473, %swap3A_474], %add3A_452 {strides = array<i32>} : memref<2x3x256x32xf32, #tpu.memory_space<vmem>>, vector<16xf32>,
        %swap3A_476 = arith.constant 0 : i32
        %swap3A_477 = arith.index_cast %rem3A_120 : i32 to index
        %swap3A_478 = arith.index_cast %swap3A_476 : i32 to index
        %swap3A_479 = arith.index_cast %add3A_427 : i32 to index
        %swap3A_480 = arith.constant 16 : index
        %swap3A_481 = tpu.vector_load %arg13[%swap3A_477, %swap3A_478, %swap3A_479, %swap3A_480] {strides = array<i32>} : memref<2x3x256x32xf32, #tpu.memory_space<vmem>>, vector<16xf32>,
        tpu.vector_store %arg13[%swap3A_477, %swap3A_478, %swap3A_479, %swap3A_480], %add3A_469 {strides = array<i32>} : memref<2x3x256x32xf32, #tpu.memory_space<vmem>>, vector<16xf32>,
        %add3A_482 = arith.constant 3 : i32
        %add3A_483 = arith.addi %mul3A_273, %add3A_482 : i32
        %slice3A_484 = vector.extract_strided_slice %gather3A_285 {offsets = [3], sizes = [1], strides = [1]} : vector<16xi32> to vector<1xi32>
        %squeeze3A_485 = vector.extract %slice3A_484[0] : i32 from vector<1xi32>
        %slice3A_486 = vector.extract_strided_slice %gather3A_301 {offsets = [3], sizes = [1], strides = [1]} : vector<16xi32> to vector<1xi32>
        %squeeze3A_487 = vector.extract %slice3A_486[0] : i32 from vector<1xi32>
        %slice3A_488 = vector.extract_strided_slice %gather3A_308 {offsets = [3], sizes = [1], strides = [1]} : vector<16xi32> to vector<1xi32>
        %squeeze3A_489 = vector.extract %slice3A_488[0] : i32 from vector<1xi32>
        %slice3A_490 = vector.extract_strided_slice %gather3A_315 {offsets = [3], sizes = [1], strides = [1]} : vector<16xi32> to vector<1xi32>
        %squeeze3A_491 = vector.extract %slice3A_490[0] : i32 from vector<1xi32>
        %get3A_492 = arith.index_cast %squeeze3A_485 : i32 to index
        %get3A_493 = arith.constant 0 : index
        %get3A_494 = tpu.vector_load %arg8[%get3A_492, %get3A_493] {strides = array<i32>} : memref<512x32xf32, #tpu.memory_space<vmem>>, vector<16xf32>,
        %get3A_495 = arith.index_cast %squeeze3A_487 : i32 to index
        %get3A_496 = arith.constant 0 : index
        %get3A_497 = tpu.vector_load %arg9[%get3A_495, %get3A_496] {strides = array<i32>} : memref<1024x32xf32, #tpu.memory_space<vmem>>, vector<16xf32>,
        %get3A_498 = arith.index_cast %squeeze3A_489 : i32 to index
        %get3A_499 = arith.constant 0 : index
        %get3A_500 = tpu.vector_load %arg9[%get3A_498, %get3A_499] {strides = array<i32>} : memref<1024x32xf32, #tpu.memory_space<vmem>>, vector<16xf32>,
        %add3A_501 = arith.addf %get3A_497, %get3A_500 : vector<16xf32>
        %get3A_502 = arith.index_cast %squeeze3A_491 : i32 to index
        %get3A_503 = arith.constant 0 : index
        %get3A_504 = tpu.vector_load %arg9[%get3A_502, %get3A_503] {strides = array<i32>} : memref<1024x32xf32, #tpu.memory_space<vmem>>, vector<16xf32>,
        %add3A_505 = arith.addf %add3A_501, %get3A_504 : vector<16xf32>
        %mul3A_506 = vector.broadcast %scan3A_62 : f32 to vector<16xf32>
        %mul3A_507 = arith.mulf %mul3A_506, %add3A_505 : vector<16xf32>
        %add3A_508 = arith.addf %get3A_494, %mul3A_507 : vector<16xf32>
        %get3A_509 = arith.index_cast %squeeze3A_485 : i32 to index
        %get3A_510 = arith.constant 16 : index
        %get3A_511 = tpu.vector_load %arg8[%get3A_509, %get3A_510] {strides = array<i32>} : memref<512x32xf32, #tpu.memory_space<vmem>>, vector<16xf32>,
        %get3A_512 = arith.index_cast %squeeze3A_487 : i32 to index
        %get3A_513 = arith.constant 16 : index
        %get3A_514 = tpu.vector_load %arg9[%get3A_512, %get3A_513] {strides = array<i32>} : memref<1024x32xf32, #tpu.memory_space<vmem>>, vector<16xf32>,
        %get3A_515 = arith.index_cast %squeeze3A_489 : i32 to index
        %get3A_516 = arith.constant 16 : index
        %get3A_517 = tpu.vector_load %arg9[%get3A_515, %get3A_516] {strides = array<i32>} : memref<1024x32xf32, #tpu.memory_space<vmem>>, vector<16xf32>,
        %add3A_518 = arith.addf %get3A_514, %get3A_517 : vector<16xf32>
        %get3A_519 = arith.index_cast %squeeze3A_491 : i32 to index
        %get3A_520 = arith.constant 16 : index
        %get3A_521 = tpu.vector_load %arg9[%get3A_519, %get3A_520] {strides = array<i32>} : memref<1024x32xf32, #tpu.memory_space<vmem>>, vector<16xf32>,
        %add3A_522 = arith.addf %add3A_518, %get3A_521 : vector<16xf32>
        %mul3A_523 = vector.broadcast %scan3A_62 : f32 to vector<16xf32>
        %mul3A_524 = arith.mulf %mul3A_523, %add3A_522 : vector<16xf32>
        %add3A_525 = arith.addf %get3A_511, %mul3A_524 : vector<16xf32>
        %swap3A_526 = arith.constant 0 : i32
        %swap3A_527 = arith.index_cast %rem3A_120 : i32 to index
        %swap3A_528 = arith.index_cast %swap3A_526 : i32 to index
        %swap3A_529 = arith.index_cast %add3A_483 : i32 to index
        %swap3A_530 = arith.constant 0 : index
        %swap3A_531 = tpu.vector_load %arg13[%swap3A_527, %swap3A_528, %swap3A_529, %swap3A_530] {strides = array<i32>} : memref<2x3x256x32xf32, #tpu.memory_space<vmem>>, vector<16xf32>,
        tpu.vector_store %arg13[%swap3A_527, %swap3A_528, %swap3A_529, %swap3A_530], %add3A_508 {strides = array<i32>} : memref<2x3x256x32xf32, #tpu.memory_space<vmem>>, vector<16xf32>,
        %swap3A_532 = arith.constant 0 : i32
        %swap3A_533 = arith.index_cast %rem3A_120 : i32 to index
        %swap3A_534 = arith.index_cast %swap3A_532 : i32 to index
        %swap3A_535 = arith.index_cast %add3A_483 : i32 to index
        %swap3A_536 = arith.constant 16 : index
        %swap3A_537 = tpu.vector_load %arg13[%swap3A_533, %swap3A_534, %swap3A_535, %swap3A_536] {strides = array<i32>} : memref<2x3x256x32xf32, #tpu.memory_space<vmem>>, vector<16xf32>,
        tpu.vector_store %arg13[%swap3A_533, %swap3A_534, %swap3A_535, %swap3A_536], %add3A_525 {strides = array<i32>} : memref<2x3x256x32xf32, #tpu.memory_space<vmem>>, vector<16xf32>,
        %add3A_538 = arith.constant 4 : i32
        %add3A_539 = arith.addi %mul3A_273, %add3A_538 : i32
        %slice3A_540 = vector.extract_strided_slice %gather3A_285 {offsets = [4], sizes = [1], strides = [1]} : vector<16xi32> to vector<1xi32>
        %squeeze3A_541 = vector.extract %slice3A_540[0] : i32 from vector<1xi32>
        %slice3A_542 = vector.extract_strided_slice %gather3A_301 {offsets = [4], sizes = [1], strides = [1]} : vector<16xi32> to vector<1xi32>
        %squeeze3A_543 = vector.extract %slice3A_542[0] : i32 from vector<1xi32>
        %slice3A_544 = vector.extract_strided_slice %gather3A_308 {offsets = [4], sizes = [1], strides = [1]} : vector<16xi32> to vector<1xi32>
        %squeeze3A_545 = vector.extract %slice3A_544[0] : i32 from vector<1xi32>
        %slice3A_546 = vector.extract_strided_slice %gather3A_315 {offsets = [4], sizes = [1], strides = [1]} : vector<16xi32> to vector<1xi32>
        %squeeze3A_547 = vector.extract %slice3A_546[0] : i32 from vector<1xi32>
        %get3A_548 = arith.index_cast %squeeze3A_541 : i32 to index
        %get3A_549 = arith.constant 0 : index
        %get3A_550 = tpu.vector_load %arg8[%get3A_548, %get3A_549] {strides = array<i32>} : memref<512x32xf32, #tpu.memory_space<vmem>>, vector<16xf32>,
        %get3A_551 = arith.index_cast %squeeze3A_543 : i32 to index
        %get3A_552 = arith.constant 0 : index
        %get3A_553 = tpu.vector_load %arg9[%get3A_551, %get3A_552] {strides = array<i32>} : memref<1024x32xf32, #tpu.memory_space<vmem>>, vector<16xf32>,
        %get3A_554 = arith.index_cast %squeeze3A_545 : i32 to index
        %get3A_555 = arith.constant 0 : index
        %get3A_556 = tpu.vector_load %arg9[%get3A_554, %get3A_555] {strides = array<i32>} : memref<1024x32xf32, #tpu.memory_space<vmem>>, vector<16xf32>,
        %add3A_557 = arith.addf %get3A_553, %get3A_556 : vector<16xf32>
        %get3A_558 = arith.index_cast %squeeze3A_547 : i32 to index
        %get3A_559 = arith.constant 0 : index
        %get3A_560 = tpu.vector_load %arg9[%get3A_558, %get3A_559] {strides = array<i32>} : memref<1024x32xf32, #tpu.memory_space<vmem>>, vector<16xf32>,
        %add3A_561 = arith.addf %add3A_557, %get3A_560 : vector<16xf32>
        %mul3A_562 = vector.broadcast %scan3A_62 : f32 to vector<16xf32>
        %mul3A_563 = arith.mulf %mul3A_562, %add3A_561 : vector<16xf32>
        %add3A_564 = arith.addf %get3A_550, %mul3A_563 : vector<16xf32>
        %get3A_565 = arith.index_cast %squeeze3A_541 : i32 to index
        %get3A_566 = arith.constant 16 : index
        %get3A_567 = tpu.vector_load %arg8[%get3A_565, %get3A_566] {strides = array<i32>} : memref<512x32xf32, #tpu.memory_space<vmem>>, vector<16xf32>,
        %get3A_568 = arith.index_cast %squeeze3A_543 : i32 to index
        %get3A_569 = arith.constant 16 : index
        %get3A_570 = tpu.vector_load %arg9[%get3A_568, %get3A_569] {strides = array<i32>} : memref<1024x32xf32, #tpu.memory_space<vmem>>, vector<16xf32>,
        %get3A_571 = arith.index_cast %squeeze3A_545 : i32 to index
        %get3A_572 = arith.constant 16 : index
        %get3A_573 = tpu.vector_load %arg9[%get3A_571, %get3A_572] {strides = array<i32>} : memref<1024x32xf32, #tpu.memory_space<vmem>>, vector<16xf32>,
        %add3A_574 = arith.addf %get3A_570, %get3A_573 : vector<16xf32>
        %get3A_575 = arith.index_cast %squeeze3A_547 : i32 to index
        %get3A_576 = arith.constant 16 : index
        %get3A_577 = tpu.vector_load %arg9[%get3A_575, %get3A_576] {strides = array<i32>} : memref<1024x32xf32, #tpu.memory_space<vmem>>, vector<16xf32>,
        %add3A_578 = arith.addf %add3A_574, %get3A_577 : vector<16xf32>
        %mul3A_579 = vector.broadcast %scan3A_62 : f32 to vector<16xf32>
        %mul3A_580 = arith.mulf %mul3A_579, %add3A_578 : vector<16xf32>
        %add3A_581 = arith.addf %get3A_567, %mul3A_580 : vector<16xf32>
        %swap3A_582 = arith.constant 0 : i32
        %swap3A_583 = arith.index_cast %rem3A_120 : i32 to index
        %swap3A_584 = arith.index_cast %swap3A_582 : i32 to index
        %swap3A_585 = arith.index_cast %add3A_539 : i32 to index
        %swap3A_586 = arith.constant 0 : index
        %swap3A_587 = tpu.vector_load %arg13[%swap3A_583, %swap3A_584, %swap3A_585, %swap3A_586] {strides = array<i32>} : memref<2x3x256x32xf32, #tpu.memory_space<vmem>>, vector<16xf32>,
        tpu.vector_store %arg13[%swap3A_583, %swap3A_584, %swap3A_585, %swap3A_586], %add3A_564 {strides = array<i32>} : memref<2x3x256x32xf32, #tpu.memory_space<vmem>>, vector<16xf32>,
        %swap3A_588 = arith.constant 0 : i32
        %swap3A_589 = arith.index_cast %rem3A_120 : i32 to index
        %swap3A_590 = arith.index_cast %swap3A_588 : i32 to index
        %swap3A_591 = arith.index_cast %add3A_539 : i32 to index
        %swap3A_592 = arith.constant 16 : index
        %swap3A_593 = tpu.vector_load %arg13[%swap3A_589, %swap3A_590, %swap3A_591, %swap3A_592] {strides = array<i32>} : memref<2x3x256x32xf32, #tpu.memory_space<vmem>>, vector<16xf32>,
        tpu.vector_store %arg13[%swap3A_589, %swap3A_590, %swap3A_591, %swap3A_592], %add3A_581 {strides = array<i32>} : memref<2x3x256x32xf32, #tpu.memory_space<vmem>>, vector<16xf32>,
        %add3A_594 = arith.constant 5 : i32
        %add3A_595 = arith.addi %mul3A_273, %add3A_594 : i32
        %slice3A_596 = vector.extract_strided_slice %gather3A_285 {offsets = [5], sizes = [1], strides = [1]} : vector<16xi32> to vector<1xi32>
        %squeeze3A_597 = vector.extract %slice3A_596[0] : i32 from vector<1xi32>
        %slice3A_598 = vector.extract_strided_slice %gather3A_301 {offsets = [5], sizes = [1], strides = [1]} : vector<16xi32> to vector<1xi32>
        %squeeze3A_599 = vector.extract %slice3A_598[0] : i32 from vector<1xi32>
        %slice3A_600 = vector.extract_strided_slice %gather3A_308 {offsets = [5], sizes = [1], strides = [1]} : vector<16xi32> to vector<1xi32>
        %squeeze3A_601 = vector.extract %slice3A_600[0] : i32 from vector<1xi32>
        %slice3A_602 = vector.extract_strided_slice %gather3A_315 {offsets = [5], sizes = [1], strides = [1]} : vector<16xi32> to vector<1xi32>
        %squeeze3A_603 = vector.extract %slice3A_602[0] : i32 from vector<1xi32>
        %get3A_604 = arith.index_cast %squeeze3A_597 : i32 to index
        %get3A_605 = arith.constant 0 : index
        %get3A_606 = tpu.vector_load %arg8[%get3A_604, %get3A_605] {strides = array<i32>} : memref<512x32xf32, #tpu.memory_space<vmem>>, vector<16xf32>,
        %get3A_607 = arith.index_cast %squeeze3A_599 : i32 to index
        %get3A_608 = arith.constant 0 : index
        %get3A_609 = tpu.vector_load %arg9[%get3A_607, %get3A_608] {strides = array<i32>} : memref<1024x32xf32, #tpu.memory_space<vmem>>, vector<16xf32>,
        %get3A_610 = arith.index_cast %squeeze3A_601 : i32 to index
        %get3A_611 = arith.constant 0 : index
        %get3A_612 = tpu.vector_load %arg9[%get3A_610, %get3A_611] {strides = array<i32>} : memref<1024x32xf32, #tpu.memory_space<vmem>>, vector<16xf32>,
        %add3A_613 = arith.addf %get3A_609, %get3A_612 : vector<16xf32>
        %get3A_614 = arith.index_cast %squeeze3A_603 : i32 to index
        %get3A_615 = arith.constant 0 : index
        %get3A_616 = tpu.vector_load %arg9[%get3A_614, %get3A_615] {strides = array<i32>} : memref<1024x32xf32, #tpu.memory_space<vmem>>, vector<16xf32>,
        %add3A_617 = arith.addf %add3A_613, %get3A_616 : vector<16xf32>
        %mul3A_618 = vector.broadcast %scan3A_62 : f32 to vector<16xf32>
        %mul3A_619 = arith.mulf %mul3A_618, %add3A_617 : vector<16xf32>
        %add3A_620 = arith.addf %get3A_606, %mul3A_619 : vector<16xf32>
        %get3A_621 = arith.index_cast %squeeze3A_597 : i32 to index
        %get3A_622 = arith.constant 16 : index
        %get3A_623 = tpu.vector_load %arg8[%get3A_621, %get3A_622] {strides = array<i32>} : memref<512x32xf32, #tpu.memory_space<vmem>>, vector<16xf32>,
        %get3A_624 = arith.index_cast %squeeze3A_599 : i32 to index
        %get3A_625 = arith.constant 16 : index
        %get3A_626 = tpu.vector_load %arg9[%get3A_624, %get3A_625] {strides = array<i32>} : memref<1024x32xf32, #tpu.memory_space<vmem>>, vector<16xf32>,
        %get3A_627 = arith.index_cast %squeeze3A_601 : i32 to index
        %get3A_628 = arith.constant 16 : index
        %get3A_629 = tpu.vector_load %arg9[%get3A_627, %get3A_628] {strides = array<i32>} : memref<1024x32xf32, #tpu.memory_space<vmem>>, vector<16xf32>,
        %add3A_630 = arith.addf %get3A_626, %get3A_629 : vector<16xf32>
        %get3A_631 = arith.index_cast %squeeze3A_603 : i32 to index
        %get3A_632 = arith.constant 16 : index
        %get3A_633 = tpu.vector_load %arg9[%get3A_631, %get3A_632] {strides = array<i32>} : memref<1024x32xf32, #tpu.memory_space<vmem>>, vector<16xf32>,
        %add3A_634 = arith.addf %add3A_630, %get3A_633 : vector<16xf32>
        %mul3A_635 = vector.broadcast %scan3A_62 : f32 to vector<16xf32>
        %mul3A_636 = arith.mulf %mul3A_635, %add3A_634 : vector<16xf32>
        %add3A_637 = arith.addf %get3A_623, %mul3A_636 : vector<16xf32>
        %swap3A_638 = arith.constant 0 : i32
        %swap3A_639 = arith.index_cast %rem3A_120 : i32 to index
        %swap3A_640 = arith.index_cast %swap3A_638 : i32 to index
        %swap3A_641 = arith.index_cast %add3A_595 : i32 to index
        %swap3A_642 = arith.constant 0 : index
        %swap3A_643 = tpu.vector_load %arg13[%swap3A_639, %swap3A_640, %swap3A_641, %swap3A_642] {strides = array<i32>} : memref<2x3x256x32xf32, #tpu.memory_space<vmem>>, vector<16xf32>,
        tpu.vector_store %arg13[%swap3A_639, %swap3A_640, %swap3A_641, %swap3A_642], %add3A_620 {strides = array<i32>} : memref<2x3x256x32xf32, #tpu.memory_space<vmem>>, vector<16xf32>,
        %swap3A_644 = arith.constant 0 : i32
        %swap3A_645 = arith.index_cast %rem3A_120 : i32 to index
        %swap3A_646 = arith.index_cast %swap3A_644 : i32 to index
        %swap3A_647 = arith.index_cast %add3A_595 : i32 to index
        %swap3A_648 = arith.constant 16 : index
        %swap3A_649 = tpu.vector_load %arg13[%swap3A_645, %swap3A_646, %swap3A_647, %swap3A_648] {strides = array<i32>} : memref<2x3x256x32xf32, #tpu.memory_space<vmem>>, vector<16xf32>,
        tpu.vector_store %arg13[%swap3A_645, %swap3A_646, %swap3A_647, %swap3A_648], %add3A_637 {strides = array<i32>} : memref<2x3x256x32xf32, #tpu.memory_space<vmem>>, vector<16xf32>,
        %add3A_650 = arith.constant 6 : i32
        %add3A_651 = arith.addi %mul3A_273, %add3A_650 : i32
        %slice3A_652 = vector.extract_strided_slice %gather3A_285 {offsets = [6], sizes = [1], strides = [1]} : vector<16xi32> to vector<1xi32>
        %squeeze3A_653 = vector.extract %slice3A_652[0] : i32 from vector<1xi32>
        %slice3A_654 = vector.extract_strided_slice %gather3A_301 {offsets = [6], sizes = [1], strides = [1]} : vector<16xi32> to vector<1xi32>
        %squeeze3A_655 = vector.extract %slice3A_654[0] : i32 from vector<1xi32>
        %slice3A_656 = vector.extract_strided_slice %gather3A_308 {offsets = [6], sizes = [1], strides = [1]} : vector<16xi32> to vector<1xi32>
        %squeeze3A_657 = vector.extract %slice3A_656[0] : i32 from vector<1xi32>
        %slice3A_658 = vector.extract_strided_slice %gather3A_315 {offsets = [6], sizes = [1], strides = [1]} : vector<16xi32> to vector<1xi32>
        %squeeze3A_659 = vector.extract %slice3A_658[0] : i32 from vector<1xi32>
        %get3A_660 = arith.index_cast %squeeze3A_653 : i32 to index
        %get3A_661 = arith.constant 0 : index
        %get3A_662 = tpu.vector_load %arg8[%get3A_660, %get3A_661] {strides = array<i32>} : memref<512x32xf32, #tpu.memory_space<vmem>>, vector<16xf32>,
        %get3A_663 = arith.index_cast %squeeze3A_655 : i32 to index
        %get3A_664 = arith.constant 0 : index
        %get3A_665 = tpu.vector_load %arg9[%get3A_663, %get3A_664] {strides = array<i32>} : memref<1024x32xf32, #tpu.memory_space<vmem>>, vector<16xf32>,
        %get3A_666 = arith.index_cast %squeeze3A_657 : i32 to index
        %get3A_667 = arith.constant 0 : index
        %get3A_668 = tpu.vector_load %arg9[%get3A_666, %get3A_667] {strides = array<i32>} : memref<1024x32xf32, #tpu.memory_space<vmem>>, vector<16xf32>,
        %add3A_669 = arith.addf %get3A_665, %get3A_668 : vector<16xf32>
        %get3A_670 = arith.index_cast %squeeze3A_659 : i32 to index
        %get3A_671 = arith.constant 0 : index
        %get3A_672 = tpu.vector_load %arg9[%get3A_670, %get3A_671] {strides = array<i32>} : memref<1024x32xf32, #tpu.memory_space<vmem>>, vector<16xf32>,
        %add3A_673 = arith.addf %add3A_669, %get3A_672 : vector<16xf32>
        %mul3A_674 = vector.broadcast %scan3A_62 : f32 to vector<16xf32>
        %mul3A_675 = arith.mulf %mul3A_674, %add3A_673 : vector<16xf32>
        %add3A_676 = arith.addf %get3A_662, %mul3A_675 : vector<16xf32>
        %get3A_677 = arith.index_cast %squeeze3A_653 : i32 to index
        %get3A_678 = arith.constant 16 : index
        %get3A_679 = tpu.vector_load %arg8[%get3A_677, %get3A_678] {strides = array<i32>} : memref<512x32xf32, #tpu.memory_space<vmem>>, vector<16xf32>,
        %get3A_680 = arith.index_cast %squeeze3A_655 : i32 to index
        %get3A_681 = arith.constant 16 : index
        %get3A_682 = tpu.vector_load %arg9[%get3A_680, %get3A_681] {strides = array<i32>} : memref<1024x32xf32, #tpu.memory_space<vmem>>, vector<16xf32>,
        %get3A_683 = arith.index_cast %squeeze3A_657 : i32 to index
        %get3A_684 = arith.constant 16 : index
        %get3A_685 = tpu.vector_load %arg9[%get3A_683, %get3A_684] {strides = array<i32>} : memref<1024x32xf32, #tpu.memory_space<vmem>>, vector<16xf32>,
        %add3A_686 = arith.addf %get3A_682, %get3A_685 : vector<16xf32>
        %get3A_687 = arith.index_cast %squeeze3A_659 : i32 to index
        %get3A_688 = arith.constant 16 : index
        %get3A_689 = tpu.vector_load %arg9[%get3A_687, %get3A_688] {strides = array<i32>} : memref<1024x32xf32, #tpu.memory_space<vmem>>, vector<16xf32>,
        %add3A_690 = arith.addf %add3A_686, %get3A_689 : vector<16xf32>
        %mul3A_691 = vector.broadcast %scan3A_62 : f32 to vector<16xf32>
        %mul3A_692 = arith.mulf %mul3A_691, %add3A_690 : vector<16xf32>
        %add3A_693 = arith.addf %get3A_679, %mul3A_692 : vector<16xf32>
        %swap3A_694 = arith.constant 0 : i32
        %swap3A_695 = arith.index_cast %rem3A_120 : i32 to index
        %swap3A_696 = arith.index_cast %swap3A_694 : i32 to index
        %swap3A_697 = arith.index_cast %add3A_651 : i32 to index
        %swap3A_698 = arith.constant 0 : index
        %swap3A_699 = tpu.vector_load %arg13[%swap3A_695, %swap3A_696, %swap3A_697, %swap3A_698] {strides = array<i32>} : memref<2x3x256x32xf32, #tpu.memory_space<vmem>>, vector<16xf32>,
        tpu.vector_store %arg13[%swap3A_695, %swap3A_696, %swap3A_697, %swap3A_698], %add3A_676 {strides = array<i32>} : memref<2x3x256x32xf32, #tpu.memory_space<vmem>>, vector<16xf32>,
        %swap3A_700 = arith.constant 0 : i32
        %swap3A_701 = arith.index_cast %rem3A_120 : i32 to index
        %swap3A_702 = arith.index_cast %swap3A_700 : i32 to index
        %swap3A_703 = arith.index_cast %add3A_651 : i32 to index
        %swap3A_704 = arith.constant 16 : index
        %swap3A_705 = tpu.vector_load %arg13[%swap3A_701, %swap3A_702, %swap3A_703, %swap3A_704] {strides = array<i32>} : memref<2x3x256x32xf32, #tpu.memory_space<vmem>>, vector<16xf32>,
        tpu.vector_store %arg13[%swap3A_701, %swap3A_702, %swap3A_703, %swap3A_704], %add3A_693 {strides = array<i32>} : memref<2x3x256x32xf32, #tpu.memory_space<vmem>>, vector<16xf32>,
        %add3A_706 = arith.constant 7 : i32
        %add3A_707 = arith.addi %mul3A_273, %add3A_706 : i32
        %slice3A_708 = vector.extract_strided_slice %gather3A_285 {offsets = [7], sizes = [1], strides = [1]} : vector<16xi32> to vector<1xi32>
        %squeeze3A_709 = vector.extract %slice3A_708[0] : i32 from vector<1xi32>
        %slice3A_710 = vector.extract_strided_slice %gather3A_301 {offsets = [7], sizes = [1], strides = [1]} : vector<16xi32> to vector<1xi32>
        %squeeze3A_711 = vector.extract %slice3A_710[0] : i32 from vector<1xi32>
        %slice3A_712 = vector.extract_strided_slice %gather3A_308 {offsets = [7], sizes = [1], strides = [1]} : vector<16xi32> to vector<1xi32>
        %squeeze3A_713 = vector.extract %slice3A_712[0] : i32 from vector<1xi32>
        %slice3A_714 = vector.extract_strided_slice %gather3A_315 {offsets = [7], sizes = [1], strides = [1]} : vector<16xi32> to vector<1xi32>
        %squeeze3A_715 = vector.extract %slice3A_714[0] : i32 from vector<1xi32>
        %get3A_716 = arith.index_cast %squeeze3A_709 : i32 to index
        %get3A_717 = arith.constant 0 : index
        %get3A_718 = tpu.vector_load %arg8[%get3A_716, %get3A_717] {strides = array<i32>} : memref<512x32xf32, #tpu.memory_space<vmem>>, vector<16xf32>,
        %get3A_719 = arith.index_cast %squeeze3A_711 : i32 to index
        %get3A_720 = arith.constant 0 : index
        %get3A_721 = tpu.vector_load %arg9[%get3A_719, %get3A_720] {strides = array<i32>} : memref<1024x32xf32, #tpu.memory_space<vmem>>, vector<16xf32>,
        %get3A_722 = arith.index_cast %squeeze3A_713 : i32 to index
        %get3A_723 = arith.constant 0 : index
        %get3A_724 = tpu.vector_load %arg9[%get3A_722, %get3A_723] {strides = array<i32>} : memref<1024x32xf32, #tpu.memory_space<vmem>>, vector<16xf32>,
        %add3A_725 = arith.addf %get3A_721, %get3A_724 : vector<16xf32>
        %get3A_726 = arith.index_cast %squeeze3A_715 : i32 to index
        %get3A_727 = arith.constant 0 : index
        %get3A_728 = tpu.vector_load %arg9[%get3A_726, %get3A_727] {strides = array<i32>} : memref<1024x32xf32, #tpu.memory_space<vmem>>, vector<16xf32>,
        %add3A_729 = arith.addf %add3A_725, %get3A_728 : vector<16xf32>
        %mul3A_730 = vector.broadcast %scan3A_62 : f32 to vector<16xf32>
        %mul3A_731 = arith.mulf %mul3A_730, %add3A_729 : vector<16xf32>
        %add3A_732 = arith.addf %get3A_718, %mul3A_731 : vector<16xf32>
        %get3A_733 = arith.index_cast %squeeze3A_709 : i32 to index
        %get3A_734 = arith.constant 16 : index
        %get3A_735 = tpu.vector_load %arg8[%get3A_733, %get3A_734] {strides = array<i32>} : memref<512x32xf32, #tpu.memory_space<vmem>>, vector<16xf32>,
        %get3A_736 = arith.index_cast %squeeze3A_711 : i32 to index
        %get3A_737 = arith.constant 16 : index
        %get3A_738 = tpu.vector_load %arg9[%get3A_736, %get3A_737] {strides = array<i32>} : memref<1024x32xf32, #tpu.memory_space<vmem>>, vector<16xf32>,
        %get3A_739 = arith.index_cast %squeeze3A_713 : i32 to index
        %get3A_740 = arith.constant 16 : index
        %get3A_741 = tpu.vector_load %arg9[%get3A_739, %get3A_740] {strides = array<i32>} : memref<1024x32xf32, #tpu.memory_space<vmem>>, vector<16xf32>,
        %add3A_742 = arith.addf %get3A_738, %get3A_741 : vector<16xf32>
        %get3A_743 = arith.index_cast %squeeze3A_715 : i32 to index
        %get3A_744 = arith.constant 16 : index
        %get3A_745 = tpu.vector_load %arg9[%get3A_743, %get3A_744] {strides = array<i32>} : memref<1024x32xf32, #tpu.memory_space<vmem>>, vector<16xf32>,
        %add3A_746 = arith.addf %add3A_742, %get3A_745 : vector<16xf32>
        %mul3A_747 = vector.broadcast %scan3A_62 : f32 to vector<16xf32>
        %mul3A_748 = arith.mulf %mul3A_747, %add3A_746 : vector<16xf32>
        %add3A_749 = arith.addf %get3A_735, %mul3A_748 : vector<16xf32>
        %swap3A_750 = arith.constant 0 : i32
        %swap3A_751 = arith.index_cast %rem3A_120 : i32 to index
        %swap3A_752 = arith.index_cast %swap3A_750 : i32 to index
        %swap3A_753 = arith.index_cast %add3A_707 : i32 to index
        %swap3A_754 = arith.constant 0 : index
        %swap3A_755 = tpu.vector_load %arg13[%swap3A_751, %swap3A_752, %swap3A_753, %swap3A_754] {strides = array<i32>} : memref<2x3x256x32xf32, #tpu.memory_space<vmem>>, vector<16xf32>,
        tpu.vector_store %arg13[%swap3A_751, %swap3A_752, %swap3A_753, %swap3A_754], %add3A_732 {strides = array<i32>} : memref<2x3x256x32xf32, #tpu.memory_space<vmem>>, vector<16xf32>,
        %swap3A_756 = arith.constant 0 : i32
        %swap3A_757 = arith.index_cast %rem3A_120 : i32 to index
        %swap3A_758 = arith.index_cast %swap3A_756 : i32 to index
        %swap3A_759 = arith.index_cast %add3A_707 : i32 to index
        %swap3A_760 = arith.constant 16 : index
        %swap3A_761 = tpu.vector_load %arg13[%swap3A_757, %swap3A_758, %swap3A_759, %swap3A_760] {strides = array<i32>} : memref<2x3x256x32xf32, #tpu.memory_space<vmem>>, vector<16xf32>,
        tpu.vector_store %arg13[%swap3A_757, %swap3A_758, %swap3A_759, %swap3A_760], %add3A_749 {strides = array<i32>} : memref<2x3x256x32xf32, #tpu.memory_space<vmem>>, vector<16xf32>,
        %add3A_762 = arith.constant 8 : i32
        %add3A_763 = arith.addi %mul3A_273, %add3A_762 : i32
        %slice3A_764 = vector.extract_strided_slice %gather3A_285 {offsets = [8], sizes = [1], strides = [1]} : vector<16xi32> to vector<1xi32>
        %squeeze3A_765 = vector.extract %slice3A_764[0] : i32 from vector<1xi32>
        %slice3A_766 = vector.extract_strided_slice %gather3A_301 {offsets = [8], sizes = [1], strides = [1]} : vector<16xi32> to vector<1xi32>
        %squeeze3A_767 = vector.extract %slice3A_766[0] : i32 from vector<1xi32>
        %slice3A_768 = vector.extract_strided_slice %gather3A_308 {offsets = [8], sizes = [1], strides = [1]} : vector<16xi32> to vector<1xi32>
        %squeeze3A_769 = vector.extract %slice3A_768[0] : i32 from vector<1xi32>
        %slice3A_770 = vector.extract_strided_slice %gather3A_315 {offsets = [8], sizes = [1], strides = [1]} : vector<16xi32> to vector<1xi32>
        %squeeze3A_771 = vector.extract %slice3A_770[0] : i32 from vector<1xi32>
        %get3A_772 = arith.index_cast %squeeze3A_765 : i32 to index
        %get3A_773 = arith.constant 0 : index
        %get3A_774 = tpu.vector_load %arg8[%get3A_772, %get3A_773] {strides = array<i32>} : memref<512x32xf32, #tpu.memory_space<vmem>>, vector<16xf32>,
        %get3A_775 = arith.index_cast %squeeze3A_767 : i32 to index
        %get3A_776 = arith.constant 0 : index
        %get3A_777 = tpu.vector_load %arg9[%get3A_775, %get3A_776] {strides = array<i32>} : memref<1024x32xf32, #tpu.memory_space<vmem>>, vector<16xf32>,
        %get3A_778 = arith.index_cast %squeeze3A_769 : i32 to index
        %get3A_779 = arith.constant 0 : index
        %get3A_780 = tpu.vector_load %arg9[%get3A_778, %get3A_779] {strides = array<i32>} : memref<1024x32xf32, #tpu.memory_space<vmem>>, vector<16xf32>,
        %add3A_781 = arith.addf %get3A_777, %get3A_780 : vector<16xf32>
        %get3A_782 = arith.index_cast %squeeze3A_771 : i32 to index
        %get3A_783 = arith.constant 0 : index
        %get3A_784 = tpu.vector_load %arg9[%get3A_782, %get3A_783] {strides = array<i32>} : memref<1024x32xf32, #tpu.memory_space<vmem>>, vector<16xf32>,
        %add3A_785 = arith.addf %add3A_781, %get3A_784 : vector<16xf32>
        %mul3A_786 = vector.broadcast %scan3A_62 : f32 to vector<16xf32>
        %mul3A_787 = arith.mulf %mul3A_786, %add3A_785 : vector<16xf32>
        %add3A_788 = arith.addf %get3A_774, %mul3A_787 : vector<16xf32>
        %get3A_789 = arith.index_cast %squeeze3A_765 : i32 to index
        %get3A_790 = arith.constant 16 : index
        %get3A_791 = tpu.vector_load %arg8[%get3A_789, %get3A_790] {strides = array<i32>} : memref<512x32xf32, #tpu.memory_space<vmem>>, vector<16xf32>,
        %get3A_792 = arith.index_cast %squeeze3A_767 : i32 to index
        %get3A_793 = arith.constant 16 : index
        %get3A_794 = tpu.vector_load %arg9[%get3A_792, %get3A_793] {strides = array<i32>} : memref<1024x32xf32, #tpu.memory_space<vmem>>, vector<16xf32>,
        %get3A_795 = arith.index_cast %squeeze3A_769 : i32 to index
        %get3A_796 = arith.constant 16 : index
        %get3A_797 = tpu.vector_load %arg9[%get3A_795, %get3A_796] {strides = array<i32>} : memref<1024x32xf32, #tpu.memory_space<vmem>>, vector<16xf32>,
        %add3A_798 = arith.addf %get3A_794, %get3A_797 : vector<16xf32>
        %get3A_799 = arith.index_cast %squeeze3A_771 : i32 to index
        %get3A_800 = arith.constant 16 : index
        %get3A_801 = tpu.vector_load %arg9[%get3A_799, %get3A_800] {strides = array<i32>} : memref<1024x32xf32, #tpu.memory_space<vmem>>, vector<16xf32>,
        %add3A_802 = arith.addf %add3A_798, %get3A_801 : vector<16xf32>
        %mul3A_803 = vector.broadcast %scan3A_62 : f32 to vector<16xf32>
        %mul3A_804 = arith.mulf %mul3A_803, %add3A_802 : vector<16xf32>
        %add3A_805 = arith.addf %get3A_791, %mul3A_804 : vector<16xf32>
        %swap3A_806 = arith.constant 0 : i32
        %swap3A_807 = arith.index_cast %rem3A_120 : i32 to index
        %swap3A_808 = arith.index_cast %swap3A_806 : i32 to index
        %swap3A_809 = arith.index_cast %add3A_763 : i32 to index
        %swap3A_810 = arith.constant 0 : index
        %swap3A_811 = tpu.vector_load %arg13[%swap3A_807, %swap3A_808, %swap3A_809, %swap3A_810] {strides = array<i32>} : memref<2x3x256x32xf32, #tpu.memory_space<vmem>>, vector<16xf32>,
        tpu.vector_store %arg13[%swap3A_807, %swap3A_808, %swap3A_809, %swap3A_810], %add3A_788 {strides = array<i32>} : memref<2x3x256x32xf32, #tpu.memory_space<vmem>>, vector<16xf32>,
        %swap3A_812 = arith.constant 0 : i32
        %swap3A_813 = arith.index_cast %rem3A_120 : i32 to index
        %swap3A_814 = arith.index_cast %swap3A_812 : i32 to index
        %swap3A_815 = arith.index_cast %add3A_763 : i32 to index
        %swap3A_816 = arith.constant 16 : index
        %swap3A_817 = tpu.vector_load %arg13[%swap3A_813, %swap3A_814, %swap3A_815, %swap3A_816] {strides = array<i32>} : memref<2x3x256x32xf32, #tpu.memory_space<vmem>>, vector<16xf32>,
        tpu.vector_store %arg13[%swap3A_813, %swap3A_814, %swap3A_815, %swap3A_816], %add3A_805 {strides = array<i32>} : memref<2x3x256x32xf32, #tpu.memory_space<vmem>>, vector<16xf32>,
        %add3A_818 = arith.constant 9 : i32
        %add3A_819 = arith.addi %mul3A_273, %add3A_818 : i32
        %slice3A_820 = vector.extract_strided_slice %gather3A_285 {offsets = [9], sizes = [1], strides = [1]} : vector<16xi32> to vector<1xi32>
        %squeeze3A_821 = vector.extract %slice3A_820[0] : i32 from vector<1xi32>
        %slice3A_822 = vector.extract_strided_slice %gather3A_301 {offsets = [9], sizes = [1], strides = [1]} : vector<16xi32> to vector<1xi32>
        %squeeze3A_823 = vector.extract %slice3A_822[0] : i32 from vector<1xi32>
        %slice3A_824 = vector.extract_strided_slice %gather3A_308 {offsets = [9], sizes = [1], strides = [1]} : vector<16xi32> to vector<1xi32>
        %squeeze3A_825 = vector.extract %slice3A_824[0] : i32 from vector<1xi32>
        %slice3A_826 = vector.extract_strided_slice %gather3A_315 {offsets = [9], sizes = [1], strides = [1]} : vector<16xi32> to vector<1xi32>
        %squeeze3A_827 = vector.extract %slice3A_826[0] : i32 from vector<1xi32>
        %get3A_828 = arith.index_cast %squeeze3A_821 : i32 to index
        %get3A_829 = arith.constant 0 : index
        %get3A_830 = tpu.vector_load %arg8[%get3A_828, %get3A_829] {strides = array<i32>} : memref<512x32xf32, #tpu.memory_space<vmem>>, vector<16xf32>,
        %get3A_831 = arith.index_cast %squeeze3A_823 : i32 to index
        %get3A_832 = arith.constant 0 : index
        %get3A_833 = tpu.vector_load %arg9[%get3A_831, %get3A_832] {strides = array<i32>} : memref<1024x32xf32, #tpu.memory_space<vmem>>, vector<16xf32>,
        %get3A_834 = arith.index_cast %squeeze3A_825 : i32 to index
        %get3A_835 = arith.constant 0 : index
        %get3A_836 = tpu.vector_load %arg9[%get3A_834, %get3A_835] {strides = array<i32>} : memref<1024x32xf32, #tpu.memory_space<vmem>>, vector<16xf32>,
        %add3A_837 = arith.addf %get3A_833, %get3A_836 : vector<16xf32>
        %get3A_838 = arith.index_cast %squeeze3A_827 : i32 to index
        %get3A_839 = arith.constant 0 : index
        %get3A_840 = tpu.vector_load %arg9[%get3A_838, %get3A_839] {strides = array<i32>} : memref<1024x32xf32, #tpu.memory_space<vmem>>, vector<16xf32>,
        %add3A_841 = arith.addf %add3A_837, %get3A_840 : vector<16xf32>
        %mul3A_842 = vector.broadcast %scan3A_62 : f32 to vector<16xf32>
        %mul3A_843 = arith.mulf %mul3A_842, %add3A_841 : vector<16xf32>
        %add3A_844 = arith.addf %get3A_830, %mul3A_843 : vector<16xf32>
        %get3A_845 = arith.index_cast %squeeze3A_821 : i32 to index
        %get3A_846 = arith.constant 16 : index
        %get3A_847 = tpu.vector_load %arg8[%get3A_845, %get3A_846] {strides = array<i32>} : memref<512x32xf32, #tpu.memory_space<vmem>>, vector<16xf32>,
        %get3A_848 = arith.index_cast %squeeze3A_823 : i32 to index
        %get3A_849 = arith.constant 16 : index
        %get3A_850 = tpu.vector_load %arg9[%get3A_848, %get3A_849] {strides = array<i32>} : memref<1024x32xf32, #tpu.memory_space<vmem>>, vector<16xf32>,
        %get3A_851 = arith.index_cast %squeeze3A_825 : i32 to index
        %get3A_852 = arith.constant 16 : index
        %get3A_853 = tpu.vector_load %arg9[%get3A_851, %get3A_852] {strides = array<i32>} : memref<1024x32xf32, #tpu.memory_space<vmem>>, vector<16xf32>,
        %add3A_854 = arith.addf %get3A_850, %get3A_853 : vector<16xf32>
        %get3A_855 = arith.index_cast %squeeze3A_827 : i32 to index
        %get3A_856 = arith.constant 16 : index
        %get3A_857 = tpu.vector_load %arg9[%get3A_855, %get3A_856] {strides = array<i32>} : memref<1024x32xf32, #tpu.memory_space<vmem>>, vector<16xf32>,
        %add3A_858 = arith.addf %add3A_854, %get3A_857 : vector<16xf32>
        %mul3A_859 = vector.broadcast %scan3A_62 : f32 to vector<16xf32>
        %mul3A_860 = arith.mulf %mul3A_859, %add3A_858 : vector<16xf32>
        %add3A_861 = arith.addf %get3A_847, %mul3A_860 : vector<16xf32>
        %swap3A_862 = arith.constant 0 : i32
        %swap3A_863 = arith.index_cast %rem3A_120 : i32 to index
        %swap3A_864 = arith.index_cast %swap3A_862 : i32 to index
        %swap3A_865 = arith.index_cast %add3A_819 : i32 to index
        %swap3A_866 = arith.constant 0 : index
        %swap3A_867 = tpu.vector_load %arg13[%swap3A_863, %swap3A_864, %swap3A_865, %swap3A_866] {strides = array<i32>} : memref<2x3x256x32xf32, #tpu.memory_space<vmem>>, vector<16xf32>,
        tpu.vector_store %arg13[%swap3A_863, %swap3A_864, %swap3A_865, %swap3A_866], %add3A_844 {strides = array<i32>} : memref<2x3x256x32xf32, #tpu.memory_space<vmem>>, vector<16xf32>,
        %swap3A_868 = arith.constant 0 : i32
        %swap3A_869 = arith.index_cast %rem3A_120 : i32 to index
        %swap3A_870 = arith.index_cast %swap3A_868 : i32 to index
        %swap3A_871 = arith.index_cast %add3A_819 : i32 to index
        %swap3A_872 = arith.constant 16 : index
        %swap3A_873 = tpu.vector_load %arg13[%swap3A_869, %swap3A_870, %swap3A_871, %swap3A_872] {strides = array<i32>} : memref<2x3x256x32xf32, #tpu.memory_space<vmem>>, vector<16xf32>,
        tpu.vector_store %arg13[%swap3A_869, %swap3A_870, %swap3A_871, %swap3A_872], %add3A_861 {strides = array<i32>} : memref<2x3x256x32xf32, #tpu.memory_space<vmem>>, vector<16xf32>,
        %add3A_874 = arith.constant 10 : i32
        %add3A_875 = arith.addi %mul3A_273, %add3A_874 : i32
        %slice3A_876 = vector.extract_strided_slice %gather3A_285 {offsets = [10], sizes = [1], strides = [1]} : vector<16xi32> to vector<1xi32>
        %squeeze3A_877 = vector.extract %slice3A_876[0] : i32 from vector<1xi32>
        %slice3A_878 = vector.extract_strided_slice %gather3A_301 {offsets = [10], sizes = [1], strides = [1]} : vector<16xi32> to vector<1xi32>
        %squeeze3A_879 = vector.extract %slice3A_878[0] : i32 from vector<1xi32>
        %slice3A_880 = vector.extract_strided_slice %gather3A_308 {offsets = [10], sizes = [1], strides = [1]} : vector<16xi32> to vector<1xi32>
        %squeeze3A_881 = vector.extract %slice3A_880[0] : i32 from vector<1xi32>
        %slice3A_882 = vector.extract_strided_slice %gather3A_315 {offsets = [10], sizes = [1], strides = [1]} : vector<16xi32> to vector<1xi32>
        %squeeze3A_883 = vector.extract %slice3A_882[0] : i32 from vector<1xi32>
        %get3A_884 = arith.index_cast %squeeze3A_877 : i32 to index
        %get3A_885 = arith.constant 0 : index
        %get3A_886 = tpu.vector_load %arg8[%get3A_884, %get3A_885] {strides = array<i32>} : memref<512x32xf32, #tpu.memory_space<vmem>>, vector<16xf32>,
        %get3A_887 = arith.index_cast %squeeze3A_879 : i32 to index
        %get3A_888 = arith.constant 0 : index
        %get3A_889 = tpu.vector_load %arg9[%get3A_887, %get3A_888] {strides = array<i32>} : memref<1024x32xf32, #tpu.memory_space<vmem>>, vector<16xf32>,
        %get3A_890 = arith.index_cast %squeeze3A_881 : i32 to index
        %get3A_891 = arith.constant 0 : index
        %get3A_892 = tpu.vector_load %arg9[%get3A_890, %get3A_891] {strides = array<i32>} : memref<1024x32xf32, #tpu.memory_space<vmem>>, vector<16xf32>,
        %add3A_893 = arith.addf %get3A_889, %get3A_892 : vector<16xf32>
        %get3A_894 = arith.index_cast %squeeze3A_883 : i32 to index
        %get3A_895 = arith.constant 0 : index
        %get3A_896 = tpu.vector_load %arg9[%get3A_894, %get3A_895] {strides = array<i32>} : memref<1024x32xf32, #tpu.memory_space<vmem>>, vector<16xf32>,
        %add3A_897 = arith.addf %add3A_893, %get3A_896 : vector<16xf32>
        %mul3A_898 = vector.broadcast %scan3A_62 : f32 to vector<16xf32>
        %mul3A_899 = arith.mulf %mul3A_898, %add3A_897 : vector<16xf32>
        %add3A_900 = arith.addf %get3A_886, %mul3A_899 : vector<16xf32>
        %get3A_901 = arith.index_cast %squeeze3A_877 : i32 to index
        %get3A_902 = arith.constant 16 : index
        %get3A_903 = tpu.vector_load %arg8[%get3A_901, %get3A_902] {strides = array<i32>} : memref<512x32xf32, #tpu.memory_space<vmem>>, vector<16xf32>,
        %get3A_904 = arith.index_cast %squeeze3A_879 : i32 to index
        %get3A_905 = arith.constant 16 : index
        %get3A_906 = tpu.vector_load %arg9[%get3A_904, %get3A_905] {strides = array<i32>} : memref<1024x32xf32, #tpu.memory_space<vmem>>, vector<16xf32>,
        %get3A_907 = arith.index_cast %squeeze3A_881 : i32 to index
        %get3A_908 = arith.constant 16 : index
        %get3A_909 = tpu.vector_load %arg9[%get3A_907, %get3A_908] {strides = array<i32>} : memref<1024x32xf32, #tpu.memory_space<vmem>>, vector<16xf32>,
        %add3A_910 = arith.addf %get3A_906, %get3A_909 : vector<16xf32>
        %get3A_911 = arith.index_cast %squeeze3A_883 : i32 to index
        %get3A_912 = arith.constant 16 : index
        %get3A_913 = tpu.vector_load %arg9[%get3A_911, %get3A_912] {strides = array<i32>} : memref<1024x32xf32, #tpu.memory_space<vmem>>, vector<16xf32>,
        %add3A_914 = arith.addf %add3A_910, %get3A_913 : vector<16xf32>
        %mul3A_915 = vector.broadcast %scan3A_62 : f32 to vector<16xf32>
        %mul3A_916 = arith.mulf %mul3A_915, %add3A_914 : vector<16xf32>
        %add3A_917 = arith.addf %get3A_903, %mul3A_916 : vector<16xf32>
        %swap3A_918 = arith.constant 0 : i32
        %swap3A_919 = arith.index_cast %rem3A_120 : i32 to index
        %swap3A_920 = arith.index_cast %swap3A_918 : i32 to index
        %swap3A_921 = arith.index_cast %add3A_875 : i32 to index
        %swap3A_922 = arith.constant 0 : index
        %swap3A_923 = tpu.vector_load %arg13[%swap3A_919, %swap3A_920, %swap3A_921, %swap3A_922] {strides = array<i32>} : memref<2x3x256x32xf32, #tpu.memory_space<vmem>>, vector<16xf32>,
        tpu.vector_store %arg13[%swap3A_919, %swap3A_920, %swap3A_921, %swap3A_922], %add3A_900 {strides = array<i32>} : memref<2x3x256x32xf32, #tpu.memory_space<vmem>>, vector<16xf32>,
        %swap3A_924 = arith.constant 0 : i32
        %swap3A_925 = arith.index_cast %rem3A_120 : i32 to index
        %swap3A_926 = arith.index_cast %swap3A_924 : i32 to index
        %swap3A_927 = arith.index_cast %add3A_875 : i32 to index
        %swap3A_928 = arith.constant 16 : index
        %swap3A_929 = tpu.vector_load %arg13[%swap3A_925, %swap3A_926, %swap3A_927, %swap3A_928] {strides = array<i32>} : memref<2x3x256x32xf32, #tpu.memory_space<vmem>>, vector<16xf32>,
        tpu.vector_store %arg13[%swap3A_925, %swap3A_926, %swap3A_927, %swap3A_928], %add3A_917 {strides = array<i32>} : memref<2x3x256x32xf32, #tpu.memory_space<vmem>>, vector<16xf32>,
        %add3A_930 = arith.constant 11 : i32
        %add3A_931 = arith.addi %mul3A_273, %add3A_930 : i32
        %slice3A_932 = vector.extract_strided_slice %gather3A_285 {offsets = [11], sizes = [1], strides = [1]} : vector<16xi32> to vector<1xi32>
        %squeeze3A_933 = vector.extract %slice3A_932[0] : i32 from vector<1xi32>
        %slice3A_934 = vector.extract_strided_slice %gather3A_301 {offsets = [11], sizes = [1], strides = [1]} : vector<16xi32> to vector<1xi32>
        %squeeze3A_935 = vector.extract %slice3A_934[0] : i32 from vector<1xi32>
        %slice3A_936 = vector.extract_strided_slice %gather3A_308 {offsets = [11], sizes = [1], strides = [1]} : vector<16xi32> to vector<1xi32>
        %squeeze3A_937 = vector.extract %slice3A_936[0] : i32 from vector<1xi32>
        %slice3A_938 = vector.extract_strided_slice %gather3A_315 {offsets = [11], sizes = [1], strides = [1]} : vector<16xi32> to vector<1xi32>
        %squeeze3A_939 = vector.extract %slice3A_938[0] : i32 from vector<1xi32>
        %get3A_940 = arith.index_cast %squeeze3A_933 : i32 to index
        %get3A_941 = arith.constant 0 : index
        %get3A_942 = tpu.vector_load %arg8[%get3A_940, %get3A_941] {strides = array<i32>} : memref<512x32xf32, #tpu.memory_space<vmem>>, vector<16xf32>,
        %get3A_943 = arith.index_cast %squeeze3A_935 : i32 to index
        %get3A_944 = arith.constant 0 : index
        %get3A_945 = tpu.vector_load %arg9[%get3A_943, %get3A_944] {strides = array<i32>} : memref<1024x32xf32, #tpu.memory_space<vmem>>, vector<16xf32>,
        %get3A_946 = arith.index_cast %squeeze3A_937 : i32 to index
        %get3A_947 = arith.constant 0 : index
        %get3A_948 = tpu.vector_load %arg9[%get3A_946, %get3A_947] {strides = array<i32>} : memref<1024x32xf32, #tpu.memory_space<vmem>>, vector<16xf32>,
        %add3A_949 = arith.addf %get3A_945, %get3A_948 : vector<16xf32>
        %get3A_950 = arith.index_cast %squeeze3A_939 : i32 to index
        %get3A_951 = arith.constant 0 : index
        %get3A_952 = tpu.vector_load %arg9[%get3A_950, %get3A_951] {strides = array<i32>} : memref<1024x32xf32, #tpu.memory_space<vmem>>, vector<16xf32>,
        %add3A_953 = arith.addf %add3A_949, %get3A_952 : vector<16xf32>
        %mul3A_954 = vector.broadcast %scan3A_62 : f32 to vector<16xf32>
        %mul3A_955 = arith.mulf %mul3A_954, %add3A_953 : vector<16xf32>
        %add3A_956 = arith.addf %get3A_942, %mul3A_955 : vector<16xf32>
        %get3A_957 = arith.index_cast %squeeze3A_933 : i32 to index
        %get3A_958 = arith.constant 16 : index
        %get3A_959 = tpu.vector_load %arg8[%get3A_957, %get3A_958] {strides = array<i32>} : memref<512x32xf32, #tpu.memory_space<vmem>>, vector<16xf32>,
        %get3A_960 = arith.index_cast %squeeze3A_935 : i32 to index
        %get3A_961 = arith.constant 16 : index
        %get3A_962 = tpu.vector_load %arg9[%get3A_960, %get3A_961] {strides = array<i32>} : memref<1024x32xf32, #tpu.memory_space<vmem>>, vector<16xf32>,
        %get3A_963 = arith.index_cast %squeeze3A_937 : i32 to index
        %get3A_964 = arith.constant 16 : index
        %get3A_965 = tpu.vector_load %arg9[%get3A_963, %get3A_964] {strides = array<i32>} : memref<1024x32xf32, #tpu.memory_space<vmem>>, vector<16xf32>,
        %add3A_966 = arith.addf %get3A_962, %get3A_965 : vector<16xf32>
        %get3A_967 = arith.index_cast %squeeze3A_939 : i32 to index
        %get3A_968 = arith.constant 16 : index
        %get3A_969 = tpu.vector_load %arg9[%get3A_967, %get3A_968] {strides = array<i32>} : memref<1024x32xf32, #tpu.memory_space<vmem>>, vector<16xf32>,
        %add3A_970 = arith.addf %add3A_966, %get3A_969 : vector<16xf32>
        %mul3A_971 = vector.broadcast %scan3A_62 : f32 to vector<16xf32>
        %mul3A_972 = arith.mulf %mul3A_971, %add3A_970 : vector<16xf32>
        %add3A_973 = arith.addf %get3A_959, %mul3A_972 : vector<16xf32>
        %swap3A_974 = arith.constant 0 : i32
        %swap3A_975 = arith.index_cast %rem3A_120 : i32 to index
        %swap3A_976 = arith.index_cast %swap3A_974 : i32 to index
        %swap3A_977 = arith.index_cast %add3A_931 : i32 to index
        %swap3A_978 = arith.constant 0 : index
        %swap3A_979 = tpu.vector_load %arg13[%swap3A_975, %swap3A_976, %swap3A_977, %swap3A_978] {strides = array<i32>} : memref<2x3x256x32xf32, #tpu.memory_space<vmem>>, vector<16xf32>,
        tpu.vector_store %arg13[%swap3A_975, %swap3A_976, %swap3A_977, %swap3A_978], %add3A_956 {strides = array<i32>} : memref<2x3x256x32xf32, #tpu.memory_space<vmem>>, vector<16xf32>,
        %swap3A_980 = arith.constant 0 : i32
        %swap3A_981 = arith.index_cast %rem3A_120 : i32 to index
        %swap3A_982 = arith.index_cast %swap3A_980 : i32 to index
        %swap3A_983 = arith.index_cast %add3A_931 : i32 to index
        %swap3A_984 = arith.constant 16 : index
        %swap3A_985 = tpu.vector_load %arg13[%swap3A_981, %swap3A_982, %swap3A_983, %swap3A_984] {strides = array<i32>} : memref<2x3x256x32xf32, #tpu.memory_space<vmem>>, vector<16xf32>,
        tpu.vector_store %arg13[%swap3A_981, %swap3A_982, %swap3A_983, %swap3A_984], %add3A_973 {strides = array<i32>} : memref<2x3x256x32xf32, #tpu.memory_space<vmem>>, vector<16xf32>,
        %add3A_986 = arith.constant 12 : i32
        %add3A_987 = arith.addi %mul3A_273, %add3A_986 : i32
        %slice3A_988 = vector.extract_strided_slice %gather3A_285 {offsets = [12], sizes = [1], strides = [1]} : vector<16xi32> to vector<1xi32>
        %squeeze3A_989 = vector.extract %slice3A_988[0] : i32 from vector<1xi32>
        %slice3A_990 = vector.extract_strided_slice %gather3A_301 {offsets = [12], sizes = [1], strides = [1]} : vector<16xi32> to vector<1xi32>
        %squeeze3A_991 = vector.extract %slice3A_990[0] : i32 from vector<1xi32>
        %slice3A_992 = vector.extract_strided_slice %gather3A_308 {offsets = [12], sizes = [1], strides = [1]} : vector<16xi32> to vector<1xi32>
        %squeeze3A_993 = vector.extract %slice3A_992[0] : i32 from vector<1xi32>
        %slice3A_994 = vector.extract_strided_slice %gather3A_315 {offsets = [12], sizes = [1], strides = [1]} : vector<16xi32> to vector<1xi32>
        %squeeze3A_995 = vector.extract %slice3A_994[0] : i32 from vector<1xi32>
        %get3A_996 = arith.index_cast %squeeze3A_989 : i32 to index
        %get3A_997 = arith.constant 0 : index
        %get3A_998 = tpu.vector_load %arg8[%get3A_996, %get3A_997] {strides = array<i32>} : memref<512x32xf32, #tpu.memory_space<vmem>>, vector<16xf32>,
        %get3A_999 = arith.index_cast %squeeze3A_991 : i32 to index
        %get3A_1000 = arith.constant 0 : index
        %get3A_1001 = tpu.vector_load %arg9[%get3A_999, %get3A_1000] {strides = array<i32>} : memref<1024x32xf32, #tpu.memory_space<vmem>>, vector<16xf32>,
        %get3A_1002 = arith.index_cast %squeeze3A_993 : i32 to index
        %get3A_1003 = arith.constant 0 : index
        %get3A_1004 = tpu.vector_load %arg9[%get3A_1002, %get3A_1003] {strides = array<i32>} : memref<1024x32xf32, #tpu.memory_space<vmem>>, vector<16xf32>,
        %add3A_1005 = arith.addf %get3A_1001, %get3A_1004 : vector<16xf32>
        %get3A_1006 = arith.index_cast %squeeze3A_995 : i32 to index
        %get3A_1007 = arith.constant 0 : index
        %get3A_1008 = tpu.vector_load %arg9[%get3A_1006, %get3A_1007] {strides = array<i32>} : memref<1024x32xf32, #tpu.memory_space<vmem>>, vector<16xf32>,
        %add3A_1009 = arith.addf %add3A_1005, %get3A_1008 : vector<16xf32>
        %mul3A_1010 = vector.broadcast %scan3A_62 : f32 to vector<16xf32>
        %mul3A_1011 = arith.mulf %mul3A_1010, %add3A_1009 : vector<16xf32>
        %add3A_1012 = arith.addf %get3A_998, %mul3A_1011 : vector<16xf32>
        %get3A_1013 = arith.index_cast %squeeze3A_989 : i32 to index
        %get3A_1014 = arith.constant 16 : index
        %get3A_1015 = tpu.vector_load %arg8[%get3A_1013, %get3A_1014] {strides = array<i32>} : memref<512x32xf32, #tpu.memory_space<vmem>>, vector<16xf32>,
        %get3A_1016 = arith.index_cast %squeeze3A_991 : i32 to index
        %get3A_1017 = arith.constant 16 : index
        %get3A_1018 = tpu.vector_load %arg9[%get3A_1016, %get3A_1017] {strides = array<i32>} : memref<1024x32xf32, #tpu.memory_space<vmem>>, vector<16xf32>,
        %get3A_1019 = arith.index_cast %squeeze3A_993 : i32 to index
        %get3A_1020 = arith.constant 16 : index
        %get3A_1021 = tpu.vector_load %arg9[%get3A_1019, %get3A_1020] {strides = array<i32>} : memref<1024x32xf32, #tpu.memory_space<vmem>>, vector<16xf32>,
        %add3A_1022 = arith.addf %get3A_1018, %get3A_1021 : vector<16xf32>
        %get3A_1023 = arith.index_cast %squeeze3A_995 : i32 to index
        %get3A_1024 = arith.constant 16 : index
        %get3A_1025 = tpu.vector_load %arg9[%get3A_1023, %get3A_1024] {strides = array<i32>} : memref<1024x32xf32, #tpu.memory_space<vmem>>, vector<16xf32>,
        %add3A_1026 = arith.addf %add3A_1022, %get3A_1025 : vector<16xf32>
        %mul3A_1027 = vector.broadcast %scan3A_62 : f32 to vector<16xf32>
        %mul3A_1028 = arith.mulf %mul3A_1027, %add3A_1026 : vector<16xf32>
        %add3A_1029 = arith.addf %get3A_1015, %mul3A_1028 : vector<16xf32>
        %swap3A_1030 = arith.constant 0 : i32
        %swap3A_1031 = arith.index_cast %rem3A_120 : i32 to index
        %swap3A_1032 = arith.index_cast %swap3A_1030 : i32 to index
        %swap3A_1033 = arith.index_cast %add3A_987 : i32 to index
        %swap3A_1034 = arith.constant 0 : index
        %swap3A_1035 = tpu.vector_load %arg13[%swap3A_1031, %swap3A_1032, %swap3A_1033, %swap3A_1034] {strides = array<i32>} : memref<2x3x256x32xf32, #tpu.memory_space<vmem>>, vector<16xf32>,
        tpu.vector_store %arg13[%swap3A_1031, %swap3A_1032, %swap3A_1033, %swap3A_1034], %add3A_1012 {strides = array<i32>} : memref<2x3x256x32xf32, #tpu.memory_space<vmem>>, vector<16xf32>,
        %swap3A_1036 = arith.constant 0 : i32
        %swap3A_1037 = arith.index_cast %rem3A_120 : i32 to index
        %swap3A_1038 = arith.index_cast %swap3A_1036 : i32 to index
        %swap3A_1039 = arith.index_cast %add3A_987 : i32 to index
        %swap3A_1040 = arith.constant 16 : index
        %swap3A_1041 = tpu.vector_load %arg13[%swap3A_1037, %swap3A_1038, %swap3A_1039, %swap3A_1040] {strides = array<i32>} : memref<2x3x256x32xf32, #tpu.memory_space<vmem>>, vector<16xf32>,
        tpu.vector_store %arg13[%swap3A_1037, %swap3A_1038, %swap3A_1039, %swap3A_1040], %add3A_1029 {strides = array<i32>} : memref<2x3x256x32xf32, #tpu.memory_space<vmem>>, vector<16xf32>,
        %add3A_1042 = arith.constant 13 : i32
        %add3A_1043 = arith.addi %mul3A_273, %add3A_1042 : i32
        %slice3A_1044 = vector.extract_strided_slice %gather3A_285 {offsets = [13], sizes = [1], strides = [1]} : vector<16xi32> to vector<1xi32>
        %squeeze3A_1045 = vector.extract %slice3A_1044[0] : i32 from vector<1xi32>
        %slice3A_1046 = vector.extract_strided_slice %gather3A_301 {offsets = [13], sizes = [1], strides = [1]} : vector<16xi32> to vector<1xi32>
        %squeeze3A_1047 = vector.extract %slice3A_1046[0] : i32 from vector<1xi32>
        %slice3A_1048 = vector.extract_strided_slice %gather3A_308 {offsets = [13], sizes = [1], strides = [1]} : vector<16xi32> to vector<1xi32>
        %squeeze3A_1049 = vector.extract %slice3A_1048[0] : i32 from vector<1xi32>
        %slice3A_1050 = vector.extract_strided_slice %gather3A_315 {offsets = [13], sizes = [1], strides = [1]} : vector<16xi32> to vector<1xi32>
        %squeeze3A_1051 = vector.extract %slice3A_1050[0] : i32 from vector<1xi32>
        %get3A_1052 = arith.index_cast %squeeze3A_1045 : i32 to index
        %get3A_1053 = arith.constant 0 : index
        %get3A_1054 = tpu.vector_load %arg8[%get3A_1052, %get3A_1053] {strides = array<i32>} : memref<512x32xf32, #tpu.memory_space<vmem>>, vector<16xf32>,
        %get3A_1055 = arith.index_cast %squeeze3A_1047 : i32 to index
        %get3A_1056 = arith.constant 0 : index
        %get3A_1057 = tpu.vector_load %arg9[%get3A_1055, %get3A_1056] {strides = array<i32>} : memref<1024x32xf32, #tpu.memory_space<vmem>>, vector<16xf32>,
        %get3A_1058 = arith.index_cast %squeeze3A_1049 : i32 to index
        %get3A_1059 = arith.constant 0 : index
        %get3A_1060 = tpu.vector_load %arg9[%get3A_1058, %get3A_1059] {strides = array<i32>} : memref<1024x32xf32, #tpu.memory_space<vmem>>, vector<16xf32>,
        %add3A_1061 = arith.addf %get3A_1057, %get3A_1060 : vector<16xf32>
        %get3A_1062 = arith.index_cast %squeeze3A_1051 : i32 to index
        %get3A_1063 = arith.constant 0 : index
        %get3A_1064 = tpu.vector_load %arg9[%get3A_1062, %get3A_1063] {strides = array<i32>} : memref<1024x32xf32, #tpu.memory_space<vmem>>, vector<16xf32>,
        %add3A_1065 = arith.addf %add3A_1061, %get3A_1064 : vector<16xf32>
        %mul3A_1066 = vector.broadcast %scan3A_62 : f32 to vector<16xf32>
        %mul3A_1067 = arith.mulf %mul3A_1066, %add3A_1065 : vector<16xf32>
        %add3A_1068 = arith.addf %get3A_1054, %mul3A_1067 : vector<16xf32>
        %get3A_1069 = arith.index_cast %squeeze3A_1045 : i32 to index
        %get3A_1070 = arith.constant 16 : index
        %get3A_1071 = tpu.vector_load %arg8[%get3A_1069, %get3A_1070] {strides = array<i32>} : memref<512x32xf32, #tpu.memory_space<vmem>>, vector<16xf32>,
        %get3A_1072 = arith.index_cast %squeeze3A_1047 : i32 to index
        %get3A_1073 = arith.constant 16 : index
        %get3A_1074 = tpu.vector_load %arg9[%get3A_1072, %get3A_1073] {strides = array<i32>} : memref<1024x32xf32, #tpu.memory_space<vmem>>, vector<16xf32>,
        %get3A_1075 = arith.index_cast %squeeze3A_1049 : i32 to index
        %get3A_1076 = arith.constant 16 : index
        %get3A_1077 = tpu.vector_load %arg9[%get3A_1075, %get3A_1076] {strides = array<i32>} : memref<1024x32xf32, #tpu.memory_space<vmem>>, vector<16xf32>,
        %add3A_1078 = arith.addf %get3A_1074, %get3A_1077 : vector<16xf32>
        %get3A_1079 = arith.index_cast %squeeze3A_1051 : i32 to index
        %get3A_1080 = arith.constant 16 : index
        %get3A_1081 = tpu.vector_load %arg9[%get3A_1079, %get3A_1080] {strides = array<i32>} : memref<1024x32xf32, #tpu.memory_space<vmem>>, vector<16xf32>,
        %add3A_1082 = arith.addf %add3A_1078, %get3A_1081 : vector<16xf32>
        %mul3A_1083 = vector.broadcast %scan3A_62 : f32 to vector<16xf32>
        %mul3A_1084 = arith.mulf %mul3A_1083, %add3A_1082 : vector<16xf32>
        %add3A_1085 = arith.addf %get3A_1071, %mul3A_1084 : vector<16xf32>
        %swap3A_1086 = arith.constant 0 : i32
        %swap3A_1087 = arith.index_cast %rem3A_120 : i32 to index
        %swap3A_1088 = arith.index_cast %swap3A_1086 : i32 to index
        %swap3A_1089 = arith.index_cast %add3A_1043 : i32 to index
        %swap3A_1090 = arith.constant 0 : index
        %swap3A_1091 = tpu.vector_load %arg13[%swap3A_1087, %swap3A_1088, %swap3A_1089, %swap3A_1090] {strides = array<i32>} : memref<2x3x256x32xf32, #tpu.memory_space<vmem>>, vector<16xf32>,
        tpu.vector_store %arg13[%swap3A_1087, %swap3A_1088, %swap3A_1089, %swap3A_1090], %add3A_1068 {strides = array<i32>} : memref<2x3x256x32xf32, #tpu.memory_space<vmem>>, vector<16xf32>,
        %swap3A_1092 = arith.constant 0 : i32
        %swap3A_1093 = arith.index_cast %rem3A_120 : i32 to index
        %swap3A_1094 = arith.index_cast %swap3A_1092 : i32 to index
        %swap3A_1095 = arith.index_cast %add3A_1043 : i32 to index
        %swap3A_1096 = arith.constant 16 : index
        %swap3A_1097 = tpu.vector_load %arg13[%swap3A_1093, %swap3A_1094, %swap3A_1095, %swap3A_1096] {strides = array<i32>} : memref<2x3x256x32xf32, #tpu.memory_space<vmem>>, vector<16xf32>,
        tpu.vector_store %arg13[%swap3A_1093, %swap3A_1094, %swap3A_1095, %swap3A_1096], %add3A_1085 {strides = array<i32>} : memref<2x3x256x32xf32, #tpu.memory_space<vmem>>, vector<16xf32>,
        %add3A_1098 = arith.constant 14 : i32
        %add3A_1099 = arith.addi %mul3A_273, %add3A_1098 : i32
        %slice3A_1100 = vector.extract_strided_slice %gather3A_285 {offsets = [14], sizes = [1], strides = [1]} : vector<16xi32> to vector<1xi32>
        %squeeze3A_1101 = vector.extract %slice3A_1100[0] : i32 from vector<1xi32>
        %slice3A_1102 = vector.extract_strided_slice %gather3A_301 {offsets = [14], sizes = [1], strides = [1]} : vector<16xi32> to vector<1xi32>
        %squeeze3A_1103 = vector.extract %slice3A_1102[0] : i32 from vector<1xi32>
        %slice3A_1104 = vector.extract_strided_slice %gather3A_308 {offsets = [14], sizes = [1], strides = [1]} : vector<16xi32> to vector<1xi32>
        %squeeze3A_1105 = vector.extract %slice3A_1104[0] : i32 from vector<1xi32>
        %slice3A_1106 = vector.extract_strided_slice %gather3A_315 {offsets = [14], sizes = [1], strides = [1]} : vector<16xi32> to vector<1xi32>
        %squeeze3A_1107 = vector.extract %slice3A_1106[0] : i32 from vector<1xi32>
        %get3A_1108 = arith.index_cast %squeeze3A_1101 : i32 to index
        %get3A_1109 = arith.constant 0 : index
        %get3A_1110 = tpu.vector_load %arg8[%get3A_1108, %get3A_1109] {strides = array<i32>} : memref<512x32xf32, #tpu.memory_space<vmem>>, vector<16xf32>,
        %get3A_1111 = arith.index_cast %squeeze3A_1103 : i32 to index
        %get3A_1112 = arith.constant 0 : index
        %get3A_1113 = tpu.vector_load %arg9[%get3A_1111, %get3A_1112] {strides = array<i32>} : memref<1024x32xf32, #tpu.memory_space<vmem>>, vector<16xf32>,
        %get3A_1114 = arith.index_cast %squeeze3A_1105 : i32 to index
        %get3A_1115 = arith.constant 0 : index
        %get3A_1116 = tpu.vector_load %arg9[%get3A_1114, %get3A_1115] {strides = array<i32>} : memref<1024x32xf32, #tpu.memory_space<vmem>>, vector<16xf32>,
        %add3A_1117 = arith.addf %get3A_1113, %get3A_1116 : vector<16xf32>
        %get3A_1118 = arith.index_cast %squeeze3A_1107 : i32 to index
        %get3A_1119 = arith.constant 0 : index
        %get3A_1120 = tpu.vector_load %arg9[%get3A_1118, %get3A_1119] {strides = array<i32>} : memref<1024x32xf32, #tpu.memory_space<vmem>>, vector<16xf32>,
        %add3A_1121 = arith.addf %add3A_1117, %get3A_1120 : vector<16xf32>
        %mul3A_1122 = vector.broadcast %scan3A_62 : f32 to vector<16xf32>
        %mul3A_1123 = arith.mulf %mul3A_1122, %add3A_1121 : vector<16xf32>
        %add3A_1124 = arith.addf %get3A_1110, %mul3A_1123 : vector<16xf32>
        %get3A_1125 = arith.index_cast %squeeze3A_1101 : i32 to index
        %get3A_1126 = arith.constant 16 : index
        %get3A_1127 = tpu.vector_load %arg8[%get3A_1125, %get3A_1126] {strides = array<i32>} : memref<512x32xf32, #tpu.memory_space<vmem>>, vector<16xf32>,
        %get3A_1128 = arith.index_cast %squeeze3A_1103 : i32 to index
        %get3A_1129 = arith.constant 16 : index
        %get3A_1130 = tpu.vector_load %arg9[%get3A_1128, %get3A_1129] {strides = array<i32>} : memref<1024x32xf32, #tpu.memory_space<vmem>>, vector<16xf32>,
        %get3A_1131 = arith.index_cast %squeeze3A_1105 : i32 to index
        %get3A_1132 = arith.constant 16 : index
        %get3A_1133 = tpu.vector_load %arg9[%get3A_1131, %get3A_1132] {strides = array<i32>} : memref<1024x32xf32, #tpu.memory_space<vmem>>, vector<16xf32>,
        %add3A_1134 = arith.addf %get3A_1130, %get3A_1133 : vector<16xf32>
        %get3A_1135 = arith.index_cast %squeeze3A_1107 : i32 to index
        %get3A_1136 = arith.constant 16 : index
        %get3A_1137 = tpu.vector_load %arg9[%get3A_1135, %get3A_1136] {strides = array<i32>} : memref<1024x32xf32, #tpu.memory_space<vmem>>, vector<16xf32>,
        %add3A_1138 = arith.addf %add3A_1134, %get3A_1137 : vector<16xf32>
        %mul3A_1139 = vector.broadcast %scan3A_62 : f32 to vector<16xf32>
        %mul3A_1140 = arith.mulf %mul3A_1139, %add3A_1138 : vector<16xf32>
        %add3A_1141 = arith.addf %get3A_1127, %mul3A_1140 : vector<16xf32>
        %swap3A_1142 = arith.constant 0 : i32
        %swap3A_1143 = arith.index_cast %rem3A_120 : i32 to index
        %swap3A_1144 = arith.index_cast %swap3A_1142 : i32 to index
        %swap3A_1145 = arith.index_cast %add3A_1099 : i32 to index
        %swap3A_1146 = arith.constant 0 : index
        %swap3A_1147 = tpu.vector_load %arg13[%swap3A_1143, %swap3A_1144, %swap3A_1145, %swap3A_1146] {strides = array<i32>} : memref<2x3x256x32xf32, #tpu.memory_space<vmem>>, vector<16xf32>,
        tpu.vector_store %arg13[%swap3A_1143, %swap3A_1144, %swap3A_1145, %swap3A_1146], %add3A_1124 {strides = array<i32>} : memref<2x3x256x32xf32, #tpu.memory_space<vmem>>, vector<16xf32>,
        %swap3A_1148 = arith.constant 0 : i32
        %swap3A_1149 = arith.index_cast %rem3A_120 : i32 to index
        %swap3A_1150 = arith.index_cast %swap3A_1148 : i32 to index
        %swap3A_1151 = arith.index_cast %add3A_1099 : i32 to index
        %swap3A_1152 = arith.constant 16 : index
        %swap3A_1153 = tpu.vector_load %arg13[%swap3A_1149, %swap3A_1150, %swap3A_1151, %swap3A_1152] {strides = array<i32>} : memref<2x3x256x32xf32, #tpu.memory_space<vmem>>, vector<16xf32>,
        tpu.vector_store %arg13[%swap3A_1149, %swap3A_1150, %swap3A_1151, %swap3A_1152], %add3A_1141 {strides = array<i32>} : memref<2x3x256x32xf32, #tpu.memory_space<vmem>>, vector<16xf32>,
        %add3A_1154 = arith.constant 15 : i32
        %add3A_1155 = arith.addi %mul3A_273, %add3A_1154 : i32
        %slice3A_1156 = vector.extract_strided_slice %gather3A_285 {offsets = [15], sizes = [1], strides = [1]} : vector<16xi32> to vector<1xi32>
        %squeeze3A_1157 = vector.extract %slice3A_1156[0] : i32 from vector<1xi32>
        %slice3A_1158 = vector.extract_strided_slice %gather3A_301 {offsets = [15], sizes = [1], strides = [1]} : vector<16xi32> to vector<1xi32>
        %squeeze3A_1159 = vector.extract %slice3A_1158[0] : i32 from vector<1xi32>
        %slice3A_1160 = vector.extract_strided_slice %gather3A_308 {offsets = [15], sizes = [1], strides = [1]} : vector<16xi32> to vector<1xi32>
        %squeeze3A_1161 = vector.extract %slice3A_1160[0] : i32 from vector<1xi32>
        %slice3A_1162 = vector.extract_strided_slice %gather3A_315 {offsets = [15], sizes = [1], strides = [1]} : vector<16xi32> to vector<1xi32>
        %squeeze3A_1163 = vector.extract %slice3A_1162[0] : i32 from vector<1xi32>
        %get3A_1164 = arith.index_cast %squeeze3A_1157 : i32 to index
        %get3A_1165 = arith.constant 0 : index
        %get3A_1166 = tpu.vector_load %arg8[%get3A_1164, %get3A_1165] {strides = array<i32>} : memref<512x32xf32, #tpu.memory_space<vmem>>, vector<16xf32>,
        %get3A_1167 = arith.index_cast %squeeze3A_1159 : i32 to index
        %get3A_1168 = arith.constant 0 : index
        %get3A_1169 = tpu.vector_load %arg9[%get3A_1167, %get3A_1168] {strides = array<i32>} : memref<1024x32xf32, #tpu.memory_space<vmem>>, vector<16xf32>,
        %get3A_1170 = arith.index_cast %squeeze3A_1161 : i32 to index
        %get3A_1171 = arith.constant 0 : index
        %get3A_1172 = tpu.vector_load %arg9[%get3A_1170, %get3A_1171] {strides = array<i32>} : memref<1024x32xf32, #tpu.memory_space<vmem>>, vector<16xf32>,
        %add3A_1173 = arith.addf %get3A_1169, %get3A_1172 : vector<16xf32>
        %get3A_1174 = arith.index_cast %squeeze3A_1163 : i32 to index
        %get3A_1175 = arith.constant 0 : index
        %get3A_1176 = tpu.vector_load %arg9[%get3A_1174, %get3A_1175] {strides = array<i32>} : memref<1024x32xf32, #tpu.memory_space<vmem>>, vector<16xf32>,
        %add3A_1177 = arith.addf %add3A_1173, %get3A_1176 : vector<16xf32>
        %mul3A_1178 = vector.broadcast %scan3A_62 : f32 to vector<16xf32>
        %mul3A_1179 = arith.mulf %mul3A_1178, %add3A_1177 : vector<16xf32>
        %add3A_1180 = arith.addf %get3A_1166, %mul3A_1179 : vector<16xf32>
        %get3A_1181 = arith.index_cast %squeeze3A_1157 : i32 to index
        %get3A_1182 = arith.constant 16 : index
        %get3A_1183 = tpu.vector_load %arg8[%get3A_1181, %get3A_1182] {strides = array<i32>} : memref<512x32xf32, #tpu.memory_space<vmem>>, vector<16xf32>,
        %get3A_1184 = arith.index_cast %squeeze3A_1159 : i32 to index
        %get3A_1185 = arith.constant 16 : index
        %get3A_1186 = tpu.vector_load %arg9[%get3A_1184, %get3A_1185] {strides = array<i32>} : memref<1024x32xf32, #tpu.memory_space<vmem>>, vector<16xf32>,
        %get3A_1187 = arith.index_cast %squeeze3A_1161 : i32 to index
        %get3A_1188 = arith.constant 16 : index
        %get3A_1189 = tpu.vector_load %arg9[%get3A_1187, %get3A_1188] {strides = array<i32>} : memref<1024x32xf32, #tpu.memory_space<vmem>>, vector<16xf32>,
        %add3A_1190 = arith.addf %get3A_1186, %get3A_1189 : vector<16xf32>
        %get3A_1191 = arith.index_cast %squeeze3A_1163 : i32 to index
        %get3A_1192 = arith.constant 16 : index
        %get3A_1193 = tpu.vector_load %arg9[%get3A_1191, %get3A_1192] {strides = array<i32>} : memref<1024x32xf32, #tpu.memory_space<vmem>>, vector<16xf32>,
        %add3A_1194 = arith.addf %add3A_1190, %get3A_1193 : vector<16xf32>
        %mul3A_1195 = vector.broadcast %scan3A_62 : f32 to vector<16xf32>
        %mul3A_1196 = arith.mulf %mul3A_1195, %add3A_1194 : vector<16xf32>
        %add3A_1197 = arith.addf %get3A_1183, %mul3A_1196 : vector<16xf32>
        %swap3A_1198 = arith.constant 0 : i32
        %swap3A_1199 = arith.index_cast %rem3A_120 : i32 to index
        %swap3A_1200 = arith.index_cast %swap3A_1198 : i32 to index
        %swap3A_1201 = arith.index_cast %add3A_1155 : i32 to index
        %swap3A_1202 = arith.constant 0 : index
        %swap3A_1203 = tpu.vector_load %arg13[%swap3A_1199, %swap3A_1200, %swap3A_1201, %swap3A_1202] {strides = array<i32>} : memref<2x3x256x32xf32, #tpu.memory_space<vmem>>, vector<16xf32>,
        tpu.vector_store %arg13[%swap3A_1199, %swap3A_1200, %swap3A_1201, %swap3A_1202], %add3A_1180 {strides = array<i32>} : memref<2x3x256x32xf32, #tpu.memory_space<vmem>>, vector<16xf32>,
        %swap3A_1204 = arith.constant 0 : i32
        %swap3A_1205 = arith.index_cast %rem3A_120 : i32 to index
        %swap3A_1206 = arith.index_cast %swap3A_1204 : i32 to index
        %swap3A_1207 = arith.index_cast %add3A_1155 : i32 to index
        %swap3A_1208 = arith.constant 16 : index
        %swap3A_1209 = tpu.vector_load %arg13[%swap3A_1205, %swap3A_1206, %swap3A_1207, %swap3A_1208] {strides = array<i32>} : memref<2x3x256x32xf32, #tpu.memory_space<vmem>>, vector<16xf32>,
        tpu.vector_store %arg13[%swap3A_1205, %swap3A_1206, %swap3A_1207, %swap3A_1208], %add3A_1197 {strides = array<i32>} : memref<2x3x256x32xf32, #tpu.memory_space<vmem>>, vector<16xf32>,
        %scan3A_1210 = arith.constant 0 : i32
        scf.yield %scan3A_1210 : i32
      }
      %scan3A_189 = arith.constant 16 : i32
      %swap3A = arith.constant 0 : i32
      %swap3A_190 = arith.constant 0 : i32
      %swap3A_191 = arith.index_cast %rem3A_120 : i32 to index
      %swap3A_192 = arith.index_cast %swap3A : i32 to index
      %swap3A_193 = arith.index_cast %swap3A_190 : i32 to index
      %swap3A_194 = arith.constant 0 : index
      %swap3A_195 = tpu.vector_load %arg13[%swap3A_191, %swap3A_192, %swap3A_193, %swap3A_194] {strides = array<i32>} : memref<2x3x256x32xf32, #tpu.memory_space<vmem>>, vector<16xf32>,
      tpu.vector_store %arg13[%swap3A_191, %swap3A_192, %swap3A_193, %swap3A_194], %get3A_3 {strides = array<i32>} : memref<2x3x256x32xf32, #tpu.memory_space<vmem>>, vector<16xf32>,
      %swap3A_196 = arith.constant 0 : i32
      %swap3A_197 = arith.constant 0 : i32
      %swap3A_198 = arith.index_cast %rem3A_120 : i32 to index
      %swap3A_199 = arith.index_cast %swap3A_196 : i32 to index
      %swap3A_200 = arith.index_cast %swap3A_197 : i32 to index
      %swap3A_201 = arith.constant 16 : index
      %swap3A_202 = tpu.vector_load %arg13[%swap3A_198, %swap3A_199, %swap3A_200, %swap3A_201] {strides = array<i32>} : memref<2x3x256x32xf32, #tpu.memory_space<vmem>>, vector<16xf32>,
      tpu.vector_store %arg13[%swap3A_198, %swap3A_199, %swap3A_200, %swap3A_201], %get3A_7 {strides = array<i32>} : memref<2x3x256x32xf32, #tpu.memory_space<vmem>>, vector<16xf32>,
      %scan3A_203 = arith.constant 0 : i32
      %scan3A_204 = arith.constant 0 : i32
      %scan3A_205 = arith.constant 16 : i32
      %scan3A_206 = arith.addi %scan3A_204, %scan3A_205 : i32
      %scan3A_207 = arith.constant 1 : i32
      %scan3A_208 = scf.for %scan3A_270 = %scan3A_204 to %scan3A_206 step %scan3A_207 iter_args(%scan3A_271 = %scan3A_203) -> (i32)  : i32 {
        %mul3A_272 = arith.constant 16 : i32
        %mul3A_273 = arith.muli %scan3A_270, %mul3A_272 : i32
        %add3A_274 = arith.constant 255 : i32
        %add3A_275 = arith.addi %sub3A_153, %add3A_274 : i32
        %sub3A_276 = arith.constant 1 : i32
        %sub3A_277 = arith.subi %mul3A_273, %sub3A_276 : i32
        %add3A_278 = arith.addi %add3A_275, %sub3A_277 : i32
        %add3A_279 = vector.broadcast %add3A_278 : i32 to vector<16xi32>
        %add3A_280 = arith.addi %add3A_279, %iota3A : vector<16xi32>
        %max3A = arith.constant 0 : i32
        %max3A_281 = vector.broadcast %max3A : i32 to vector<16xi32>
        %max3A_282 = arith.maxsi %add3A_280, %max3A_281 : vector<16xi32>
        %gather3A = arith.constant 0 : i32
        %gather3A_283 = tpu.memref_slice %arg11[%rem3A_120, %gather3A] : memref<2x784xi32, #tpu.memory_space<vmem>> -> memref<1x784xi32, #tpu.memory_space<vmem>>
        %gather3A_284 = tpu.memref_squeeze %gather3A_283 : memref<1x784xi32, #tpu.memory_space<vmem>> -> memref<784xi32, #tpu.memory_space<vmem>>
        %gather3A_285 = tpu.vector_load_idx %gather3A_284[%max3A_282] : memref<784xi32, #tpu.memory_space<vmem>>[vector<16xi32>], vector<16xi32>,
        %add3A_286 = arith.constant 255 : i32
        %add3A_287 = arith.addi %add3A_286, %mul3A_273 : i32
        %sub3A_288 = arith.constant 1 : i32
        %sub3A_289 = arith.subi %add3A_287, %sub3A_288 : i32
        %mul3A_290 = arith.constant 3 : i32
        %mul3A_291 = arith.muli %mul3A_290, %sub3A_289 : i32
        %add3A_292 = arith.addi %sub3A_154, %mul3A_291 : i32
        %add3A_293 = vector.broadcast %add3A_292 : i32 to vector<16xi32>
        %add3A_294 = arith.addi %add3A_293, %mul3A_18 : vector<16xi32>
        %max3A_295 = arith.constant 0 : i32
        %max3A_296 = vector.broadcast %max3A_295 : i32 to vector<16xi32>
        %max3A_297 = arith.maxsi %add3A_294, %max3A_296 : vector<16xi32>
        %gather3A_298 = arith.constant 0 : i32
        %gather3A_299 = tpu.memref_slice %arg12[%rem3A_120, %gather3A_298] : memref<2x2320xi32, #tpu.memory_space<vmem>> -> memref<1x2320xi32, #tpu.memory_space<vmem>>
        %gather3A_300 = tpu.memref_squeeze %gather3A_299 : memref<1x2320xi32, #tpu.memory_space<vmem>> -> memref<2320xi32, #tpu.memory_space<vmem>>
        %gather3A_301 = tpu.vector_load_idx %gather3A_300[%max3A_297] : memref<2320xi32, #tpu.memory_space<vmem>>[vector<16xi32>], vector<16xi32>,
        %add3A_302 = arith.constant 1 : i32
        %add3A_303 = vector.broadcast %add3A_302 : i32 to vector<16xi32>
        %add3A_304 = arith.addi %max3A_297, %add3A_303 : vector<16xi32>
        %gather3A_305 = arith.constant 0 : i32
        %gather3A_306 = tpu.memref_slice %arg12[%rem3A_120, %gather3A_305] : memref<2x2320xi32, #tpu.memory_space<vmem>> -> memref<1x2320xi32, #tpu.memory_space<vmem>>
        %gather3A_307 = tpu.memref_squeeze %gather3A_306 : memref<1x2320xi32, #tpu.memory_space<vmem>> -> memref<2320xi32, #tpu.memory_space<vmem>>
        %gather3A_308 = tpu.vector_load_idx %gather3A_307[%add3A_304] : memref<2320xi32, #tpu.memory_space<vmem>>[vector<16xi32>], vector<16xi32>,
        %add3A_309 = arith.constant 2 : i32
        %add3A_310 = vector.broadcast %add3A_309 : i32 to vector<16xi32>
        %add3A_311 = arith.addi %max3A_297, %add3A_310 : vector<16xi32>
        %gather3A_312 = arith.constant 0 : i32
        %gather3A_313 = tpu.memref_slice %arg12[%rem3A_120, %gather3A_312] : memref<2x2320xi32, #tpu.memory_space<vmem>> -> memref<1x2320xi32, #tpu.memory_space<vmem>>
        %gather3A_314 = tpu.memref_squeeze %gather3A_313 : memref<1x2320xi32, #tpu.memory_space<vmem>> -> memref<2320xi32, #tpu.memory_space<vmem>>
        %gather3A_315 = tpu.vector_load_idx %gather3A_314[%add3A_311] : memref<2320xi32, #tpu.memory_space<vmem>>[vector<16xi32>], vector<16xi32>,
        %add3A_316 = arith.constant 0 : i32
        %add3A_317 = arith.addi %mul3A_273, %add3A_316 : i32
        %slice3A = vector.extract_strided_slice %gather3A_285 {offsets = [0], sizes = [1], strides = [1]} : vector<16xi32> to vector<1xi32>
        %squeeze3A = vector.extract %slice3A[0] : i32 from vector<1xi32>
        %slice3A_318 = vector.extract_strided_slice %gather3A_301 {offsets = [0], sizes = [1], strides = [1]} : vector<16xi32> to vector<1xi32>
        %squeeze3A_319 = vector.extract %slice3A_318[0] : i32 from vector<1xi32>
        %slice3A_320 = vector.extract_strided_slice %gather3A_308 {offsets = [0], sizes = [1], strides = [1]} : vector<16xi32> to vector<1xi32>
        %squeeze3A_321 = vector.extract %slice3A_320[0] : i32 from vector<1xi32>
        %slice3A_322 = vector.extract_strided_slice %gather3A_315 {offsets = [0], sizes = [1], strides = [1]} : vector<16xi32> to vector<1xi32>
        %squeeze3A_323 = vector.extract %slice3A_322[0] : i32 from vector<1xi32>
        %get3A_324 = arith.index_cast %squeeze3A : i32 to index
        %get3A_325 = arith.constant 0 : index
        %get3A_326 = tpu.vector_load %arg8[%get3A_324, %get3A_325] {strides = array<i32>} : memref<512x32xf32, #tpu.memory_space<vmem>>, vector<16xf32>,
        %get3A_327 = arith.index_cast %squeeze3A_319 : i32 to index
        %get3A_328 = arith.constant 0 : index
        %get3A_329 = tpu.vector_load %arg9[%get3A_327, %get3A_328] {strides = array<i32>} : memref<1024x32xf32, #tpu.memory_space<vmem>>, vector<16xf32>,
        %get3A_330 = arith.index_cast %squeeze3A_321 : i32 to index
        %get3A_331 = arith.constant 0 : index
        %get3A_332 = tpu.vector_load %arg9[%get3A_330, %get3A_331] {strides = array<i32>} : memref<1024x32xf32, #tpu.memory_space<vmem>>, vector<16xf32>,
        %add3A_333 = arith.addf %get3A_329, %get3A_332 : vector<16xf32>
        %get3A_334 = arith.index_cast %squeeze3A_323 : i32 to index
        %get3A_335 = arith.constant 0 : index
        %get3A_336 = tpu.vector_load %arg9[%get3A_334, %get3A_335] {strides = array<i32>} : memref<1024x32xf32, #tpu.memory_space<vmem>>, vector<16xf32>,
        %add3A_337 = arith.addf %add3A_333, %get3A_336 : vector<16xf32>
        %mul3A_338 = vector.broadcast %scan3A_62 : f32 to vector<16xf32>
        %mul3A_339 = arith.mulf %mul3A_338, %add3A_337 : vector<16xf32>
        %add3A_340 = arith.addf %get3A_326, %mul3A_339 : vector<16xf32>
        %get3A_341 = arith.index_cast %squeeze3A : i32 to index
        %get3A_342 = arith.constant 16 : index
        %get3A_343 = tpu.vector_load %arg8[%get3A_341, %get3A_342] {strides = array<i32>} : memref<512x32xf32, #tpu.memory_space<vmem>>, vector<16xf32>,
        %get3A_344 = arith.index_cast %squeeze3A_319 : i32 to index
        %get3A_345 = arith.constant 16 : index
        %get3A_346 = tpu.vector_load %arg9[%get3A_344, %get3A_345] {strides = array<i32>} : memref<1024x32xf32, #tpu.memory_space<vmem>>, vector<16xf32>,
        %get3A_347 = arith.index_cast %squeeze3A_321 : i32 to index
        %get3A_348 = arith.constant 16 : index
        %get3A_349 = tpu.vector_load %arg9[%get3A_347, %get3A_348] {strides = array<i32>} : memref<1024x32xf32, #tpu.memory_space<vmem>>, vector<16xf32>,
        %add3A_350 = arith.addf %get3A_346, %get3A_349 : vector<16xf32>
        %get3A_351 = arith.index_cast %squeeze3A_323 : i32 to index
        %get3A_352 = arith.constant 16 : index
        %get3A_353 = tpu.vector_load %arg9[%get3A_351, %get3A_352] {strides = array<i32>} : memref<1024x32xf32, #tpu.memory_space<vmem>>, vector<16xf32>,
        %add3A_354 = arith.addf %add3A_350, %get3A_353 : vector<16xf32>
        %mul3A_355 = vector.broadcast %scan3A_62 : f32 to vector<16xf32>
        %mul3A_356 = arith.mulf %mul3A_355, %add3A_354 : vector<16xf32>
        %add3A_357 = arith.addf %get3A_343, %mul3A_356 : vector<16xf32>
        %swap3A_358 = arith.constant 1 : i32
        %swap3A_359 = arith.index_cast %rem3A_120 : i32 to index
        %swap3A_360 = arith.index_cast %swap3A_358 : i32 to index
        %swap3A_361 = arith.index_cast %add3A_317 : i32 to index
        %swap3A_362 = arith.constant 0 : index
        %swap3A_363 = tpu.vector_load %arg13[%swap3A_359, %swap3A_360, %swap3A_361, %swap3A_362] {strides = array<i32>} : memref<2x3x256x32xf32, #tpu.memory_space<vmem>>, vector<16xf32>,
        tpu.vector_store %arg13[%swap3A_359, %swap3A_360, %swap3A_361, %swap3A_362], %add3A_340 {strides = array<i32>} : memref<2x3x256x32xf32, #tpu.memory_space<vmem>>, vector<16xf32>,
        %swap3A_364 = arith.constant 1 : i32
        %swap3A_365 = arith.index_cast %rem3A_120 : i32 to index
        %swap3A_366 = arith.index_cast %swap3A_364 : i32 to index
        %swap3A_367 = arith.index_cast %add3A_317 : i32 to index
        %swap3A_368 = arith.constant 16 : index
        %swap3A_369 = tpu.vector_load %arg13[%swap3A_365, %swap3A_366, %swap3A_367, %swap3A_368] {strides = array<i32>} : memref<2x3x256x32xf32, #tpu.memory_space<vmem>>, vector<16xf32>,
        tpu.vector_store %arg13[%swap3A_365, %swap3A_366, %swap3A_367, %swap3A_368], %add3A_357 {strides = array<i32>} : memref<2x3x256x32xf32, #tpu.memory_space<vmem>>, vector<16xf32>,
        %add3A_370 = arith.constant 1 : i32
        %add3A_371 = arith.addi %mul3A_273, %add3A_370 : i32
        %slice3A_372 = vector.extract_strided_slice %gather3A_285 {offsets = [1], sizes = [1], strides = [1]} : vector<16xi32> to vector<1xi32>
        %squeeze3A_373 = vector.extract %slice3A_372[0] : i32 from vector<1xi32>
        %slice3A_374 = vector.extract_strided_slice %gather3A_301 {offsets = [1], sizes = [1], strides = [1]} : vector<16xi32> to vector<1xi32>
        %squeeze3A_375 = vector.extract %slice3A_374[0] : i32 from vector<1xi32>
        %slice3A_376 = vector.extract_strided_slice %gather3A_308 {offsets = [1], sizes = [1], strides = [1]} : vector<16xi32> to vector<1xi32>
        %squeeze3A_377 = vector.extract %slice3A_376[0] : i32 from vector<1xi32>
        %slice3A_378 = vector.extract_strided_slice %gather3A_315 {offsets = [1], sizes = [1], strides = [1]} : vector<16xi32> to vector<1xi32>
        %squeeze3A_379 = vector.extract %slice3A_378[0] : i32 from vector<1xi32>
        %get3A_380 = arith.index_cast %squeeze3A_373 : i32 to index
        %get3A_381 = arith.constant 0 : index
        %get3A_382 = tpu.vector_load %arg8[%get3A_380, %get3A_381] {strides = array<i32>} : memref<512x32xf32, #tpu.memory_space<vmem>>, vector<16xf32>,
        %get3A_383 = arith.index_cast %squeeze3A_375 : i32 to index
        %get3A_384 = arith.constant 0 : index
        %get3A_385 = tpu.vector_load %arg9[%get3A_383, %get3A_384] {strides = array<i32>} : memref<1024x32xf32, #tpu.memory_space<vmem>>, vector<16xf32>,
        %get3A_386 = arith.index_cast %squeeze3A_377 : i32 to index
        %get3A_387 = arith.constant 0 : index
        %get3A_388 = tpu.vector_load %arg9[%get3A_386, %get3A_387] {strides = array<i32>} : memref<1024x32xf32, #tpu.memory_space<vmem>>, vector<16xf32>,
        %add3A_389 = arith.addf %get3A_385, %get3A_388 : vector<16xf32>
        %get3A_390 = arith.index_cast %squeeze3A_379 : i32 to index
        %get3A_391 = arith.constant 0 : index
        %get3A_392 = tpu.vector_load %arg9[%get3A_390, %get3A_391] {strides = array<i32>} : memref<1024x32xf32, #tpu.memory_space<vmem>>, vector<16xf32>,
        %add3A_393 = arith.addf %add3A_389, %get3A_392 : vector<16xf32>
        %mul3A_394 = vector.broadcast %scan3A_62 : f32 to vector<16xf32>
        %mul3A_395 = arith.mulf %mul3A_394, %add3A_393 : vector<16xf32>
        %add3A_396 = arith.addf %get3A_382, %mul3A_395 : vector<16xf32>
        %get3A_397 = arith.index_cast %squeeze3A_373 : i32 to index
        %get3A_398 = arith.constant 16 : index
        %get3A_399 = tpu.vector_load %arg8[%get3A_397, %get3A_398] {strides = array<i32>} : memref<512x32xf32, #tpu.memory_space<vmem>>, vector<16xf32>,
        %get3A_400 = arith.index_cast %squeeze3A_375 : i32 to index
        %get3A_401 = arith.constant 16 : index
        %get3A_402 = tpu.vector_load %arg9[%get3A_400, %get3A_401] {strides = array<i32>} : memref<1024x32xf32, #tpu.memory_space<vmem>>, vector<16xf32>,
        %get3A_403 = arith.index_cast %squeeze3A_377 : i32 to index
        %get3A_404 = arith.constant 16 : index
        %get3A_405 = tpu.vector_load %arg9[%get3A_403, %get3A_404] {strides = array<i32>} : memref<1024x32xf32, #tpu.memory_space<vmem>>, vector<16xf32>,
        %add3A_406 = arith.addf %get3A_402, %get3A_405 : vector<16xf32>
        %get3A_407 = arith.index_cast %squeeze3A_379 : i32 to index
        %get3A_408 = arith.constant 16 : index
        %get3A_409 = tpu.vector_load %arg9[%get3A_407, %get3A_408] {strides = array<i32>} : memref<1024x32xf32, #tpu.memory_space<vmem>>, vector<16xf32>,
        %add3A_410 = arith.addf %add3A_406, %get3A_409 : vector<16xf32>
        %mul3A_411 = vector.broadcast %scan3A_62 : f32 to vector<16xf32>
        %mul3A_412 = arith.mulf %mul3A_411, %add3A_410 : vector<16xf32>
        %add3A_413 = arith.addf %get3A_399, %mul3A_412 : vector<16xf32>
        %swap3A_414 = arith.constant 1 : i32
        %swap3A_415 = arith.index_cast %rem3A_120 : i32 to index
        %swap3A_416 = arith.index_cast %swap3A_414 : i32 to index
        %swap3A_417 = arith.index_cast %add3A_371 : i32 to index
        %swap3A_418 = arith.constant 0 : index
        %swap3A_419 = tpu.vector_load %arg13[%swap3A_415, %swap3A_416, %swap3A_417, %swap3A_418] {strides = array<i32>} : memref<2x3x256x32xf32, #tpu.memory_space<vmem>>, vector<16xf32>,
        tpu.vector_store %arg13[%swap3A_415, %swap3A_416, %swap3A_417, %swap3A_418], %add3A_396 {strides = array<i32>} : memref<2x3x256x32xf32, #tpu.memory_space<vmem>>, vector<16xf32>,
        %swap3A_420 = arith.constant 1 : i32
        %swap3A_421 = arith.index_cast %rem3A_120 : i32 to index
        %swap3A_422 = arith.index_cast %swap3A_420 : i32 to index
        %swap3A_423 = arith.index_cast %add3A_371 : i32 to index
        %swap3A_424 = arith.constant 16 : index
        %swap3A_425 = tpu.vector_load %arg13[%swap3A_421, %swap3A_422, %swap3A_423, %swap3A_424] {strides = array<i32>} : memref<2x3x256x32xf32, #tpu.memory_space<vmem>>, vector<16xf32>,
        tpu.vector_store %arg13[%swap3A_421, %swap3A_422, %swap3A_423, %swap3A_424], %add3A_413 {strides = array<i32>} : memref<2x3x256x32xf32, #tpu.memory_space<vmem>>, vector<16xf32>,
        %add3A_426 = arith.constant 2 : i32
        %add3A_427 = arith.addi %mul3A_273, %add3A_426 : i32
        %slice3A_428 = vector.extract_strided_slice %gather3A_285 {offsets = [2], sizes = [1], strides = [1]} : vector<16xi32> to vector<1xi32>
        %squeeze3A_429 = vector.extract %slice3A_428[0] : i32 from vector<1xi32>
        %slice3A_430 = vector.extract_strided_slice %gather3A_301 {offsets = [2], sizes = [1], strides = [1]} : vector<16xi32> to vector<1xi32>
        %squeeze3A_431 = vector.extract %slice3A_430[0] : i32 from vector<1xi32>
        %slice3A_432 = vector.extract_strided_slice %gather3A_308 {offsets = [2], sizes = [1], strides = [1]} : vector<16xi32> to vector<1xi32>
        %squeeze3A_433 = vector.extract %slice3A_432[0] : i32 from vector<1xi32>
        %slice3A_434 = vector.extract_strided_slice %gather3A_315 {offsets = [2], sizes = [1], strides = [1]} : vector<16xi32> to vector<1xi32>
        %squeeze3A_435 = vector.extract %slice3A_434[0] : i32 from vector<1xi32>
        %get3A_436 = arith.index_cast %squeeze3A_429 : i32 to index
        %get3A_437 = arith.constant 0 : index
        %get3A_438 = tpu.vector_load %arg8[%get3A_436, %get3A_437] {strides = array<i32>} : memref<512x32xf32, #tpu.memory_space<vmem>>, vector<16xf32>,
        %get3A_439 = arith.index_cast %squeeze3A_431 : i32 to index
        %get3A_440 = arith.constant 0 : index
        %get3A_441 = tpu.vector_load %arg9[%get3A_439, %get3A_440] {strides = array<i32>} : memref<1024x32xf32, #tpu.memory_space<vmem>>, vector<16xf32>,
        %get3A_442 = arith.index_cast %squeeze3A_433 : i32 to index
        %get3A_443 = arith.constant 0 : index
        %get3A_444 = tpu.vector_load %arg9[%get3A_442, %get3A_443] {strides = array<i32>} : memref<1024x32xf32, #tpu.memory_space<vmem>>, vector<16xf32>,
        %add3A_445 = arith.addf %get3A_441, %get3A_444 : vector<16xf32>
        %get3A_446 = arith.index_cast %squeeze3A_435 : i32 to index
        %get3A_447 = arith.constant 0 : index
        %get3A_448 = tpu.vector_load %arg9[%get3A_446, %get3A_447] {strides = array<i32>} : memref<1024x32xf32, #tpu.memory_space<vmem>>, vector<16xf32>,
        %add3A_449 = arith.addf %add3A_445, %get3A_448 : vector<16xf32>
        %mul3A_450 = vector.broadcast %scan3A_62 : f32 to vector<16xf32>
        %mul3A_451 = arith.mulf %mul3A_450, %add3A_449 : vector<16xf32>
        %add3A_452 = arith.addf %get3A_438, %mul3A_451 : vector<16xf32>
        %get3A_453 = arith.index_cast %squeeze3A_429 : i32 to index
        %get3A_454 = arith.constant 16 : index
        %get3A_455 = tpu.vector_load %arg8[%get3A_453, %get3A_454] {strides = array<i32>} : memref<512x32xf32, #tpu.memory_space<vmem>>, vector<16xf32>,
        %get3A_456 = arith.index_cast %squeeze3A_431 : i32 to index
        %get3A_457 = arith.constant 16 : index
        %get3A_458 = tpu.vector_load %arg9[%get3A_456, %get3A_457] {strides = array<i32>} : memref<1024x32xf32, #tpu.memory_space<vmem>>, vector<16xf32>,
        %get3A_459 = arith.index_cast %squeeze3A_433 : i32 to index
        %get3A_460 = arith.constant 16 : index
        %get3A_461 = tpu.vector_load %arg9[%get3A_459, %get3A_460] {strides = array<i32>} : memref<1024x32xf32, #tpu.memory_space<vmem>>, vector<16xf32>,
        %add3A_462 = arith.addf %get3A_458, %get3A_461 : vector<16xf32>
        %get3A_463 = arith.index_cast %squeeze3A_435 : i32 to index
        %get3A_464 = arith.constant 16 : index
        %get3A_465 = tpu.vector_load %arg9[%get3A_463, %get3A_464] {strides = array<i32>} : memref<1024x32xf32, #tpu.memory_space<vmem>>, vector<16xf32>,
        %add3A_466 = arith.addf %add3A_462, %get3A_465 : vector<16xf32>
        %mul3A_467 = vector.broadcast %scan3A_62 : f32 to vector<16xf32>
        %mul3A_468 = arith.mulf %mul3A_467, %add3A_466 : vector<16xf32>
        %add3A_469 = arith.addf %get3A_455, %mul3A_468 : vector<16xf32>
        %swap3A_470 = arith.constant 1 : i32
        %swap3A_471 = arith.index_cast %rem3A_120 : i32 to index
        %swap3A_472 = arith.index_cast %swap3A_470 : i32 to index
        %swap3A_473 = arith.index_cast %add3A_427 : i32 to index
        %swap3A_474 = arith.constant 0 : index
        %swap3A_475 = tpu.vector_load %arg13[%swap3A_471, %swap3A_472, %swap3A_473, %swap3A_474] {strides = array<i32>} : memref<2x3x256x32xf32, #tpu.memory_space<vmem>>, vector<16xf32>,
        tpu.vector_store %arg13[%swap3A_471, %swap3A_472, %swap3A_473, %swap3A_474], %add3A_452 {strides = array<i32>} : memref<2x3x256x32xf32, #tpu.memory_space<vmem>>, vector<16xf32>,
        %swap3A_476 = arith.constant 1 : i32
        %swap3A_477 = arith.index_cast %rem3A_120 : i32 to index
        %swap3A_478 = arith.index_cast %swap3A_476 : i32 to index
        %swap3A_479 = arith.index_cast %add3A_427 : i32 to index
        %swap3A_480 = arith.constant 16 : index
        %swap3A_481 = tpu.vector_load %arg13[%swap3A_477, %swap3A_478, %swap3A_479, %swap3A_480] {strides = array<i32>} : memref<2x3x256x32xf32, #tpu.memory_space<vmem>>, vector<16xf32>,
        tpu.vector_store %arg13[%swap3A_477, %swap3A_478, %swap3A_479, %swap3A_480], %add3A_469 {strides = array<i32>} : memref<2x3x256x32xf32, #tpu.memory_space<vmem>>, vector<16xf32>,
        %add3A_482 = arith.constant 3 : i32
        %add3A_483 = arith.addi %mul3A_273, %add3A_482 : i32
        %slice3A_484 = vector.extract_strided_slice %gather3A_285 {offsets = [3], sizes = [1], strides = [1]} : vector<16xi32> to vector<1xi32>
        %squeeze3A_485 = vector.extract %slice3A_484[0] : i32 from vector<1xi32>
        %slice3A_486 = vector.extract_strided_slice %gather3A_301 {offsets = [3], sizes = [1], strides = [1]} : vector<16xi32> to vector<1xi32>
        %squeeze3A_487 = vector.extract %slice3A_486[0] : i32 from vector<1xi32>
        %slice3A_488 = vector.extract_strided_slice %gather3A_308 {offsets = [3], sizes = [1], strides = [1]} : vector<16xi32> to vector<1xi32>
        %squeeze3A_489 = vector.extract %slice3A_488[0] : i32 from vector<1xi32>
        %slice3A_490 = vector.extract_strided_slice %gather3A_315 {offsets = [3], sizes = [1], strides = [1]} : vector<16xi32> to vector<1xi32>
        %squeeze3A_491 = vector.extract %slice3A_490[0] : i32 from vector<1xi32>
        %get3A_492 = arith.index_cast %squeeze3A_485 : i32 to index
        %get3A_493 = arith.constant 0 : index
        %get3A_494 = tpu.vector_load %arg8[%get3A_492, %get3A_493] {strides = array<i32>} : memref<512x32xf32, #tpu.memory_space<vmem>>, vector<16xf32>,
        %get3A_495 = arith.index_cast %squeeze3A_487 : i32 to index
        %get3A_496 = arith.constant 0 : index
        %get3A_497 = tpu.vector_load %arg9[%get3A_495, %get3A_496] {strides = array<i32>} : memref<1024x32xf32, #tpu.memory_space<vmem>>, vector<16xf32>,
        %get3A_498 = arith.index_cast %squeeze3A_489 : i32 to index
        %get3A_499 = arith.constant 0 : index
        %get3A_500 = tpu.vector_load %arg9[%get3A_498, %get3A_499] {strides = array<i32>} : memref<1024x32xf32, #tpu.memory_space<vmem>>, vector<16xf32>,
        %add3A_501 = arith.addf %get3A_497, %get3A_500 : vector<16xf32>
        %get3A_502 = arith.index_cast %squeeze3A_491 : i32 to index
        %get3A_503 = arith.constant 0 : index
        %get3A_504 = tpu.vector_load %arg9[%get3A_502, %get3A_503] {strides = array<i32>} : memref<1024x32xf32, #tpu.memory_space<vmem>>, vector<16xf32>,
        %add3A_505 = arith.addf %add3A_501, %get3A_504 : vector<16xf32>
        %mul3A_506 = vector.broadcast %scan3A_62 : f32 to vector<16xf32>
        %mul3A_507 = arith.mulf %mul3A_506, %add3A_505 : vector<16xf32>
        %add3A_508 = arith.addf %get3A_494, %mul3A_507 : vector<16xf32>
        %get3A_509 = arith.index_cast %squeeze3A_485 : i32 to index
        %get3A_510 = arith.constant 16 : index
        %get3A_511 = tpu.vector_load %arg8[%get3A_509, %get3A_510] {strides = array<i32>} : memref<512x32xf32, #tpu.memory_space<vmem>>, vector<16xf32>,
        %get3A_512 = arith.index_cast %squeeze3A_487 : i32 to index
        %get3A_513 = arith.constant 16 : index
        %get3A_514 = tpu.vector_load %arg9[%get3A_512, %get3A_513] {strides = array<i32>} : memref<1024x32xf32, #tpu.memory_space<vmem>>, vector<16xf32>,
        %get3A_515 = arith.index_cast %squeeze3A_489 : i32 to index
        %get3A_516 = arith.constant 16 : index
        %get3A_517 = tpu.vector_load %arg9[%get3A_515, %get3A_516] {strides = array<i32>} : memref<1024x32xf32, #tpu.memory_space<vmem>>, vector<16xf32>,
        %add3A_518 = arith.addf %get3A_514, %get3A_517 : vector<16xf32>
        %get3A_519 = arith.index_cast %squeeze3A_491 : i32 to index
        %get3A_520 = arith.constant 16 : index
        %get3A_521 = tpu.vector_load %arg9[%get3A_519, %get3A_520] {strides = array<i32>} : memref<1024x32xf32, #tpu.memory_space<vmem>>, vector<16xf32>,
        %add3A_522 = arith.addf %add3A_518, %get3A_521 : vector<16xf32>
        %mul3A_523 = vector.broadcast %scan3A_62 : f32 to vector<16xf32>
        %mul3A_524 = arith.mulf %mul3A_523, %add3A_522 : vector<16xf32>
        %add3A_525 = arith.addf %get3A_511, %mul3A_524 : vector<16xf32>
        %swap3A_526 = arith.constant 1 : i32
        %swap3A_527 = arith.index_cast %rem3A_120 : i32 to index
        %swap3A_528 = arith.index_cast %swap3A_526 : i32 to index
        %swap3A_529 = arith.index_cast %add3A_483 : i32 to index
        %swap3A_530 = arith.constant 0 : index
        %swap3A_531 = tpu.vector_load %arg13[%swap3A_527, %swap3A_528, %swap3A_529, %swap3A_530] {strides = array<i32>} : memref<2x3x256x32xf32, #tpu.memory_space<vmem>>, vector<16xf32>,
        tpu.vector_store %arg13[%swap3A_527, %swap3A_528, %swap3A_529, %swap3A_530], %add3A_508 {strides = array<i32>} : memref<2x3x256x32xf32, #tpu.memory_space<vmem>>, vector<16xf32>,
        %swap3A_532 = arith.constant 1 : i32
        %swap3A_533 = arith.index_cast %rem3A_120 : i32 to index
        %swap3A_534 = arith.index_cast %swap3A_532 : i32 to index
        %swap3A_535 = arith.index_cast %add3A_483 : i32 to index
        %swap3A_536 = arith.constant 16 : index
        %swap3A_537 = tpu.vector_load %arg13[%swap3A_533, %swap3A_534, %swap3A_535, %swap3A_536] {strides = array<i32>} : memref<2x3x256x32xf32, #tpu.memory_space<vmem>>, vector<16xf32>,
        tpu.vector_store %arg13[%swap3A_533, %swap3A_534, %swap3A_535, %swap3A_536], %add3A_525 {strides = array<i32>} : memref<2x3x256x32xf32, #tpu.memory_space<vmem>>, vector<16xf32>,
        %add3A_538 = arith.constant 4 : i32
        %add3A_539 = arith.addi %mul3A_273, %add3A_538 : i32
        %slice3A_540 = vector.extract_strided_slice %gather3A_285 {offsets = [4], sizes = [1], strides = [1]} : vector<16xi32> to vector<1xi32>
        %squeeze3A_541 = vector.extract %slice3A_540[0] : i32 from vector<1xi32>
        %slice3A_542 = vector.extract_strided_slice %gather3A_301 {offsets = [4], sizes = [1], strides = [1]} : vector<16xi32> to vector<1xi32>
        %squeeze3A_543 = vector.extract %slice3A_542[0] : i32 from vector<1xi32>
        %slice3A_544 = vector.extract_strided_slice %gather3A_308 {offsets = [4], sizes = [1], strides = [1]} : vector<16xi32> to vector<1xi32>
        %squeeze3A_545 = vector.extract %slice3A_544[0] : i32 from vector<1xi32>
        %slice3A_546 = vector.extract_strided_slice %gather3A_315 {offsets = [4], sizes = [1], strides = [1]} : vector<16xi32> to vector<1xi32>
        %squeeze3A_547 = vector.extract %slice3A_546[0] : i32 from vector<1xi32>
        %get3A_548 = arith.index_cast %squeeze3A_541 : i32 to index
        %get3A_549 = arith.constant 0 : index
        %get3A_550 = tpu.vector_load %arg8[%get3A_548, %get3A_549] {strides = array<i32>} : memref<512x32xf32, #tpu.memory_space<vmem>>, vector<16xf32>,
        %get3A_551 = arith.index_cast %squeeze3A_543 : i32 to index
        %get3A_552 = arith.constant 0 : index
        %get3A_553 = tpu.vector_load %arg9[%get3A_551, %get3A_552] {strides = array<i32>} : memref<1024x32xf32, #tpu.memory_space<vmem>>, vector<16xf32>,
        %get3A_554 = arith.index_cast %squeeze3A_545 : i32 to index
        %get3A_555 = arith.constant 0 : index
        %get3A_556 = tpu.vector_load %arg9[%get3A_554, %get3A_555] {strides = array<i32>} : memref<1024x32xf32, #tpu.memory_space<vmem>>, vector<16xf32>,
        %add3A_557 = arith.addf %get3A_553, %get3A_556 : vector<16xf32>
        %get3A_558 = arith.index_cast %squeeze3A_547 : i32 to index
        %get3A_559 = arith.constant 0 : index
        %get3A_560 = tpu.vector_load %arg9[%get3A_558, %get3A_559] {strides = array<i32>} : memref<1024x32xf32, #tpu.memory_space<vmem>>, vector<16xf32>,
        %add3A_561 = arith.addf %add3A_557, %get3A_560 : vector<16xf32>
        %mul3A_562 = vector.broadcast %scan3A_62 : f32 to vector<16xf32>
        %mul3A_563 = arith.mulf %mul3A_562, %add3A_561 : vector<16xf32>
        %add3A_564 = arith.addf %get3A_550, %mul3A_563 : vector<16xf32>
        %get3A_565 = arith.index_cast %squeeze3A_541 : i32 to index
        %get3A_566 = arith.constant 16 : index
        %get3A_567 = tpu.vector_load %arg8[%get3A_565, %get3A_566] {strides = array<i32>} : memref<512x32xf32, #tpu.memory_space<vmem>>, vector<16xf32>,
        %get3A_568 = arith.index_cast %squeeze3A_543 : i32 to index
        %get3A_569 = arith.constant 16 : index
        %get3A_570 = tpu.vector_load %arg9[%get3A_568, %get3A_569] {strides = array<i32>} : memref<1024x32xf32, #tpu.memory_space<vmem>>, vector<16xf32>,
        %get3A_571 = arith.index_cast %squeeze3A_545 : i32 to index
        %get3A_572 = arith.constant 16 : index
        %get3A_573 = tpu.vector_load %arg9[%get3A_571, %get3A_572] {strides = array<i32>} : memref<1024x32xf32, #tpu.memory_space<vmem>>, vector<16xf32>,
        %add3A_574 = arith.addf %get3A_570, %get3A_573 : vector<16xf32>
        %get3A_575 = arith.index_cast %squeeze3A_547 : i32 to index
        %get3A_576 = arith.constant 16 : index
        %get3A_577 = tpu.vector_load %arg9[%get3A_575, %get3A_576] {strides = array<i32>} : memref<1024x32xf32, #tpu.memory_space<vmem>>, vector<16xf32>,
        %add3A_578 = arith.addf %add3A_574, %get3A_577 : vector<16xf32>
        %mul3A_579 = vector.broadcast %scan3A_62 : f32 to vector<16xf32>
        %mul3A_580 = arith.mulf %mul3A_579, %add3A_578 : vector<16xf32>
        %add3A_581 = arith.addf %get3A_567, %mul3A_580 : vector<16xf32>
        %swap3A_582 = arith.constant 1 : i32
        %swap3A_583 = arith.index_cast %rem3A_120 : i32 to index
        %swap3A_584 = arith.index_cast %swap3A_582 : i32 to index
        %swap3A_585 = arith.index_cast %add3A_539 : i32 to index
        %swap3A_586 = arith.constant 0 : index
        %swap3A_587 = tpu.vector_load %arg13[%swap3A_583, %swap3A_584, %swap3A_585, %swap3A_586] {strides = array<i32>} : memref<2x3x256x32xf32, #tpu.memory_space<vmem>>, vector<16xf32>,
        tpu.vector_store %arg13[%swap3A_583, %swap3A_584, %swap3A_585, %swap3A_586], %add3A_564 {strides = array<i32>} : memref<2x3x256x32xf32, #tpu.memory_space<vmem>>, vector<16xf32>,
        %swap3A_588 = arith.constant 1 : i32
        %swap3A_589 = arith.index_cast %rem3A_120 : i32 to index
        %swap3A_590 = arith.index_cast %swap3A_588 : i32 to index
        %swap3A_591 = arith.index_cast %add3A_539 : i32 to index
        %swap3A_592 = arith.constant 16 : index
        %swap3A_593 = tpu.vector_load %arg13[%swap3A_589, %swap3A_590, %swap3A_591, %swap3A_592] {strides = array<i32>} : memref<2x3x256x32xf32, #tpu.memory_space<vmem>>, vector<16xf32>,
        tpu.vector_store %arg13[%swap3A_589, %swap3A_590, %swap3A_591, %swap3A_592], %add3A_581 {strides = array<i32>} : memref<2x3x256x32xf32, #tpu.memory_space<vmem>>, vector<16xf32>,
        %add3A_594 = arith.constant 5 : i32
        %add3A_595 = arith.addi %mul3A_273, %add3A_594 : i32
        %slice3A_596 = vector.extract_strided_slice %gather3A_285 {offsets = [5], sizes = [1], strides = [1]} : vector<16xi32> to vector<1xi32>
        %squeeze3A_597 = vector.extract %slice3A_596[0] : i32 from vector<1xi32>
        %slice3A_598 = vector.extract_strided_slice %gather3A_301 {offsets = [5], sizes = [1], strides = [1]} : vector<16xi32> to vector<1xi32>
        %squeeze3A_599 = vector.extract %slice3A_598[0] : i32 from vector<1xi32>
        %slice3A_600 = vector.extract_strided_slice %gather3A_308 {offsets = [5], sizes = [1], strides = [1]} : vector<16xi32> to vector<1xi32>
        %squeeze3A_601 = vector.extract %slice3A_600[0] : i32 from vector<1xi32>
        %slice3A_602 = vector.extract_strided_slice %gather3A_315 {offsets = [5], sizes = [1], strides = [1]} : vector<16xi32> to vector<1xi32>
        %squeeze3A_603 = vector.extract %slice3A_602[0] : i32 from vector<1xi32>
        %get3A_604 = arith.index_cast %squeeze3A_597 : i32 to index
        %get3A_605 = arith.constant 0 : index
        %get3A_606 = tpu.vector_load %arg8[%get3A_604, %get3A_605] {strides = array<i32>} : memref<512x32xf32, #tpu.memory_space<vmem>>, vector<16xf32>,
        %get3A_607 = arith.index_cast %squeeze3A_599 : i32 to index
        %get3A_608 = arith.constant 0 : index
        %get3A_609 = tpu.vector_load %arg9[%get3A_607, %get3A_608] {strides = array<i32>} : memref<1024x32xf32, #tpu.memory_space<vmem>>, vector<16xf32>,
        %get3A_610 = arith.index_cast %squeeze3A_601 : i32 to index
        %get3A_611 = arith.constant 0 : index
        %get3A_612 = tpu.vector_load %arg9[%get3A_610, %get3A_611] {strides = array<i32>} : memref<1024x32xf32, #tpu.memory_space<vmem>>, vector<16xf32>,
        %add3A_613 = arith.addf %get3A_609, %get3A_612 : vector<16xf32>
        %get3A_614 = arith.index_cast %squeeze3A_603 : i32 to index
        %get3A_615 = arith.constant 0 : index
        %get3A_616 = tpu.vector_load %arg9[%get3A_614, %get3A_615] {strides = array<i32>} : memref<1024x32xf32, #tpu.memory_space<vmem>>, vector<16xf32>,
        %add3A_617 = arith.addf %add3A_613, %get3A_616 : vector<16xf32>
        %mul3A_618 = vector.broadcast %scan3A_62 : f32 to vector<16xf32>
        %mul3A_619 = arith.mulf %mul3A_618, %add3A_617 : vector<16xf32>
        %add3A_620 = arith.addf %get3A_606, %mul3A_619 : vector<16xf32>
        %get3A_621 = arith.index_cast %squeeze3A_597 : i32 to index
        %get3A_622 = arith.constant 16 : index
        %get3A_623 = tpu.vector_load %arg8[%get3A_621, %get3A_622] {strides = array<i32>} : memref<512x32xf32, #tpu.memory_space<vmem>>, vector<16xf32>,
        %get3A_624 = arith.index_cast %squeeze3A_599 : i32 to index
        %get3A_625 = arith.constant 16 : index
        %get3A_626 = tpu.vector_load %arg9[%get3A_624, %get3A_625] {strides = array<i32>} : memref<1024x32xf32, #tpu.memory_space<vmem>>, vector<16xf32>,
        %get3A_627 = arith.index_cast %squeeze3A_601 : i32 to index
        %get3A_628 = arith.constant 16 : index
        %get3A_629 = tpu.vector_load %arg9[%get3A_627, %get3A_628] {strides = array<i32>} : memref<1024x32xf32, #tpu.memory_space<vmem>>, vector<16xf32>,
        %add3A_630 = arith.addf %get3A_626, %get3A_629 : vector<16xf32>
        %get3A_631 = arith.index_cast %squeeze3A_603 : i32 to index
        %get3A_632 = arith.constant 16 : index
        %get3A_633 = tpu.vector_load %arg9[%get3A_631, %get3A_632] {strides = array<i32>} : memref<1024x32xf32, #tpu.memory_space<vmem>>, vector<16xf32>,
        %add3A_634 = arith.addf %add3A_630, %get3A_633 : vector<16xf32>
        %mul3A_635 = vector.broadcast %scan3A_62 : f32 to vector<16xf32>
        %mul3A_636 = arith.mulf %mul3A_635, %add3A_634 : vector<16xf32>
        %add3A_637 = arith.addf %get3A_623, %mul3A_636 : vector<16xf32>
        %swap3A_638 = arith.constant 1 : i32
        %swap3A_639 = arith.index_cast %rem3A_120 : i32 to index
        %swap3A_640 = arith.index_cast %swap3A_638 : i32 to index
        %swap3A_641 = arith.index_cast %add3A_595 : i32 to index
        %swap3A_642 = arith.constant 0 : index
        %swap3A_643 = tpu.vector_load %arg13[%swap3A_639, %swap3A_640, %swap3A_641, %swap3A_642] {strides = array<i32>} : memref<2x3x256x32xf32, #tpu.memory_space<vmem>>, vector<16xf32>,
        tpu.vector_store %arg13[%swap3A_639, %swap3A_640, %swap3A_641, %swap3A_642], %add3A_620 {strides = array<i32>} : memref<2x3x256x32xf32, #tpu.memory_space<vmem>>, vector<16xf32>,
        %swap3A_644 = arith.constant 1 : i32
        %swap3A_645 = arith.index_cast %rem3A_120 : i32 to index
        %swap3A_646 = arith.index_cast %swap3A_644 : i32 to index
        %swap3A_647 = arith.index_cast %add3A_595 : i32 to index
        %swap3A_648 = arith.constant 16 : index
        %swap3A_649 = tpu.vector_load %arg13[%swap3A_645, %swap3A_646, %swap3A_647, %swap3A_648] {strides = array<i32>} : memref<2x3x256x32xf32, #tpu.memory_space<vmem>>, vector<16xf32>,
        tpu.vector_store %arg13[%swap3A_645, %swap3A_646, %swap3A_647, %swap3A_648], %add3A_637 {strides = array<i32>} : memref<2x3x256x32xf32, #tpu.memory_space<vmem>>, vector<16xf32>,
        %add3A_650 = arith.constant 6 : i32
        %add3A_651 = arith.addi %mul3A_273, %add3A_650 : i32
        %slice3A_652 = vector.extract_strided_slice %gather3A_285 {offsets = [6], sizes = [1], strides = [1]} : vector<16xi32> to vector<1xi32>
        %squeeze3A_653 = vector.extract %slice3A_652[0] : i32 from vector<1xi32>
        %slice3A_654 = vector.extract_strided_slice %gather3A_301 {offsets = [6], sizes = [1], strides = [1]} : vector<16xi32> to vector<1xi32>
        %squeeze3A_655 = vector.extract %slice3A_654[0] : i32 from vector<1xi32>
        %slice3A_656 = vector.extract_strided_slice %gather3A_308 {offsets = [6], sizes = [1], strides = [1]} : vector<16xi32> to vector<1xi32>
        %squeeze3A_657 = vector.extract %slice3A_656[0] : i32 from vector<1xi32>
        %slice3A_658 = vector.extract_strided_slice %gather3A_315 {offsets = [6], sizes = [1], strides = [1]} : vector<16xi32> to vector<1xi32>
        %squeeze3A_659 = vector.extract %slice3A_658[0] : i32 from vector<1xi32>
        %get3A_660 = arith.index_cast %squeeze3A_653 : i32 to index
        %get3A_661 = arith.constant 0 : index
        %get3A_662 = tpu.vector_load %arg8[%get3A_660, %get3A_661] {strides = array<i32>} : memref<512x32xf32, #tpu.memory_space<vmem>>, vector<16xf32>,
        %get3A_663 = arith.index_cast %squeeze3A_655 : i32 to index
        %get3A_664 = arith.constant 0 : index
        %get3A_665 = tpu.vector_load %arg9[%get3A_663, %get3A_664] {strides = array<i32>} : memref<1024x32xf32, #tpu.memory_space<vmem>>, vector<16xf32>,
        %get3A_666 = arith.index_cast %squeeze3A_657 : i32 to index
        %get3A_667 = arith.constant 0 : index
        %get3A_668 = tpu.vector_load %arg9[%get3A_666, %get3A_667] {strides = array<i32>} : memref<1024x32xf32, #tpu.memory_space<vmem>>, vector<16xf32>,
        %add3A_669 = arith.addf %get3A_665, %get3A_668 : vector<16xf32>
        %get3A_670 = arith.index_cast %squeeze3A_659 : i32 to index
        %get3A_671 = arith.constant 0 : index
        %get3A_672 = tpu.vector_load %arg9[%get3A_670, %get3A_671] {strides = array<i32>} : memref<1024x32xf32, #tpu.memory_space<vmem>>, vector<16xf32>,
        %add3A_673 = arith.addf %add3A_669, %get3A_672 : vector<16xf32>
        %mul3A_674 = vector.broadcast %scan3A_62 : f32 to vector<16xf32>
        %mul3A_675 = arith.mulf %mul3A_674, %add3A_673 : vector<16xf32>
        %add3A_676 = arith.addf %get3A_662, %mul3A_675 : vector<16xf32>
        %get3A_677 = arith.index_cast %squeeze3A_653 : i32 to index
        %get3A_678 = arith.constant 16 : index
        %get3A_679 = tpu.vector_load %arg8[%get3A_677, %get3A_678] {strides = array<i32>} : memref<512x32xf32, #tpu.memory_space<vmem>>, vector<16xf32>,
        %get3A_680 = arith.index_cast %squeeze3A_655 : i32 to index
        %get3A_681 = arith.constant 16 : index
        %get3A_682 = tpu.vector_load %arg9[%get3A_680, %get3A_681] {strides = array<i32>} : memref<1024x32xf32, #tpu.memory_space<vmem>>, vector<16xf32>,
        %get3A_683 = arith.index_cast %squeeze3A_657 : i32 to index
        %get3A_684 = arith.constant 16 : index
        %get3A_685 = tpu.vector_load %arg9[%get3A_683, %get3A_684] {strides = array<i32>} : memref<1024x32xf32, #tpu.memory_space<vmem>>, vector<16xf32>,
        %add3A_686 = arith.addf %get3A_682, %get3A_685 : vector<16xf32>
        %get3A_687 = arith.index_cast %squeeze3A_659 : i32 to index
        %get3A_688 = arith.constant 16 : index
        %get3A_689 = tpu.vector_load %arg9[%get3A_687, %get3A_688] {strides = array<i32>} : memref<1024x32xf32, #tpu.memory_space<vmem>>, vector<16xf32>,
        %add3A_690 = arith.addf %add3A_686, %get3A_689 : vector<16xf32>
        %mul3A_691 = vector.broadcast %scan3A_62 : f32 to vector<16xf32>
        %mul3A_692 = arith.mulf %mul3A_691, %add3A_690 : vector<16xf32>
        %add3A_693 = arith.addf %get3A_679, %mul3A_692 : vector<16xf32>
        %swap3A_694 = arith.constant 1 : i32
        %swap3A_695 = arith.index_cast %rem3A_120 : i32 to index
        %swap3A_696 = arith.index_cast %swap3A_694 : i32 to index
        %swap3A_697 = arith.index_cast %add3A_651 : i32 to index
        %swap3A_698 = arith.constant 0 : index
        %swap3A_699 = tpu.vector_load %arg13[%swap3A_695, %swap3A_696, %swap3A_697, %swap3A_698] {strides = array<i32>} : memref<2x3x256x32xf32, #tpu.memory_space<vmem>>, vector<16xf32>,
        tpu.vector_store %arg13[%swap3A_695, %swap3A_696, %swap3A_697, %swap3A_698], %add3A_676 {strides = array<i32>} : memref<2x3x256x32xf32, #tpu.memory_space<vmem>>, vector<16xf32>,
        %swap3A_700 = arith.constant 1 : i32
        %swap3A_701 = arith.index_cast %rem3A_120 : i32 to index
        %swap3A_702 = arith.index_cast %swap3A_700 : i32 to index
        %swap3A_703 = arith.index_cast %add3A_651 : i32 to index
        %swap3A_704 = arith.constant 16 : index
        %swap3A_705 = tpu.vector_load %arg13[%swap3A_701, %swap3A_702, %swap3A_703, %swap3A_704] {strides = array<i32>} : memref<2x3x256x32xf32, #tpu.memory_space<vmem>>, vector<16xf32>,
        tpu.vector_store %arg13[%swap3A_701, %swap3A_702, %swap3A_703, %swap3A_704], %add3A_693 {strides = array<i32>} : memref<2x3x256x32xf32, #tpu.memory_space<vmem>>, vector<16xf32>,
        %add3A_706 = arith.constant 7 : i32
        %add3A_707 = arith.addi %mul3A_273, %add3A_706 : i32
        %slice3A_708 = vector.extract_strided_slice %gather3A_285 {offsets = [7], sizes = [1], strides = [1]} : vector<16xi32> to vector<1xi32>
        %squeeze3A_709 = vector.extract %slice3A_708[0] : i32 from vector<1xi32>
        %slice3A_710 = vector.extract_strided_slice %gather3A_301 {offsets = [7], sizes = [1], strides = [1]} : vector<16xi32> to vector<1xi32>
        %squeeze3A_711 = vector.extract %slice3A_710[0] : i32 from vector<1xi32>
        %slice3A_712 = vector.extract_strided_slice %gather3A_308 {offsets = [7], sizes = [1], strides = [1]} : vector<16xi32> to vector<1xi32>
        %squeeze3A_713 = vector.extract %slice3A_712[0] : i32 from vector<1xi32>
        %slice3A_714 = vector.extract_strided_slice %gather3A_315 {offsets = [7], sizes = [1], strides = [1]} : vector<16xi32> to vector<1xi32>
        %squeeze3A_715 = vector.extract %slice3A_714[0] : i32 from vector<1xi32>
        %get3A_716 = arith.index_cast %squeeze3A_709 : i32 to index
        %get3A_717 = arith.constant 0 : index
        %get3A_718 = tpu.vector_load %arg8[%get3A_716, %get3A_717] {strides = array<i32>} : memref<512x32xf32, #tpu.memory_space<vmem>>, vector<16xf32>,
        %get3A_719 = arith.index_cast %squeeze3A_711 : i32 to index
        %get3A_720 = arith.constant 0 : index
        %get3A_721 = tpu.vector_load %arg9[%get3A_719, %get3A_720] {strides = array<i32>} : memref<1024x32xf32, #tpu.memory_space<vmem>>, vector<16xf32>,
        %get3A_722 = arith.index_cast %squeeze3A_713 : i32 to index
        %get3A_723 = arith.constant 0 : index
        %get3A_724 = tpu.vector_load %arg9[%get3A_722, %get3A_723] {strides = array<i32>} : memref<1024x32xf32, #tpu.memory_space<vmem>>, vector<16xf32>,
        %add3A_725 = arith.addf %get3A_721, %get3A_724 : vector<16xf32>
        %get3A_726 = arith.index_cast %squeeze3A_715 : i32 to index
        %get3A_727 = arith.constant 0 : index
        %get3A_728 = tpu.vector_load %arg9[%get3A_726, %get3A_727] {strides = array<i32>} : memref<1024x32xf32, #tpu.memory_space<vmem>>, vector<16xf32>,
        %add3A_729 = arith.addf %add3A_725, %get3A_728 : vector<16xf32>
        %mul3A_730 = vector.broadcast %scan3A_62 : f32 to vector<16xf32>
        %mul3A_731 = arith.mulf %mul3A_730, %add3A_729 : vector<16xf32>
        %add3A_732 = arith.addf %get3A_718, %mul3A_731 : vector<16xf32>
        %get3A_733 = arith.index_cast %squeeze3A_709 : i32 to index
        %get3A_734 = arith.constant 16 : index
        %get3A_735 = tpu.vector_load %arg8[%get3A_733, %get3A_734] {strides = array<i32>} : memref<512x32xf32, #tpu.memory_space<vmem>>, vector<16xf32>,
        %get3A_736 = arith.index_cast %squeeze3A_711 : i32 to index
        %get3A_737 = arith.constant 16 : index
        %get3A_738 = tpu.vector_load %arg9[%get3A_736, %get3A_737] {strides = array<i32>} : memref<1024x32xf32, #tpu.memory_space<vmem>>, vector<16xf32>,
        %get3A_739 = arith.index_cast %squeeze3A_713 : i32 to index
        %get3A_740 = arith.constant 16 : index
        %get3A_741 = tpu.vector_load %arg9[%get3A_739, %get3A_740] {strides = array<i32>} : memref<1024x32xf32, #tpu.memory_space<vmem>>, vector<16xf32>,
        %add3A_742 = arith.addf %get3A_738, %get3A_741 : vector<16xf32>
        %get3A_743 = arith.index_cast %squeeze3A_715 : i32 to index
        %get3A_744 = arith.constant 16 : index
        %get3A_745 = tpu.vector_load %arg9[%get3A_743, %get3A_744] {strides = array<i32>} : memref<1024x32xf32, #tpu.memory_space<vmem>>, vector<16xf32>,
        %add3A_746 = arith.addf %add3A_742, %get3A_745 : vector<16xf32>
        %mul3A_747 = vector.broadcast %scan3A_62 : f32 to vector<16xf32>
        %mul3A_748 = arith.mulf %mul3A_747, %add3A_746 : vector<16xf32>
        %add3A_749 = arith.addf %get3A_735, %mul3A_748 : vector<16xf32>
        %swap3A_750 = arith.constant 1 : i32
        %swap3A_751 = arith.index_cast %rem3A_120 : i32 to index
        %swap3A_752 = arith.index_cast %swap3A_750 : i32 to index
        %swap3A_753 = arith.index_cast %add3A_707 : i32 to index
        %swap3A_754 = arith.constant 0 : index
        %swap3A_755 = tpu.vector_load %arg13[%swap3A_751, %swap3A_752, %swap3A_753, %swap3A_754] {strides = array<i32>} : memref<2x3x256x32xf32, #tpu.memory_space<vmem>>, vector<16xf32>,
        tpu.vector_store %arg13[%swap3A_751, %swap3A_752, %swap3A_753, %swap3A_754], %add3A_732 {strides = array<i32>} : memref<2x3x256x32xf32, #tpu.memory_space<vmem>>, vector<16xf32>,
        %swap3A_756 = arith.constant 1 : i32
        %swap3A_757 = arith.index_cast %rem3A_120 : i32 to index
        %swap3A_758 = arith.index_cast %swap3A_756 : i32 to index
        %swap3A_759 = arith.index_cast %add3A_707 : i32 to index
        %swap3A_760 = arith.constant 16 : index
        %swap3A_761 = tpu.vector_load %arg13[%swap3A_757, %swap3A_758, %swap3A_759, %swap3A_760] {strides = array<i32>} : memref<2x3x256x32xf32, #tpu.memory_space<vmem>>, vector<16xf32>,
        tpu.vector_store %arg13[%swap3A_757, %swap3A_758, %swap3A_759, %swap3A_760], %add3A_749 {strides = array<i32>} : memref<2x3x256x32xf32, #tpu.memory_space<vmem>>, vector<16xf32>,
        %add3A_762 = arith.constant 8 : i32
        %add3A_763 = arith.addi %mul3A_273, %add3A_762 : i32
        %slice3A_764 = vector.extract_strided_slice %gather3A_285 {offsets = [8], sizes = [1], strides = [1]} : vector<16xi32> to vector<1xi32>
        %squeeze3A_765 = vector.extract %slice3A_764[0] : i32 from vector<1xi32>
        %slice3A_766 = vector.extract_strided_slice %gather3A_301 {offsets = [8], sizes = [1], strides = [1]} : vector<16xi32> to vector<1xi32>
        %squeeze3A_767 = vector.extract %slice3A_766[0] : i32 from vector<1xi32>
        %slice3A_768 = vector.extract_strided_slice %gather3A_308 {offsets = [8], sizes = [1], strides = [1]} : vector<16xi32> to vector<1xi32>
        %squeeze3A_769 = vector.extract %slice3A_768[0] : i32 from vector<1xi32>
        %slice3A_770 = vector.extract_strided_slice %gather3A_315 {offsets = [8], sizes = [1], strides = [1]} : vector<16xi32> to vector<1xi32>
        %squeeze3A_771 = vector.extract %slice3A_770[0] : i32 from vector<1xi32>
        %get3A_772 = arith.index_cast %squeeze3A_765 : i32 to index
        %get3A_773 = arith.constant 0 : index
        %get3A_774 = tpu.vector_load %arg8[%get3A_772, %get3A_773] {strides = array<i32>} : memref<512x32xf32, #tpu.memory_space<vmem>>, vector<16xf32>,
        %get3A_775 = arith.index_cast %squeeze3A_767 : i32 to index
        %get3A_776 = arith.constant 0 : index
        %get3A_777 = tpu.vector_load %arg9[%get3A_775, %get3A_776] {strides = array<i32>} : memref<1024x32xf32, #tpu.memory_space<vmem>>, vector<16xf32>,
        %get3A_778 = arith.index_cast %squeeze3A_769 : i32 to index
        %get3A_779 = arith.constant 0 : index
        %get3A_780 = tpu.vector_load %arg9[%get3A_778, %get3A_779] {strides = array<i32>} : memref<1024x32xf32, #tpu.memory_space<vmem>>, vector<16xf32>,
        %add3A_781 = arith.addf %get3A_777, %get3A_780 : vector<16xf32>
        %get3A_782 = arith.index_cast %squeeze3A_771 : i32 to index
        %get3A_783 = arith.constant 0 : index
        %get3A_784 = tpu.vector_load %arg9[%get3A_782, %get3A_783] {strides = array<i32>} : memref<1024x32xf32, #tpu.memory_space<vmem>>, vector<16xf32>,
        %add3A_785 = arith.addf %add3A_781, %get3A_784 : vector<16xf32>
        %mul3A_786 = vector.broadcast %scan3A_62 : f32 to vector<16xf32>
        %mul3A_787 = arith.mulf %mul3A_786, %add3A_785 : vector<16xf32>
        %add3A_788 = arith.addf %get3A_774, %mul3A_787 : vector<16xf32>
        %get3A_789 = arith.index_cast %squeeze3A_765 : i32 to index
        %get3A_790 = arith.constant 16 : index
        %get3A_791 = tpu.vector_load %arg8[%get3A_789, %get3A_790] {strides = array<i32>} : memref<512x32xf32, #tpu.memory_space<vmem>>, vector<16xf32>,
        %get3A_792 = arith.index_cast %squeeze3A_767 : i32 to index
        %get3A_793 = arith.constant 16 : index
        %get3A_794 = tpu.vector_load %arg9[%get3A_792, %get3A_793] {strides = array<i32>} : memref<1024x32xf32, #tpu.memory_space<vmem>>, vector<16xf32>,
        %get3A_795 = arith.index_cast %squeeze3A_769 : i32 to index
        %get3A_796 = arith.constant 16 : index
        %get3A_797 = tpu.vector_load %arg9[%get3A_795, %get3A_796] {strides = array<i32>} : memref<1024x32xf32, #tpu.memory_space<vmem>>, vector<16xf32>,
        %add3A_798 = arith.addf %get3A_794, %get3A_797 : vector<16xf32>
        %get3A_799 = arith.index_cast %squeeze3A_771 : i32 to index
        %get3A_800 = arith.constant 16 : index
        %get3A_801 = tpu.vector_load %arg9[%get3A_799, %get3A_800] {strides = array<i32>} : memref<1024x32xf32, #tpu.memory_space<vmem>>, vector<16xf32>,
        %add3A_802 = arith.addf %add3A_798, %get3A_801 : vector<16xf32>
        %mul3A_803 = vector.broadcast %scan3A_62 : f32 to vector<16xf32>
        %mul3A_804 = arith.mulf %mul3A_803, %add3A_802 : vector<16xf32>
        %add3A_805 = arith.addf %get3A_791, %mul3A_804 : vector<16xf32>
        %swap3A_806 = arith.constant 1 : i32
        %swap3A_807 = arith.index_cast %rem3A_120 : i32 to index
        %swap3A_808 = arith.index_cast %swap3A_806 : i32 to index
        %swap3A_809 = arith.index_cast %add3A_763 : i32 to index
        %swap3A_810 = arith.constant 0 : index
        %swap3A_811 = tpu.vector_load %arg13[%swap3A_807, %swap3A_808, %swap3A_809, %swap3A_810] {strides = array<i32>} : memref<2x3x256x32xf32, #tpu.memory_space<vmem>>, vector<16xf32>,
        tpu.vector_store %arg13[%swap3A_807, %swap3A_808, %swap3A_809, %swap3A_810], %add3A_788 {strides = array<i32>} : memref<2x3x256x32xf32, #tpu.memory_space<vmem>>, vector<16xf32>,
        %swap3A_812 = arith.constant 1 : i32
        %swap3A_813 = arith.index_cast %rem3A_120 : i32 to index
        %swap3A_814 = arith.index_cast %swap3A_812 : i32 to index
        %swap3A_815 = arith.index_cast %add3A_763 : i32 to index
        %swap3A_816 = arith.constant 16 : index
        %swap3A_817 = tpu.vector_load %arg13[%swap3A_813, %swap3A_814, %swap3A_815, %swap3A_816] {strides = array<i32>} : memref<2x3x256x32xf32, #tpu.memory_space<vmem>>, vector<16xf32>,
        tpu.vector_store %arg13[%swap3A_813, %swap3A_814, %swap3A_815, %swap3A_816], %add3A_805 {strides = array<i32>} : memref<2x3x256x32xf32, #tpu.memory_space<vmem>>, vector<16xf32>,
        %add3A_818 = arith.constant 9 : i32
        %add3A_819 = arith.addi %mul3A_273, %add3A_818 : i32
        %slice3A_820 = vector.extract_strided_slice %gather3A_285 {offsets = [9], sizes = [1], strides = [1]} : vector<16xi32> to vector<1xi32>
        %squeeze3A_821 = vector.extract %slice3A_820[0] : i32 from vector<1xi32>
        %slice3A_822 = vector.extract_strided_slice %gather3A_301 {offsets = [9], sizes = [1], strides = [1]} : vector<16xi32> to vector<1xi32>
        %squeeze3A_823 = vector.extract %slice3A_822[0] : i32 from vector<1xi32>
        %slice3A_824 = vector.extract_strided_slice %gather3A_308 {offsets = [9], sizes = [1], strides = [1]} : vector<16xi32> to vector<1xi32>
        %squeeze3A_825 = vector.extract %slice3A_824[0] : i32 from vector<1xi32>
        %slice3A_826 = vector.extract_strided_slice %gather3A_315 {offsets = [9], sizes = [1], strides = [1]} : vector<16xi32> to vector<1xi32>
        %squeeze3A_827 = vector.extract %slice3A_826[0] : i32 from vector<1xi32>
        %get3A_828 = arith.index_cast %squeeze3A_821 : i32 to index
        %get3A_829 = arith.constant 0 : index
        %get3A_830 = tpu.vector_load %arg8[%get3A_828, %get3A_829] {strides = array<i32>} : memref<512x32xf32, #tpu.memory_space<vmem>>, vector<16xf32>,
        %get3A_831 = arith.index_cast %squeeze3A_823 : i32 to index
        %get3A_832 = arith.constant 0 : index
        %get3A_833 = tpu.vector_load %arg9[%get3A_831, %get3A_832] {strides = array<i32>} : memref<1024x32xf32, #tpu.memory_space<vmem>>, vector<16xf32>,
        %get3A_834 = arith.index_cast %squeeze3A_825 : i32 to index
        %get3A_835 = arith.constant 0 : index
        %get3A_836 = tpu.vector_load %arg9[%get3A_834, %get3A_835] {strides = array<i32>} : memref<1024x32xf32, #tpu.memory_space<vmem>>, vector<16xf32>,
        %add3A_837 = arith.addf %get3A_833, %get3A_836 : vector<16xf32>
        %get3A_838 = arith.index_cast %squeeze3A_827 : i32 to index
        %get3A_839 = arith.constant 0 : index
        %get3A_840 = tpu.vector_load %arg9[%get3A_838, %get3A_839] {strides = array<i32>} : memref<1024x32xf32, #tpu.memory_space<vmem>>, vector<16xf32>,
        %add3A_841 = arith.addf %add3A_837, %get3A_840 : vector<16xf32>
        %mul3A_842 = vector.broadcast %scan3A_62 : f32 to vector<16xf32>
        %mul3A_843 = arith.mulf %mul3A_842, %add3A_841 : vector<16xf32>
        %add3A_844 = arith.addf %get3A_830, %mul3A_843 : vector<16xf32>
        %get3A_845 = arith.index_cast %squeeze3A_821 : i32 to index
        %get3A_846 = arith.constant 16 : index
        %get3A_847 = tpu.vector_load %arg8[%get3A_845, %get3A_846] {strides = array<i32>} : memref<512x32xf32, #tpu.memory_space<vmem>>, vector<16xf32>,
        %get3A_848 = arith.index_cast %squeeze3A_823 : i32 to index
        %get3A_849 = arith.constant 16 : index
        %get3A_850 = tpu.vector_load %arg9[%get3A_848, %get3A_849] {strides = array<i32>} : memref<1024x32xf32, #tpu.memory_space<vmem>>, vector<16xf32>,
        %get3A_851 = arith.index_cast %squeeze3A_825 : i32 to index
        %get3A_852 = arith.constant 16 : index
        %get3A_853 = tpu.vector_load %arg9[%get3A_851, %get3A_852] {strides = array<i32>} : memref<1024x32xf32, #tpu.memory_space<vmem>>, vector<16xf32>,
        %add3A_854 = arith.addf %get3A_850, %get3A_853 : vector<16xf32>
        %get3A_855 = arith.index_cast %squeeze3A_827 : i32 to index
        %get3A_856 = arith.constant 16 : index
        %get3A_857 = tpu.vector_load %arg9[%get3A_855, %get3A_856] {strides = array<i32>} : memref<1024x32xf32, #tpu.memory_space<vmem>>, vector<16xf32>,
        %add3A_858 = arith.addf %add3A_854, %get3A_857 : vector<16xf32>
        %mul3A_859 = vector.broadcast %scan3A_62 : f32 to vector<16xf32>
        %mul3A_860 = arith.mulf %mul3A_859, %add3A_858 : vector<16xf32>
        %add3A_861 = arith.addf %get3A_847, %mul3A_860 : vector<16xf32>
        %swap3A_862 = arith.constant 1 : i32
        %swap3A_863 = arith.index_cast %rem3A_120 : i32 to index
        %swap3A_864 = arith.index_cast %swap3A_862 : i32 to index
        %swap3A_865 = arith.index_cast %add3A_819 : i32 to index
        %swap3A_866 = arith.constant 0 : index
        %swap3A_867 = tpu.vector_load %arg13[%swap3A_863, %swap3A_864, %swap3A_865, %swap3A_866] {strides = array<i32>} : memref<2x3x256x32xf32, #tpu.memory_space<vmem>>, vector<16xf32>,
        tpu.vector_store %arg13[%swap3A_863, %swap3A_864, %swap3A_865, %swap3A_866], %add3A_844 {strides = array<i32>} : memref<2x3x256x32xf32, #tpu.memory_space<vmem>>, vector<16xf32>,
        %swap3A_868 = arith.constant 1 : i32
        %swap3A_869 = arith.index_cast %rem3A_120 : i32 to index
        %swap3A_870 = arith.index_cast %swap3A_868 : i32 to index
        %swap3A_871 = arith.index_cast %add3A_819 : i32 to index
        %swap3A_872 = arith.constant 16 : index
        %swap3A_873 = tpu.vector_load %arg13[%swap3A_869, %swap3A_870, %swap3A_871, %swap3A_872] {strides = array<i32>} : memref<2x3x256x32xf32, #tpu.memory_space<vmem>>, vector<16xf32>,
        tpu.vector_store %arg13[%swap3A_869, %swap3A_870, %swap3A_871, %swap3A_872], %add3A_861 {strides = array<i32>} : memref<2x3x256x32xf32, #tpu.memory_space<vmem>>, vector<16xf32>,
        %add3A_874 = arith.constant 10 : i32
        %add3A_875 = arith.addi %mul3A_273, %add3A_874 : i32
        %slice3A_876 = vector.extract_strided_slice %gather3A_285 {offsets = [10], sizes = [1], strides = [1]} : vector<16xi32> to vector<1xi32>
        %squeeze3A_877 = vector.extract %slice3A_876[0] : i32 from vector<1xi32>
        %slice3A_878 = vector.extract_strided_slice %gather3A_301 {offsets = [10], sizes = [1], strides = [1]} : vector<16xi32> to vector<1xi32>
        %squeeze3A_879 = vector.extract %slice3A_878[0] : i32 from vector<1xi32>
        %slice3A_880 = vector.extract_strided_slice %gather3A_308 {offsets = [10], sizes = [1], strides = [1]} : vector<16xi32> to vector<1xi32>
        %squeeze3A_881 = vector.extract %slice3A_880[0] : i32 from vector<1xi32>
        %slice3A_882 = vector.extract_strided_slice %gather3A_315 {offsets = [10], sizes = [1], strides = [1]} : vector<16xi32> to vector<1xi32>
        %squeeze3A_883 = vector.extract %slice3A_882[0] : i32 from vector<1xi32>
        %get3A_884 = arith.index_cast %squeeze3A_877 : i32 to index
        %get3A_885 = arith.constant 0 : index
        %get3A_886 = tpu.vector_load %arg8[%get3A_884, %get3A_885] {strides = array<i32>} : memref<512x32xf32, #tpu.memory_space<vmem>>, vector<16xf32>,
        %get3A_887 = arith.index_cast %squeeze3A_879 : i32 to index
        %get3A_888 = arith.constant 0 : index
        %get3A_889 = tpu.vector_load %arg9[%get3A_887, %get3A_888] {strides = array<i32>} : memref<1024x32xf32, #tpu.memory_space<vmem>>, vector<16xf32>,
        %get3A_890 = arith.index_cast %squeeze3A_881 : i32 to index
        %get3A_891 = arith.constant 0 : index
        %get3A_892 = tpu.vector_load %arg9[%get3A_890, %get3A_891] {strides = array<i32>} : memref<1024x32xf32, #tpu.memory_space<vmem>>, vector<16xf32>,
        %add3A_893 = arith.addf %get3A_889, %get3A_892 : vector<16xf32>
        %get3A_894 = arith.index_cast %squeeze3A_883 : i32 to index
        %get3A_895 = arith.constant 0 : index
        %get3A_896 = tpu.vector_load %arg9[%get3A_894, %get3A_895] {strides = array<i32>} : memref<1024x32xf32, #tpu.memory_space<vmem>>, vector<16xf32>,
        %add3A_897 = arith.addf %add3A_893, %get3A_896 : vector<16xf32>
        %mul3A_898 = vector.broadcast %scan3A_62 : f32 to vector<16xf32>
        %mul3A_899 = arith.mulf %mul3A_898, %add3A_897 : vector<16xf32>
        %add3A_900 = arith.addf %get3A_886, %mul3A_899 : vector<16xf32>
        %get3A_901 = arith.index_cast %squeeze3A_877 : i32 to index
        %get3A_902 = arith.constant 16 : index
        %get3A_903 = tpu.vector_load %arg8[%get3A_901, %get3A_902] {strides = array<i32>} : memref<512x32xf32, #tpu.memory_space<vmem>>, vector<16xf32>,
        %get3A_904 = arith.index_cast %squeeze3A_879 : i32 to index
        %get3A_905 = arith.constant 16 : index
        %get3A_906 = tpu.vector_load %arg9[%get3A_904, %get3A_905] {strides = array<i32>} : memref<1024x32xf32, #tpu.memory_space<vmem>>, vector<16xf32>,
        %get3A_907 = arith.index_cast %squeeze3A_881 : i32 to index
        %get3A_908 = arith.constant 16 : index
        %get3A_909 = tpu.vector_load %arg9[%get3A_907, %get3A_908] {strides = array<i32>} : memref<1024x32xf32, #tpu.memory_space<vmem>>, vector<16xf32>,
        %add3A_910 = arith.addf %get3A_906, %get3A_909 : vector<16xf32>
        %get3A_911 = arith.index_cast %squeeze3A_883 : i32 to index
        %get3A_912 = arith.constant 16 : index
        %get3A_913 = tpu.vector_load %arg9[%get3A_911, %get3A_912] {strides = array<i32>} : memref<1024x32xf32, #tpu.memory_space<vmem>>, vector<16xf32>,
        %add3A_914 = arith.addf %add3A_910, %get3A_913 : vector<16xf32>
        %mul3A_915 = vector.broadcast %scan3A_62 : f32 to vector<16xf32>
        %mul3A_916 = arith.mulf %mul3A_915, %add3A_914 : vector<16xf32>
        %add3A_917 = arith.addf %get3A_903, %mul3A_916 : vector<16xf32>
        %swap3A_918 = arith.constant 1 : i32
        %swap3A_919 = arith.index_cast %rem3A_120 : i32 to index
        %swap3A_920 = arith.index_cast %swap3A_918 : i32 to index
        %swap3A_921 = arith.index_cast %add3A_875 : i32 to index
        %swap3A_922 = arith.constant 0 : index
        %swap3A_923 = tpu.vector_load %arg13[%swap3A_919, %swap3A_920, %swap3A_921, %swap3A_922] {strides = array<i32>} : memref<2x3x256x32xf32, #tpu.memory_space<vmem>>, vector<16xf32>,
        tpu.vector_store %arg13[%swap3A_919, %swap3A_920, %swap3A_921, %swap3A_922], %add3A_900 {strides = array<i32>} : memref<2x3x256x32xf32, #tpu.memory_space<vmem>>, vector<16xf32>,
        %swap3A_924 = arith.constant 1 : i32
        %swap3A_925 = arith.index_cast %rem3A_120 : i32 to index
        %swap3A_926 = arith.index_cast %swap3A_924 : i32 to index
        %swap3A_927 = arith.index_cast %add3A_875 : i32 to index
        %swap3A_928 = arith.constant 16 : index
        %swap3A_929 = tpu.vector_load %arg13[%swap3A_925, %swap3A_926, %swap3A_927, %swap3A_928] {strides = array<i32>} : memref<2x3x256x32xf32, #tpu.memory_space<vmem>>, vector<16xf32>,
        tpu.vector_store %arg13[%swap3A_925, %swap3A_926, %swap3A_927, %swap3A_928], %add3A_917 {strides = array<i32>} : memref<2x3x256x32xf32, #tpu.memory_space<vmem>>, vector<16xf32>,
        %add3A_930 = arith.constant 11 : i32
        %add3A_931 = arith.addi %mul3A_273, %add3A_930 : i32
        %slice3A_932 = vector.extract_strided_slice %gather3A_285 {offsets = [11], sizes = [1], strides = [1]} : vector<16xi32> to vector<1xi32>
        %squeeze3A_933 = vector.extract %slice3A_932[0] : i32 from vector<1xi32>
        %slice3A_934 = vector.extract_strided_slice %gather3A_301 {offsets = [11], sizes = [1], strides = [1]} : vector<16xi32> to vector<1xi32>
        %squeeze3A_935 = vector.extract %slice3A_934[0] : i32 from vector<1xi32>
        %slice3A_936 = vector.extract_strided_slice %gather3A_308 {offsets = [11], sizes = [1], strides = [1]} : vector<16xi32> to vector<1xi32>
        %squeeze3A_937 = vector.extract %slice3A_936[0] : i32 from vector<1xi32>
        %slice3A_938 = vector.extract_strided_slice %gather3A_315 {offsets = [11], sizes = [1], strides = [1]} : vector<16xi32> to vector<1xi32>
        %squeeze3A_939 = vector.extract %slice3A_938[0] : i32 from vector<1xi32>
        %get3A_940 = arith.index_cast %squeeze3A_933 : i32 to index
        %get3A_941 = arith.constant 0 : index
        %get3A_942 = tpu.vector_load %arg8[%get3A_940, %get3A_941] {strides = array<i32>} : memref<512x32xf32, #tpu.memory_space<vmem>>, vector<16xf32>,
        %get3A_943 = arith.index_cast %squeeze3A_935 : i32 to index
        %get3A_944 = arith.constant 0 : index
        %get3A_945 = tpu.vector_load %arg9[%get3A_943, %get3A_944] {strides = array<i32>} : memref<1024x32xf32, #tpu.memory_space<vmem>>, vector<16xf32>,
        %get3A_946 = arith.index_cast %squeeze3A_937 : i32 to index
        %get3A_947 = arith.constant 0 : index
        %get3A_948 = tpu.vector_load %arg9[%get3A_946, %get3A_947] {strides = array<i32>} : memref<1024x32xf32, #tpu.memory_space<vmem>>, vector<16xf32>,
        %add3A_949 = arith.addf %get3A_945, %get3A_948 : vector<16xf32>
        %get3A_950 = arith.index_cast %squeeze3A_939 : i32 to index
        %get3A_951 = arith.constant 0 : index
        %get3A_952 = tpu.vector_load %arg9[%get3A_950, %get3A_951] {strides = array<i32>} : memref<1024x32xf32, #tpu.memory_space<vmem>>, vector<16xf32>,
        %add3A_953 = arith.addf %add3A_949, %get3A_952 : vector<16xf32>
        %mul3A_954 = vector.broadcast %scan3A_62 : f32 to vector<16xf32>
        %mul3A_955 = arith.mulf %mul3A_954, %add3A_953 : vector<16xf32>
        %add3A_956 = arith.addf %get3A_942, %mul3A_955 : vector<16xf32>
        %get3A_957 = arith.index_cast %squeeze3A_933 : i32 to index
        %get3A_958 = arith.constant 16 : index
        %get3A_959 = tpu.vector_load %arg8[%get3A_957, %get3A_958] {strides = array<i32>} : memref<512x32xf32, #tpu.memory_space<vmem>>, vector<16xf32>,
        %get3A_960 = arith.index_cast %squeeze3A_935 : i32 to index
        %get3A_961 = arith.constant 16 : index
        %get3A_962 = tpu.vector_load %arg9[%get3A_960, %get3A_961] {strides = array<i32>} : memref<1024x32xf32, #tpu.memory_space<vmem>>, vector<16xf32>,
        %get3A_963 = arith.index_cast %squeeze3A_937 : i32 to index
        %get3A_964 = arith.constant 16 : index
        %get3A_965 = tpu.vector_load %arg9[%get3A_963, %get3A_964] {strides = array<i32>} : memref<1024x32xf32, #tpu.memory_space<vmem>>, vector<16xf32>,
        %add3A_966 = arith.addf %get3A_962, %get3A_965 : vector<16xf32>
        %get3A_967 = arith.index_cast %squeeze3A_939 : i32 to index
        %get3A_968 = arith.constant 16 : index
        %get3A_969 = tpu.vector_load %arg9[%get3A_967, %get3A_968] {strides = array<i32>} : memref<1024x32xf32, #tpu.memory_space<vmem>>, vector<16xf32>,
        %add3A_970 = arith.addf %add3A_966, %get3A_969 : vector<16xf32>
        %mul3A_971 = vector.broadcast %scan3A_62 : f32 to vector<16xf32>
        %mul3A_972 = arith.mulf %mul3A_971, %add3A_970 : vector<16xf32>
        %add3A_973 = arith.addf %get3A_959, %mul3A_972 : vector<16xf32>
        %swap3A_974 = arith.constant 1 : i32
        %swap3A_975 = arith.index_cast %rem3A_120 : i32 to index
        %swap3A_976 = arith.index_cast %swap3A_974 : i32 to index
        %swap3A_977 = arith.index_cast %add3A_931 : i32 to index
        %swap3A_978 = arith.constant 0 : index
        %swap3A_979 = tpu.vector_load %arg13[%swap3A_975, %swap3A_976, %swap3A_977, %swap3A_978] {strides = array<i32>} : memref<2x3x256x32xf32, #tpu.memory_space<vmem>>, vector<16xf32>,
        tpu.vector_store %arg13[%swap3A_975, %swap3A_976, %swap3A_977, %swap3A_978], %add3A_956 {strides = array<i32>} : memref<2x3x256x32xf32, #tpu.memory_space<vmem>>, vector<16xf32>,
        %swap3A_980 = arith.constant 1 : i32
        %swap3A_981 = arith.index_cast %rem3A_120 : i32 to index
        %swap3A_982 = arith.index_cast %swap3A_980 : i32 to index
        %swap3A_983 = arith.index_cast %add3A_931 : i32 to index
        %swap3A_984 = arith.constant 16 : index
        %swap3A_985 = tpu.vector_load %arg13[%swap3A_981, %swap3A_982, %swap3A_983, %swap3A_984] {strides = array<i32>} : memref<2x3x256x32xf32, #tpu.memory_space<vmem>>, vector<16xf32>,
        tpu.vector_store %arg13[%swap3A_981, %swap3A_982, %swap3A_983, %swap3A_984], %add3A_973 {strides = array<i32>} : memref<2x3x256x32xf32, #tpu.memory_space<vmem>>, vector<16xf32>,
        %add3A_986 = arith.constant 12 : i32
        %add3A_987 = arith.addi %mul3A_273, %add3A_986 : i32
        %slice3A_988 = vector.extract_strided_slice %gather3A_285 {offsets = [12], sizes = [1], strides = [1]} : vector<16xi32> to vector<1xi32>
        %squeeze3A_989 = vector.extract %slice3A_988[0] : i32 from vector<1xi32>
        %slice3A_990 = vector.extract_strided_slice %gather3A_301 {offsets = [12], sizes = [1], strides = [1]} : vector<16xi32> to vector<1xi32>
        %squeeze3A_991 = vector.extract %slice3A_990[0] : i32 from vector<1xi32>
        %slice3A_992 = vector.extract_strided_slice %gather3A_308 {offsets = [12], sizes = [1], strides = [1]} : vector<16xi32> to vector<1xi32>
        %squeeze3A_993 = vector.extract %slice3A_992[0] : i32 from vector<1xi32>
        %slice3A_994 = vector.extract_strided_slice %gather3A_315 {offsets = [12], sizes = [1], strides = [1]} : vector<16xi32> to vector<1xi32>
        %squeeze3A_995 = vector.extract %slice3A_994[0] : i32 from vector<1xi32>
        %get3A_996 = arith.index_cast %squeeze3A_989 : i32 to index
        %get3A_997 = arith.constant 0 : index
        %get3A_998 = tpu.vector_load %arg8[%get3A_996, %get3A_997] {strides = array<i32>} : memref<512x32xf32, #tpu.memory_space<vmem>>, vector<16xf32>,
        %get3A_999 = arith.index_cast %squeeze3A_991 : i32 to index
        %get3A_1000 = arith.constant 0 : index
        %get3A_1001 = tpu.vector_load %arg9[%get3A_999, %get3A_1000] {strides = array<i32>} : memref<1024x32xf32, #tpu.memory_space<vmem>>, vector<16xf32>,
        %get3A_1002 = arith.index_cast %squeeze3A_993 : i32 to index
        %get3A_1003 = arith.constant 0 : index
        %get3A_1004 = tpu.vector_load %arg9[%get3A_1002, %get3A_1003] {strides = array<i32>} : memref<1024x32xf32, #tpu.memory_space<vmem>>, vector<16xf32>,
        %add3A_1005 = arith.addf %get3A_1001, %get3A_1004 : vector<16xf32>
        %get3A_1006 = arith.index_cast %squeeze3A_995 : i32 to index
        %get3A_1007 = arith.constant 0 : index
        %get3A_1008 = tpu.vector_load %arg9[%get3A_1006, %get3A_1007] {strides = array<i32>} : memref<1024x32xf32, #tpu.memory_space<vmem>>, vector<16xf32>,
        %add3A_1009 = arith.addf %add3A_1005, %get3A_1008 : vector<16xf32>
        %mul3A_1010 = vector.broadcast %scan3A_62 : f32 to vector<16xf32>
        %mul3A_1011 = arith.mulf %mul3A_1010, %add3A_1009 : vector<16xf32>
        %add3A_1012 = arith.addf %get3A_998, %mul3A_1011 : vector<16xf32>
        %get3A_1013 = arith.index_cast %squeeze3A_989 : i32 to index
        %get3A_1014 = arith.constant 16 : index
        %get3A_1015 = tpu.vector_load %arg8[%get3A_1013, %get3A_1014] {strides = array<i32>} : memref<512x32xf32, #tpu.memory_space<vmem>>, vector<16xf32>,
        %get3A_1016 = arith.index_cast %squeeze3A_991 : i32 to index
        %get3A_1017 = arith.constant 16 : index
        %get3A_1018 = tpu.vector_load %arg9[%get3A_1016, %get3A_1017] {strides = array<i32>} : memref<1024x32xf32, #tpu.memory_space<vmem>>, vector<16xf32>,
        %get3A_1019 = arith.index_cast %squeeze3A_993 : i32 to index
        %get3A_1020 = arith.constant 16 : index
        %get3A_1021 = tpu.vector_load %arg9[%get3A_1019, %get3A_1020] {strides = array<i32>} : memref<1024x32xf32, #tpu.memory_space<vmem>>, vector<16xf32>,
        %add3A_1022 = arith.addf %get3A_1018, %get3A_1021 : vector<16xf32>
        %get3A_1023 = arith.index_cast %squeeze3A_995 : i32 to index
        %get3A_1024 = arith.constant 16 : index
        %get3A_1025 = tpu.vector_load %arg9[%get3A_1023, %get3A_1024] {strides = array<i32>} : memref<1024x32xf32, #tpu.memory_space<vmem>>, vector<16xf32>,
        %add3A_1026 = arith.addf %add3A_1022, %get3A_1025 : vector<16xf32>
        %mul3A_1027 = vector.broadcast %scan3A_62 : f32 to vector<16xf32>
        %mul3A_1028 = arith.mulf %mul3A_1027, %add3A_1026 : vector<16xf32>
        %add3A_1029 = arith.addf %get3A_1015, %mul3A_1028 : vector<16xf32>
        %swap3A_1030 = arith.constant 1 : i32
        %swap3A_1031 = arith.index_cast %rem3A_120 : i32 to index
        %swap3A_1032 = arith.index_cast %swap3A_1030 : i32 to index
        %swap3A_1033 = arith.index_cast %add3A_987 : i32 to index
        %swap3A_1034 = arith.constant 0 : index
        %swap3A_1035 = tpu.vector_load %arg13[%swap3A_1031, %swap3A_1032, %swap3A_1033, %swap3A_1034] {strides = array<i32>} : memref<2x3x256x32xf32, #tpu.memory_space<vmem>>, vector<16xf32>,
        tpu.vector_store %arg13[%swap3A_1031, %swap3A_1032, %swap3A_1033, %swap3A_1034], %add3A_1012 {strides = array<i32>} : memref<2x3x256x32xf32, #tpu.memory_space<vmem>>, vector<16xf32>,
        %swap3A_1036 = arith.constant 1 : i32
        %swap3A_1037 = arith.index_cast %rem3A_120 : i32 to index
        %swap3A_1038 = arith.index_cast %swap3A_1036 : i32 to index
        %swap3A_1039 = arith.index_cast %add3A_987 : i32 to index
        %swap3A_1040 = arith.constant 16 : index
        %swap3A_1041 = tpu.vector_load %arg13[%swap3A_1037, %swap3A_1038, %swap3A_1039, %swap3A_1040] {strides = array<i32>} : memref<2x3x256x32xf32, #tpu.memory_space<vmem>>, vector<16xf32>,
        tpu.vector_store %arg13[%swap3A_1037, %swap3A_1038, %swap3A_1039, %swap3A_1040], %add3A_1029 {strides = array<i32>} : memref<2x3x256x32xf32, #tpu.memory_space<vmem>>, vector<16xf32>,
        %add3A_1042 = arith.constant 13 : i32
        %add3A_1043 = arith.addi %mul3A_273, %add3A_1042 : i32
        %slice3A_1044 = vector.extract_strided_slice %gather3A_285 {offsets = [13], sizes = [1], strides = [1]} : vector<16xi32> to vector<1xi32>
        %squeeze3A_1045 = vector.extract %slice3A_1044[0] : i32 from vector<1xi32>
        %slice3A_1046 = vector.extract_strided_slice %gather3A_301 {offsets = [13], sizes = [1], strides = [1]} : vector<16xi32> to vector<1xi32>
        %squeeze3A_1047 = vector.extract %slice3A_1046[0] : i32 from vector<1xi32>
        %slice3A_1048 = vector.extract_strided_slice %gather3A_308 {offsets = [13], sizes = [1], strides = [1]} : vector<16xi32> to vector<1xi32>
        %squeeze3A_1049 = vector.extract %slice3A_1048[0] : i32 from vector<1xi32>
        %slice3A_1050 = vector.extract_strided_slice %gather3A_315 {offsets = [13], sizes = [1], strides = [1]} : vector<16xi32> to vector<1xi32>
        %squeeze3A_1051 = vector.extract %slice3A_1050[0] : i32 from vector<1xi32>
        %get3A_1052 = arith.index_cast %squeeze3A_1045 : i32 to index
        %get3A_1053 = arith.constant 0 : index
        %get3A_1054 = tpu.vector_load %arg8[%get3A_1052, %get3A_1053] {strides = array<i32>} : memref<512x32xf32, #tpu.memory_space<vmem>>, vector<16xf32>,
        %get3A_1055 = arith.index_cast %squeeze3A_1047 : i32 to index
        %get3A_1056 = arith.constant 0 : index
        %get3A_1057 = tpu.vector_load %arg9[%get3A_1055, %get3A_1056] {strides = array<i32>} : memref<1024x32xf32, #tpu.memory_space<vmem>>, vector<16xf32>,
        %get3A_1058 = arith.index_cast %squeeze3A_1049 : i32 to index
        %get3A_1059 = arith.constant 0 : index
        %get3A_1060 = tpu.vector_load %arg9[%get3A_1058, %get3A_1059] {strides = array<i32>} : memref<1024x32xf32, #tpu.memory_space<vmem>>, vector<16xf32>,
        %add3A_1061 = arith.addf %get3A_1057, %get3A_1060 : vector<16xf32>
        %get3A_1062 = arith.index_cast %squeeze3A_1051 : i32 to index
        %get3A_1063 = arith.constant 0 : index
        %get3A_1064 = tpu.vector_load %arg9[%get3A_1062, %get3A_1063] {strides = array<i32>} : memref<1024x32xf32, #tpu.memory_space<vmem>>, vector<16xf32>,
        %add3A_1065 = arith.addf %add3A_1061, %get3A_1064 : vector<16xf32>
        %mul3A_1066 = vector.broadcast %scan3A_62 : f32 to vector<16xf32>
        %mul3A_1067 = arith.mulf %mul3A_1066, %add3A_1065 : vector<16xf32>
        %add3A_1068 = arith.addf %get3A_1054, %mul3A_1067 : vector<16xf32>
        %get3A_1069 = arith.index_cast %squeeze3A_1045 : i32 to index
        %get3A_1070 = arith.constant 16 : index
        %get3A_1071 = tpu.vector_load %arg8[%get3A_1069, %get3A_1070] {strides = array<i32>} : memref<512x32xf32, #tpu.memory_space<vmem>>, vector<16xf32>,
        %get3A_1072 = arith.index_cast %squeeze3A_1047 : i32 to index
        %get3A_1073 = arith.constant 16 : index
        %get3A_1074 = tpu.vector_load %arg9[%get3A_1072, %get3A_1073] {strides = array<i32>} : memref<1024x32xf32, #tpu.memory_space<vmem>>, vector<16xf32>,
        %get3A_1075 = arith.index_cast %squeeze3A_1049 : i32 to index
        %get3A_1076 = arith.constant 16 : index
        %get3A_1077 = tpu.vector_load %arg9[%get3A_1075, %get3A_1076] {strides = array<i32>} : memref<1024x32xf32, #tpu.memory_space<vmem>>, vector<16xf32>,
        %add3A_1078 = arith.addf %get3A_1074, %get3A_1077 : vector<16xf32>
        %get3A_1079 = arith.index_cast %squeeze3A_1051 : i32 to index
        %get3A_1080 = arith.constant 16 : index
        %get3A_1081 = tpu.vector_load %arg9[%get3A_1079, %get3A_1080] {strides = array<i32>} : memref<1024x32xf32, #tpu.memory_space<vmem>>, vector<16xf32>,
        %add3A_1082 = arith.addf %add3A_1078, %get3A_1081 : vector<16xf32>
        %mul3A_1083 = vector.broadcast %scan3A_62 : f32 to vector<16xf32>
        %mul3A_1084 = arith.mulf %mul3A_1083, %add3A_1082 : vector<16xf32>
        %add3A_1085 = arith.addf %get3A_1071, %mul3A_1084 : vector<16xf32>
        %swap3A_1086 = arith.constant 1 : i32
        %swap3A_1087 = arith.index_cast %rem3A_120 : i32 to index
        %swap3A_1088 = arith.index_cast %swap3A_1086 : i32 to index
        %swap3A_1089 = arith.index_cast %add3A_1043 : i32 to index
        %swap3A_1090 = arith.constant 0 : index
        %swap3A_1091 = tpu.vector_load %arg13[%swap3A_1087, %swap3A_1088, %swap3A_1089, %swap3A_1090] {strides = array<i32>} : memref<2x3x256x32xf32, #tpu.memory_space<vmem>>, vector<16xf32>,
        tpu.vector_store %arg13[%swap3A_1087, %swap3A_1088, %swap3A_1089, %swap3A_1090], %add3A_1068 {strides = array<i32>} : memref<2x3x256x32xf32, #tpu.memory_space<vmem>>, vector<16xf32>,
        %swap3A_1092 = arith.constant 1 : i32
        %swap3A_1093 = arith.index_cast %rem3A_120 : i32 to index
        %swap3A_1094 = arith.index_cast %swap3A_1092 : i32 to index
        %swap3A_1095 = arith.index_cast %add3A_1043 : i32 to index
        %swap3A_1096 = arith.constant 16 : index
        %swap3A_1097 = tpu.vector_load %arg13[%swap3A_1093, %swap3A_1094, %swap3A_1095, %swap3A_1096] {strides = array<i32>} : memref<2x3x256x32xf32, #tpu.memory_space<vmem>>, vector<16xf32>,
        tpu.vector_store %arg13[%swap3A_1093, %swap3A_1094, %swap3A_1095, %swap3A_1096], %add3A_1085 {strides = array<i32>} : memref<2x3x256x32xf32, #tpu.memory_space<vmem>>, vector<16xf32>,
        %add3A_1098 = arith.constant 14 : i32
        %add3A_1099 = arith.addi %mul3A_273, %add3A_1098 : i32
        %slice3A_1100 = vector.extract_strided_slice %gather3A_285 {offsets = [14], sizes = [1], strides = [1]} : vector<16xi32> to vector<1xi32>
        %squeeze3A_1101 = vector.extract %slice3A_1100[0] : i32 from vector<1xi32>
        %slice3A_1102 = vector.extract_strided_slice %gather3A_301 {offsets = [14], sizes = [1], strides = [1]} : vector<16xi32> to vector<1xi32>
        %squeeze3A_1103 = vector.extract %slice3A_1102[0] : i32 from vector<1xi32>
        %slice3A_1104 = vector.extract_strided_slice %gather3A_308 {offsets = [14], sizes = [1], strides = [1]} : vector<16xi32> to vector<1xi32>
        %squeeze3A_1105 = vector.extract %slice3A_1104[0] : i32 from vector<1xi32>
        %slice3A_1106 = vector.extract_strided_slice %gather3A_315 {offsets = [14], sizes = [1], strides = [1]} : vector<16xi32> to vector<1xi32>
        %squeeze3A_1107 = vector.extract %slice3A_1106[0] : i32 from vector<1xi32>
        %get3A_1108 = arith.index_cast %squeeze3A_1101 : i32 to index
        %get3A_1109 = arith.constant 0 : index
        %get3A_1110 = tpu.vector_load %arg8[%get3A_1108, %get3A_1109] {strides = array<i32>} : memref<512x32xf32, #tpu.memory_space<vmem>>, vector<16xf32>,
        %get3A_1111 = arith.index_cast %squeeze3A_1103 : i32 to index
        %get3A_1112 = arith.constant 0 : index
        %get3A_1113 = tpu.vector_load %arg9[%get3A_1111, %get3A_1112] {strides = array<i32>} : memref<1024x32xf32, #tpu.memory_space<vmem>>, vector<16xf32>,
        %get3A_1114 = arith.index_cast %squeeze3A_1105 : i32 to index
        %get3A_1115 = arith.constant 0 : index
        %get3A_1116 = tpu.vector_load %arg9[%get3A_1114, %get3A_1115] {strides = array<i32>} : memref<1024x32xf32, #tpu.memory_space<vmem>>, vector<16xf32>,
        %add3A_1117 = arith.addf %get3A_1113, %get3A_1116 : vector<16xf32>
        %get3A_1118 = arith.index_cast %squeeze3A_1107 : i32 to index
        %get3A_1119 = arith.constant 0 : index
        %get3A_1120 = tpu.vector_load %arg9[%get3A_1118, %get3A_1119] {strides = array<i32>} : memref<1024x32xf32, #tpu.memory_space<vmem>>, vector<16xf32>,
        %add3A_1121 = arith.addf %add3A_1117, %get3A_1120 : vector<16xf32>
        %mul3A_1122 = vector.broadcast %scan3A_62 : f32 to vector<16xf32>
        %mul3A_1123 = arith.mulf %mul3A_1122, %add3A_1121 : vector<16xf32>
        %add3A_1124 = arith.addf %get3A_1110, %mul3A_1123 : vector<16xf32>
        %get3A_1125 = arith.index_cast %squeeze3A_1101 : i32 to index
        %get3A_1126 = arith.constant 16 : index
        %get3A_1127 = tpu.vector_load %arg8[%get3A_1125, %get3A_1126] {strides = array<i32>} : memref<512x32xf32, #tpu.memory_space<vmem>>, vector<16xf32>,
        %get3A_1128 = arith.index_cast %squeeze3A_1103 : i32 to index
        %get3A_1129 = arith.constant 16 : index
        %get3A_1130 = tpu.vector_load %arg9[%get3A_1128, %get3A_1129] {strides = array<i32>} : memref<1024x32xf32, #tpu.memory_space<vmem>>, vector<16xf32>,
        %get3A_1131 = arith.index_cast %squeeze3A_1105 : i32 to index
        %get3A_1132 = arith.constant 16 : index
        %get3A_1133 = tpu.vector_load %arg9[%get3A_1131, %get3A_1132] {strides = array<i32>} : memref<1024x32xf32, #tpu.memory_space<vmem>>, vector<16xf32>,
        %add3A_1134 = arith.addf %get3A_1130, %get3A_1133 : vector<16xf32>
        %get3A_1135 = arith.index_cast %squeeze3A_1107 : i32 to index
        %get3A_1136 = arith.constant 16 : index
        %get3A_1137 = tpu.vector_load %arg9[%get3A_1135, %get3A_1136] {strides = array<i32>} : memref<1024x32xf32, #tpu.memory_space<vmem>>, vector<16xf32>,
        %add3A_1138 = arith.addf %add3A_1134, %get3A_1137 : vector<16xf32>
        %mul3A_1139 = vector.broadcast %scan3A_62 : f32 to vector<16xf32>
        %mul3A_1140 = arith.mulf %mul3A_1139, %add3A_1138 : vector<16xf32>
        %add3A_1141 = arith.addf %get3A_1127, %mul3A_1140 : vector<16xf32>
        %swap3A_1142 = arith.constant 1 : i32
        %swap3A_1143 = arith.index_cast %rem3A_120 : i32 to index
        %swap3A_1144 = arith.index_cast %swap3A_1142 : i32 to index
        %swap3A_1145 = arith.index_cast %add3A_1099 : i32 to index
        %swap3A_1146 = arith.constant 0 : index
        %swap3A_1147 = tpu.vector_load %arg13[%swap3A_1143, %swap3A_1144, %swap3A_1145, %swap3A_1146] {strides = array<i32>} : memref<2x3x256x32xf32, #tpu.memory_space<vmem>>, vector<16xf32>,
        tpu.vector_store %arg13[%swap3A_1143, %swap3A_1144, %swap3A_1145, %swap3A_1146], %add3A_1124 {strides = array<i32>} : memref<2x3x256x32xf32, #tpu.memory_space<vmem>>, vector<16xf32>,
        %swap3A_1148 = arith.constant 1 : i32
        %swap3A_1149 = arith.index_cast %rem3A_120 : i32 to index
        %swap3A_1150 = arith.index_cast %swap3A_1148 : i32 to index
        %swap3A_1151 = arith.index_cast %add3A_1099 : i32 to index
        %swap3A_1152 = arith.constant 16 : index
        %swap3A_1153 = tpu.vector_load %arg13[%swap3A_1149, %swap3A_1150, %swap3A_1151, %swap3A_1152] {strides = array<i32>} : memref<2x3x256x32xf32, #tpu.memory_space<vmem>>, vector<16xf32>,
        tpu.vector_store %arg13[%swap3A_1149, %swap3A_1150, %swap3A_1151, %swap3A_1152], %add3A_1141 {strides = array<i32>} : memref<2x3x256x32xf32, #tpu.memory_space<vmem>>, vector<16xf32>,
        %add3A_1154 = arith.constant 15 : i32
        %add3A_1155 = arith.addi %mul3A_273, %add3A_1154 : i32
        %slice3A_1156 = vector.extract_strided_slice %gather3A_285 {offsets = [15], sizes = [1], strides = [1]} : vector<16xi32> to vector<1xi32>
        %squeeze3A_1157 = vector.extract %slice3A_1156[0] : i32 from vector<1xi32>
        %slice3A_1158 = vector.extract_strided_slice %gather3A_301 {offsets = [15], sizes = [1], strides = [1]} : vector<16xi32> to vector<1xi32>
        %squeeze3A_1159 = vector.extract %slice3A_1158[0] : i32 from vector<1xi32>
        %slice3A_1160 = vector.extract_strided_slice %gather3A_308 {offsets = [15], sizes = [1], strides = [1]} : vector<16xi32> to vector<1xi32>
        %squeeze3A_1161 = vector.extract %slice3A_1160[0] : i32 from vector<1xi32>
        %slice3A_1162 = vector.extract_strided_slice %gather3A_315 {offsets = [15], sizes = [1], strides = [1]} : vector<16xi32> to vector<1xi32>
        %squeeze3A_1163 = vector.extract %slice3A_1162[0] : i32 from vector<1xi32>
        %get3A_1164 = arith.index_cast %squeeze3A_1157 : i32 to index
        %get3A_1165 = arith.constant 0 : index
        %get3A_1166 = tpu.vector_load %arg8[%get3A_1164, %get3A_1165] {strides = array<i32>} : memref<512x32xf32, #tpu.memory_space<vmem>>, vector<16xf32>,
        %get3A_1167 = arith.index_cast %squeeze3A_1159 : i32 to index
        %get3A_1168 = arith.constant 0 : index
        %get3A_1169 = tpu.vector_load %arg9[%get3A_1167, %get3A_1168] {strides = array<i32>} : memref<1024x32xf32, #tpu.memory_space<vmem>>, vector<16xf32>,
        %get3A_1170 = arith.index_cast %squeeze3A_1161 : i32 to index
        %get3A_1171 = arith.constant 0 : index
        %get3A_1172 = tpu.vector_load %arg9[%get3A_1170, %get3A_1171] {strides = array<i32>} : memref<1024x32xf32, #tpu.memory_space<vmem>>, vector<16xf32>,
        %add3A_1173 = arith.addf %get3A_1169, %get3A_1172 : vector<16xf32>
        %get3A_1174 = arith.index_cast %squeeze3A_1163 : i32 to index
        %get3A_1175 = arith.constant 0 : index
        %get3A_1176 = tpu.vector_load %arg9[%get3A_1174, %get3A_1175] {strides = array<i32>} : memref<1024x32xf32, #tpu.memory_space<vmem>>, vector<16xf32>,
        %add3A_1177 = arith.addf %add3A_1173, %get3A_1176 : vector<16xf32>
        %mul3A_1178 = vector.broadcast %scan3A_62 : f32 to vector<16xf32>
        %mul3A_1179 = arith.mulf %mul3A_1178, %add3A_1177 : vector<16xf32>
        %add3A_1180 = arith.addf %get3A_1166, %mul3A_1179 : vector<16xf32>
        %get3A_1181 = arith.index_cast %squeeze3A_1157 : i32 to index
        %get3A_1182 = arith.constant 16 : index
        %get3A_1183 = tpu.vector_load %arg8[%get3A_1181, %get3A_1182] {strides = array<i32>} : memref<512x32xf32, #tpu.memory_space<vmem>>, vector<16xf32>,
        %get3A_1184 = arith.index_cast %squeeze3A_1159 : i32 to index
        %get3A_1185 = arith.constant 16 : index
        %get3A_1186 = tpu.vector_load %arg9[%get3A_1184, %get3A_1185] {strides = array<i32>} : memref<1024x32xf32, #tpu.memory_space<vmem>>, vector<16xf32>,
        %get3A_1187 = arith.index_cast %squeeze3A_1161 : i32 to index
        %get3A_1188 = arith.constant 16 : index
        %get3A_1189 = tpu.vector_load %arg9[%get3A_1187, %get3A_1188] {strides = array<i32>} : memref<1024x32xf32, #tpu.memory_space<vmem>>, vector<16xf32>,
        %add3A_1190 = arith.addf %get3A_1186, %get3A_1189 : vector<16xf32>
        %get3A_1191 = arith.index_cast %squeeze3A_1163 : i32 to index
        %get3A_1192 = arith.constant 16 : index
        %get3A_1193 = tpu.vector_load %arg9[%get3A_1191, %get3A_1192] {strides = array<i32>} : memref<1024x32xf32, #tpu.memory_space<vmem>>, vector<16xf32>,
        %add3A_1194 = arith.addf %add3A_1190, %get3A_1193 : vector<16xf32>
        %mul3A_1195 = vector.broadcast %scan3A_62 : f32 to vector<16xf32>
        %mul3A_1196 = arith.mulf %mul3A_1195, %add3A_1194 : vector<16xf32>
        %add3A_1197 = arith.addf %get3A_1183, %mul3A_1196 : vector<16xf32>
        %swap3A_1198 = arith.constant 1 : i32
        %swap3A_1199 = arith.index_cast %rem3A_120 : i32 to index
        %swap3A_1200 = arith.index_cast %swap3A_1198 : i32 to index
        %swap3A_1201 = arith.index_cast %add3A_1155 : i32 to index
        %swap3A_1202 = arith.constant 0 : index
        %swap3A_1203 = tpu.vector_load %arg13[%swap3A_1199, %swap3A_1200, %swap3A_1201, %swap3A_1202] {strides = array<i32>} : memref<2x3x256x32xf32, #tpu.memory_space<vmem>>, vector<16xf32>,
        tpu.vector_store %arg13[%swap3A_1199, %swap3A_1200, %swap3A_1201, %swap3A_1202], %add3A_1180 {strides = array<i32>} : memref<2x3x256x32xf32, #tpu.memory_space<vmem>>, vector<16xf32>,
        %swap3A_1204 = arith.constant 1 : i32
        %swap3A_1205 = arith.index_cast %rem3A_120 : i32 to index
        %swap3A_1206 = arith.index_cast %swap3A_1204 : i32 to index
        %swap3A_1207 = arith.index_cast %add3A_1155 : i32 to index
        %swap3A_1208 = arith.constant 16 : index
        %swap3A_1209 = tpu.vector_load %arg13[%swap3A_1205, %swap3A_1206, %swap3A_1207, %swap3A_1208] {strides = array<i32>} : memref<2x3x256x32xf32, #tpu.memory_space<vmem>>, vector<16xf32>,
        tpu.vector_store %arg13[%swap3A_1205, %swap3A_1206, %swap3A_1207, %swap3A_1208], %add3A_1197 {strides = array<i32>} : memref<2x3x256x32xf32, #tpu.memory_space<vmem>>, vector<16xf32>,
        %scan3A_1210 = arith.constant 0 : i32
        scf.yield %scan3A_1210 : i32
      }
      %scan3A_209 = arith.constant 16 : i32
      %swap3A_210 = arith.constant 1 : i32
      %swap3A_211 = arith.constant 0 : i32
      %swap3A_212 = arith.index_cast %rem3A_120 : i32 to index
      %swap3A_213 = arith.index_cast %swap3A_210 : i32 to index
      %swap3A_214 = arith.index_cast %swap3A_211 : i32 to index
      %swap3A_215 = arith.constant 0 : index
      %swap3A_216 = tpu.vector_load %arg13[%swap3A_212, %swap3A_213, %swap3A_214, %swap3A_215] {strides = array<i32>} : memref<2x3x256x32xf32, #tpu.memory_space<vmem>>, vector<16xf32>,
      tpu.vector_store %arg13[%swap3A_212, %swap3A_213, %swap3A_214, %swap3A_215], %get3A_3 {strides = array<i32>} : memref<2x3x256x32xf32, #tpu.memory_space<vmem>>, vector<16xf32>,
      %swap3A_217 = arith.constant 1 : i32
      %swap3A_218 = arith.constant 0 : i32
      %swap3A_219 = arith.index_cast %rem3A_120 : i32 to index
      %swap3A_220 = arith.index_cast %swap3A_217 : i32 to index
      %swap3A_221 = arith.index_cast %swap3A_218 : i32 to index
      %swap3A_222 = arith.constant 16 : index
      %swap3A_223 = tpu.vector_load %arg13[%swap3A_219, %swap3A_220, %swap3A_221, %swap3A_222] {strides = array<i32>} : memref<2x3x256x32xf32, #tpu.memory_space<vmem>>, vector<16xf32>,
      tpu.vector_store %arg13[%swap3A_219, %swap3A_220, %swap3A_221, %swap3A_222], %get3A_7 {strides = array<i32>} : memref<2x3x256x32xf32, #tpu.memory_space<vmem>>, vector<16xf32>,
      %scan3A_224 = arith.constant 0 : i32
      %scan3A_225 = arith.constant 0 : i32
      %scan3A_226 = arith.constant 16 : i32
      %scan3A_227 = arith.addi %scan3A_225, %scan3A_226 : i32
      %scan3A_228 = arith.constant 1 : i32
      %scan3A_229 = scf.for %scan3A_270 = %scan3A_225 to %scan3A_227 step %scan3A_228 iter_args(%scan3A_271 = %scan3A_224) -> (i32)  : i32 {
        %mul3A_272 = arith.constant 16 : i32
        %mul3A_273 = arith.muli %scan3A_270, %mul3A_272 : i32
        %add3A_274 = arith.constant 510 : i32
        %add3A_275 = arith.addi %sub3A_153, %add3A_274 : i32
        %sub3A_276 = arith.constant 1 : i32
        %sub3A_277 = arith.subi %mul3A_273, %sub3A_276 : i32
        %add3A_278 = arith.addi %add3A_275, %sub3A_277 : i32
        %add3A_279 = vector.broadcast %add3A_278 : i32 to vector<16xi32>
        %add3A_280 = arith.addi %add3A_279, %iota3A : vector<16xi32>
        %max3A = arith.constant 0 : i32
        %max3A_281 = vector.broadcast %max3A : i32 to vector<16xi32>
        %max3A_282 = arith.maxsi %add3A_280, %max3A_281 : vector<16xi32>
        %gather3A = arith.constant 0 : i32
        %gather3A_283 = tpu.memref_slice %arg11[%rem3A_120, %gather3A] : memref<2x784xi32, #tpu.memory_space<vmem>> -> memref<1x784xi32, #tpu.memory_space<vmem>>
        %gather3A_284 = tpu.memref_squeeze %gather3A_283 : memref<1x784xi32, #tpu.memory_space<vmem>> -> memref<784xi32, #tpu.memory_space<vmem>>
        %gather3A_285 = tpu.vector_load_idx %gather3A_284[%max3A_282] : memref<784xi32, #tpu.memory_space<vmem>>[vector<16xi32>], vector<16xi32>,
        %add3A_286 = arith.constant 510 : i32
        %add3A_287 = arith.addi %add3A_286, %mul3A_273 : i32
        %sub3A_288 = arith.constant 1 : i32
        %sub3A_289 = arith.subi %add3A_287, %sub3A_288 : i32
        %mul3A_290 = arith.constant 3 : i32
        %mul3A_291 = arith.muli %mul3A_290, %sub3A_289 : i32
        %add3A_292 = arith.addi %sub3A_154, %mul3A_291 : i32
        %add3A_293 = vector.broadcast %add3A_292 : i32 to vector<16xi32>
        %add3A_294 = arith.addi %add3A_293, %mul3A_18 : vector<16xi32>
        %max3A_295 = arith.constant 0 : i32
        %max3A_296 = vector.broadcast %max3A_295 : i32 to vector<16xi32>
        %max3A_297 = arith.maxsi %add3A_294, %max3A_296 : vector<16xi32>
        %gather3A_298 = arith.constant 0 : i32
        %gather3A_299 = tpu.memref_slice %arg12[%rem3A_120, %gather3A_298] : memref<2x2320xi32, #tpu.memory_space<vmem>> -> memref<1x2320xi32, #tpu.memory_space<vmem>>
        %gather3A_300 = tpu.memref_squeeze %gather3A_299 : memref<1x2320xi32, #tpu.memory_space<vmem>> -> memref<2320xi32, #tpu.memory_space<vmem>>
        %gather3A_301 = tpu.vector_load_idx %gather3A_300[%max3A_297] : memref<2320xi32, #tpu.memory_space<vmem>>[vector<16xi32>], vector<16xi32>,
        %add3A_302 = arith.constant 1 : i32
        %add3A_303 = vector.broadcast %add3A_302 : i32 to vector<16xi32>
        %add3A_304 = arith.addi %max3A_297, %add3A_303 : vector<16xi32>
        %gather3A_305 = arith.constant 0 : i32
        %gather3A_306 = tpu.memref_slice %arg12[%rem3A_120, %gather3A_305] : memref<2x2320xi32, #tpu.memory_space<vmem>> -> memref<1x2320xi32, #tpu.memory_space<vmem>>
        %gather3A_307 = tpu.memref_squeeze %gather3A_306 : memref<1x2320xi32, #tpu.memory_space<vmem>> -> memref<2320xi32, #tpu.memory_space<vmem>>
        %gather3A_308 = tpu.vector_load_idx %gather3A_307[%add3A_304] : memref<2320xi32, #tpu.memory_space<vmem>>[vector<16xi32>], vector<16xi32>,
        %add3A_309 = arith.constant 2 : i32
        %add3A_310 = vector.broadcast %add3A_309 : i32 to vector<16xi32>
        %add3A_311 = arith.addi %max3A_297, %add3A_310 : vector<16xi32>
        %gather3A_312 = arith.constant 0 : i32
        %gather3A_313 = tpu.memref_slice %arg12[%rem3A_120, %gather3A_312] : memref<2x2320xi32, #tpu.memory_space<vmem>> -> memref<1x2320xi32, #tpu.memory_space<vmem>>
        %gather3A_314 = tpu.memref_squeeze %gather3A_313 : memref<1x2320xi32, #tpu.memory_space<vmem>> -> memref<2320xi32, #tpu.memory_space<vmem>>
        %gather3A_315 = tpu.vector_load_idx %gather3A_314[%add3A_311] : memref<2320xi32, #tpu.memory_space<vmem>>[vector<16xi32>], vector<16xi32>,
        %add3A_316 = arith.constant 0 : i32
        %add3A_317 = arith.addi %mul3A_273, %add3A_316 : i32
        %slice3A = vector.extract_strided_slice %gather3A_285 {offsets = [0], sizes = [1], strides = [1]} : vector<16xi32> to vector<1xi32>
        %squeeze3A = vector.extract %slice3A[0] : i32 from vector<1xi32>
        %slice3A_318 = vector.extract_strided_slice %gather3A_301 {offsets = [0], sizes = [1], strides = [1]} : vector<16xi32> to vector<1xi32>
        %squeeze3A_319 = vector.extract %slice3A_318[0] : i32 from vector<1xi32>
        %slice3A_320 = vector.extract_strided_slice %gather3A_308 {offsets = [0], sizes = [1], strides = [1]} : vector<16xi32> to vector<1xi32>
        %squeeze3A_321 = vector.extract %slice3A_320[0] : i32 from vector<1xi32>
        %slice3A_322 = vector.extract_strided_slice %gather3A_315 {offsets = [0], sizes = [1], strides = [1]} : vector<16xi32> to vector<1xi32>
        %squeeze3A_323 = vector.extract %slice3A_322[0] : i32 from vector<1xi32>
        %get3A_324 = arith.index_cast %squeeze3A : i32 to index
        %get3A_325 = arith.constant 0 : index
        %get3A_326 = tpu.vector_load %arg8[%get3A_324, %get3A_325] {strides = array<i32>} : memref<512x32xf32, #tpu.memory_space<vmem>>, vector<16xf32>,
        %get3A_327 = arith.index_cast %squeeze3A_319 : i32 to index
        %get3A_328 = arith.constant 0 : index
        %get3A_329 = tpu.vector_load %arg9[%get3A_327, %get3A_328] {strides = array<i32>} : memref<1024x32xf32, #tpu.memory_space<vmem>>, vector<16xf32>,
        %get3A_330 = arith.index_cast %squeeze3A_321 : i32 to index
        %get3A_331 = arith.constant 0 : index
        %get3A_332 = tpu.vector_load %arg9[%get3A_330, %get3A_331] {strides = array<i32>} : memref<1024x32xf32, #tpu.memory_space<vmem>>, vector<16xf32>,
        %add3A_333 = arith.addf %get3A_329, %get3A_332 : vector<16xf32>
        %get3A_334 = arith.index_cast %squeeze3A_323 : i32 to index
        %get3A_335 = arith.constant 0 : index
        %get3A_336 = tpu.vector_load %arg9[%get3A_334, %get3A_335] {strides = array<i32>} : memref<1024x32xf32, #tpu.memory_space<vmem>>, vector<16xf32>,
        %add3A_337 = arith.addf %add3A_333, %get3A_336 : vector<16xf32>
        %mul3A_338 = vector.broadcast %scan3A_62 : f32 to vector<16xf32>
        %mul3A_339 = arith.mulf %mul3A_338, %add3A_337 : vector<16xf32>
        %add3A_340 = arith.addf %get3A_326, %mul3A_339 : vector<16xf32>
        %get3A_341 = arith.index_cast %squeeze3A : i32 to index
        %get3A_342 = arith.constant 16 : index
        %get3A_343 = tpu.vector_load %arg8[%get3A_341, %get3A_342] {strides = array<i32>} : memref<512x32xf32, #tpu.memory_space<vmem>>, vector<16xf32>,
        %get3A_344 = arith.index_cast %squeeze3A_319 : i32 to index
        %get3A_345 = arith.constant 16 : index
        %get3A_346 = tpu.vector_load %arg9[%get3A_344, %get3A_345] {strides = array<i32>} : memref<1024x32xf32, #tpu.memory_space<vmem>>, vector<16xf32>,
        %get3A_347 = arith.index_cast %squeeze3A_321 : i32 to index
        %get3A_348 = arith.constant 16 : index
        %get3A_349 = tpu.vector_load %arg9[%get3A_347, %get3A_348] {strides = array<i32>} : memref<1024x32xf32, #tpu.memory_space<vmem>>, vector<16xf32>,
        %add3A_350 = arith.addf %get3A_346, %get3A_349 : vector<16xf32>
        %get3A_351 = arith.index_cast %squeeze3A_323 : i32 to index
        %get3A_352 = arith.constant 16 : index
        %get3A_353 = tpu.vector_load %arg9[%get3A_351, %get3A_352] {strides = array<i32>} : memref<1024x32xf32, #tpu.memory_space<vmem>>, vector<16xf32>,
        %add3A_354 = arith.addf %add3A_350, %get3A_353 : vector<16xf32>
        %mul3A_355 = vector.broadcast %scan3A_62 : f32 to vector<16xf32>
        %mul3A_356 = arith.mulf %mul3A_355, %add3A_354 : vector<16xf32>
        %add3A_357 = arith.addf %get3A_343, %mul3A_356 : vector<16xf32>
        %swap3A_358 = arith.constant 2 : i32
        %swap3A_359 = arith.index_cast %rem3A_120 : i32 to index
        %swap3A_360 = arith.index_cast %swap3A_358 : i32 to index
        %swap3A_361 = arith.index_cast %add3A_317 : i32 to index
        %swap3A_362 = arith.constant 0 : index
        %swap3A_363 = tpu.vector_load %arg13[%swap3A_359, %swap3A_360, %swap3A_361, %swap3A_362] {strides = array<i32>} : memref<2x3x256x32xf32, #tpu.memory_space<vmem>>, vector<16xf32>,
        tpu.vector_store %arg13[%swap3A_359, %swap3A_360, %swap3A_361, %swap3A_362], %add3A_340 {strides = array<i32>} : memref<2x3x256x32xf32, #tpu.memory_space<vmem>>, vector<16xf32>,
        %swap3A_364 = arith.constant 2 : i32
        %swap3A_365 = arith.index_cast %rem3A_120 : i32 to index
        %swap3A_366 = arith.index_cast %swap3A_364 : i32 to index
        %swap3A_367 = arith.index_cast %add3A_317 : i32 to index
        %swap3A_368 = arith.constant 16 : index
        %swap3A_369 = tpu.vector_load %arg13[%swap3A_365, %swap3A_366, %swap3A_367, %swap3A_368] {strides = array<i32>} : memref<2x3x256x32xf32, #tpu.memory_space<vmem>>, vector<16xf32>,
        tpu.vector_store %arg13[%swap3A_365, %swap3A_366, %swap3A_367, %swap3A_368], %add3A_357 {strides = array<i32>} : memref<2x3x256x32xf32, #tpu.memory_space<vmem>>, vector<16xf32>,
        %add3A_370 = arith.constant 1 : i32
        %add3A_371 = arith.addi %mul3A_273, %add3A_370 : i32
        %slice3A_372 = vector.extract_strided_slice %gather3A_285 {offsets = [1], sizes = [1], strides = [1]} : vector<16xi32> to vector<1xi32>
        %squeeze3A_373 = vector.extract %slice3A_372[0] : i32 from vector<1xi32>
        %slice3A_374 = vector.extract_strided_slice %gather3A_301 {offsets = [1], sizes = [1], strides = [1]} : vector<16xi32> to vector<1xi32>
        %squeeze3A_375 = vector.extract %slice3A_374[0] : i32 from vector<1xi32>
        %slice3A_376 = vector.extract_strided_slice %gather3A_308 {offsets = [1], sizes = [1], strides = [1]} : vector<16xi32> to vector<1xi32>
        %squeeze3A_377 = vector.extract %slice3A_376[0] : i32 from vector<1xi32>
        %slice3A_378 = vector.extract_strided_slice %gather3A_315 {offsets = [1], sizes = [1], strides = [1]} : vector<16xi32> to vector<1xi32>
        %squeeze3A_379 = vector.extract %slice3A_378[0] : i32 from vector<1xi32>
        %get3A_380 = arith.index_cast %squeeze3A_373 : i32 to index
        %get3A_381 = arith.constant 0 : index
        %get3A_382 = tpu.vector_load %arg8[%get3A_380, %get3A_381] {strides = array<i32>} : memref<512x32xf32, #tpu.memory_space<vmem>>, vector<16xf32>,
        %get3A_383 = arith.index_cast %squeeze3A_375 : i32 to index
        %get3A_384 = arith.constant 0 : index
        %get3A_385 = tpu.vector_load %arg9[%get3A_383, %get3A_384] {strides = array<i32>} : memref<1024x32xf32, #tpu.memory_space<vmem>>, vector<16xf32>,
        %get3A_386 = arith.index_cast %squeeze3A_377 : i32 to index
        %get3A_387 = arith.constant 0 : index
        %get3A_388 = tpu.vector_load %arg9[%get3A_386, %get3A_387] {strides = array<i32>} : memref<1024x32xf32, #tpu.memory_space<vmem>>, vector<16xf32>,
        %add3A_389 = arith.addf %get3A_385, %get3A_388 : vector<16xf32>
        %get3A_390 = arith.index_cast %squeeze3A_379 : i32 to index
        %get3A_391 = arith.constant 0 : index
        %get3A_392 = tpu.vector_load %arg9[%get3A_390, %get3A_391] {strides = array<i32>} : memref<1024x32xf32, #tpu.memory_space<vmem>>, vector<16xf32>,
        %add3A_393 = arith.addf %add3A_389, %get3A_392 : vector<16xf32>
        %mul3A_394 = vector.broadcast %scan3A_62 : f32 to vector<16xf32>
        %mul3A_395 = arith.mulf %mul3A_394, %add3A_393 : vector<16xf32>
        %add3A_396 = arith.addf %get3A_382, %mul3A_395 : vector<16xf32>
        %get3A_397 = arith.index_cast %squeeze3A_373 : i32 to index
        %get3A_398 = arith.constant 16 : index
        %get3A_399 = tpu.vector_load %arg8[%get3A_397, %get3A_398] {strides = array<i32>} : memref<512x32xf32, #tpu.memory_space<vmem>>, vector<16xf32>,
        %get3A_400 = arith.index_cast %squeeze3A_375 : i32 to index
        %get3A_401 = arith.constant 16 : index
        %get3A_402 = tpu.vector_load %arg9[%get3A_400, %get3A_401] {strides = array<i32>} : memref<1024x32xf32, #tpu.memory_space<vmem>>, vector<16xf32>,
        %get3A_403 = arith.index_cast %squeeze3A_377 : i32 to index
        %get3A_404 = arith.constant 16 : index
        %get3A_405 = tpu.vector_load %arg9[%get3A_403, %get3A_404] {strides = array<i32>} : memref<1024x32xf32, #tpu.memory_space<vmem>>, vector<16xf32>,
        %add3A_406 = arith.addf %get3A_402, %get3A_405 : vector<16xf32>
        %get3A_407 = arith.index_cast %squeeze3A_379 : i32 to index
        %get3A_408 = arith.constant 16 : index
        %get3A_409 = tpu.vector_load %arg9[%get3A_407, %get3A_408] {strides = array<i32>} : memref<1024x32xf32, #tpu.memory_space<vmem>>, vector<16xf32>,
        %add3A_410 = arith.addf %add3A_406, %get3A_409 : vector<16xf32>
        %mul3A_411 = vector.broadcast %scan3A_62 : f32 to vector<16xf32>
        %mul3A_412 = arith.mulf %mul3A_411, %add3A_410 : vector<16xf32>
        %add3A_413 = arith.addf %get3A_399, %mul3A_412 : vector<16xf32>
        %swap3A_414 = arith.constant 2 : i32
        %swap3A_415 = arith.index_cast %rem3A_120 : i32 to index
        %swap3A_416 = arith.index_cast %swap3A_414 : i32 to index
        %swap3A_417 = arith.index_cast %add3A_371 : i32 to index
        %swap3A_418 = arith.constant 0 : index
        %swap3A_419 = tpu.vector_load %arg13[%swap3A_415, %swap3A_416, %swap3A_417, %swap3A_418] {strides = array<i32>} : memref<2x3x256x32xf32, #tpu.memory_space<vmem>>, vector<16xf32>,
        tpu.vector_store %arg13[%swap3A_415, %swap3A_416, %swap3A_417, %swap3A_418], %add3A_396 {strides = array<i32>} : memref<2x3x256x32xf32, #tpu.memory_space<vmem>>, vector<16xf32>,
        %swap3A_420 = arith.constant 2 : i32
        %swap3A_421 = arith.index_cast %rem3A_120 : i32 to index
        %swap3A_422 = arith.index_cast %swap3A_420 : i32 to index
        %swap3A_423 = arith.index_cast %add3A_371 : i32 to index
        %swap3A_424 = arith.constant 16 : index
        %swap3A_425 = tpu.vector_load %arg13[%swap3A_421, %swap3A_422, %swap3A_423, %swap3A_424] {strides = array<i32>} : memref<2x3x256x32xf32, #tpu.memory_space<vmem>>, vector<16xf32>,
        tpu.vector_store %arg13[%swap3A_421, %swap3A_422, %swap3A_423, %swap3A_424], %add3A_413 {strides = array<i32>} : memref<2x3x256x32xf32, #tpu.memory_space<vmem>>, vector<16xf32>,
        %add3A_426 = arith.constant 2 : i32
        %add3A_427 = arith.addi %mul3A_273, %add3A_426 : i32
        %slice3A_428 = vector.extract_strided_slice %gather3A_285 {offsets = [2], sizes = [1], strides = [1]} : vector<16xi32> to vector<1xi32>
        %squeeze3A_429 = vector.extract %slice3A_428[0] : i32 from vector<1xi32>
        %slice3A_430 = vector.extract_strided_slice %gather3A_301 {offsets = [2], sizes = [1], strides = [1]} : vector<16xi32> to vector<1xi32>
        %squeeze3A_431 = vector.extract %slice3A_430[0] : i32 from vector<1xi32>
        %slice3A_432 = vector.extract_strided_slice %gather3A_308 {offsets = [2], sizes = [1], strides = [1]} : vector<16xi32> to vector<1xi32>
        %squeeze3A_433 = vector.extract %slice3A_432[0] : i32 from vector<1xi32>
        %slice3A_434 = vector.extract_strided_slice %gather3A_315 {offsets = [2], sizes = [1], strides = [1]} : vector<16xi32> to vector<1xi32>
        %squeeze3A_435 = vector.extract %slice3A_434[0] : i32 from vector<1xi32>
        %get3A_436 = arith.index_cast %squeeze3A_429 : i32 to index
        %get3A_437 = arith.constant 0 : index
        %get3A_438 = tpu.vector_load %arg8[%get3A_436, %get3A_437] {strides = array<i32>} : memref<512x32xf32, #tpu.memory_space<vmem>>, vector<16xf32>,
        %get3A_439 = arith.index_cast %squeeze3A_431 : i32 to index
        %get3A_440 = arith.constant 0 : index
        %get3A_441 = tpu.vector_load %arg9[%get3A_439, %get3A_440] {strides = array<i32>} : memref<1024x32xf32, #tpu.memory_space<vmem>>, vector<16xf32>,
        %get3A_442 = arith.index_cast %squeeze3A_433 : i32 to index
        %get3A_443 = arith.constant 0 : index
        %get3A_444 = tpu.vector_load %arg9[%get3A_442, %get3A_443] {strides = array<i32>} : memref<1024x32xf32, #tpu.memory_space<vmem>>, vector<16xf32>,
        %add3A_445 = arith.addf %get3A_441, %get3A_444 : vector<16xf32>
        %get3A_446 = arith.index_cast %squeeze3A_435 : i32 to index
        %get3A_447 = arith.constant 0 : index
        %get3A_448 = tpu.vector_load %arg9[%get3A_446, %get3A_447] {strides = array<i32>} : memref<1024x32xf32, #tpu.memory_space<vmem>>, vector<16xf32>,
        %add3A_449 = arith.addf %add3A_445, %get3A_448 : vector<16xf32>
        %mul3A_450 = vector.broadcast %scan3A_62 : f32 to vector<16xf32>
        %mul3A_451 = arith.mulf %mul3A_450, %add3A_449 : vector<16xf32>
        %add3A_452 = arith.addf %get3A_438, %mul3A_451 : vector<16xf32>
        %get3A_453 = arith.index_cast %squeeze3A_429 : i32 to index
        %get3A_454 = arith.constant 16 : index
        %get3A_455 = tpu.vector_load %arg8[%get3A_453, %get3A_454] {strides = array<i32>} : memref<512x32xf32, #tpu.memory_space<vmem>>, vector<16xf32>,
        %get3A_456 = arith.index_cast %squeeze3A_431 : i32 to index
        %get3A_457 = arith.constant 16 : index
        %get3A_458 = tpu.vector_load %arg9[%get3A_456, %get3A_457] {strides = array<i32>} : memref<1024x32xf32, #tpu.memory_space<vmem>>, vector<16xf32>,
        %get3A_459 = arith.index_cast %squeeze3A_433 : i32 to index
        %get3A_460 = arith.constant 16 : index
        %get3A_461 = tpu.vector_load %arg9[%get3A_459, %get3A_460] {strides = array<i32>} : memref<1024x32xf32, #tpu.memory_space<vmem>>, vector<16xf32>,
        %add3A_462 = arith.addf %get3A_458, %get3A_461 : vector<16xf32>
        %get3A_463 = arith.index_cast %squeeze3A_435 : i32 to index
        %get3A_464 = arith.constant 16 : index
        %get3A_465 = tpu.vector_load %arg9[%get3A_463, %get3A_464] {strides = array<i32>} : memref<1024x32xf32, #tpu.memory_space<vmem>>, vector<16xf32>,
        %add3A_466 = arith.addf %add3A_462, %get3A_465 : vector<16xf32>
        %mul3A_467 = vector.broadcast %scan3A_62 : f32 to vector<16xf32>
        %mul3A_468 = arith.mulf %mul3A_467, %add3A_466 : vector<16xf32>
        %add3A_469 = arith.addf %get3A_455, %mul3A_468 : vector<16xf32>
        %swap3A_470 = arith.constant 2 : i32
        %swap3A_471 = arith.index_cast %rem3A_120 : i32 to index
        %swap3A_472 = arith.index_cast %swap3A_470 : i32 to index
        %swap3A_473 = arith.index_cast %add3A_427 : i32 to index
        %swap3A_474 = arith.constant 0 : index
        %swap3A_475 = tpu.vector_load %arg13[%swap3A_471, %swap3A_472, %swap3A_473, %swap3A_474] {strides = array<i32>} : memref<2x3x256x32xf32, #tpu.memory_space<vmem>>, vector<16xf32>,
        tpu.vector_store %arg13[%swap3A_471, %swap3A_472, %swap3A_473, %swap3A_474], %add3A_452 {strides = array<i32>} : memref<2x3x256x32xf32, #tpu.memory_space<vmem>>, vector<16xf32>,
        %swap3A_476 = arith.constant 2 : i32
        %swap3A_477 = arith.index_cast %rem3A_120 : i32 to index
        %swap3A_478 = arith.index_cast %swap3A_476 : i32 to index
        %swap3A_479 = arith.index_cast %add3A_427 : i32 to index
        %swap3A_480 = arith.constant 16 : index
        %swap3A_481 = tpu.vector_load %arg13[%swap3A_477, %swap3A_478, %swap3A_479, %swap3A_480] {strides = array<i32>} : memref<2x3x256x32xf32, #tpu.memory_space<vmem>>, vector<16xf32>,
        tpu.vector_store %arg13[%swap3A_477, %swap3A_478, %swap3A_479, %swap3A_480], %add3A_469 {strides = array<i32>} : memref<2x3x256x32xf32, #tpu.memory_space<vmem>>, vector<16xf32>,
        %add3A_482 = arith.constant 3 : i32
        %add3A_483 = arith.addi %mul3A_273, %add3A_482 : i32
        %slice3A_484 = vector.extract_strided_slice %gather3A_285 {offsets = [3], sizes = [1], strides = [1]} : vector<16xi32> to vector<1xi32>
        %squeeze3A_485 = vector.extract %slice3A_484[0] : i32 from vector<1xi32>
        %slice3A_486 = vector.extract_strided_slice %gather3A_301 {offsets = [3], sizes = [1], strides = [1]} : vector<16xi32> to vector<1xi32>
        %squeeze3A_487 = vector.extract %slice3A_486[0] : i32 from vector<1xi32>
        %slice3A_488 = vector.extract_strided_slice %gather3A_308 {offsets = [3], sizes = [1], strides = [1]} : vector<16xi32> to vector<1xi32>
        %squeeze3A_489 = vector.extract %slice3A_488[0] : i32 from vector<1xi32>
        %slice3A_490 = vector.extract_strided_slice %gather3A_315 {offsets = [3], sizes = [1], strides = [1]} : vector<16xi32> to vector<1xi32>
        %squeeze3A_491 = vector.extract %slice3A_490[0] : i32 from vector<1xi32>
        %get3A_492 = arith.index_cast %squeeze3A_485 : i32 to index
        %get3A_493 = arith.constant 0 : index
        %get3A_494 = tpu.vector_load %arg8[%get3A_492, %get3A_493] {strides = array<i32>} : memref<512x32xf32, #tpu.memory_space<vmem>>, vector<16xf32>,
        %get3A_495 = arith.index_cast %squeeze3A_487 : i32 to index
        %get3A_496 = arith.constant 0 : index
        %get3A_497 = tpu.vector_load %arg9[%get3A_495, %get3A_496] {strides = array<i32>} : memref<1024x32xf32, #tpu.memory_space<vmem>>, vector<16xf32>,
        %get3A_498 = arith.index_cast %squeeze3A_489 : i32 to index
        %get3A_499 = arith.constant 0 : index
        %get3A_500 = tpu.vector_load %arg9[%get3A_498, %get3A_499] {strides = array<i32>} : memref<1024x32xf32, #tpu.memory_space<vmem>>, vector<16xf32>,
        %add3A_501 = arith.addf %get3A_497, %get3A_500 : vector<16xf32>
        %get3A_502 = arith.index_cast %squeeze3A_491 : i32 to index
        %get3A_503 = arith.constant 0 : index
        %get3A_504 = tpu.vector_load %arg9[%get3A_502, %get3A_503] {strides = array<i32>} : memref<1024x32xf32, #tpu.memory_space<vmem>>, vector<16xf32>,
        %add3A_505 = arith.addf %add3A_501, %get3A_504 : vector<16xf32>
        %mul3A_506 = vector.broadcast %scan3A_62 : f32 to vector<16xf32>
        %mul3A_507 = arith.mulf %mul3A_506, %add3A_505 : vector<16xf32>
        %add3A_508 = arith.addf %get3A_494, %mul3A_507 : vector<16xf32>
        %get3A_509 = arith.index_cast %squeeze3A_485 : i32 to index
        %get3A_510 = arith.constant 16 : index
        %get3A_511 = tpu.vector_load %arg8[%get3A_509, %get3A_510] {strides = array<i32>} : memref<512x32xf32, #tpu.memory_space<vmem>>, vector<16xf32>,
        %get3A_512 = arith.index_cast %squeeze3A_487 : i32 to index
        %get3A_513 = arith.constant 16 : index
        %get3A_514 = tpu.vector_load %arg9[%get3A_512, %get3A_513] {strides = array<i32>} : memref<1024x32xf32, #tpu.memory_space<vmem>>, vector<16xf32>,
        %get3A_515 = arith.index_cast %squeeze3A_489 : i32 to index
        %get3A_516 = arith.constant 16 : index
        %get3A_517 = tpu.vector_load %arg9[%get3A_515, %get3A_516] {strides = array<i32>} : memref<1024x32xf32, #tpu.memory_space<vmem>>, vector<16xf32>,
        %add3A_518 = arith.addf %get3A_514, %get3A_517 : vector<16xf32>
        %get3A_519 = arith.index_cast %squeeze3A_491 : i32 to index
        %get3A_520 = arith.constant 16 : index
        %get3A_521 = tpu.vector_load %arg9[%get3A_519, %get3A_520] {strides = array<i32>} : memref<1024x32xf32, #tpu.memory_space<vmem>>, vector<16xf32>,
        %add3A_522 = arith.addf %add3A_518, %get3A_521 : vector<16xf32>
        %mul3A_523 = vector.broadcast %scan3A_62 : f32 to vector<16xf32>
        %mul3A_524 = arith.mulf %mul3A_523, %add3A_522 : vector<16xf32>
        %add3A_525 = arith.addf %get3A_511, %mul3A_524 : vector<16xf32>
        %swap3A_526 = arith.constant 2 : i32
        %swap3A_527 = arith.index_cast %rem3A_120 : i32 to index
        %swap3A_528 = arith.index_cast %swap3A_526 : i32 to index
        %swap3A_529 = arith.index_cast %add3A_483 : i32 to index
        %swap3A_530 = arith.constant 0 : index
        %swap3A_531 = tpu.vector_load %arg13[%swap3A_527, %swap3A_528, %swap3A_529, %swap3A_530] {strides = array<i32>} : memref<2x3x256x32xf32, #tpu.memory_space<vmem>>, vector<16xf32>,
        tpu.vector_store %arg13[%swap3A_527, %swap3A_528, %swap3A_529, %swap3A_530], %add3A_508 {strides = array<i32>} : memref<2x3x256x32xf32, #tpu.memory_space<vmem>>, vector<16xf32>,
        %swap3A_532 = arith.constant 2 : i32
        %swap3A_533 = arith.index_cast %rem3A_120 : i32 to index
        %swap3A_534 = arith.index_cast %swap3A_532 : i32 to index
        %swap3A_535 = arith.index_cast %add3A_483 : i32 to index
        %swap3A_536 = arith.constant 16 : index
        %swap3A_537 = tpu.vector_load %arg13[%swap3A_533, %swap3A_534, %swap3A_535, %swap3A_536] {strides = array<i32>} : memref<2x3x256x32xf32, #tpu.memory_space<vmem>>, vector<16xf32>,
        tpu.vector_store %arg13[%swap3A_533, %swap3A_534, %swap3A_535, %swap3A_536], %add3A_525 {strides = array<i32>} : memref<2x3x256x32xf32, #tpu.memory_space<vmem>>, vector<16xf32>,
        %add3A_538 = arith.constant 4 : i32
        %add3A_539 = arith.addi %mul3A_273, %add3A_538 : i32
        %slice3A_540 = vector.extract_strided_slice %gather3A_285 {offsets = [4], sizes = [1], strides = [1]} : vector<16xi32> to vector<1xi32>
        %squeeze3A_541 = vector.extract %slice3A_540[0] : i32 from vector<1xi32>
        %slice3A_542 = vector.extract_strided_slice %gather3A_301 {offsets = [4], sizes = [1], strides = [1]} : vector<16xi32> to vector<1xi32>
        %squeeze3A_543 = vector.extract %slice3A_542[0] : i32 from vector<1xi32>
        %slice3A_544 = vector.extract_strided_slice %gather3A_308 {offsets = [4], sizes = [1], strides = [1]} : vector<16xi32> to vector<1xi32>
        %squeeze3A_545 = vector.extract %slice3A_544[0] : i32 from vector<1xi32>
        %slice3A_546 = vector.extract_strided_slice %gather3A_315 {offsets = [4], sizes = [1], strides = [1]} : vector<16xi32> to vector<1xi32>
        %squeeze3A_547 = vector.extract %slice3A_546[0] : i32 from vector<1xi32>
        %get3A_548 = arith.index_cast %squeeze3A_541 : i32 to index
        %get3A_549 = arith.constant 0 : index
        %get3A_550 = tpu.vector_load %arg8[%get3A_548, %get3A_549] {strides = array<i32>} : memref<512x32xf32, #tpu.memory_space<vmem>>, vector<16xf32>,
        %get3A_551 = arith.index_cast %squeeze3A_543 : i32 to index
        %get3A_552 = arith.constant 0 : index
        %get3A_553 = tpu.vector_load %arg9[%get3A_551, %get3A_552] {strides = array<i32>} : memref<1024x32xf32, #tpu.memory_space<vmem>>, vector<16xf32>,
        %get3A_554 = arith.index_cast %squeeze3A_545 : i32 to index
        %get3A_555 = arith.constant 0 : index
        %get3A_556 = tpu.vector_load %arg9[%get3A_554, %get3A_555] {strides = array<i32>} : memref<1024x32xf32, #tpu.memory_space<vmem>>, vector<16xf32>,
        %add3A_557 = arith.addf %get3A_553, %get3A_556 : vector<16xf32>
        %get3A_558 = arith.index_cast %squeeze3A_547 : i32 to index
        %get3A_559 = arith.constant 0 : index
        %get3A_560 = tpu.vector_load %arg9[%get3A_558, %get3A_559] {strides = array<i32>} : memref<1024x32xf32, #tpu.memory_space<vmem>>, vector<16xf32>,
        %add3A_561 = arith.addf %add3A_557, %get3A_560 : vector<16xf32>
        %mul3A_562 = vector.broadcast %scan3A_62 : f32 to vector<16xf32>
        %mul3A_563 = arith.mulf %mul3A_562, %add3A_561 : vector<16xf32>
        %add3A_564 = arith.addf %get3A_550, %mul3A_563 : vector<16xf32>
        %get3A_565 = arith.index_cast %squeeze3A_541 : i32 to index
        %get3A_566 = arith.constant 16 : index
        %get3A_567 = tpu.vector_load %arg8[%get3A_565, %get3A_566] {strides = array<i32>} : memref<512x32xf32, #tpu.memory_space<vmem>>, vector<16xf32>,
        %get3A_568 = arith.index_cast %squeeze3A_543 : i32 to index
        %get3A_569 = arith.constant 16 : index
        %get3A_570 = tpu.vector_load %arg9[%get3A_568, %get3A_569] {strides = array<i32>} : memref<1024x32xf32, #tpu.memory_space<vmem>>, vector<16xf32>,
        %get3A_571 = arith.index_cast %squeeze3A_545 : i32 to index
        %get3A_572 = arith.constant 16 : index
        %get3A_573 = tpu.vector_load %arg9[%get3A_571, %get3A_572] {strides = array<i32>} : memref<1024x32xf32, #tpu.memory_space<vmem>>, vector<16xf32>,
        %add3A_574 = arith.addf %get3A_570, %get3A_573 : vector<16xf32>
        %get3A_575 = arith.index_cast %squeeze3A_547 : i32 to index
        %get3A_576 = arith.constant 16 : index
        %get3A_577 = tpu.vector_load %arg9[%get3A_575, %get3A_576] {strides = array<i32>} : memref<1024x32xf32, #tpu.memory_space<vmem>>, vector<16xf32>,
        %add3A_578 = arith.addf %add3A_574, %get3A_577 : vector<16xf32>
        %mul3A_579 = vector.broadcast %scan3A_62 : f32 to vector<16xf32>
        %mul3A_580 = arith.mulf %mul3A_579, %add3A_578 : vector<16xf32>
        %add3A_581 = arith.addf %get3A_567, %mul3A_580 : vector<16xf32>
        %swap3A_582 = arith.constant 2 : i32
        %swap3A_583 = arith.index_cast %rem3A_120 : i32 to index
        %swap3A_584 = arith.index_cast %swap3A_582 : i32 to index
        %swap3A_585 = arith.index_cast %add3A_539 : i32 to index
        %swap3A_586 = arith.constant 0 : index
        %swap3A_587 = tpu.vector_load %arg13[%swap3A_583, %swap3A_584, %swap3A_585, %swap3A_586] {strides = array<i32>} : memref<2x3x256x32xf32, #tpu.memory_space<vmem>>, vector<16xf32>,
        tpu.vector_store %arg13[%swap3A_583, %swap3A_584, %swap3A_585, %swap3A_586], %add3A_564 {strides = array<i32>} : memref<2x3x256x32xf32, #tpu.memory_space<vmem>>, vector<16xf32>,
        %swap3A_588 = arith.constant 2 : i32
        %swap3A_589 = arith.index_cast %rem3A_120 : i32 to index
        %swap3A_590 = arith.index_cast %swap3A_588 : i32 to index
        %swap3A_591 = arith.index_cast %add3A_539 : i32 to index
        %swap3A_592 = arith.constant 16 : index
        %swap3A_593 = tpu.vector_load %arg13[%swap3A_589, %swap3A_590, %swap3A_591, %swap3A_592] {strides = array<i32>} : memref<2x3x256x32xf32, #tpu.memory_space<vmem>>, vector<16xf32>,
        tpu.vector_store %arg13[%swap3A_589, %swap3A_590, %swap3A_591, %swap3A_592], %add3A_581 {strides = array<i32>} : memref<2x3x256x32xf32, #tpu.memory_space<vmem>>, vector<16xf32>,
        %add3A_594 = arith.constant 5 : i32
        %add3A_595 = arith.addi %mul3A_273, %add3A_594 : i32
        %slice3A_596 = vector.extract_strided_slice %gather3A_285 {offsets = [5], sizes = [1], strides = [1]} : vector<16xi32> to vector<1xi32>
        %squeeze3A_597 = vector.extract %slice3A_596[0] : i32 from vector<1xi32>
        %slice3A_598 = vector.extract_strided_slice %gather3A_301 {offsets = [5], sizes = [1], strides = [1]} : vector<16xi32> to vector<1xi32>
        %squeeze3A_599 = vector.extract %slice3A_598[0] : i32 from vector<1xi32>
        %slice3A_600 = vector.extract_strided_slice %gather3A_308 {offsets = [5], sizes = [1], strides = [1]} : vector<16xi32> to vector<1xi32>
        %squeeze3A_601 = vector.extract %slice3A_600[0] : i32 from vector<1xi32>
        %slice3A_602 = vector.extract_strided_slice %gather3A_315 {offsets = [5], sizes = [1], strides = [1]} : vector<16xi32> to vector<1xi32>
        %squeeze3A_603 = vector.extract %slice3A_602[0] : i32 from vector<1xi32>
        %get3A_604 = arith.index_cast %squeeze3A_597 : i32 to index
        %get3A_605 = arith.constant 0 : index
        %get3A_606 = tpu.vector_load %arg8[%get3A_604, %get3A_605] {strides = array<i32>} : memref<512x32xf32, #tpu.memory_space<vmem>>, vector<16xf32>,
        %get3A_607 = arith.index_cast %squeeze3A_599 : i32 to index
        %get3A_608 = arith.constant 0 : index
        %get3A_609 = tpu.vector_load %arg9[%get3A_607, %get3A_608] {strides = array<i32>} : memref<1024x32xf32, #tpu.memory_space<vmem>>, vector<16xf32>,
        %get3A_610 = arith.index_cast %squeeze3A_601 : i32 to index
        %get3A_611 = arith.constant 0 : index
        %get3A_612 = tpu.vector_load %arg9[%get3A_610, %get3A_611] {strides = array<i32>} : memref<1024x32xf32, #tpu.memory_space<vmem>>, vector<16xf32>,
        %add3A_613 = arith.addf %get3A_609, %get3A_612 : vector<16xf32>
        %get3A_614 = arith.index_cast %squeeze3A_603 : i32 to index
        %get3A_615 = arith.constant 0 : index
        %get3A_616 = tpu.vector_load %arg9[%get3A_614, %get3A_615] {strides = array<i32>} : memref<1024x32xf32, #tpu.memory_space<vmem>>, vector<16xf32>,
        %add3A_617 = arith.addf %add3A_613, %get3A_616 : vector<16xf32>
        %mul3A_618 = vector.broadcast %scan3A_62 : f32 to vector<16xf32>
        %mul3A_619 = arith.mulf %mul3A_618, %add3A_617 : vector<16xf32>
        %add3A_620 = arith.addf %get3A_606, %mul3A_619 : vector<16xf32>
        %get3A_621 = arith.index_cast %squeeze3A_597 : i32 to index
        %get3A_622 = arith.constant 16 : index
        %get3A_623 = tpu.vector_load %arg8[%get3A_621, %get3A_622] {strides = array<i32>} : memref<512x32xf32, #tpu.memory_space<vmem>>, vector<16xf32>,
        %get3A_624 = arith.index_cast %squeeze3A_599 : i32 to index
        %get3A_625 = arith.constant 16 : index
        %get3A_626 = tpu.vector_load %arg9[%get3A_624, %get3A_625] {strides = array<i32>} : memref<1024x32xf32, #tpu.memory_space<vmem>>, vector<16xf32>,
        %get3A_627 = arith.index_cast %squeeze3A_601 : i32 to index
        %get3A_628 = arith.constant 16 : index
        %get3A_629 = tpu.vector_load %arg9[%get3A_627, %get3A_628] {strides = array<i32>} : memref<1024x32xf32, #tpu.memory_space<vmem>>, vector<16xf32>,
        %add3A_630 = arith.addf %get3A_626, %get3A_629 : vector<16xf32>
        %get3A_631 = arith.index_cast %squeeze3A_603 : i32 to index
        %get3A_632 = arith.constant 16 : index
        %get3A_633 = tpu.vector_load %arg9[%get3A_631, %get3A_632] {strides = array<i32>} : memref<1024x32xf32, #tpu.memory_space<vmem>>, vector<16xf32>,
        %add3A_634 = arith.addf %add3A_630, %get3A_633 : vector<16xf32>
        %mul3A_635 = vector.broadcast %scan3A_62 : f32 to vector<16xf32>
        %mul3A_636 = arith.mulf %mul3A_635, %add3A_634 : vector<16xf32>
        %add3A_637 = arith.addf %get3A_623, %mul3A_636 : vector<16xf32>
        %swap3A_638 = arith.constant 2 : i32
        %swap3A_639 = arith.index_cast %rem3A_120 : i32 to index
        %swap3A_640 = arith.index_cast %swap3A_638 : i32 to index
        %swap3A_641 = arith.index_cast %add3A_595 : i32 to index
        %swap3A_642 = arith.constant 0 : index
        %swap3A_643 = tpu.vector_load %arg13[%swap3A_639, %swap3A_640, %swap3A_641, %swap3A_642] {strides = array<i32>} : memref<2x3x256x32xf32, #tpu.memory_space<vmem>>, vector<16xf32>,
        tpu.vector_store %arg13[%swap3A_639, %swap3A_640, %swap3A_641, %swap3A_642], %add3A_620 {strides = array<i32>} : memref<2x3x256x32xf32, #tpu.memory_space<vmem>>, vector<16xf32>,
        %swap3A_644 = arith.constant 2 : i32
        %swap3A_645 = arith.index_cast %rem3A_120 : i32 to index
        %swap3A_646 = arith.index_cast %swap3A_644 : i32 to index
        %swap3A_647 = arith.index_cast %add3A_595 : i32 to index
        %swap3A_648 = arith.constant 16 : index
        %swap3A_649 = tpu.vector_load %arg13[%swap3A_645, %swap3A_646, %swap3A_647, %swap3A_648] {strides = array<i32>} : memref<2x3x256x32xf32, #tpu.memory_space<vmem>>, vector<16xf32>,
        tpu.vector_store %arg13[%swap3A_645, %swap3A_646, %swap3A_647, %swap3A_648], %add3A_637 {strides = array<i32>} : memref<2x3x256x32xf32, #tpu.memory_space<vmem>>, vector<16xf32>,
        %add3A_650 = arith.constant 6 : i32
        %add3A_651 = arith.addi %mul3A_273, %add3A_650 : i32
        %slice3A_652 = vector.extract_strided_slice %gather3A_285 {offsets = [6], sizes = [1], strides = [1]} : vector<16xi32> to vector<1xi32>
        %squeeze3A_653 = vector.extract %slice3A_652[0] : i32 from vector<1xi32>
        %slice3A_654 = vector.extract_strided_slice %gather3A_301 {offsets = [6], sizes = [1], strides = [1]} : vector<16xi32> to vector<1xi32>
        %squeeze3A_655 = vector.extract %slice3A_654[0] : i32 from vector<1xi32>
        %slice3A_656 = vector.extract_strided_slice %gather3A_308 {offsets = [6], sizes = [1], strides = [1]} : vector<16xi32> to vector<1xi32>
        %squeeze3A_657 = vector.extract %slice3A_656[0] : i32 from vector<1xi32>
        %slice3A_658 = vector.extract_strided_slice %gather3A_315 {offsets = [6], sizes = [1], strides = [1]} : vector<16xi32> to vector<1xi32>
        %squeeze3A_659 = vector.extract %slice3A_658[0] : i32 from vector<1xi32>
        %get3A_660 = arith.index_cast %squeeze3A_653 : i32 to index
        %get3A_661 = arith.constant 0 : index
        %get3A_662 = tpu.vector_load %arg8[%get3A_660, %get3A_661] {strides = array<i32>} : memref<512x32xf32, #tpu.memory_space<vmem>>, vector<16xf32>,
        %get3A_663 = arith.index_cast %squeeze3A_655 : i32 to index
        %get3A_664 = arith.constant 0 : index
        %get3A_665 = tpu.vector_load %arg9[%get3A_663, %get3A_664] {strides = array<i32>} : memref<1024x32xf32, #tpu.memory_space<vmem>>, vector<16xf32>,
        %get3A_666 = arith.index_cast %squeeze3A_657 : i32 to index
        %get3A_667 = arith.constant 0 : index
        %get3A_668 = tpu.vector_load %arg9[%get3A_666, %get3A_667] {strides = array<i32>} : memref<1024x32xf32, #tpu.memory_space<vmem>>, vector<16xf32>,
        %add3A_669 = arith.addf %get3A_665, %get3A_668 : vector<16xf32>
        %get3A_670 = arith.index_cast %squeeze3A_659 : i32 to index
        %get3A_671 = arith.constant 0 : index
        %get3A_672 = tpu.vector_load %arg9[%get3A_670, %get3A_671] {strides = array<i32>} : memref<1024x32xf32, #tpu.memory_space<vmem>>, vector<16xf32>,
        %add3A_673 = arith.addf %add3A_669, %get3A_672 : vector<16xf32>
        %mul3A_674 = vector.broadcast %scan3A_62 : f32 to vector<16xf32>
        %mul3A_675 = arith.mulf %mul3A_674, %add3A_673 : vector<16xf32>
        %add3A_676 = arith.addf %get3A_662, %mul3A_675 : vector<16xf32>
        %get3A_677 = arith.index_cast %squeeze3A_653 : i32 to index
        %get3A_678 = arith.constant 16 : index
        %get3A_679 = tpu.vector_load %arg8[%get3A_677, %get3A_678] {strides = array<i32>} : memref<512x32xf32, #tpu.memory_space<vmem>>, vector<16xf32>,
        %get3A_680 = arith.index_cast %squeeze3A_655 : i32 to index
        %get3A_681 = arith.constant 16 : index
        %get3A_682 = tpu.vector_load %arg9[%get3A_680, %get3A_681] {strides = array<i32>} : memref<1024x32xf32, #tpu.memory_space<vmem>>, vector<16xf32>,
        %get3A_683 = arith.index_cast %squeeze3A_657 : i32 to index
        %get3A_684 = arith.constant 16 : index
        %get3A_685 = tpu.vector_load %arg9[%get3A_683, %get3A_684] {strides = array<i32>} : memref<1024x32xf32, #tpu.memory_space<vmem>>, vector<16xf32>,
        %add3A_686 = arith.addf %get3A_682, %get3A_685 : vector<16xf32>
        %get3A_687 = arith.index_cast %squeeze3A_659 : i32 to index
        %get3A_688 = arith.constant 16 : index
        %get3A_689 = tpu.vector_load %arg9[%get3A_687, %get3A_688] {strides = array<i32>} : memref<1024x32xf32, #tpu.memory_space<vmem>>, vector<16xf32>,
        %add3A_690 = arith.addf %add3A_686, %get3A_689 : vector<16xf32>
        %mul3A_691 = vector.broadcast %scan3A_62 : f32 to vector<16xf32>
        %mul3A_692 = arith.mulf %mul3A_691, %add3A_690 : vector<16xf32>
        %add3A_693 = arith.addf %get3A_679, %mul3A_692 : vector<16xf32>
        %swap3A_694 = arith.constant 2 : i32
        %swap3A_695 = arith.index_cast %rem3A_120 : i32 to index
        %swap3A_696 = arith.index_cast %swap3A_694 : i32 to index
        %swap3A_697 = arith.index_cast %add3A_651 : i32 to index
        %swap3A_698 = arith.constant 0 : index
        %swap3A_699 = tpu.vector_load %arg13[%swap3A_695, %swap3A_696, %swap3A_697, %swap3A_698] {strides = array<i32>} : memref<2x3x256x32xf32, #tpu.memory_space<vmem>>, vector<16xf32>,
        tpu.vector_store %arg13[%swap3A_695, %swap3A_696, %swap3A_697, %swap3A_698], %add3A_676 {strides = array<i32>} : memref<2x3x256x32xf32, #tpu.memory_space<vmem>>, vector<16xf32>,
        %swap3A_700 = arith.constant 2 : i32
        %swap3A_701 = arith.index_cast %rem3A_120 : i32 to index
        %swap3A_702 = arith.index_cast %swap3A_700 : i32 to index
        %swap3A_703 = arith.index_cast %add3A_651 : i32 to index
        %swap3A_704 = arith.constant 16 : index
        %swap3A_705 = tpu.vector_load %arg13[%swap3A_701, %swap3A_702, %swap3A_703, %swap3A_704] {strides = array<i32>} : memref<2x3x256x32xf32, #tpu.memory_space<vmem>>, vector<16xf32>,
        tpu.vector_store %arg13[%swap3A_701, %swap3A_702, %swap3A_703, %swap3A_704], %add3A_693 {strides = array<i32>} : memref<2x3x256x32xf32, #tpu.memory_space<vmem>>, vector<16xf32>,
        %add3A_706 = arith.constant 7 : i32
        %add3A_707 = arith.addi %mul3A_273, %add3A_706 : i32
        %slice3A_708 = vector.extract_strided_slice %gather3A_285 {offsets = [7], sizes = [1], strides = [1]} : vector<16xi32> to vector<1xi32>
        %squeeze3A_709 = vector.extract %slice3A_708[0] : i32 from vector<1xi32>
        %slice3A_710 = vector.extract_strided_slice %gather3A_301 {offsets = [7], sizes = [1], strides = [1]} : vector<16xi32> to vector<1xi32>
        %squeeze3A_711 = vector.extract %slice3A_710[0] : i32 from vector<1xi32>
        %slice3A_712 = vector.extract_strided_slice %gather3A_308 {offsets = [7], sizes = [1], strides = [1]} : vector<16xi32> to vector<1xi32>
        %squeeze3A_713 = vector.extract %slice3A_712[0] : i32 from vector<1xi32>
        %slice3A_714 = vector.extract_strided_slice %gather3A_315 {offsets = [7], sizes = [1], strides = [1]} : vector<16xi32> to vector<1xi32>
        %squeeze3A_715 = vector.extract %slice3A_714[0] : i32 from vector<1xi32>
        %get3A_716 = arith.index_cast %squeeze3A_709 : i32 to index
        %get3A_717 = arith.constant 0 : index
        %get3A_718 = tpu.vector_load %arg8[%get3A_716, %get3A_717] {strides = array<i32>} : memref<512x32xf32, #tpu.memory_space<vmem>>, vector<16xf32>,
        %get3A_719 = arith.index_cast %squeeze3A_711 : i32 to index
        %get3A_720 = arith.constant 0 : index
        %get3A_721 = tpu.vector_load %arg9[%get3A_719, %get3A_720] {strides = array<i32>} : memref<1024x32xf32, #tpu.memory_space<vmem>>, vector<16xf32>,
        %get3A_722 = arith.index_cast %squeeze3A_713 : i32 to index
        %get3A_723 = arith.constant 0 : index
        %get3A_724 = tpu.vector_load %arg9[%get3A_722, %get3A_723] {strides = array<i32>} : memref<1024x32xf32, #tpu.memory_space<vmem>>, vector<16xf32>,
        %add3A_725 = arith.addf %get3A_721, %get3A_724 : vector<16xf32>
        %get3A_726 = arith.index_cast %squeeze3A_715 : i32 to index
        %get3A_727 = arith.constant 0 : index
        %get3A_728 = tpu.vector_load %arg9[%get3A_726, %get3A_727] {strides = array<i32>} : memref<1024x32xf32, #tpu.memory_space<vmem>>, vector<16xf32>,
        %add3A_729 = arith.addf %add3A_725, %get3A_728 : vector<16xf32>
        %mul3A_730 = vector.broadcast %scan3A_62 : f32 to vector<16xf32>
        %mul3A_731 = arith.mulf %mul3A_730, %add3A_729 : vector<16xf32>
        %add3A_732 = arith.addf %get3A_718, %mul3A_731 : vector<16xf32>
        %get3A_733 = arith.index_cast %squeeze3A_709 : i32 to index
        %get3A_734 = arith.constant 16 : index
        %get3A_735 = tpu.vector_load %arg8[%get3A_733, %get3A_734] {strides = array<i32>} : memref<512x32xf32, #tpu.memory_space<vmem>>, vector<16xf32>,
        %get3A_736 = arith.index_cast %squeeze3A_711 : i32 to index
        %get3A_737 = arith.constant 16 : index
        %get3A_738 = tpu.vector_load %arg9[%get3A_736, %get3A_737] {strides = array<i32>} : memref<1024x32xf32, #tpu.memory_space<vmem>>, vector<16xf32>,
        %get3A_739 = arith.index_cast %squeeze3A_713 : i32 to index
        %get3A_740 = arith.constant 16 : index
        %get3A_741 = tpu.vector_load %arg9[%get3A_739, %get3A_740] {strides = array<i32>} : memref<1024x32xf32, #tpu.memory_space<vmem>>, vector<16xf32>,
        %add3A_742 = arith.addf %get3A_738, %get3A_741 : vector<16xf32>
        %get3A_743 = arith.index_cast %squeeze3A_715 : i32 to index
        %get3A_744 = arith.constant 16 : index
        %get3A_745 = tpu.vector_load %arg9[%get3A_743, %get3A_744] {strides = array<i32>} : memref<1024x32xf32, #tpu.memory_space<vmem>>, vector<16xf32>,
        %add3A_746 = arith.addf %add3A_742, %get3A_745 : vector<16xf32>
        %mul3A_747 = vector.broadcast %scan3A_62 : f32 to vector<16xf32>
        %mul3A_748 = arith.mulf %mul3A_747, %add3A_746 : vector<16xf32>
        %add3A_749 = arith.addf %get3A_735, %mul3A_748 : vector<16xf32>
        %swap3A_750 = arith.constant 2 : i32
        %swap3A_751 = arith.index_cast %rem3A_120 : i32 to index
        %swap3A_752 = arith.index_cast %swap3A_750 : i32 to index
        %swap3A_753 = arith.index_cast %add3A_707 : i32 to index
        %swap3A_754 = arith.constant 0 : index
        %swap3A_755 = tpu.vector_load %arg13[%swap3A_751, %swap3A_752, %swap3A_753, %swap3A_754] {strides = array<i32>} : memref<2x3x256x32xf32, #tpu.memory_space<vmem>>, vector<16xf32>,
        tpu.vector_store %arg13[%swap3A_751, %swap3A_752, %swap3A_753, %swap3A_754], %add3A_732 {strides = array<i32>} : memref<2x3x256x32xf32, #tpu.memory_space<vmem>>, vector<16xf32>,
        %swap3A_756 = arith.constant 2 : i32
        %swap3A_757 = arith.index_cast %rem3A_120 : i32 to index
        %swap3A_758 = arith.index_cast %swap3A_756 : i32 to index
        %swap3A_759 = arith.index_cast %add3A_707 : i32 to index
        %swap3A_760 = arith.constant 16 : index
        %swap3A_761 = tpu.vector_load %arg13[%swap3A_757, %swap3A_758, %swap3A_759, %swap3A_760] {strides = array<i32>} : memref<2x3x256x32xf32, #tpu.memory_space<vmem>>, vector<16xf32>,
        tpu.vector_store %arg13[%swap3A_757, %swap3A_758, %swap3A_759, %swap3A_760], %add3A_749 {strides = array<i32>} : memref<2x3x256x32xf32, #tpu.memory_space<vmem>>, vector<16xf32>,
        %add3A_762 = arith.constant 8 : i32
        %add3A_763 = arith.addi %mul3A_273, %add3A_762 : i32
        %slice3A_764 = vector.extract_strided_slice %gather3A_285 {offsets = [8], sizes = [1], strides = [1]} : vector<16xi32> to vector<1xi32>
        %squeeze3A_765 = vector.extract %slice3A_764[0] : i32 from vector<1xi32>
        %slice3A_766 = vector.extract_strided_slice %gather3A_301 {offsets = [8], sizes = [1], strides = [1]} : vector<16xi32> to vector<1xi32>
        %squeeze3A_767 = vector.extract %slice3A_766[0] : i32 from vector<1xi32>
        %slice3A_768 = vector.extract_strided_slice %gather3A_308 {offsets = [8], sizes = [1], strides = [1]} : vector<16xi32> to vector<1xi32>
        %squeeze3A_769 = vector.extract %slice3A_768[0] : i32 from vector<1xi32>
        %slice3A_770 = vector.extract_strided_slice %gather3A_315 {offsets = [8], sizes = [1], strides = [1]} : vector<16xi32> to vector<1xi32>
        %squeeze3A_771 = vector.extract %slice3A_770[0] : i32 from vector<1xi32>
        %get3A_772 = arith.index_cast %squeeze3A_765 : i32 to index
        %get3A_773 = arith.constant 0 : index
        %get3A_774 = tpu.vector_load %arg8[%get3A_772, %get3A_773] {strides = array<i32>} : memref<512x32xf32, #tpu.memory_space<vmem>>, vector<16xf32>,
        %get3A_775 = arith.index_cast %squeeze3A_767 : i32 to index
        %get3A_776 = arith.constant 0 : index
        %get3A_777 = tpu.vector_load %arg9[%get3A_775, %get3A_776] {strides = array<i32>} : memref<1024x32xf32, #tpu.memory_space<vmem>>, vector<16xf32>,
        %get3A_778 = arith.index_cast %squeeze3A_769 : i32 to index
        %get3A_779 = arith.constant 0 : index
        %get3A_780 = tpu.vector_load %arg9[%get3A_778, %get3A_779] {strides = array<i32>} : memref<1024x32xf32, #tpu.memory_space<vmem>>, vector<16xf32>,
        %add3A_781 = arith.addf %get3A_777, %get3A_780 : vector<16xf32>
        %get3A_782 = arith.index_cast %squeeze3A_771 : i32 to index
        %get3A_783 = arith.constant 0 : index
        %get3A_784 = tpu.vector_load %arg9[%get3A_782, %get3A_783] {strides = array<i32>} : memref<1024x32xf32, #tpu.memory_space<vmem>>, vector<16xf32>,
        %add3A_785 = arith.addf %add3A_781, %get3A_784 : vector<16xf32>
        %mul3A_786 = vector.broadcast %scan3A_62 : f32 to vector<16xf32>
        %mul3A_787 = arith.mulf %mul3A_786, %add3A_785 : vector<16xf32>
        %add3A_788 = arith.addf %get3A_774, %mul3A_787 : vector<16xf32>
        %get3A_789 = arith.index_cast %squeeze3A_765 : i32 to index
        %get3A_790 = arith.constant 16 : index
        %get3A_791 = tpu.vector_load %arg8[%get3A_789, %get3A_790] {strides = array<i32>} : memref<512x32xf32, #tpu.memory_space<vmem>>, vector<16xf32>,
        %get3A_792 = arith.index_cast %squeeze3A_767 : i32 to index
        %get3A_793 = arith.constant 16 : index
        %get3A_794 = tpu.vector_load %arg9[%get3A_792, %get3A_793] {strides = array<i32>} : memref<1024x32xf32, #tpu.memory_space<vmem>>, vector<16xf32>,
        %get3A_795 = arith.index_cast %squeeze3A_769 : i32 to index
        %get3A_796 = arith.constant 16 : index
        %get3A_797 = tpu.vector_load %arg9[%get3A_795, %get3A_796] {strides = array<i32>} : memref<1024x32xf32, #tpu.memory_space<vmem>>, vector<16xf32>,
        %add3A_798 = arith.addf %get3A_794, %get3A_797 : vector<16xf32>
        %get3A_799 = arith.index_cast %squeeze3A_771 : i32 to index
        %get3A_800 = arith.constant 16 : index
        %get3A_801 = tpu.vector_load %arg9[%get3A_799, %get3A_800] {strides = array<i32>} : memref<1024x32xf32, #tpu.memory_space<vmem>>, vector<16xf32>,
        %add3A_802 = arith.addf %add3A_798, %get3A_801 : vector<16xf32>
        %mul3A_803 = vector.broadcast %scan3A_62 : f32 to vector<16xf32>
        %mul3A_804 = arith.mulf %mul3A_803, %add3A_802 : vector<16xf32>
        %add3A_805 = arith.addf %get3A_791, %mul3A_804 : vector<16xf32>
        %swap3A_806 = arith.constant 2 : i32
        %swap3A_807 = arith.index_cast %rem3A_120 : i32 to index
        %swap3A_808 = arith.index_cast %swap3A_806 : i32 to index
        %swap3A_809 = arith.index_cast %add3A_763 : i32 to index
        %swap3A_810 = arith.constant 0 : index
        %swap3A_811 = tpu.vector_load %arg13[%swap3A_807, %swap3A_808, %swap3A_809, %swap3A_810] {strides = array<i32>} : memref<2x3x256x32xf32, #tpu.memory_space<vmem>>, vector<16xf32>,
        tpu.vector_store %arg13[%swap3A_807, %swap3A_808, %swap3A_809, %swap3A_810], %add3A_788 {strides = array<i32>} : memref<2x3x256x32xf32, #tpu.memory_space<vmem>>, vector<16xf32>,
        %swap3A_812 = arith.constant 2 : i32
        %swap3A_813 = arith.index_cast %rem3A_120 : i32 to index
        %swap3A_814 = arith.index_cast %swap3A_812 : i32 to index
        %swap3A_815 = arith.index_cast %add3A_763 : i32 to index
        %swap3A_816 = arith.constant 16 : index
        %swap3A_817 = tpu.vector_load %arg13[%swap3A_813, %swap3A_814, %swap3A_815, %swap3A_816] {strides = array<i32>} : memref<2x3x256x32xf32, #tpu.memory_space<vmem>>, vector<16xf32>,
        tpu.vector_store %arg13[%swap3A_813, %swap3A_814, %swap3A_815, %swap3A_816], %add3A_805 {strides = array<i32>} : memref<2x3x256x32xf32, #tpu.memory_space<vmem>>, vector<16xf32>,
        %add3A_818 = arith.constant 9 : i32
        %add3A_819 = arith.addi %mul3A_273, %add3A_818 : i32
        %slice3A_820 = vector.extract_strided_slice %gather3A_285 {offsets = [9], sizes = [1], strides = [1]} : vector<16xi32> to vector<1xi32>
        %squeeze3A_821 = vector.extract %slice3A_820[0] : i32 from vector<1xi32>
        %slice3A_822 = vector.extract_strided_slice %gather3A_301 {offsets = [9], sizes = [1], strides = [1]} : vector<16xi32> to vector<1xi32>
        %squeeze3A_823 = vector.extract %slice3A_822[0] : i32 from vector<1xi32>
        %slice3A_824 = vector.extract_strided_slice %gather3A_308 {offsets = [9], sizes = [1], strides = [1]} : vector<16xi32> to vector<1xi32>
        %squeeze3A_825 = vector.extract %slice3A_824[0] : i32 from vector<1xi32>
        %slice3A_826 = vector.extract_strided_slice %gather3A_315 {offsets = [9], sizes = [1], strides = [1]} : vector<16xi32> to vector<1xi32>
        %squeeze3A_827 = vector.extract %slice3A_826[0] : i32 from vector<1xi32>
        %get3A_828 = arith.index_cast %squeeze3A_821 : i32 to index
        %get3A_829 = arith.constant 0 : index
        %get3A_830 = tpu.vector_load %arg8[%get3A_828, %get3A_829] {strides = array<i32>} : memref<512x32xf32, #tpu.memory_space<vmem>>, vector<16xf32>,
        %get3A_831 = arith.index_cast %squeeze3A_823 : i32 to index
        %get3A_832 = arith.constant 0 : index
        %get3A_833 = tpu.vector_load %arg9[%get3A_831, %get3A_832] {strides = array<i32>} : memref<1024x32xf32, #tpu.memory_space<vmem>>, vector<16xf32>,
        %get3A_834 = arith.index_cast %squeeze3A_825 : i32 to index
        %get3A_835 = arith.constant 0 : index
        %get3A_836 = tpu.vector_load %arg9[%get3A_834, %get3A_835] {strides = array<i32>} : memref<1024x32xf32, #tpu.memory_space<vmem>>, vector<16xf32>,
        %add3A_837 = arith.addf %get3A_833, %get3A_836 : vector<16xf32>
        %get3A_838 = arith.index_cast %squeeze3A_827 : i32 to index
        %get3A_839 = arith.constant 0 : index
        %get3A_840 = tpu.vector_load %arg9[%get3A_838, %get3A_839] {strides = array<i32>} : memref<1024x32xf32, #tpu.memory_space<vmem>>, vector<16xf32>,
        %add3A_841 = arith.addf %add3A_837, %get3A_840 : vector<16xf32>
        %mul3A_842 = vector.broadcast %scan3A_62 : f32 to vector<16xf32>
        %mul3A_843 = arith.mulf %mul3A_842, %add3A_841 : vector<16xf32>
        %add3A_844 = arith.addf %get3A_830, %mul3A_843 : vector<16xf32>
        %get3A_845 = arith.index_cast %squeeze3A_821 : i32 to index
        %get3A_846 = arith.constant 16 : index
        %get3A_847 = tpu.vector_load %arg8[%get3A_845, %get3A_846] {strides = array<i32>} : memref<512x32xf32, #tpu.memory_space<vmem>>, vector<16xf32>,
        %get3A_848 = arith.index_cast %squeeze3A_823 : i32 to index
        %get3A_849 = arith.constant 16 : index
        %get3A_850 = tpu.vector_load %arg9[%get3A_848, %get3A_849] {strides = array<i32>} : memref<1024x32xf32, #tpu.memory_space<vmem>>, vector<16xf32>,
        %get3A_851 = arith.index_cast %squeeze3A_825 : i32 to index
        %get3A_852 = arith.constant 16 : index
        %get3A_853 = tpu.vector_load %arg9[%get3A_851, %get3A_852] {strides = array<i32>} : memref<1024x32xf32, #tpu.memory_space<vmem>>, vector<16xf32>,
        %add3A_854 = arith.addf %get3A_850, %get3A_853 : vector<16xf32>
        %get3A_855 = arith.index_cast %squeeze3A_827 : i32 to index
        %get3A_856 = arith.constant 16 : index
        %get3A_857 = tpu.vector_load %arg9[%get3A_855, %get3A_856] {strides = array<i32>} : memref<1024x32xf32, #tpu.memory_space<vmem>>, vector<16xf32>,
        %add3A_858 = arith.addf %add3A_854, %get3A_857 : vector<16xf32>
        %mul3A_859 = vector.broadcast %scan3A_62 : f32 to vector<16xf32>
        %mul3A_860 = arith.mulf %mul3A_859, %add3A_858 : vector<16xf32>
        %add3A_861 = arith.addf %get3A_847, %mul3A_860 : vector<16xf32>
        %swap3A_862 = arith.constant 2 : i32
        %swap3A_863 = arith.index_cast %rem3A_120 : i32 to index
        %swap3A_864 = arith.index_cast %swap3A_862 : i32 to index
        %swap3A_865 = arith.index_cast %add3A_819 : i32 to index
        %swap3A_866 = arith.constant 0 : index
        %swap3A_867 = tpu.vector_load %arg13[%swap3A_863, %swap3A_864, %swap3A_865, %swap3A_866] {strides = array<i32>} : memref<2x3x256x32xf32, #tpu.memory_space<vmem>>, vector<16xf32>,
        tpu.vector_store %arg13[%swap3A_863, %swap3A_864, %swap3A_865, %swap3A_866], %add3A_844 {strides = array<i32>} : memref<2x3x256x32xf32, #tpu.memory_space<vmem>>, vector<16xf32>,
        %swap3A_868 = arith.constant 2 : i32
        %swap3A_869 = arith.index_cast %rem3A_120 : i32 to index
        %swap3A_870 = arith.index_cast %swap3A_868 : i32 to index
        %swap3A_871 = arith.index_cast %add3A_819 : i32 to index
        %swap3A_872 = arith.constant 16 : index
        %swap3A_873 = tpu.vector_load %arg13[%swap3A_869, %swap3A_870, %swap3A_871, %swap3A_872] {strides = array<i32>} : memref<2x3x256x32xf32, #tpu.memory_space<vmem>>, vector<16xf32>,
        tpu.vector_store %arg13[%swap3A_869, %swap3A_870, %swap3A_871, %swap3A_872], %add3A_861 {strides = array<i32>} : memref<2x3x256x32xf32, #tpu.memory_space<vmem>>, vector<16xf32>,
        %add3A_874 = arith.constant 10 : i32
        %add3A_875 = arith.addi %mul3A_273, %add3A_874 : i32
        %slice3A_876 = vector.extract_strided_slice %gather3A_285 {offsets = [10], sizes = [1], strides = [1]} : vector<16xi32> to vector<1xi32>
        %squeeze3A_877 = vector.extract %slice3A_876[0] : i32 from vector<1xi32>
        %slice3A_878 = vector.extract_strided_slice %gather3A_301 {offsets = [10], sizes = [1], strides = [1]} : vector<16xi32> to vector<1xi32>
        %squeeze3A_879 = vector.extract %slice3A_878[0] : i32 from vector<1xi32>
        %slice3A_880 = vector.extract_strided_slice %gather3A_308 {offsets = [10], sizes = [1], strides = [1]} : vector<16xi32> to vector<1xi32>
        %squeeze3A_881 = vector.extract %slice3A_880[0] : i32 from vector<1xi32>
        %slice3A_882 = vector.extract_strided_slice %gather3A_315 {offsets = [10], sizes = [1], strides = [1]} : vector<16xi32> to vector<1xi32>
        %squeeze3A_883 = vector.extract %slice3A_882[0] : i32 from vector<1xi32>
        %get3A_884 = arith.index_cast %squeeze3A_877 : i32 to index
        %get3A_885 = arith.constant 0 : index
        %get3A_886 = tpu.vector_load %arg8[%get3A_884, %get3A_885] {strides = array<i32>} : memref<512x32xf32, #tpu.memory_space<vmem>>, vector<16xf32>,
        %get3A_887 = arith.index_cast %squeeze3A_879 : i32 to index
        %get3A_888 = arith.constant 0 : index
        %get3A_889 = tpu.vector_load %arg9[%get3A_887, %get3A_888] {strides = array<i32>} : memref<1024x32xf32, #tpu.memory_space<vmem>>, vector<16xf32>,
        %get3A_890 = arith.index_cast %squeeze3A_881 : i32 to index
        %get3A_891 = arith.constant 0 : index
        %get3A_892 = tpu.vector_load %arg9[%get3A_890, %get3A_891] {strides = array<i32>} : memref<1024x32xf32, #tpu.memory_space<vmem>>, vector<16xf32>,
        %add3A_893 = arith.addf %get3A_889, %get3A_892 : vector<16xf32>
        %get3A_894 = arith.index_cast %squeeze3A_883 : i32 to index
        %get3A_895 = arith.constant 0 : index
        %get3A_896 = tpu.vector_load %arg9[%get3A_894, %get3A_895] {strides = array<i32>} : memref<1024x32xf32, #tpu.memory_space<vmem>>, vector<16xf32>,
        %add3A_897 = arith.addf %add3A_893, %get3A_896 : vector<16xf32>
        %mul3A_898 = vector.broadcast %scan3A_62 : f32 to vector<16xf32>
        %mul3A_899 = arith.mulf %mul3A_898, %add3A_897 : vector<16xf32>
        %add3A_900 = arith.addf %get3A_886, %mul3A_899 : vector<16xf32>
        %get3A_901 = arith.index_cast %squeeze3A_877 : i32 to index
        %get3A_902 = arith.constant 16 : index
        %get3A_903 = tpu.vector_load %arg8[%get3A_901, %get3A_902] {strides = array<i32>} : memref<512x32xf32, #tpu.memory_space<vmem>>, vector<16xf32>,
        %get3A_904 = arith.index_cast %squeeze3A_879 : i32 to index
        %get3A_905 = arith.constant 16 : index
        %get3A_906 = tpu.vector_load %arg9[%get3A_904, %get3A_905] {strides = array<i32>} : memref<1024x32xf32, #tpu.memory_space<vmem>>, vector<16xf32>,
        %get3A_907 = arith.index_cast %squeeze3A_881 : i32 to index
        %get3A_908 = arith.constant 16 : index
        %get3A_909 = tpu.vector_load %arg9[%get3A_907, %get3A_908] {strides = array<i32>} : memref<1024x32xf32, #tpu.memory_space<vmem>>, vector<16xf32>,
        %add3A_910 = arith.addf %get3A_906, %get3A_909 : vector<16xf32>
        %get3A_911 = arith.index_cast %squeeze3A_883 : i32 to index
        %get3A_912 = arith.constant 16 : index
        %get3A_913 = tpu.vector_load %arg9[%get3A_911, %get3A_912] {strides = array<i32>} : memref<1024x32xf32, #tpu.memory_space<vmem>>, vector<16xf32>,
        %add3A_914 = arith.addf %add3A_910, %get3A_913 : vector<16xf32>
        %mul3A_915 = vector.broadcast %scan3A_62 : f32 to vector<16xf32>
        %mul3A_916 = arith.mulf %mul3A_915, %add3A_914 : vector<16xf32>
        %add3A_917 = arith.addf %get3A_903, %mul3A_916 : vector<16xf32>
        %swap3A_918 = arith.constant 2 : i32
        %swap3A_919 = arith.index_cast %rem3A_120 : i32 to index
        %swap3A_920 = arith.index_cast %swap3A_918 : i32 to index
        %swap3A_921 = arith.index_cast %add3A_875 : i32 to index
        %swap3A_922 = arith.constant 0 : index
        %swap3A_923 = tpu.vector_load %arg13[%swap3A_919, %swap3A_920, %swap3A_921, %swap3A_922] {strides = array<i32>} : memref<2x3x256x32xf32, #tpu.memory_space<vmem>>, vector<16xf32>,
        tpu.vector_store %arg13[%swap3A_919, %swap3A_920, %swap3A_921, %swap3A_922], %add3A_900 {strides = array<i32>} : memref<2x3x256x32xf32, #tpu.memory_space<vmem>>, vector<16xf32>,
        %swap3A_924 = arith.constant 2 : i32
        %swap3A_925 = arith.index_cast %rem3A_120 : i32 to index
        %swap3A_926 = arith.index_cast %swap3A_924 : i32 to index
        %swap3A_927 = arith.index_cast %add3A_875 : i32 to index
        %swap3A_928 = arith.constant 16 : index
        %swap3A_929 = tpu.vector_load %arg13[%swap3A_925, %swap3A_926, %swap3A_927, %swap3A_928] {strides = array<i32>} : memref<2x3x256x32xf32, #tpu.memory_space<vmem>>, vector<16xf32>,
        tpu.vector_store %arg13[%swap3A_925, %swap3A_926, %swap3A_927, %swap3A_928], %add3A_917 {strides = array<i32>} : memref<2x3x256x32xf32, #tpu.memory_space<vmem>>, vector<16xf32>,
        %add3A_930 = arith.constant 11 : i32
        %add3A_931 = arith.addi %mul3A_273, %add3A_930 : i32
        %slice3A_932 = vector.extract_strided_slice %gather3A_285 {offsets = [11], sizes = [1], strides = [1]} : vector<16xi32> to vector<1xi32>
        %squeeze3A_933 = vector.extract %slice3A_932[0] : i32 from vector<1xi32>
        %slice3A_934 = vector.extract_strided_slice %gather3A_301 {offsets = [11], sizes = [1], strides = [1]} : vector<16xi32> to vector<1xi32>
        %squeeze3A_935 = vector.extract %slice3A_934[0] : i32 from vector<1xi32>
        %slice3A_936 = vector.extract_strided_slice %gather3A_308 {offsets = [11], sizes = [1], strides = [1]} : vector<16xi32> to vector<1xi32>
        %squeeze3A_937 = vector.extract %slice3A_936[0] : i32 from vector<1xi32>
        %slice3A_938 = vector.extract_strided_slice %gather3A_315 {offsets = [11], sizes = [1], strides = [1]} : vector<16xi32> to vector<1xi32>
        %squeeze3A_939 = vector.extract %slice3A_938[0] : i32 from vector<1xi32>
        %get3A_940 = arith.index_cast %squeeze3A_933 : i32 to index
        %get3A_941 = arith.constant 0 : index
        %get3A_942 = tpu.vector_load %arg8[%get3A_940, %get3A_941] {strides = array<i32>} : memref<512x32xf32, #tpu.memory_space<vmem>>, vector<16xf32>,
        %get3A_943 = arith.index_cast %squeeze3A_935 : i32 to index
        %get3A_944 = arith.constant 0 : index
        %get3A_945 = tpu.vector_load %arg9[%get3A_943, %get3A_944] {strides = array<i32>} : memref<1024x32xf32, #tpu.memory_space<vmem>>, vector<16xf32>,
        %get3A_946 = arith.index_cast %squeeze3A_937 : i32 to index
        %get3A_947 = arith.constant 0 : index
        %get3A_948 = tpu.vector_load %arg9[%get3A_946, %get3A_947] {strides = array<i32>} : memref<1024x32xf32, #tpu.memory_space<vmem>>, vector<16xf32>,
        %add3A_949 = arith.addf %get3A_945, %get3A_948 : vector<16xf32>
        %get3A_950 = arith.index_cast %squeeze3A_939 : i32 to index
        %get3A_951 = arith.constant 0 : index
        %get3A_952 = tpu.vector_load %arg9[%get3A_950, %get3A_951] {strides = array<i32>} : memref<1024x32xf32, #tpu.memory_space<vmem>>, vector<16xf32>,
        %add3A_953 = arith.addf %add3A_949, %get3A_952 : vector<16xf32>
        %mul3A_954 = vector.broadcast %scan3A_62 : f32 to vector<16xf32>
        %mul3A_955 = arith.mulf %mul3A_954, %add3A_953 : vector<16xf32>
        %add3A_956 = arith.addf %get3A_942, %mul3A_955 : vector<16xf32>
        %get3A_957 = arith.index_cast %squeeze3A_933 : i32 to index
        %get3A_958 = arith.constant 16 : index
        %get3A_959 = tpu.vector_load %arg8[%get3A_957, %get3A_958] {strides = array<i32>} : memref<512x32xf32, #tpu.memory_space<vmem>>, vector<16xf32>,
        %get3A_960 = arith.index_cast %squeeze3A_935 : i32 to index
        %get3A_961 = arith.constant 16 : index
        %get3A_962 = tpu.vector_load %arg9[%get3A_960, %get3A_961] {strides = array<i32>} : memref<1024x32xf32, #tpu.memory_space<vmem>>, vector<16xf32>,
        %get3A_963 = arith.index_cast %squeeze3A_937 : i32 to index
        %get3A_964 = arith.constant 16 : index
        %get3A_965 = tpu.vector_load %arg9[%get3A_963, %get3A_964] {strides = array<i32>} : memref<1024x32xf32, #tpu.memory_space<vmem>>, vector<16xf32>,
        %add3A_966 = arith.addf %get3A_962, %get3A_965 : vector<16xf32>
        %get3A_967 = arith.index_cast %squeeze3A_939 : i32 to index
        %get3A_968 = arith.constant 16 : index
        %get3A_969 = tpu.vector_load %arg9[%get3A_967, %get3A_968] {strides = array<i32>} : memref<1024x32xf32, #tpu.memory_space<vmem>>, vector<16xf32>,
        %add3A_970 = arith.addf %add3A_966, %get3A_969 : vector<16xf32>
        %mul3A_971 = vector.broadcast %scan3A_62 : f32 to vector<16xf32>
        %mul3A_972 = arith.mulf %mul3A_971, %add3A_970 : vector<16xf32>
        %add3A_973 = arith.addf %get3A_959, %mul3A_972 : vector<16xf32>
        %swap3A_974 = arith.constant 2 : i32
        %swap3A_975 = arith.index_cast %rem3A_120 : i32 to index
        %swap3A_976 = arith.index_cast %swap3A_974 : i32 to index
        %swap3A_977 = arith.index_cast %add3A_931 : i32 to index
        %swap3A_978 = arith.constant 0 : index
        %swap3A_979 = tpu.vector_load %arg13[%swap3A_975, %swap3A_976, %swap3A_977, %swap3A_978] {strides = array<i32>} : memref<2x3x256x32xf32, #tpu.memory_space<vmem>>, vector<16xf32>,
        tpu.vector_store %arg13[%swap3A_975, %swap3A_976, %swap3A_977, %swap3A_978], %add3A_956 {strides = array<i32>} : memref<2x3x256x32xf32, #tpu.memory_space<vmem>>, vector<16xf32>,
        %swap3A_980 = arith.constant 2 : i32
        %swap3A_981 = arith.index_cast %rem3A_120 : i32 to index
        %swap3A_982 = arith.index_cast %swap3A_980 : i32 to index
        %swap3A_983 = arith.index_cast %add3A_931 : i32 to index
        %swap3A_984 = arith.constant 16 : index
        %swap3A_985 = tpu.vector_load %arg13[%swap3A_981, %swap3A_982, %swap3A_983, %swap3A_984] {strides = array<i32>} : memref<2x3x256x32xf32, #tpu.memory_space<vmem>>, vector<16xf32>,
        tpu.vector_store %arg13[%swap3A_981, %swap3A_982, %swap3A_983, %swap3A_984], %add3A_973 {strides = array<i32>} : memref<2x3x256x32xf32, #tpu.memory_space<vmem>>, vector<16xf32>,
        %add3A_986 = arith.constant 12 : i32
        %add3A_987 = arith.addi %mul3A_273, %add3A_986 : i32
        %slice3A_988 = vector.extract_strided_slice %gather3A_285 {offsets = [12], sizes = [1], strides = [1]} : vector<16xi32> to vector<1xi32>
        %squeeze3A_989 = vector.extract %slice3A_988[0] : i32 from vector<1xi32>
        %slice3A_990 = vector.extract_strided_slice %gather3A_301 {offsets = [12], sizes = [1], strides = [1]} : vector<16xi32> to vector<1xi32>
        %squeeze3A_991 = vector.extract %slice3A_990[0] : i32 from vector<1xi32>
        %slice3A_992 = vector.extract_strided_slice %gather3A_308 {offsets = [12], sizes = [1], strides = [1]} : vector<16xi32> to vector<1xi32>
        %squeeze3A_993 = vector.extract %slice3A_992[0] : i32 from vector<1xi32>
        %slice3A_994 = vector.extract_strided_slice %gather3A_315 {offsets = [12], sizes = [1], strides = [1]} : vector<16xi32> to vector<1xi32>
        %squeeze3A_995 = vector.extract %slice3A_994[0] : i32 from vector<1xi32>
        %get3A_996 = arith.index_cast %squeeze3A_989 : i32 to index
        %get3A_997 = arith.constant 0 : index
        %get3A_998 = tpu.vector_load %arg8[%get3A_996, %get3A_997] {strides = array<i32>} : memref<512x32xf32, #tpu.memory_space<vmem>>, vector<16xf32>,
        %get3A_999 = arith.index_cast %squeeze3A_991 : i32 to index
        %get3A_1000 = arith.constant 0 : index
        %get3A_1001 = tpu.vector_load %arg9[%get3A_999, %get3A_1000] {strides = array<i32>} : memref<1024x32xf32, #tpu.memory_space<vmem>>, vector<16xf32>,
        %get3A_1002 = arith.index_cast %squeeze3A_993 : i32 to index
        %get3A_1003 = arith.constant 0 : index
        %get3A_1004 = tpu.vector_load %arg9[%get3A_1002, %get3A_1003] {strides = array<i32>} : memref<1024x32xf32, #tpu.memory_space<vmem>>, vector<16xf32>,
        %add3A_1005 = arith.addf %get3A_1001, %get3A_1004 : vector<16xf32>
        %get3A_1006 = arith.index_cast %squeeze3A_995 : i32 to index
        %get3A_1007 = arith.constant 0 : index
        %get3A_1008 = tpu.vector_load %arg9[%get3A_1006, %get3A_1007] {strides = array<i32>} : memref<1024x32xf32, #tpu.memory_space<vmem>>, vector<16xf32>,
        %add3A_1009 = arith.addf %add3A_1005, %get3A_1008 : vector<16xf32>
        %mul3A_1010 = vector.broadcast %scan3A_62 : f32 to vector<16xf32>
        %mul3A_1011 = arith.mulf %mul3A_1010, %add3A_1009 : vector<16xf32>
        %add3A_1012 = arith.addf %get3A_998, %mul3A_1011 : vector<16xf32>
        %get3A_1013 = arith.index_cast %squeeze3A_989 : i32 to index
        %get3A_1014 = arith.constant 16 : index
        %get3A_1015 = tpu.vector_load %arg8[%get3A_1013, %get3A_1014] {strides = array<i32>} : memref<512x32xf32, #tpu.memory_space<vmem>>, vector<16xf32>,
        %get3A_1016 = arith.index_cast %squeeze3A_991 : i32 to index
        %get3A_1017 = arith.constant 16 : index
        %get3A_1018 = tpu.vector_load %arg9[%get3A_1016, %get3A_1017] {strides = array<i32>} : memref<1024x32xf32, #tpu.memory_space<vmem>>, vector<16xf32>,
        %get3A_1019 = arith.index_cast %squeeze3A_993 : i32 to index
        %get3A_1020 = arith.constant 16 : index
        %get3A_1021 = tpu.vector_load %arg9[%get3A_1019, %get3A_1020] {strides = array<i32>} : memref<1024x32xf32, #tpu.memory_space<vmem>>, vector<16xf32>,
        %add3A_1022 = arith.addf %get3A_1018, %get3A_1021 : vector<16xf32>
        %get3A_1023 = arith.index_cast %squeeze3A_995 : i32 to index
        %get3A_1024 = arith.constant 16 : index
        %get3A_1025 = tpu.vector_load %arg9[%get3A_1023, %get3A_1024] {strides = array<i32>} : memref<1024x32xf32, #tpu.memory_space<vmem>>, vector<16xf32>,
        %add3A_1026 = arith.addf %add3A_1022, %get3A_1025 : vector<16xf32>
        %mul3A_1027 = vector.broadcast %scan3A_62 : f32 to vector<16xf32>
        %mul3A_1028 = arith.mulf %mul3A_1027, %add3A_1026 : vector<16xf32>
        %add3A_1029 = arith.addf %get3A_1015, %mul3A_1028 : vector<16xf32>
        %swap3A_1030 = arith.constant 2 : i32
        %swap3A_1031 = arith.index_cast %rem3A_120 : i32 to index
        %swap3A_1032 = arith.index_cast %swap3A_1030 : i32 to index
        %swap3A_1033 = arith.index_cast %add3A_987 : i32 to index
        %swap3A_1034 = arith.constant 0 : index
        %swap3A_1035 = tpu.vector_load %arg13[%swap3A_1031, %swap3A_1032, %swap3A_1033, %swap3A_1034] {strides = array<i32>} : memref<2x3x256x32xf32, #tpu.memory_space<vmem>>, vector<16xf32>,
        tpu.vector_store %arg13[%swap3A_1031, %swap3A_1032, %swap3A_1033, %swap3A_1034], %add3A_1012 {strides = array<i32>} : memref<2x3x256x32xf32, #tpu.memory_space<vmem>>, vector<16xf32>,
        %swap3A_1036 = arith.constant 2 : i32
        %swap3A_1037 = arith.index_cast %rem3A_120 : i32 to index
        %swap3A_1038 = arith.index_cast %swap3A_1036 : i32 to index
        %swap3A_1039 = arith.index_cast %add3A_987 : i32 to index
        %swap3A_1040 = arith.constant 16 : index
        %swap3A_1041 = tpu.vector_load %arg13[%swap3A_1037, %swap3A_1038, %swap3A_1039, %swap3A_1040] {strides = array<i32>} : memref<2x3x256x32xf32, #tpu.memory_space<vmem>>, vector<16xf32>,
        tpu.vector_store %arg13[%swap3A_1037, %swap3A_1038, %swap3A_1039, %swap3A_1040], %add3A_1029 {strides = array<i32>} : memref<2x3x256x32xf32, #tpu.memory_space<vmem>>, vector<16xf32>,
        %add3A_1042 = arith.constant 13 : i32
        %add3A_1043 = arith.addi %mul3A_273, %add3A_1042 : i32
        %slice3A_1044 = vector.extract_strided_slice %gather3A_285 {offsets = [13], sizes = [1], strides = [1]} : vector<16xi32> to vector<1xi32>
        %squeeze3A_1045 = vector.extract %slice3A_1044[0] : i32 from vector<1xi32>
        %slice3A_1046 = vector.extract_strided_slice %gather3A_301 {offsets = [13], sizes = [1], strides = [1]} : vector<16xi32> to vector<1xi32>
        %squeeze3A_1047 = vector.extract %slice3A_1046[0] : i32 from vector<1xi32>
        %slice3A_1048 = vector.extract_strided_slice %gather3A_308 {offsets = [13], sizes = [1], strides = [1]} : vector<16xi32> to vector<1xi32>
        %squeeze3A_1049 = vector.extract %slice3A_1048[0] : i32 from vector<1xi32>
        %slice3A_1050 = vector.extract_strided_slice %gather3A_315 {offsets = [13], sizes = [1], strides = [1]} : vector<16xi32> to vector<1xi32>
        %squeeze3A_1051 = vector.extract %slice3A_1050[0] : i32 from vector<1xi32>
        %get3A_1052 = arith.index_cast %squeeze3A_1045 : i32 to index
        %get3A_1053 = arith.constant 0 : index
        %get3A_1054 = tpu.vector_load %arg8[%get3A_1052, %get3A_1053] {strides = array<i32>} : memref<512x32xf32, #tpu.memory_space<vmem>>, vector<16xf32>,
        %get3A_1055 = arith.index_cast %squeeze3A_1047 : i32 to index
        %get3A_1056 = arith.constant 0 : index
        %get3A_1057 = tpu.vector_load %arg9[%get3A_1055, %get3A_1056] {strides = array<i32>} : memref<1024x32xf32, #tpu.memory_space<vmem>>, vector<16xf32>,
        %get3A_1058 = arith.index_cast %squeeze3A_1049 : i32 to index
        %get3A_1059 = arith.constant 0 : index
        %get3A_1060 = tpu.vector_load %arg9[%get3A_1058, %get3A_1059] {strides = array<i32>} : memref<1024x32xf32, #tpu.memory_space<vmem>>, vector<16xf32>,
        %add3A_1061 = arith.addf %get3A_1057, %get3A_1060 : vector<16xf32>
        %get3A_1062 = arith.index_cast %squeeze3A_1051 : i32 to index
        %get3A_1063 = arith.constant 0 : index
        %get3A_1064 = tpu.vector_load %arg9[%get3A_1062, %get3A_1063] {strides = array<i32>} : memref<1024x32xf32, #tpu.memory_space<vmem>>, vector<16xf32>,
        %add3A_1065 = arith.addf %add3A_1061, %get3A_1064 : vector<16xf32>
        %mul3A_1066 = vector.broadcast %scan3A_62 : f32 to vector<16xf32>
        %mul3A_1067 = arith.mulf %mul3A_1066, %add3A_1065 : vector<16xf32>
        %add3A_1068 = arith.addf %get3A_1054, %mul3A_1067 : vector<16xf32>
        %get3A_1069 = arith.index_cast %squeeze3A_1045 : i32 to index
        %get3A_1070 = arith.constant 16 : index
        %get3A_1071 = tpu.vector_load %arg8[%get3A_1069, %get3A_1070] {strides = array<i32>} : memref<512x32xf32, #tpu.memory_space<vmem>>, vector<16xf32>,
        %get3A_1072 = arith.index_cast %squeeze3A_1047 : i32 to index
        %get3A_1073 = arith.constant 16 : index
        %get3A_1074 = tpu.vector_load %arg9[%get3A_1072, %get3A_1073] {strides = array<i32>} : memref<1024x32xf32, #tpu.memory_space<vmem>>, vector<16xf32>,
        %get3A_1075 = arith.index_cast %squeeze3A_1049 : i32 to index
        %get3A_1076 = arith.constant 16 : index
        %get3A_1077 = tpu.vector_load %arg9[%get3A_1075, %get3A_1076] {strides = array<i32>} : memref<1024x32xf32, #tpu.memory_space<vmem>>, vector<16xf32>,
        %add3A_1078 = arith.addf %get3A_1074, %get3A_1077 : vector<16xf32>
        %get3A_1079 = arith.index_cast %squeeze3A_1051 : i32 to index
        %get3A_1080 = arith.constant 16 : index
        %get3A_1081 = tpu.vector_load %arg9[%get3A_1079, %get3A_1080] {strides = array<i32>} : memref<1024x32xf32, #tpu.memory_space<vmem>>, vector<16xf32>,
        %add3A_1082 = arith.addf %add3A_1078, %get3A_1081 : vector<16xf32>
        %mul3A_1083 = vector.broadcast %scan3A_62 : f32 to vector<16xf32>
        %mul3A_1084 = arith.mulf %mul3A_1083, %add3A_1082 : vector<16xf32>
        %add3A_1085 = arith.addf %get3A_1071, %mul3A_1084 : vector<16xf32>
        %swap3A_1086 = arith.constant 2 : i32
        %swap3A_1087 = arith.index_cast %rem3A_120 : i32 to index
        %swap3A_1088 = arith.index_cast %swap3A_1086 : i32 to index
        %swap3A_1089 = arith.index_cast %add3A_1043 : i32 to index
        %swap3A_1090 = arith.constant 0 : index
        %swap3A_1091 = tpu.vector_load %arg13[%swap3A_1087, %swap3A_1088, %swap3A_1089, %swap3A_1090] {strides = array<i32>} : memref<2x3x256x32xf32, #tpu.memory_space<vmem>>, vector<16xf32>,
        tpu.vector_store %arg13[%swap3A_1087, %swap3A_1088, %swap3A_1089, %swap3A_1090], %add3A_1068 {strides = array<i32>} : memref<2x3x256x32xf32, #tpu.memory_space<vmem>>, vector<16xf32>,
        %swap3A_1092 = arith.constant 2 : i32
        %swap3A_1093 = arith.index_cast %rem3A_120 : i32 to index
        %swap3A_1094 = arith.index_cast %swap3A_1092 : i32 to index
        %swap3A_1095 = arith.index_cast %add3A_1043 : i32 to index
        %swap3A_1096 = arith.constant 16 : index
        %swap3A_1097 = tpu.vector_load %arg13[%swap3A_1093, %swap3A_1094, %swap3A_1095, %swap3A_1096] {strides = array<i32>} : memref<2x3x256x32xf32, #tpu.memory_space<vmem>>, vector<16xf32>,
        tpu.vector_store %arg13[%swap3A_1093, %swap3A_1094, %swap3A_1095, %swap3A_1096], %add3A_1085 {strides = array<i32>} : memref<2x3x256x32xf32, #tpu.memory_space<vmem>>, vector<16xf32>,
        %add3A_1098 = arith.constant 14 : i32
        %add3A_1099 = arith.addi %mul3A_273, %add3A_1098 : i32
        %slice3A_1100 = vector.extract_strided_slice %gather3A_285 {offsets = [14], sizes = [1], strides = [1]} : vector<16xi32> to vector<1xi32>
        %squeeze3A_1101 = vector.extract %slice3A_1100[0] : i32 from vector<1xi32>
        %slice3A_1102 = vector.extract_strided_slice %gather3A_301 {offsets = [14], sizes = [1], strides = [1]} : vector<16xi32> to vector<1xi32>
        %squeeze3A_1103 = vector.extract %slice3A_1102[0] : i32 from vector<1xi32>
        %slice3A_1104 = vector.extract_strided_slice %gather3A_308 {offsets = [14], sizes = [1], strides = [1]} : vector<16xi32> to vector<1xi32>
        %squeeze3A_1105 = vector.extract %slice3A_1104[0] : i32 from vector<1xi32>
        %slice3A_1106 = vector.extract_strided_slice %gather3A_315 {offsets = [14], sizes = [1], strides = [1]} : vector<16xi32> to vector<1xi32>
        %squeeze3A_1107 = vector.extract %slice3A_1106[0] : i32 from vector<1xi32>
        %get3A_1108 = arith.index_cast %squeeze3A_1101 : i32 to index
        %get3A_1109 = arith.constant 0 : index
        %get3A_1110 = tpu.vector_load %arg8[%get3A_1108, %get3A_1109] {strides = array<i32>} : memref<512x32xf32, #tpu.memory_space<vmem>>, vector<16xf32>,
        %get3A_1111 = arith.index_cast %squeeze3A_1103 : i32 to index
        %get3A_1112 = arith.constant 0 : index
        %get3A_1113 = tpu.vector_load %arg9[%get3A_1111, %get3A_1112] {strides = array<i32>} : memref<1024x32xf32, #tpu.memory_space<vmem>>, vector<16xf32>,
        %get3A_1114 = arith.index_cast %squeeze3A_1105 : i32 to index
        %get3A_1115 = arith.constant 0 : index
        %get3A_1116 = tpu.vector_load %arg9[%get3A_1114, %get3A_1115] {strides = array<i32>} : memref<1024x32xf32, #tpu.memory_space<vmem>>, vector<16xf32>,
        %add3A_1117 = arith.addf %get3A_1113, %get3A_1116 : vector<16xf32>
        %get3A_1118 = arith.index_cast %squeeze3A_1107 : i32 to index
        %get3A_1119 = arith.constant 0 : index
        %get3A_1120 = tpu.vector_load %arg9[%get3A_1118, %get3A_1119] {strides = array<i32>} : memref<1024x32xf32, #tpu.memory_space<vmem>>, vector<16xf32>,
        %add3A_1121 = arith.addf %add3A_1117, %get3A_1120 : vector<16xf32>
        %mul3A_1122 = vector.broadcast %scan3A_62 : f32 to vector<16xf32>
        %mul3A_1123 = arith.mulf %mul3A_1122, %add3A_1121 : vector<16xf32>
        %add3A_1124 = arith.addf %get3A_1110, %mul3A_1123 : vector<16xf32>
        %get3A_1125 = arith.index_cast %squeeze3A_1101 : i32 to index
        %get3A_1126 = arith.constant 16 : index
        %get3A_1127 = tpu.vector_load %arg8[%get3A_1125, %get3A_1126] {strides = array<i32>} : memref<512x32xf32, #tpu.memory_space<vmem>>, vector<16xf32>,
        %get3A_1128 = arith.index_cast %squeeze3A_1103 : i32 to index
        %get3A_1129 = arith.constant 16 : index
        %get3A_1130 = tpu.vector_load %arg9[%get3A_1128, %get3A_1129] {strides = array<i32>} : memref<1024x32xf32, #tpu.memory_space<vmem>>, vector<16xf32>,
        %get3A_1131 = arith.index_cast %squeeze3A_1105 : i32 to index
        %get3A_1132 = arith.constant 16 : index
        %get3A_1133 = tpu.vector_load %arg9[%get3A_1131, %get3A_1132] {strides = array<i32>} : memref<1024x32xf32, #tpu.memory_space<vmem>>, vector<16xf32>,
        %add3A_1134 = arith.addf %get3A_1130, %get3A_1133 : vector<16xf32>
        %get3A_1135 = arith.index_cast %squeeze3A_1107 : i32 to index
        %get3A_1136 = arith.constant 16 : index
        %get3A_1137 = tpu.vector_load %arg9[%get3A_1135, %get3A_1136] {strides = array<i32>} : memref<1024x32xf32, #tpu.memory_space<vmem>>, vector<16xf32>,
        %add3A_1138 = arith.addf %add3A_1134, %get3A_1137 : vector<16xf32>
        %mul3A_1139 = vector.broadcast %scan3A_62 : f32 to vector<16xf32>
        %mul3A_1140 = arith.mulf %mul3A_1139, %add3A_1138 : vector<16xf32>
        %add3A_1141 = arith.addf %get3A_1127, %mul3A_1140 : vector<16xf32>
        %swap3A_1142 = arith.constant 2 : i32
        %swap3A_1143 = arith.index_cast %rem3A_120 : i32 to index
        %swap3A_1144 = arith.index_cast %swap3A_1142 : i32 to index
        %swap3A_1145 = arith.index_cast %add3A_1099 : i32 to index
        %swap3A_1146 = arith.constant 0 : index
        %swap3A_1147 = tpu.vector_load %arg13[%swap3A_1143, %swap3A_1144, %swap3A_1145, %swap3A_1146] {strides = array<i32>} : memref<2x3x256x32xf32, #tpu.memory_space<vmem>>, vector<16xf32>,
        tpu.vector_store %arg13[%swap3A_1143, %swap3A_1144, %swap3A_1145, %swap3A_1146], %add3A_1124 {strides = array<i32>} : memref<2x3x256x32xf32, #tpu.memory_space<vmem>>, vector<16xf32>,
        %swap3A_1148 = arith.constant 2 : i32
        %swap3A_1149 = arith.index_cast %rem3A_120 : i32 to index
        %swap3A_1150 = arith.index_cast %swap3A_1148 : i32 to index
        %swap3A_1151 = arith.index_cast %add3A_1099 : i32 to index
        %swap3A_1152 = arith.constant 16 : index
        %swap3A_1153 = tpu.vector_load %arg13[%swap3A_1149, %swap3A_1150, %swap3A_1151, %swap3A_1152] {strides = array<i32>} : memref<2x3x256x32xf32, #tpu.memory_space<vmem>>, vector<16xf32>,
        tpu.vector_store %arg13[%swap3A_1149, %swap3A_1150, %swap3A_1151, %swap3A_1152], %add3A_1141 {strides = array<i32>} : memref<2x3x256x32xf32, #tpu.memory_space<vmem>>, vector<16xf32>,
        %add3A_1154 = arith.constant 15 : i32
        %add3A_1155 = arith.addi %mul3A_273, %add3A_1154 : i32
        %slice3A_1156 = vector.extract_strided_slice %gather3A_285 {offsets = [15], sizes = [1], strides = [1]} : vector<16xi32> to vector<1xi32>
        %squeeze3A_1157 = vector.extract %slice3A_1156[0] : i32 from vector<1xi32>
        %slice3A_1158 = vector.extract_strided_slice %gather3A_301 {offsets = [15], sizes = [1], strides = [1]} : vector<16xi32> to vector<1xi32>
        %squeeze3A_1159 = vector.extract %slice3A_1158[0] : i32 from vector<1xi32>
        %slice3A_1160 = vector.extract_strided_slice %gather3A_308 {offsets = [15], sizes = [1], strides = [1]} : vector<16xi32> to vector<1xi32>
        %squeeze3A_1161 = vector.extract %slice3A_1160[0] : i32 from vector<1xi32>
        %slice3A_1162 = vector.extract_strided_slice %gather3A_315 {offsets = [15], sizes = [1], strides = [1]} : vector<16xi32> to vector<1xi32>
        %squeeze3A_1163 = vector.extract %slice3A_1162[0] : i32 from vector<1xi32>
        %get3A_1164 = arith.index_cast %squeeze3A_1157 : i32 to index
        %get3A_1165 = arith.constant 0 : index
        %get3A_1166 = tpu.vector_load %arg8[%get3A_1164, %get3A_1165] {strides = array<i32>} : memref<512x32xf32, #tpu.memory_space<vmem>>, vector<16xf32>,
        %get3A_1167 = arith.index_cast %squeeze3A_1159 : i32 to index
        %get3A_1168 = arith.constant 0 : index
        %get3A_1169 = tpu.vector_load %arg9[%get3A_1167, %get3A_1168] {strides = array<i32>} : memref<1024x32xf32, #tpu.memory_space<vmem>>, vector<16xf32>,
        %get3A_1170 = arith.index_cast %squeeze3A_1161 : i32 to index
        %get3A_1171 = arith.constant 0 : index
        %get3A_1172 = tpu.vector_load %arg9[%get3A_1170, %get3A_1171] {strides = array<i32>} : memref<1024x32xf32, #tpu.memory_space<vmem>>, vector<16xf32>,
        %add3A_1173 = arith.addf %get3A_1169, %get3A_1172 : vector<16xf32>
        %get3A_1174 = arith.index_cast %squeeze3A_1163 : i32 to index
        %get3A_1175 = arith.constant 0 : index
        %get3A_1176 = tpu.vector_load %arg9[%get3A_1174, %get3A_1175] {strides = array<i32>} : memref<1024x32xf32, #tpu.memory_space<vmem>>, vector<16xf32>,
        %add3A_1177 = arith.addf %add3A_1173, %get3A_1176 : vector<16xf32>
        %mul3A_1178 = vector.broadcast %scan3A_62 : f32 to vector<16xf32>
        %mul3A_1179 = arith.mulf %mul3A_1178, %add3A_1177 : vector<16xf32>
        %add3A_1180 = arith.addf %get3A_1166, %mul3A_1179 : vector<16xf32>
        %get3A_1181 = arith.index_cast %squeeze3A_1157 : i32 to index
        %get3A_1182 = arith.constant 16 : index
        %get3A_1183 = tpu.vector_load %arg8[%get3A_1181, %get3A_1182] {strides = array<i32>} : memref<512x32xf32, #tpu.memory_space<vmem>>, vector<16xf32>,
        %get3A_1184 = arith.index_cast %squeeze3A_1159 : i32 to index
        %get3A_1185 = arith.constant 16 : index
        %get3A_1186 = tpu.vector_load %arg9[%get3A_1184, %get3A_1185] {strides = array<i32>} : memref<1024x32xf32, #tpu.memory_space<vmem>>, vector<16xf32>,
        %get3A_1187 = arith.index_cast %squeeze3A_1161 : i32 to index
        %get3A_1188 = arith.constant 16 : index
        %get3A_1189 = tpu.vector_load %arg9[%get3A_1187, %get3A_1188] {strides = array<i32>} : memref<1024x32xf32, #tpu.memory_space<vmem>>, vector<16xf32>,
        %add3A_1190 = arith.addf %get3A_1186, %get3A_1189 : vector<16xf32>
        %get3A_1191 = arith.index_cast %squeeze3A_1163 : i32 to index
        %get3A_1192 = arith.constant 16 : index
        %get3A_1193 = tpu.vector_load %arg9[%get3A_1191, %get3A_1192] {strides = array<i32>} : memref<1024x32xf32, #tpu.memory_space<vmem>>, vector<16xf32>,
        %add3A_1194 = arith.addf %add3A_1190, %get3A_1193 : vector<16xf32>
        %mul3A_1195 = vector.broadcast %scan3A_62 : f32 to vector<16xf32>
        %mul3A_1196 = arith.mulf %mul3A_1195, %add3A_1194 : vector<16xf32>
        %add3A_1197 = arith.addf %get3A_1183, %mul3A_1196 : vector<16xf32>
        %swap3A_1198 = arith.constant 2 : i32
        %swap3A_1199 = arith.index_cast %rem3A_120 : i32 to index
        %swap3A_1200 = arith.index_cast %swap3A_1198 : i32 to index
        %swap3A_1201 = arith.index_cast %add3A_1155 : i32 to index
        %swap3A_1202 = arith.constant 0 : index
        %swap3A_1203 = tpu.vector_load %arg13[%swap3A_1199, %swap3A_1200, %swap3A_1201, %swap3A_1202] {strides = array<i32>} : memref<2x3x256x32xf32, #tpu.memory_space<vmem>>, vector<16xf32>,
        tpu.vector_store %arg13[%swap3A_1199, %swap3A_1200, %swap3A_1201, %swap3A_1202], %add3A_1180 {strides = array<i32>} : memref<2x3x256x32xf32, #tpu.memory_space<vmem>>, vector<16xf32>,
        %swap3A_1204 = arith.constant 2 : i32
        %swap3A_1205 = arith.index_cast %rem3A_120 : i32 to index
        %swap3A_1206 = arith.index_cast %swap3A_1204 : i32 to index
        %swap3A_1207 = arith.index_cast %add3A_1155 : i32 to index
        %swap3A_1208 = arith.constant 16 : index
        %swap3A_1209 = tpu.vector_load %arg13[%swap3A_1205, %swap3A_1206, %swap3A_1207, %swap3A_1208] {strides = array<i32>} : memref<2x3x256x32xf32, #tpu.memory_space<vmem>>, vector<16xf32>,
        tpu.vector_store %arg13[%swap3A_1205, %swap3A_1206, %swap3A_1207, %swap3A_1208], %add3A_1197 {strides = array<i32>} : memref<2x3x256x32xf32, #tpu.memory_space<vmem>>, vector<16xf32>,
        %scan3A_1210 = arith.constant 0 : i32
        scf.yield %scan3A_1210 : i32
      }
      %scan3A_230 = arith.constant 16 : i32
      %swap3A_231 = arith.constant 2 : i32
      %swap3A_232 = arith.constant 0 : i32
      %swap3A_233 = arith.index_cast %rem3A_120 : i32 to index
      %swap3A_234 = arith.index_cast %swap3A_231 : i32 to index
      %swap3A_235 = arith.index_cast %swap3A_232 : i32 to index
      %swap3A_236 = arith.constant 0 : index
      %swap3A_237 = tpu.vector_load %arg13[%swap3A_233, %swap3A_234, %swap3A_235, %swap3A_236] {strides = array<i32>} : memref<2x3x256x32xf32, #tpu.memory_space<vmem>>, vector<16xf32>,
      tpu.vector_store %arg13[%swap3A_233, %swap3A_234, %swap3A_235, %swap3A_236], %get3A_3 {strides = array<i32>} : memref<2x3x256x32xf32, #tpu.memory_space<vmem>>, vector<16xf32>,
      %swap3A_238 = arith.constant 2 : i32
      %swap3A_239 = arith.constant 0 : i32
      %swap3A_240 = arith.index_cast %rem3A_120 : i32 to index
      %swap3A_241 = arith.index_cast %swap3A_238 : i32 to index
      %swap3A_242 = arith.index_cast %swap3A_239 : i32 to index
      %swap3A_243 = arith.constant 16 : index
      %swap3A_244 = tpu.vector_load %arg13[%swap3A_240, %swap3A_241, %swap3A_242, %swap3A_243] {strides = array<i32>} : memref<2x3x256x32xf32, #tpu.memory_space<vmem>>, vector<16xf32>,
      tpu.vector_store %arg13[%swap3A_240, %swap3A_241, %swap3A_242, %swap3A_243], %get3A_7 {strides = array<i32>} : memref<2x3x256x32xf32, #tpu.memory_space<vmem>>, vector<16xf32>,
      %mul3A_245 = arith.constant 3 : i32
      %mul3A_246 = arith.muli %scan3A_117, %mul3A_245 : i32
      %add3A_247 = arith.constant 1 : i32
      %add3A_248 = arith.addi %mul3A_246, %add3A_247 : i32
      %dma_start3A_249 = arith.constant 0 : i32
      %dma_start3A_250 = arith.constant 0 : i32
      %dma_start3A_251 = arith.constant 0 : i32
      %dma_start3A_252 = tpu.memref_slice %arg13[%rem3A_120, %dma_start3A_249, %dma_start3A_250, %dma_start3A_251] : memref<2x3x256x32xf32, #tpu.memory_space<vmem>> -> memref<1x3x256x32xf32, #tpu.memory_space<vmem>>
      %dma_start3A_253 = tpu.memref_squeeze %dma_start3A_252 : memref<1x3x256x32xf32, #tpu.memory_space<vmem>> -> memref<3x256x32xf32, #tpu.memory_space<vmem>>
      %dma_start3A_254 = arith.constant 0 : i32
      %dma_start3A_255 = arith.constant 0 : i32
      %dma_start3A_256 = tpu.memref_slice %arg7[%add3A, %add3A_248, %dma_start3A_254, %dma_start3A_255] : memref<32x256x256x32xf32, #tpu.memory_space<hbm>> -> memref<1x3x256x32xf32, #tpu.memory_space<hbm>>
      %dma_start3A_257 = tpu.memref_squeeze %dma_start3A_256 : memref<1x3x256x32xf32, #tpu.memory_space<hbm>> -> memref<3x256x32xf32, #tpu.memory_space<hbm>>
      %dma_start3A_258 = tpu.memref_slice %arg16[%rem3A_120] : memref<2x!tpu.dma_semaphore, #tpu.memory_space<semaphore_mem>> -> memref<1x!tpu.dma_semaphore, #tpu.memory_space<semaphore_mem>>
      %dma_start3A_259 = tpu.memref_squeeze %dma_start3A_258 : memref<1x!tpu.dma_semaphore, #tpu.memory_space<semaphore_mem>> -> memref<!tpu.dma_semaphore, #tpu.memory_space<semaphore_mem>>
      %dma_start3A_260 = arith.constant 0 : i32
      %dma_start3A_261 = arith.constant 0 : i32
      %dma_start3A_262 = tpu.memref_slice %arg7[%add3A, %add3A_248, %dma_start3A_260, %dma_start3A_261] : memref<32x256x256x32xf32, #tpu.memory_space<hbm>> -> memref<1x3x256x32xf32, #tpu.memory_space<hbm>>
      %dma_start3A_263 = tpu.memref_squeeze %dma_start3A_262 : memref<1x3x256x32xf32, #tpu.memory_space<hbm>> -> memref<3x256x32xf32, #tpu.memory_space<hbm>>
      %dma_start3A_264 = arith.constant 0 : i32
      %dma_start3A_265 = arith.constant 0 : i32
      %dma_start3A_266 = arith.constant 0 : i32
      %dma_start3A_267 = tpu.memref_slice %arg13[%rem3A_120, %dma_start3A_264, %dma_start3A_265, %dma_start3A_266] : memref<2x3x256x32xf32, #tpu.memory_space<vmem>> -> memref<1x3x256x32xf32, #tpu.memory_space<vmem>>
      %dma_start3A_268 = tpu.memref_squeeze %dma_start3A_267 : memref<1x3x256x32xf32, #tpu.memory_space<vmem>> -> memref<3x256x32xf32, #tpu.memory_space<vmem>>
      tpu.enqueue_dma source(%dma_start3A_268 : memref<3x256x32xf32, #tpu.memory_space<vmem>>) target(%dma_start3A_263 : memref<3x256x32xf32, #tpu.memory_space<hbm>>) target_semaphore(%dma_start3A_259 : memref<!tpu.dma_semaphore, #tpu.memory_space<semaphore_mem>>)
      %scan3A_269 = arith.constant 0 : i32
      scf.yield %scan3A_269 : i32
    }
    %scan3A_69 = arith.constant 85 : i32
    %dma_wait3A = arith.constant 1 : i32
    %dma_wait3A_70 = arith.constant 1 : i32
    %dma_wait3A_71 = arith.constant 0 : i32
    %dma_wait3A_72 = arith.constant 0 : i32
    %dma_wait3A_73 = arith.constant 0 : i32
    %dma_wait3A_74 = tpu.memref_slice %arg13[%dma_wait3A, %dma_wait3A_71, %dma_wait3A_72, %dma_wait3A_73] : memref<2x3x256x32xf32, #tpu.memory_space<vmem>> -> memref<1x3x256x32xf32, #tpu.memory_space<vmem>>
    %dma_wait3A_75 = tpu.memref_squeeze %dma_wait3A_74 : memref<1x3x256x32xf32, #tpu.memory_space<vmem>> -> memref<3x256x32xf32, #tpu.memory_space<vmem>>
    %dma_wait3A_76 = arith.constant 1 : i32
    %dma_wait3A_77 = arith.constant 0 : i32
    %dma_wait3A_78 = arith.constant 0 : i32
    %dma_wait3A_79 = tpu.memref_slice %arg7[%add3A, %dma_wait3A_76, %dma_wait3A_77, %dma_wait3A_78] : memref<32x256x256x32xf32, #tpu.memory_space<hbm>> -> memref<1x3x256x32xf32, #tpu.memory_space<hbm>>
    %dma_wait3A_80 = tpu.memref_squeeze %dma_wait3A_79 : memref<1x3x256x32xf32, #tpu.memory_space<hbm>> -> memref<3x256x32xf32, #tpu.memory_space<hbm>>
    %dma_wait3A_81 = tpu.memref_slice %arg16[%dma_wait3A_70] : memref<2x!tpu.dma_semaphore, #tpu.memory_space<semaphore_mem>> -> memref<1x!tpu.dma_semaphore, #tpu.memory_space<semaphore_mem>>
    %dma_wait3A_82 = tpu.memref_squeeze %dma_wait3A_81 : memref<1x!tpu.dma_semaphore, #tpu.memory_space<semaphore_mem>> -> memref<!tpu.dma_semaphore, #tpu.memory_space<semaphore_mem>>
    %dma_wait3A_83 = arith.constant 1 : i32
    %dma_wait3A_84 = arith.constant 0 : i32
    %dma_wait3A_85 = arith.constant 0 : i32
    %dma_wait3A_86 = tpu.memref_slice %arg7[%add3A, %dma_wait3A_83, %dma_wait3A_84, %dma_wait3A_85] : memref<32x256x256x32xf32, #tpu.memory_space<hbm>> -> memref<1x3x256x32xf32, #tpu.memory_space<hbm>>
    %dma_wait3A_87 = tpu.memref_squeeze %dma_wait3A_86 : memref<1x3x256x32xf32, #tpu.memory_space<hbm>> -> memref<3x256x32xf32, #tpu.memory_space<hbm>>
    %dma_wait3A_88 = arith.constant 0 : i32
    %dma_wait3A_89 = arith.constant 0 : i32
    %dma_wait3A_90 = arith.constant 0 : i32
    %dma_wait3A_91 = tpu.memref_slice %arg13[%dma_wait3A, %dma_wait3A_88, %dma_wait3A_89, %dma_wait3A_90] : memref<2x3x256x32xf32, #tpu.memory_space<vmem>> -> memref<1x3x256x32xf32, #tpu.memory_space<vmem>>
    %dma_wait3A_92 = tpu.memref_squeeze %dma_wait3A_91 : memref<1x3x256x32xf32, #tpu.memory_space<vmem>> -> memref<3x256x32xf32, #tpu.memory_space<vmem>>
    tpu.wait_dma2 semaphore(%dma_wait3A_82 : memref<!tpu.dma_semaphore, #tpu.memory_space<semaphore_mem>>) src(%dma_wait3A_92 : memref<3x256x32xf32, #tpu.memory_space<vmem>>) dst(%dma_wait3A_87 : memref<3x256x32xf32, #tpu.memory_space<hbm>>)
    %dma_wait3A_93 = arith.constant 0 : i32
    %dma_wait3A_94 = arith.constant 0 : i32
    %dma_wait3A_95 = arith.constant 0 : i32
    %dma_wait3A_96 = arith.constant 0 : i32
    %dma_wait3A_97 = arith.constant 0 : i32
    %dma_wait3A_98 = tpu.memref_slice %arg13[%dma_wait3A_93, %dma_wait3A_95, %dma_wait3A_96, %dma_wait3A_97] : memref<2x3x256x32xf32, #tpu.memory_space<vmem>> -> memref<1x3x256x32xf32, #tpu.memory_space<vmem>>
    %dma_wait3A_99 = tpu.memref_squeeze %dma_wait3A_98 : memref<1x3x256x32xf32, #tpu.memory_space<vmem>> -> memref<3x256x32xf32, #tpu.memory_space<vmem>>
    %dma_wait3A_100 = arith.constant 1 : i32
    %dma_wait3A_101 = arith.constant 0 : i32
    %dma_wait3A_102 = arith.constant 0 : i32
    %dma_wait3A_103 = tpu.memref_slice %arg7[%add3A, %dma_wait3A_100, %dma_wait3A_101, %dma_wait3A_102] : memref<32x256x256x32xf32, #tpu.memory_space<hbm>> -> memref<1x3x256x32xf32, #tpu.memory_space<hbm>>
    %dma_wait3A_104 = tpu.memref_squeeze %dma_wait3A_103 : memref<1x3x256x32xf32, #tpu.memory_space<hbm>> -> memref<3x256x32xf32, #tpu.memory_space<hbm>>
    %dma_wait3A_105 = tpu.memref_slice %arg16[%dma_wait3A_94] : memref<2x!tpu.dma_semaphore, #tpu.memory_space<semaphore_mem>> -> memref<1x!tpu.dma_semaphore, #tpu.memory_space<semaphore_mem>>
    %dma_wait3A_106 = tpu.memref_squeeze %dma_wait3A_105 : memref<1x!tpu.dma_semaphore, #tpu.memory_space<semaphore_mem>> -> memref<!tpu.dma_semaphore, #tpu.memory_space<semaphore_mem>>
    %dma_wait3A_107 = arith.constant 1 : i32
    %dma_wait3A_108 = arith.constant 0 : i32
    %dma_wait3A_109 = arith.constant 0 : i32
    %dma_wait3A_110 = tpu.memref_slice %arg7[%add3A, %dma_wait3A_107, %dma_wait3A_108, %dma_wait3A_109] : memref<32x256x256x32xf32, #tpu.memory_space<hbm>> -> memref<1x3x256x32xf32, #tpu.memory_space<hbm>>
    %dma_wait3A_111 = tpu.memref_squeeze %dma_wait3A_110 : memref<1x3x256x32xf32, #tpu.memory_space<hbm>> -> memref<3x256x32xf32, #tpu.memory_space<hbm>>
    %dma_wait3A_112 = arith.constant 0 : i32
    %dma_wait3A_113 = arith.constant 0 : i32
    %dma_wait3A_114 = arith.constant 0 : i32
    %dma_wait3A_115 = tpu.memref_slice %arg13[%dma_wait3A_93, %dma_wait3A_112, %dma_wait3A_113, %dma_wait3A_114] : memref<2x3x256x32xf32, #tpu.memory_space<vmem>> -> memref<1x3x256x32xf32, #tpu.memory_space<vmem>>
    %dma_wait3A_116 = tpu.memref_squeeze %dma_wait3A_115 : memref<1x3x256x32xf32, #tpu.memory_space<vmem>> -> memref<3x256x32xf32, #tpu.memory_space<vmem>>
    tpu.wait_dma2 semaphore(%dma_wait3A_106 : memref<!tpu.dma_semaphore, #tpu.memory_space<semaphore_mem>>) src(%dma_wait3A_116 : memref<3x256x32xf32, #tpu.memory_space<vmem>>) dst(%dma_wait3A_111 : memref<3x256x32xf32, #tpu.memory_space<hbm>>)
    return
  }
}

</mosaic_0001>

<sc_bundles>
// kernel: kernel.3.cloned.1.call-start
scs
__scs_entry_jumppad:
0x0: {  	(pc) =	sbr.rel $0x88, $3  }
0x1: {  	(tag) =	ssettag $0x0;
	lr =	simm.s32 $0x1  }
0x2: {  	[smem:$0x3F9C] =	sst lr;
	_ =	strace $0xD0000000  }
0x3: {  	_ = 	snop  }
0x4: {  	_ = 	snop  }
0x5: {  	_ = 	snop  }
0x6: {  	_ = 	snop  }
0x7: {  	_ = 	snop  }
__scs_overlays_trampoline_lowered:
0x8: {  	[smem:$0x3FAB] =	sst s0  }
0x9: {  	[smem:$0x3FAC] =	sst s1  }
0xa: {  	[smem:$0x3FAD] =	sst s2  }
0xb: {  	[smem:$0x3FAE] =	sst s3  }
0xc: {  	[smem:$0x3FAF] =	sst s4  }
0xd: {  	[smem:$0x3FB0] =	sst s5  }
0xe: {  	[smem:$0x3FB1] =	sst s6  }
0xf: {  	[smem:$0x3FB2] =	sst s7  }
0x10: {  	[smem:$0x3FB3] =	sst s8  }
0x11: {  	[smem:$0x3FB4] =	sst s9;
	s0 =	simm.s32 @!p0 $0x0  }
0x12: {  	s1 =	sld [smem:$0x3F9A];
	s0 =	simm.s32 @p0 $0x1  }
0x13: {  	[smem:$0x3FB5] =	sst s0;
	s0 =	simm.s32 @!p1 $0x0  }
0x14: {  	s2 =	sld [smem:$0x3F99];
	s0 =	simm.s32 @p1 $0x1  }
0x15: {  	[smem:$0x3FB6] =	sst s0;
	s0 =	simm.s32 @!p2 $0x0  }
0x16: {  	s3 =	sld [smem:$0x3FDB];
	s0 =	simm.s32 @p2 $0x1  }
0x17: {  	s4 =	simm.s32 $0x1BF5;
	[smem:$0x3FB8] =	sst s0  }
0x18: {  	s0 =	sld [smem:$0x3F9B];
	_ =	swait.ge [sflag:s4], $0x0  }
0x19: {  	s7 =	sld [smem:$0x3F9C]  }
0x1a: {  	s8 =	sadd.s32 $0xFFFFE003, lr  }
0x1b: {  	s9 =	sadd.s32 $0xFFFFFEF7, lr;
	s5 =	simm.s32 $0xFFFFFFFF;
	p2 =	slt.u32 s8, $0xFFFFF086  }
0x1c: {  	p1 =	slt.u32 s9, $0xF7A;
	s5 =	simm.s32 @!p2 $0x0  }
0x1d: {  	s5 =	simm.s32 @p1 $0x1;
	p0 =	seq.s32 s7, s2  }
0x1e: {  	s7 =	smul.u32 @!p0 $0xF7A, s2;
	p2 =	seq.s32 @!p0 s5, $0x0  }
0x1f: {  	s9 =	smul.u32 $0xF7A, s1;
	s8 =	simm.s32 @!p0 $0x1BF5;
	p2 =	por !p2, p0  }
0x20: {  	[sflag:s8] =	ssyncset.s32 @!p0 $0xFFFFF086;
	s6 =	sadd.s32 @!p0 s3, s7;
	s7 =	simm.s32 @!p0 $0x108  }
0x21: {  	s3 =	sadd.s32 s3, s9;
	s6 =	sadd.s32 @!p0 $0x88, s6;
	s7 =	simm.s32 @p2 $0x1082  }
0x22: {  	[simem:s7], [sflag:s8] =	dma.local @!p0 [hbm:s6], $0xF7A  }
0x23: {  	s9 =	sor.u32 $0xD0000000, s2;
	s6 =	simm.s32 $0x108;
	_ =	swait.ge @!p0 [sflag:s8], $0x0  }
0x24: {  	s3 =	sadd.s32 $0x88, s3;
	s6 =	simm.s32 @!p1 $0x1082;
	[sflag:s4] =	ssyncset.s32 $0xFFFFF086  }
0x25: {  	[simem:s6], [sflag:s4] =	dma.local [hbm:s3], $0xF7A  }
0x26: {  	[smem:$0x3F9C] =	sst s1;
	(tag) =	ssettag s2;
	_ =	strace s9  }
0x27: {  	s1 =	sld [smem:$0x3FAC]  }
0x28: {  	s2 =	sld [smem:$0x3FAD]  }
0x29: {  	s4 =	sld [smem:$0x3FAF]  }
0x2a: {  	p0 =	seq.s32 s5, $0x0;
	s5 =	sld [smem:$0x3FB0]  }
0x2b: {  	s6 =	sld [smem:$0x3FB1]  }
0x2c: {  	s7 =	sld [smem:$0x3FB2]  }
0x2d: {  	s3 =	simm.s32 $0x108;
	s8 =	sld [smem:$0x3FB3]  }
0x2e: {  	s3 =	simm.s32 @!p0 $0x1082;
	s9 =	sld [smem:$0x3FB4]  }
0x2f: {  	lr =	sadd.s32 s0, s3;
	s0 =	sld [smem:$0x3FAB]  }
0x30: {  	s3 =	sld [smem:$0x3FAE]  }
0x31: {  	[smem:$0x3FB7] =	sst s10  }
0x32: {  	s10 =	sld [smem:$0x3FB5];
	_ =	sdelay $0x3  }
0x33: {  	p0 =	seq.s32 s10, $0x1;
	s10 =	sld [smem:$0x3FB7];
	_ =	sdelay $0x3  }
0x34: {  	[smem:$0x3FB7] =	sst s10  }
0x35: {  	s10 =	sld [smem:$0x3FB6];
	_ =	sdelay $0x3  }
0x36: {  	p1 =	seq.s32 s10, $0x1;
	s10 =	sld [smem:$0x3FB7];
	_ =	sdelay $0x3  }
0x37: {  	[smem:$0x3FB7] =	sst s10  }
0x38: {  	s10 =	sld [smem:$0x3FB8]  }
0x39: {  	_ = 	snop;
	(pc) =	sbr.ind lr, $3  }
0x3a: {  	_ = 	snop  }
0x3b: {  	_ = 	snop  }
0x3c: {  	p2 =	seq.s32 s10, $0x1;
	s10 =	sld [smem:$0x3FB7]  }
0x3d: {  	_ =	shalt  }
0x3e: {  	_ =	shalt  }
0x3f: {  	_ =	shalt  }
0x40: {  	_ =	shalt  }
0x41: {  	_ =	shalt  }
0x42: {  	_ =	shalt  }
0x43: {  	_ =	shalt  }
0x44: {  	_ =	shalt  }
0x45: {  	_ =	shalt  }
0x46: {  	_ =	shalt  }
0x47: {  	_ =	shalt  }
0x48: {  	_ =	shalt  }
0x49: {  	_ =	shalt  }
0x4a: {  	_ =	shalt  }
0x4b: {  	_ =	shalt  }
0x4c: {  	_ =	shalt  }
0x4d: {  	_ =	shalt  }
0x4e: {  	_ =	shalt  }
0x4f: {  	_ =	shalt  }
0x50: {  	_ =	shalt  }
0x51: {  	_ =	shalt  }
0x52: {  	_ =	shalt  }
0x53: {  	_ =	shalt  }
0x54: {  	_ =	shalt  }
0x55: {  	_ =	shalt  }
0x56: {  	_ =	shalt  }
0x57: {  	_ =	shalt  }
0x58: {  	_ =	shalt  }
0x59: {  	_ =	shalt  }
0x5a: {  	_ =	shalt  }
0x5b: {  	_ =	shalt  }
0x5c: {  	_ =	shalt  }
0x5d: {  	_ =	shalt  }
0x5e: {  	_ =	shalt  }
0x5f: {  	_ =	shalt  }
0x60: {  	_ =	shalt  }
0x61: {  	_ =	shalt  }
0x62: {  	_ =	shalt  }
0x63: {  	_ =	shalt  }
0x64: {  	_ =	shalt  }
0x65: {  	_ =	shalt  }
0x66: {  	_ =	shalt  }
0x67: {  	_ =	shalt  }
0x68: {  	_ =	shalt  }
0x69: {  	_ =	shalt  }
0x6a: {  	_ =	shalt  }
0x6b: {  	_ =	shalt  }
0x6c: {  	_ =	shalt  }
0x6d: {  	_ =	shalt  }
0x6e: {  	_ =	shalt  }
0x6f: {  	_ =	shalt  }
0x70: {  	_ =	shalt  }
0x71: {  	_ =	shalt  }
0x72: {  	_ =	shalt  }
0x73: {  	_ =	shalt  }
0x74: {  	_ =	shalt  }
0x75: {  	_ =	shalt  }
0x76: {  	_ =	shalt  }
0x77: {  	_ =	shalt  }
0x78: {  	_ =	shalt  }
0x79: {  	_ =	shalt  }
0x7a: {  	_ =	shalt  }
0x7b: {  	_ =	shalt  }
0x7c: {  	_ =	shalt  }
0x7d: {  	_ =	shalt  }
0x7e: {  	_ =	shalt  }
0x7f: {  	_ =	shalt  }
0x80: {  	_ =	shalt  }
0x81: {  	_ =	shalt  }
0x82: {  	_ =	shalt  }
0x83: {  	_ =	shalt  }
0x84: {  	_ =	shalt  }
0x85: {  	_ =	shalt  }
0x86: {  	_ =	shalt  }
0x87: {  	_ =	shalt  }
.Lfunc_end0:
.L_simem_size_0:
called_computation.1_lowered:
.L_overlay_start_0:
0x88: {  	s2 =	sld [smem:$0x3FD9]  }
0x89: {  	s3 =	sld [smem:$0x3FFE];
	_ =	sdelay $0x1  }
0x8a: {  	s1 =	srdreg.scid  }
0x8b: {  	s0 =	sand.u32 $0x1, s1  }
0x8c: {  	s17 =	sshll.u32 s0, $0xA;
	s2 =	sadd.s32 s3, s2  }
0x8d: {  	s2 =	sadd.s32 s2, s17  }
0x8e: {  	[smem:$0x3FC3] =	sst s2  }
0x8f: {  	_ = 	snop  }
0x90: {  	s2 =	sld [smem:$0x3FC5]  }
0x91: {  	s18 =	sld [smem:$0x3FD0];
	(tm) =	ssettm $0x1  }
0x92: {  	s4 =	sld [smem:$0x3FFB];
	_ =	sdelay $0x3  }
0x93: {  	_ =	strace s4  }
0x94: {  	s4 =	sld [smem:$0x3FFC];
	_ =	sdelay $0x3  }
0x95: {  	_ =	strace s4  }
0x96: {  	s4 =	sld [smem:$0x3FFD];
	_ =	sdelay $0x3  }
0x97: {  	_ =	strace s4  }
0x98: {  	_ =	strace $0x8FFFFFFF  }
0x99: {  	s19 =	sld [smem:$0x3FDB];
	_ =	sdelay $0x1  }
0x9a: {  	s5 =	simm.s32 $_scs_section_size  }
0x9b: {  	s6 =	simm.s32 $_size__tile_overlayer_lowered;
	s7 =	simm.s32 $_tile_overlayer_lowered  }
0x9c: {  	s22 =	simm.s32 $0x1BFF;
	s21 =	sshll.u32 s7, $0x1;
	s4 =	sadd.s32 s5, s19  }
0x9d: {  	s8 =	simm.s32 $0x0;
	s20 =	sshll.u32 s6, $0x1;
	s6 =	sadd.s32 s21, s4  }
0x9e: {  	[timem:s8], [sflag:s22] =	dma.local [hbm:s6], s20  }
0x9f: {  	_ =	swait.ge [sflag:s22], s20  }
0xa0: {  	s5 =	ssub.s32 $0x0, s20;
	[sflag:s22] =	ssyncset.done $0x0  }
0xa1: {  	[sflag:s22] =	ssyncadd.s32 s5;
	_ =	sdelay $0x1  }
0xa2: {  	s23 =	simm.s32 $0x1B8B  }
0xa3: {  	_ =	swait.ge [sflag:s23], $0x1  }
0xa4: {  	[sflag:s23] =	ssyncset.done $0x0  }
0xa5: {  	s25 =	simm.s32 $0x1B8E;
	s24 =	sld [smem:$0x3FFE];
	[sflag:s23] =	ssyncadd.s32 $0xFFFFFFFF  }
0xa6: {  	s26 =	simm.s32 $execute0_lowered;
	[smem:$0x3FD2] =	sst s25  }
0xa7: {  	s6 =	sshll.u32 s26, $0x1;
	_ =	strace $0x80000046;
	[dreg:$0x1] =	wrdreg $0xFFFFFFFF  }
0xa8: {  	s28 =	simm.s32 $_size_execute0_lowered;
	s4 =	sadd.s32 s4, s6;
	[dreg:$0x0] =	wrdreg $0x0  }
0xa9: {  	s6 =	sshll.u32 s28, $0x1;
	[dreg:$0x2] =	wrdreg s4  }
0xaa: {  	[dreg:$0x3] =	wrdreg s6  }
0xab: {  	[dreg:$0x4] =	wrdreg $0xC0  }
0xac: {  	_ =	task [dreg:s8], $0x5FFFF  }
0xad: {  	[dreg:$0x1] =	wrdreg $0xFFFFFFFF  }
0xae: {  	[dreg:$0x0] =	wrdreg $0x60  }
0xaf: {  	[dreg:$0x2] =	wrdreg s24  }
0xb0: {  	[dreg:$0x3] =	wrdreg s2  }
0xb1: {  	[dreg:$0x4] =	wrdreg s18  }
0xb2: {  	[dreg:$0x5] =	wrdreg $0x9  }
0xb3: {  	_ =	task.clear_ibuf [dreg:s8], $0x6FFFF;
	_ =	strace $0x90000046  }
0xb4: {  	s29 =	simm.s32 $0x9;
	_ =	strace $0x80000048  }
0xb5: {  	_ =	swait.ge [sflag:s29], $0x1  }
0xb6: {  	[sflag:s29] =	ssyncadd.s32 $0xFFFFFFFF  }
0xb7: {  	_ =	strace $0x90000048  }
0xb8: {  	_ =	sfence  }
0xb9: {  	s30 =	sld [smem:$0x0];
	_ =	sdelay $0x2  }
0xba: {  	s31 =	sshll.u32 s1, $0xD;
	s1 =	sshrl.u32 s1, $0x2  }
0xbb: {  	s3 =	sand.u32 $0x4000, s31;
	s1 =	sadd.s32 s1, s30  }
0xbc: {  	s0 =	sor.u32 s3, s0;
	s1 =	sshll.u32 s1, $0x11  }
0xbd: {  	s0 =	sor.u32 s1, s0  }
0xbe: {  	s0 =	sadd.s32 $0x8F2B, s0  }
0xbf: {  	[sflag:s0] =	ssyncadd.remote.s32 $0x1  }
0xc0: {  	_ =	sfence.sel $0xFFFF  }
0xc1: {  	[dreg:$0x0] =	wrdreg $0xFFFFFFFF;
	(pc) =	sbr.abs _section_cstart, $3  }
0xc2: {  	[dreg:$0x1] =	wrdreg $0xFFFFFFFF  }
0xc3: {  	_ =	task.clear_ibuf [dreg:s8], $0x2FFFF;
	_ =	strace $0x9FFFFFFF  }
0xc4: {  	(tm) =	ssettm $0x7FFFFFFF  }
0xc5: {  	_ =	shalt  }
tec
execute0_lowered:
.L_overlay_start_1:
0x0: {  	(tag) =	ssettag $0x1  }
0x1: {  	s0 =	rddreg [dreg:$0x0]  }
0x2: {  	s2 =	rddreg [dreg:$0x2]  }
0x3: {  	s4 =	simm.s32 $0x0;
	s1 =	srdreg.scid;
	s12 =	stileid.u32  }
0x4: {  	[smem:$0x7FF] =	sst s4;
	s5 =	sadd.s32 $0x2200, s0;
	s1 =	sand.u32 $0x1, s1  }
0x5: {  	s3 =	sshll.u32 s12, $0x1;
	s6 =	sadd.s32 $0x2021C00, s0;
	s8 =	sadd.s32 $0x1200, s0  }
0x6: {  	s0 =	sadd.s32 $0xA00, s0;
	s14 =	smul.u32 $0x1FC02, s12;
	_ =	strace $0x80000047  }
0x7: {  	s7 =	ssub.s32 $0x2, s1;
	s3 =	sor.u32 s1, s3;
	s22 =	smul.u32 $0x2FA03, s1  }
0x8: {  	[dreg:$0x6] =	wrdreg s8;
	s1 =	smul.u32 $0xFE01, s1;
	s10 =	sshll.u32 s3, $0x12  }
0x9: {  	s11 =	smul.u32 $0x5F406, s12;
	[dreg:$0x7] =	wrdreg s0;
	s2 =	sadd.s32 s2, s10  }
0xa: {  	s18 =	sshrl.u32 s7, $0x1;
	s1 =	sadd.s32 s1, s14;
	[dreg:$0x8] =	wrdreg s2  }
0xb: {  	s19 =	ssub.s32 s7, s18;
	s26 =	sadd.s32 s22, s11;
	[dreg:$0xd] =	wrdreg s1  }
0xc: {  	s9 =	smul.u32 $0x2FA03, s3;
	s0 =	smax.u32 s19, $0x1;
	[dreg:$0xc] =	wrdreg s26  }
0xd: {  	s20 =	smul.u32 $0xFE01, s3;
	s28 =	sadd.s32 $0xFFFFFFFD, s26;
	[dreg:$0xb] =	wrdreg s0  }
0xe: {  	s21 =	sshll.u32 s3, $0x15;
	s29 =	sadd.s32 $0xFFFFFFFF, s1;
	[dreg:$0xe] =	wrdreg s28  }
0xf: {  	s12 =	smul.u32 $0xFF, s3;
	s30 =	sadd.s32 $0x2FA, s26;
	[dreg:$0xf] =	wrdreg s29  }
0x10: {  	s7 =	sshrl.u32 s20, $0x3;
	s31 =	sadd.s32 $0xFE, s1;
	[dreg:$0x10] =	wrdreg s30  }
0x11: {  	s9 =	sshrl.u32 s9, $0x3;
	s1 =	sadd.s32 $0x1FD, s1;
	[dreg:$0x11] =	wrdreg s31  }
0x12: {  	s7 =	sand.u32 $0x3FFFE, s7;
	[dreg:$0x12] =	wrdreg s1;
	s0 =	sadd.s32 $0x5F7, s26  }
0x13: {  	s24 =	sand.u32 $0xFFFFE, s9;
	s23 =	sadd.s32 s5, s7;
	[dreg:$0x13] =	wrdreg s0  }
0x14: {  	v0 =	vlaneseq.u32;
	s3 =	simm.s32 $0x0;
	s25 =	sadd.s32 s6, s24;
	[dreg:$0x9] =	wrdreg s23  }
0x15: {  	v1 =	vmul.u32 $0x3, v0;
	s13 =	sor.u32 $0x2000, s21;
	s2 =	simm.s32 $0x7;
	[dreg:$0xa] =	wrdreg s25  }
.LBB2_1:
0x16: {  	[dreg:$0x14] =	wrdreg s3  }
0x17: {  	s0 =	rddreg [dreg:$0x7]  }
0x18: {  	[tilespmem:s4], [sflag:$0x7] =	stream.linear.gather [hbm4b:s0+s4], $0x4000, $0x38;
	[tilespmem:$0x19860] =	vst v63  }
0x19: {  	_ =	swait.ge [sflag:s2], $0x4000  }
0x1a: {  	[sflag:s2] =	ssyncset.done $0x0  }
0x1b: {  	s1 =	simm.s32 $0x4000;
	s29 =	rddreg [dreg:$0x6];
	[sflag:s2] =	ssyncadd.s32 $0xFFFFC000  }
0x1c: {  	[tilespmem:s1], [sflag:$0x7] =	stream.linear.gather [hbm4b:s29+s4], $0x8000, $0x38;
	[tilespmem:$0x19860] =	vst v63  }
0x1d: {  	_ =	swait.ge [sflag:s2], $0x8000  }
0x1e: {  	[sflag:s2] =	ssyncset.done $0x0  }
0x1f: {  	[sflag:s2] =	ssyncadd.s32 $0xFFFF8000  }
0x20: {  	s31 =	simm.s32 $0xC000;
	s30 =	rddreg [dreg:$0x1]  }
0x21: {  	[tilespmem:s31], [sflag:$0x7] =	stream.linear.gather [hbm4b:s30+s4], $0x20, $0x38;
	[tilespmem:$0x19860] =	vst v63  }
0x22: {  	_ =	swait.ge [sflag:s2], $0x20  }
0x23: {  	[sflag:s2] =	ssyncset.done $0x0  }
0x24: {  	[sflag:s2] =	ssyncadd.s32 $0xFFFFFFE0  }
0x25: {  	v2 =	vld [tilespmem:$0xC000]  }
0x26: {  	v3 =	vld [tilespmem:$0xC010];
	_ =	sdelay $0x2  }
0x27: {  	s3 =	simm.s32 $0x0;
	s1 =	simm.s32 $0x80  }
.LBB2_2:
0x28: {  	p0 =	sne.s32 s1, $0x7F80;
	[tilespmem:s3+$0xD860] =	vst v2;
	s7 =	smov.u32 s1;
	s1 =	sadd.s32 $0x80, s1  }
.Ltmp0:
0x29: {  	[tilespmem:s3+$0xD870] =	vst v3;
	(pc) =	sbr.rel @p0 .LBB2_2-.Ltmp0, $2  }
0x2a: {  	_ =	sdelay $0x2  }
0x2b: {  	s3 =	sshra.s32 s7, $0x2  }
0x2c: {  	[tilespmem:s3+$0xD860] =	vst v2  }
0x2d: {  	[tilespmem:s3+$0xD870] =	vst v3;
	s8 =	simm.s32 $0x0;
	s0 =	rddreg [dreg:$0x8];
	s1 =	simm.s32 $0xD860  }
0x2e: {  	[hbm4b:s0+s8] =	stream.linear.scatter [tilespmem:s1], [sflag:$0x7], $0x2000, $0x38;
	[tilespmem:$0x19860] =	vst v63  }
0x2f: {  	_ =	swait.ge [sflag:s2], $0x2000  }
0x30: {  	s28 =	rddreg [dreg:$0x9]  }
0x31: {  	s30 =	rddreg [dreg:$0xa]  }
0x32: {  	s22 =	rddreg [dreg:$0x13]  }
0x33: {  	s21 =	rddreg [dreg:$0x12]  }
0x34: {  	s20 =	rddreg [dreg:$0x11]  }
0x35: {  	s19 =	rddreg [dreg:$0x10]  }
0x36: {  	s16 =	rddreg [dreg:$0xd]  }
0x37: {  	[sflag:s2] =	ssyncset.done $0x0;
	s18 =	rddreg [dreg:$0xf]  }
0x38: {  	s29 =	simm.s32 $0xC020;
	s15 =	rddreg [dreg:$0xc];
	[sflag:s2] =	ssyncadd.s32 $0xFFFFE000  }
0x39: {  	[tilespmem:s29], [sflag:$0x1] =	stream.linear.gather [hbm4b:s28+s8], $0x310, $0x38;
	[tilespmem:$0x19860] =	vst v63  }
0x3a: {  	s31 =	simm.s32 $0xC640;
	p0 =	por $0x0, $0x0;
	s17 =	rddreg [dreg:$0xe]  }
0x3b: {  	[tilespmem:s31], [sflag:$0x3] =	stream.linear.gather [hbm4b:s30+s8], $0x910, $0x38;
	[tilespmem:$0x19860] =	vst v63  }
.LBB2_4:
0x3c: {  	s1 =	simm.s32 $0x1  }
0x3d: {  	s9 =	sadd.s32 $0x1, s8;
	p1 =	seq.s32 s8, $0x54;
	s10 =	sand.u32 $0xFFFFFFF0, s16  }
0x3e: {  	s26 =	sand.u32 $0xFFFFFFF0, s15;
	s1 =	simm.s32 @!p0 $0x0;
	s3 =	smul.u32 @!p1 $0x3, s9  }
0x3f: {  	s14 =	smin.u32 s10, $0x1FBD10;
	s10 =	sand.u32 $0x1, s8;
	s30 =	simm.s32 @!p1 $0x0  }
0x40: {  	s2 =	smin.u32 s26, $0x5F3750;
	s1 =	smul.u32 $0x18000, s1;
	s25 =	sxor.u32 @!p1 $0x1, s10  }
0x41: {  	s11 =	ssub.s32 s21, s14;
	s3 =	sadd.s32 @!p1 s12, s3;
	s29 =	smul.u32 @!p1 $0xC40, s25  }
0x42: {  	s28 =	ssub.s32 s20, s14;
	s0 =	ssub.s32 s18, s14;
	s24 =	smul.u32 @!p1 $0x2FD, s3  }
0x43: {  	s23 =	sadd.s32 $0x1, s10;
	[dreg:$0x5] =	wrdreg s28;
	s3 =	smul.u32 @!p1 $0xFF, s3  }
0x44: {  	s26 =	ssub.s32 s17, s2;
	s31 =	smul.u32 @!p1 $0x2440, s25;
	[dreg:$0x4] =	wrdreg s0  }
0x45: {  	s7 =	sshrl.u32 s1, $0x2;
	s28 =	sshrl.u32 @!p1 s29, $0x2;
	s3 =	sand.u32 @!p1 $0x7FFFFFF0, s3  }
0x46: {  	s29 =	sadd.s32 @!p1 $0x1, s25;
	s24 =	sand.u32 @!p1 $0x7FFFFFF0, s24;
	s3 =	smin.u32 @!p1 s3, $0x1FBD10  }
0x47: {  	s14 =	sshrl.u32 @!p1 s31, $0x2;
	s24 =	smin.u32 @!p1 s24, $0x5F3750;
	s3 =	sshrl.u32 @!p1 s3, $0x3  }
0x48: {  	s28 =	sadd.s32 @!p1 $0xC020, s28;
	s24 =	sshrl.u32 @!p1 s24, $0x3;
	s3 =	sadd.s32 @!p1 s5, s3  }
0x49: {  	[tilespmem:s28], [sflag:s29] =	stream.linear.gather @!p1 [hbm4b:s3+s30], $0x310, $0x38;
	[tilespmem:$0x19860] =	vst v63  }
0x4a: {  	s25 =	sadd.s32 @!p1 $0x3, s25;
	s14 =	sadd.s32 @!p1 $0xC640, s14;
	s24 =	sadd.s32 @!p1 s6, s24  }
0x4b: {  	[tilespmem:s14], [sflag:s25] =	stream.linear.gather @!p1 [hbm4b:s24+s30], $0x910, $0x38;
	[tilespmem:$0x19860] =	vst v63  }
0x4c: {  	s0 =	sadd.s32 $0x3, s10;
	s1 =	sadd.s32 $0xD860, s7;
	_ =	swait.ge [sflag:s23], $0x310  }
0x4d: {  	s3 =	ssub.s32 s19, s2;
	s28 =	smul.u32 $0xC40, s10;
	[sflag:s23] =	ssyncset.done $0x0  }
0x4e: {  	s29 =	sadd.s32 $0xFA50, s7;
	s14 =	ssub.s32 s22, s2;
	[sflag:s23] =	ssyncadd.s32 $0xFFFFFCF0  }
0x4f: {  	s30 =	sadd.s32 $0xD960, s7;
	s2 =	sshrl.u32 s28, $0x2;
	_ =	swait.ge [sflag:s0], $0x910  }
0x50: {  	s28 =	smul.u32 $0x2440, s10;
	p1 =	slt.u32 s8, $0x2;
	[sflag:s0] =	ssyncset.done $0x0  }
0x51: {  	s31 =	sadd.s32 @!p1 $0x5, s10;
	s23 =	smul.u32 $0x18000, s10;
	[sflag:s0] =	ssyncadd.s32 $0xFFFFF6F0  }
0x52: {  	s25 =	sadd.s32 $0xC020, s2;
	s24 =	sshrl.u32 s28, $0x2;
	_ =	swait.ge @!p1 [sflag:s31], $0x6000  }
0x53: {  	s24 =	sadd.s32 $0xC640, s24;
	s28 =	sshrl.u32 s23, $0x2;
	[sflag:s31] =	ssyncset.done @!p1 $0x0  }
0x54: {  	s7 =	sadd.s32 $0xD860, s28;
	[sflag:s31] =	ssyncadd.s32 @!p1 $0xFFFFA000;
	s31 =	simm.s32 $0x0  }
.LBB2_5:
0x55: {  	s23 =	rddreg [dreg:$0x4]  }
0x56: {  	s23 =	sadd.s32 s31, s23  }
0x57: {  	v4 =	vadd.s32 s23, v0  }
0x58: {  	v5 =	vadd.s32 s26, v1;
	vm0 =	vgt.s32 v4, $0x0  }
0x59: {  	vm15 =	vgt.s32 v5, $0x0;
	v4 =	vnsel vm0, $0x0, v4  }
0x5a: {  	v5 =	vnsel vm15, $0x0, v5;
	_ =	sdelay $0x1  }
0x5b: {  	v6 =	vadd.s32 $0x1, v5;
	_ =	sdelay $0x1  }
0x5c: {  	v7 =	vadd.s32 $0x2, v5;
	v4 =	vld.idx.msk [tilespmem:v4+s25+$0x0], $0xffff  }
0x5d: {  	v5 =	vld.idx.msk [tilespmem:v5+s24+$0x0], $0xffff;
	_ =	sdelay $0x1  }
0x5e: {  	v8 =	vld.idx.msk [tilespmem:v6+s24+$0x0], $0xffff;
	_ =	sdelay $0x1  }
0x5f: {  	v9 =	vld.idx.msk [tilespmem:v7+s24+$0x0], $0xffff;
	v4 =	vshll.u32 v4, $0x7  }
0x60: {  	v5 =	vshll.u32 v5, $0x7;
	v4 =	vshra.s32 v4, $0x2  }
0x61: {  	v6 =	vshra.s32 v5, $0x2;
	(v2sf) =	vpush v4, $0x0  }
0x62: {  	v5 =	vshll.u32 v8, $0x7;
	(v2sf) =	vpush v6, $0x0  }
0x63: {  	v7 =	vshra.s32 v5, $0x2  }
0x64: {  	v5 =	vshll.u32 v9, $0x7;
	(v2sf) =	vpush v7, $0x0  }
0x65: {  	v5 =	vshra.s32 v5, $0x2  }
0x66: {  	(v2sf) =	vpush v5, $0x0;
	_ =	sdelay $0x9  }
0x67: {  	s23 =	spop (v2sf)  }
0x68: {  	s0 =	spop (v2sf)  }
0x69: {  	(v2sf) =	vpush v4, $0x1;
	v55 =	vld [tilespmem:s0+$0x4000]  }
0x6a: {  	(v2sf) =	vpush v6, $0x1;
	s2 =	spop (v2sf);
	v10 =	vld [tilespmem:s0+$0x4010]  }
0x6b: {  	v56 =	vld [tilespmem:s2+$0x4000]  }
0x6c: {  	(v2sf) =	vpush v7, $0x1;
	s0 =	spop (v2sf);
	v11 =	vld [tilespmem:s2+$0x4010]  }
0x6d: {  	v12 =	vld [tilespmem:s0+$0x4000]  }
0x6e: {  	(v2sf) =	vpush v5, $0x1;
	v13 =	vld [tilespmem:s0+$0x4010];
	_ =	sdelay $0x1  }
0x6f: {  	v8 =	vadd.f32 v56, v55  }
0x70: {  	v57 =	vld [tilespmem:s23+$0x0];
	v10 =	vadd.f32 v11, v10  }
0x71: {  	v58 =	vld [tilespmem:s23+$0x10];
	v8 =	vadd.f32 v12, v8  }
0x72: {  	v10 =	vadd.f32 v13, v10  }
0x73: {  	v8 =	vmul.f32 $3.333333430e-01, v8  }
0x74: {  	v10 =	vmul.f32 $3.333333430e-01, v10  }
0x75: {  	v8 =	vadd.f32 v8, v57  }
0x76: {  	v59 =	vadd.f32 v10, v58  }
0x77: {  	s0 =	spop (v2sf);
	[tilespmem:s30+$0xFFFFFF00] =	vst v8  }
0x78: {  	[tilespmem:s30+$0xFFFFFF10] =	vst v59;
	s2 =	spop (v2sf)  }
0x79: {  	(v2sf) =	vpush v4, $0x2;
	v8 =	vld [tilespmem:s2+$0x4000]  }
0x7a: {  	(v2sf) =	vpush v6, $0x2;
	s23 =	spop (v2sf);
	v60 =	vld [tilespmem:s2+$0x4010]  }
0x7b: {  	v9 =	vld [tilespmem:s23+$0x4000]  }
0x7c: {  	(v2sf) =	vpush v7, $0x2;
	s2 =	spop (v2sf);
	v61 =	vld [tilespmem:s23+$0x4010]  }
0x7d: {  	v62 =	vld [tilespmem:s2+$0x4000]  }
0x7e: {  	(v2sf) =	vpush v5, $0x2;
	v63 =	vld [tilespmem:s2+$0x4010];
	_ =	sdelay $0x1  }
0x7f: {  	v8 =	vadd.f32 v9, v8  }
0x80: {  	v16 =	vld [tilespmem:s0+$0x0];
	v10 =	vadd.f32 v61, v60  }
0x81: {  	v17 =	vld [tilespmem:s0+$0x10];
	v8 =	vadd.f32 v62, v8  }
0x82: {  	v10 =	vadd.f32 v63, v10  }
0x83: {  	v8 =	vmul.f32 $3.333333430e-01, v8  }
0x84: {  	v10 =	vmul.f32 $3.333333430e-01, v10  }
0x85: {  	v8 =	vadd.f32 v8, v16  }
0x86: {  	v18 =	vadd.f32 v10, v17  }
0x87: {  	s0 =	spop (v2sf);
	[tilespmem:s30+$0xFFFFFF20] =	vst v8  }
0x88: {  	[tilespmem:s30+$0xFFFFFF30] =	vst v18;
	s2 =	spop (v2sf)  }
0x89: {  	(v2sf) =	vpush v4, $0x3;
	v8 =	vld [tilespmem:s2+$0x4000]  }
0x8a: {  	(v2sf) =	vpush v6, $0x3;
	s23 =	spop (v2sf);
	v19 =	vld [tilespmem:s2+$0x4010]  }
0x8b: {  	v9 =	vld [tilespmem:s23+$0x4000]  }
0x8c: {  	(v2sf) =	vpush v7, $0x3;
	s2 =	spop (v2sf);
	v20 =	vld [tilespmem:s23+$0x4010]  }
0x8d: {  	v21 =	vld [tilespmem:s2+$0x4000]  }
0x8e: {  	(v2sf) =	vpush v5, $0x3;
	v22 =	vld [tilespmem:s2+$0x4010];
	_ =	sdelay $0x1  }
0x8f: {  	v8 =	vadd.f32 v9, v8  }
0x90: {  	v23 =	vld [tilespmem:s0+$0x0];
	v10 =	vadd.f32 v20, v19  }
0x91: {  	v24 =	vld [tilespmem:s0+$0x10];
	v8 =	vadd.f32 v21, v8  }
0x92: {  	v10 =	vadd.f32 v22, v10  }
0x93: {  	v8 =	vmul.f32 $3.333333430e-01, v8  }
0x94: {  	v10 =	vmul.f32 $3.333333430e-01, v10  }
0x95: {  	v8 =	vadd.f32 v8, v23  }
0x96: {  	v25 =	vadd.f32 v10, v24  }
0x97: {  	s0 =	spop (v2sf);
	[tilespmem:s30+$0xFFFFFF40] =	vst v8  }
0x98: {  	[tilespmem:s30+$0xFFFFFF50] =	vst v25;
	s2 =	spop (v2sf)  }
0x99: {  	(v2sf) =	vpush v4, $0x4;
	v8 =	vld [tilespmem:s2+$0x4000]  }
0x9a: {  	(v2sf) =	vpush v6, $0x4;
	s23 =	spop (v2sf);
	v26 =	vld [tilespmem:s2+$0x4010]  }
0x9b: {  	v9 =	vld [tilespmem:s23+$0x4000]  }
0x9c: {  	(v2sf) =	vpush v7, $0x4;
	s2 =	spop (v2sf);
	v27 =	vld [tilespmem:s23+$0x4010]  }
0x9d: {  	v28 =	vld [tilespmem:s2+$0x4000]  }
0x9e: {  	(v2sf) =	vpush v5, $0x4;
	v29 =	vld [tilespmem:s2+$0x4010];
	_ =	sdelay $0x1  }
0x9f: {  	v8 =	vadd.f32 v9, v8  }
0xa0: {  	v30 =	vld [tilespmem:s0+$0x0];
	v10 =	vadd.f32 v27, v26  }
0xa1: {  	v31 =	vld [tilespmem:s0+$0x10];
	v8 =	vadd.f32 v28, v8  }
0xa2: {  	v10 =	vadd.f32 v29, v10  }
0xa3: {  	v8 =	vmul.f32 $3.333333430e-01, v8  }
0xa4: {  	v10 =	vmul.f32 $3.333333430e-01, v10  }
0xa5: {  	v8 =	vadd.f32 v8, v30  }
0xa6: {  	v32 =	vadd.f32 v10, v31  }
0xa7: {  	s0 =	spop (v2sf);
	[tilespmem:s30+$0xFFFFFF60] =	vst v8  }
0xa8: {  	[tilespmem:s30+$0xFFFFFF70] =	vst v32;
	s2 =	spop (v2sf)  }
0xa9: {  	(v2sf) =	vpush v4, $0x5;
	v8 =	vld [tilespmem:s2+$0x4000]  }
0xaa: {  	(v2sf) =	vpush v6, $0x5;
	s23 =	spop (v2sf);
	v33 =	vld [tilespmem:s2+$0x4010]  }
0xab: {  	v9 =	vld [tilespmem:s23+$0x4000]  }
0xac: {  	(v2sf) =	vpush v7, $0x5;
	s2 =	spop (v2sf);
	v34 =	vld [tilespmem:s23+$0x4010]  }
0xad: {  	v35 =	vld [tilespmem:s2+$0x4000]  }
0xae: {  	(v2sf) =	vpush v5, $0x5;
	v36 =	vld [tilespmem:s2+$0x4010];
	_ =	sdelay $0x1  }
0xaf: {  	v8 =	vadd.f32 v9, v8  }
0xb0: {  	v37 =	vld [tilespmem:s0+$0x0];
	v10 =	vadd.f32 v34, v33  }
0xb1: {  	v38 =	vld [tilespmem:s0+$0x10];
	v8 =	vadd.f32 v35, v8  }
0xb2: {  	v10 =	vadd.f32 v36, v10  }
0xb3: {  	v8 =	vmul.f32 $3.333333430e-01, v8  }
0xb4: {  	v10 =	vmul.f32 $3.333333430e-01, v10  }
0xb5: {  	v8 =	vadd.f32 v8, v37  }
0xb6: {  	v39 =	vadd.f32 v10, v38  }
0xb7: {  	s0 =	spop (v2sf);
	[tilespmem:s30+$0xFFFFFF80] =	vst v8  }
0xb8: {  	[tilespmem:s30+$0xFFFFFF90] =	vst v39;
	s2 =	spop (v2sf)  }
0xb9: {  	(v2sf) =	vpush v4, $0x6;
	v8 =	vld [tilespmem:s2+$0x4000]  }
0xba: {  	(v2sf) =	vpush v6, $0x6;
	s23 =	spop (v2sf);
	v40 =	vld [tilespmem:s2+$0x4010]  }
0xbb: {  	v9 =	vld [tilespmem:s23+$0x4000]  }
0xbc: {  	(v2sf) =	vpush v7, $0x6;
	s2 =	spop (v2sf);
	v41 =	vld [tilespmem:s23+$0x4010]  }
0xbd: {  	v42 =	vld [tilespmem:s2+$0x4000]  }
0xbe: {  	(v2sf) =	vpush v5, $0x6;
	v43 =	vld [tilespmem:s2+$0x4010];
	_ =	sdelay $0x1  }
0xbf: {  	v8 =	vadd.f32 v9, v8  }
0xc0: {  	v44 =	vld [tilespmem:s0+$0x0];
	v10 =	vadd.f32 v41, v40  }
0xc1: {  	v45 =	vld [tilespmem:s0+$0x10];
	v8 =	vadd.f32 v42, v8  }
0xc2: {  	v10 =	vadd.f32 v43, v10  }
0xc3: {  	v8 =	vmul.f32 $3.333333430e-01, v8  }
0xc4: {  	v10 =	vmul.f32 $3.333333430e-01, v10  }
0xc5: {  	v8 =	vadd.f32 v8, v44  }
0xc6: {  	v46 =	vadd.f32 v10, v45  }
0xc7: {  	s0 =	spop (v2sf);
	[tilespmem:s30+$0xFFFFFFA0] =	vst v8  }
0xc8: {  	[tilespmem:s30+$0xFFFFFFB0] =	vst v46;
	s2 =	spop (v2sf)  }
0xc9: {  	(v2sf) =	vpush v4, $0x7;
	v8 =	vld [tilespmem:s2+$0x4000]  }
0xca: {  	(v2sf) =	vpush v6, $0x7;
	s23 =	spop (v2sf);
	v47 =	vld [tilespmem:s2+$0x4010]  }
0xcb: {  	v9 =	vld [tilespmem:s23+$0x4000]  }
0xcc: {  	(v2sf) =	vpush v7, $0x7;
	s2 =	spop (v2sf);
	v48 =	vld [tilespmem:s23+$0x4010]  }
0xcd: {  	v49 =	vld [tilespmem:s2+$0x4000]  }
0xce: {  	(v2sf) =	vpush v5, $0x7;
	v50 =	vld [tilespmem:s2+$0x4010];
	_ =	sdelay $0x1  }
0xcf: {  	v8 =	vadd.f32 v9, v8  }
0xd0: {  	v51 =	vld [tilespmem:s0+$0x0];
	v10 =	vadd.f32 v48, v47  }
0xd1: {  	v52 =	vld [tilespmem:s0+$0x10];
	v8 =	vadd.f32 v49, v8  }
0xd2: {  	v10 =	vadd.f32 v50, v10  }
0xd3: {  	v8 =	vmul.f32 $3.333333430e-01, v8  }
0xd4: {  	v10 =	vmul.f32 $3.333333430e-01, v10  }
0xd5: {  	v8 =	vadd.f32 v8, v51  }
0xd6: {  	v53 =	vadd.f32 v10, v52  }
0xd7: {  	s0 =	spop (v2sf);
	[tilespmem:s30+$0xFFFFFFC0] =	vst v8  }
0xd8: {  	[tilespmem:s30+$0xFFFFFFD0] =	vst v53;
	s2 =	spop (v2sf)  }
0xd9: {  	(v2sf) =	vpush v4, $0x8;
	v8 =	vld [tilespmem:s2+$0x4000]  }
0xda: {  	(v2sf) =	vpush v6, $0x8;
	s23 =	spop (v2sf);
	v54 =	vld [tilespmem:s2+$0x4010]  }
0xdb: {  	v9 =	vld [tilespmem:s23+$0x4000]  }
0xdc: {  	(v2sf) =	vpush v7, $0x8;
	s2 =	spop (v2sf);
	v55 =	vld [tilespmem:s23+$0x4010]  }
0xdd: {  	v56 =	vld [tilespmem:s2+$0x4000]  }
0xde: {  	(v2sf) =	vpush v5, $0x8;
	v57 =	vld [tilespmem:s2+$0x4010];
	_ =	sdelay $0x1  }
0xdf: {  	v8 =	vadd.f32 v9, v8  }
0xe0: {  	v58 =	vld [tilespmem:s0+$0x0];
	v10 =	vadd.f32 v55, v54  }
0xe1: {  	v59 =	vld [tilespmem:s0+$0x10];
	v8 =	vadd.f32 v56, v8  }
0xe2: {  	v10 =	vadd.f32 v57, v10  }
0xe3: {  	v8 =	vmul.f32 $3.333333430e-01, v8  }
0xe4: {  	v10 =	vmul.f32 $3.333333430e-01, v10  }
0xe5: {  	v8 =	vadd.f32 v8, v58  }
0xe6: {  	v60 =	vadd.f32 v10, v59  }
0xe7: {  	s0 =	spop (v2sf);
	[tilespmem:s30+$0xFFFFFFE0] =	vst v8  }
0xe8: {  	[tilespmem:s30+$0xFFFFFFF0] =	vst v60;
	s2 =	spop (v2sf)  }
0xe9: {  	(v2sf) =	vpush v4, $0x9;
	v8 =	vld [tilespmem:s2+$0x4000]  }
0xea: {  	(v2sf) =	vpush v6, $0x9;
	s23 =	spop (v2sf);
	v61 =	vld [tilespmem:s2+$0x4010]  }
0xeb: {  	v9 =	vld [tilespmem:s23+$0x4000]  }
0xec: {  	(v2sf) =	vpush v7, $0x9;
	s2 =	spop (v2sf);
	v62 =	vld [tilespmem:s23+$0x4010]  }
0xed: {  	v63 =	vld [tilespmem:s2+$0x4000]  }
0xee: {  	(v2sf) =	vpush v5, $0x9;
	v16 =	vld [tilespmem:s2+$0x4010];
	_ =	sdelay $0x1  }
0xef: {  	v8 =	vadd.f32 v9, v8  }
0xf0: {  	v17 =	vld [tilespmem:s0+$0x0];
	v10 =	vadd.f32 v62, v61  }
0xf1: {  	v18 =	vld [tilespmem:s0+$0x10];
	v8 =	vadd.f32 v63, v8  }
0xf2: {  	v10 =	vadd.f32 v16, v10  }
0xf3: {  	v8 =	vmul.f32 $3.333333430e-01, v8  }
0xf4: {  	v10 =	vmul.f32 $3.333333430e-01, v10  }
0xf5: {  	v8 =	vadd.f32 v8, v17  }
0xf6: {  	v19 =	vadd.f32 v10, v18  }
0xf7: {  	s0 =	spop (v2sf);
	[tilespmem:s30+$0x0] =	vst v8  }
0xf8: {  	[tilespmem:s30+$0x10] =	vst v19;
	s2 =	spop (v2sf)  }
0xf9: {  	(v2sf) =	vpush v4, $0xA;
	v8 =	vld [tilespmem:s2+$0x4000]  }
0xfa: {  	(v2sf) =	vpush v6, $0xA;
	s23 =	spop (v2sf);
	v20 =	vld [tilespmem:s2+$0x4010]  }
0xfb: {  	v9 =	vld [tilespmem:s23+$0x4000]  }
0xfc: {  	(v2sf) =	vpush v7, $0xA;
	s2 =	spop (v2sf);
	v21 =	vld [tilespmem:s23+$0x4010]  }
0xfd: {  	v22 =	vld [tilespmem:s2+$0x4000]  }
0xfe: {  	(v2sf) =	vpush v5, $0xA;
	v23 =	vld [tilespmem:s2+$0x4010];
	_ =	sdelay $0x1  }
0xff: {  	v8 =	vadd.f32 v9, v8  }
0x100: {  	v24 =	vld [tilespmem:s0+$0x0];
	v10 =	vadd.f32 v21, v20  }
0x101: {  	v25 =	vld [tilespmem:s0+$0x10];
	v8 =	vadd.f32 v22, v8  }
0x102: {  	v10 =	vadd.f32 v23, v10  }
0x103: {  	v8 =	vmul.f32 $3.333333430e-01, v8  }
0x104: {  	v10 =	vmul.f32 $3.333333430e-01, v10  }
0x105: {  	v8 =	vadd.f32 v8, v24  }
0x106: {  	v26 =	vadd.f32 v10, v25  }
0x107: {  	s0 =	spop (v2sf);
	[tilespmem:s30+$0x20] =	vst v8  }
0x108: {  	[tilespmem:s30+$0x30] =	vst v26;
	s2 =	spop (v2sf)  }
0x109: {  	(v2sf) =	vpush v4, $0xB;
	v8 =	vld [tilespmem:s2+$0x4000]  }
0x10a: {  	(v2sf) =	vpush v6, $0xB;
	s23 =	spop (v2sf);
	v27 =	vld [tilespmem:s2+$0x4010]  }
0x10b: {  	v9 =	vld [tilespmem:s23+$0x4000]  }
0x10c: {  	(v2sf) =	vpush v7, $0xB;
	s2 =	spop (v2sf);
	v28 =	vld [tilespmem:s23+$0x4010]  }
0x10d: {  	v29 =	vld [tilespmem:s2+$0x4000]  }
0x10e: {  	(v2sf) =	vpush v5, $0xB;
	v30 =	vld [tilespmem:s2+$0x4010];
	_ =	sdelay $0x1  }
0x10f: {  	v8 =	vadd.f32 v9, v8  }
0x110: {  	v31 =	vld [tilespmem:s0+$0x0];
	v10 =	vadd.f32 v28, v27  }
0x111: {  	v32 =	vld [tilespmem:s0+$0x10];
	v8 =	vadd.f32 v29, v8  }
0x112: {  	v10 =	vadd.f32 v30, v10  }
0x113: {  	v8 =	vmul.f32 $3.333333430e-01, v8  }
0x114: {  	v10 =	vmul.f32 $3.333333430e-01, v10  }
0x115: {  	v8 =	vadd.f32 v8, v31  }
0x116: {  	v33 =	vadd.f32 v10, v32  }
0x117: {  	s0 =	spop (v2sf);
	[tilespmem:s30+$0x40] =	vst v8  }
0x118: {  	[tilespmem:s30+$0x50] =	vst v33;
	s2 =	spop (v2sf)  }
0x119: {  	(v2sf) =	vpush v4, $0xC;
	v8 =	vld [tilespmem:s2+$0x4000]  }
0x11a: {  	(v2sf) =	vpush v6, $0xC;
	s23 =	spop (v2sf);
	v34 =	vld [tilespmem:s2+$0x4010]  }
0x11b: {  	v9 =	vld [tilespmem:s23+$0x4000]  }
0x11c: {  	(v2sf) =	vpush v7, $0xC;
	s2 =	spop (v2sf);
	v35 =	vld [tilespmem:s23+$0x4010]  }
0x11d: {  	v36 =	vld [tilespmem:s2+$0x4000]  }
0x11e: {  	(v2sf) =	vpush v5, $0xC;
	v37 =	vld [tilespmem:s2+$0x4010];
	_ =	sdelay $0x1  }
0x11f: {  	v8 =	vadd.f32 v9, v8  }
0x120: {  	v38 =	vld [tilespmem:s0+$0x0];
	v10 =	vadd.f32 v35, v34  }
0x121: {  	v39 =	vld [tilespmem:s0+$0x10];
	v8 =	vadd.f32 v36, v8  }
0x122: {  	v10 =	vadd.f32 v37, v10  }
0x123: {  	v8 =	vmul.f32 $3.333333430e-01, v8  }
0x124: {  	v10 =	vmul.f32 $3.333333430e-01, v10  }
0x125: {  	v8 =	vadd.f32 v8, v38  }
0x126: {  	v40 =	vadd.f32 v10, v39  }
0x127: {  	s0 =	spop (v2sf);
	[tilespmem:s30+$0x60] =	vst v8  }
0x128: {  	[tilespmem:s30+$0x70] =	vst v40;
	s2 =	spop (v2sf)  }
0x129: {  	(v2sf) =	vpush v4, $0xD;
	v8 =	vld [tilespmem:s2+$0x4000]  }
0x12a: {  	(v2sf) =	vpush v6, $0xD;
	s23 =	spop (v2sf);
	v41 =	vld [tilespmem:s2+$0x4010]  }
0x12b: {  	v9 =	vld [tilespmem:s23+$0x4000]  }
0x12c: {  	(v2sf) =	vpush v7, $0xD;
	s2 =	spop (v2sf);
	v42 =	vld [tilespmem:s23+$0x4010]  }
0x12d: {  	v43 =	vld [tilespmem:s2+$0x4000]  }
0x12e: {  	(v2sf) =	vpush v5, $0xD;
	v44 =	vld [tilespmem:s2+$0x4010];
	_ =	sdelay $0x1  }
0x12f: {  	v8 =	vadd.f32 v9, v8  }
0x130: {  	v45 =	vld [tilespmem:s0+$0x0];
	v10 =	vadd.f32 v42, v41  }
0x131: {  	v46 =	vld [tilespmem:s0+$0x10];
	v8 =	vadd.f32 v43, v8  }
0x132: {  	v10 =	vadd.f32 v44, v10  }
0x133: {  	v8 =	vmul.f32 $3.333333430e-01, v8  }
0x134: {  	v10 =	vmul.f32 $3.333333430e-01, v10  }
0x135: {  	v8 =	vadd.f32 v8, v45  }
0x136: {  	v47 =	vadd.f32 v10, v46  }
0x137: {  	s0 =	spop (v2sf);
	[tilespmem:s30+$0x80] =	vst v8  }
0x138: {  	[tilespmem:s30+$0x90] =	vst v47;
	s2 =	spop (v2sf)  }
0x139: {  	(v2sf) =	vpush v4, $0xE;
	v8 =	vld [tilespmem:s2+$0x4000]  }
0x13a: {  	(v2sf) =	vpush v6, $0xE;
	s23 =	spop (v2sf);
	v48 =	vld [tilespmem:s2+$0x4010]  }
0x13b: {  	v9 =	vld [tilespmem:s23+$0x4000]  }
0x13c: {  	(v2sf) =	vpush v7, $0xE;
	s2 =	spop (v2sf);
	v49 =	vld [tilespmem:s23+$0x4010]  }
0x13d: {  	v50 =	vld [tilespmem:s2+$0x4000]  }
0x13e: {  	(v2sf) =	vpush v5, $0xE;
	v51 =	vld [tilespmem:s2+$0x4010];
	_ =	sdelay $0x1  }
0x13f: {  	v8 =	vadd.f32 v9, v8  }
0x140: {  	v53 =	vld [tilespmem:s0+$0x0];
	v52 =	vadd.f32 v49, v48  }
0x141: {  	v54 =	vld [tilespmem:s0+$0x10];
	v8 =	vadd.f32 v50, v8  }
0x142: {  	v9 =	vadd.f32 v51, v52  }
0x143: {  	v8 =	vmul.f32 $3.333333430e-01, v8  }
0x144: {  	v9 =	vmul.f32 $3.333333430e-01, v9  }
0x145: {  	v8 =	vadd.f32 v8, v53  }
0x146: {  	v9 =	vadd.f32 v9, v54  }
0x147: {  	s0 =	spop (v2sf);
	[tilespmem:s30+$0xA0] =	vst v8  }
0x148: {  	[tilespmem:s30+$0xB0] =	vst v9;
	s2 =	spop (v2sf)  }
0x149: {  	(v2sf) =	vpush v4, $0xF;
	v8 =	vld [tilespmem:s2+$0x4000]  }
0x14a: {  	(v2sf) =	vpush v6, $0xF;
	s23 =	spop (v2sf);
	v55 =	vld [tilespmem:s2+$0x4010]  }
0x14b: {  	v4 =	vld [tilespmem:s23+$0x4000]  }
0x14c: {  	(v2sf) =	vpush v7, $0xF;
	s2 =	spop (v2sf);
	v56 =	vld [tilespmem:s23+$0x4010]  }
0x14d: {  	v9 =	vld [tilespmem:s2+$0x4000]  }
0x14e: {  	(v2sf) =	vpush v5, $0xF;
	v57 =	vld [tilespmem:s2+$0x4010];
	_ =	sdelay $0x1  }
0x14f: {  	v4 =	vadd.f32 v4, v8  }
0x150: {  	v5 =	vld [tilespmem:s0+$0x0];
	v6 =	vadd.f32 v56, v55  }
0x151: {  	v58 =	vld [tilespmem:s0+$0x10];
	v4 =	vadd.f32 v9, v4  }
0x152: {  	v6 =	vadd.f32 v57, v6  }
0x153: {  	v4 =	vmul.f32 $3.333333430e-01, v4  }
0x154: {  	v6 =	vmul.f32 $3.333333430e-01, v6  }
0x155: {  	v4 =	vadd.f32 v4, v5  }
0x156: {  	v5 =	vadd.f32 v6, v58  }
0x157: {  	s0 =	spop (v2sf);
	[tilespmem:s30+$0xC0] =	vst v4  }
0x158: {  	s2 =	spop (v2sf);
	[tilespmem:s30+$0xD0] =	vst v5  }
0x159: {  	v4 =	vld [tilespmem:s2+$0x4000]  }
0x15a: {  	s23 =	spop (v2sf);
	v59 =	vld [tilespmem:s2+$0x4010]  }
0x15b: {  	v5 =	vld [tilespmem:s23+$0x4000]  }
0x15c: {  	s2 =	spop (v2sf);
	v60 =	vld [tilespmem:s23+$0x4010]  }
0x15d: {  	v61 =	vld [tilespmem:s2+$0x4000]  }
0x15e: {  	v62 =	vld [tilespmem:s2+$0x4010];
	_ =	sdelay $0x1  }
0x15f: {  	v4 =	vadd.f32 v5, v4  }
0x160: {  	v5 =	vld [tilespmem:s0+$0x0];
	v6 =	vadd.f32 v60, v59  }
0x161: {  	v63 =	vld [tilespmem:s0+$0x10];
	v4 =	vadd.f32 v61, v4  }
0x162: {  	v6 =	vadd.f32 v62, v6  }
0x163: {  	p1 =	sne.s32 s31, $0xF0;
	v4 =	vmul.f32 $3.333333430e-01, v4  }
.Ltmp1:
0x164: {  	v6 =	vmul.f32 $3.333333430e-01, v6;
	(pc) =	sbr.rel @p1 .LBB2_5-.Ltmp1, $4  }
0x165: {  	v4 =	vadd.f32 v4, v5  }
0x166: {  	v5 =	vadd.f32 v6, v63  }
0x167: {  	[tilespmem:s30+$0xE0] =	vst v4  }
0x168: {  	s26 =	sadd.s32 $0x30, s26;
	s31 =	sadd.s32 $0x10, s31;
	[tilespmem:s30+$0xF0] =	vst v5;
	s30 =	sadd.s32 $0x200, s30  }
0x169: {  	[tilespmem:s28+$0xD860] =	vst v2  }
0x16a: {  	[tilespmem:s28+$0xD870] =	vst v3;
	s26 =	simm.s32 $0x0  }
.LBB2_7:
0x16b: {  	s0 =	rddreg [dreg:$0x5]  }
0x16c: {  	s0 =	sadd.s32 s26, s0  }
0x16d: {  	v4 =	vadd.s32 s0, v0  }
0x16e: {  	v5 =	vadd.s32 s3, v1;
	vm0 =	vgt.s32 v4, $0x0  }
0x16f: {  	vm15 =	vgt.s32 v5, $0x0;
	v4 =	vnsel vm0, $0x0, v4  }
0x170: {  	v5 =	vnsel vm15, $0x0, v5;
	_ =	sdelay $0x1  }
0x171: {  	v6 =	vadd.s32 $0x1, v5;
	_ =	sdelay $0x1  }
0x172: {  	v7 =	vadd.s32 $0x2, v5;
	v4 =	vld.idx.msk [tilespmem:v4+s25+$0x0], $0xffff  }
0x173: {  	v5 =	vld.idx.msk [tilespmem:v5+s24+$0x0], $0xffff;
	_ =	sdelay $0x1  }
0x174: {  	v8 =	vld.idx.msk [tilespmem:v6+s24+$0x0], $0xffff;
	_ =	sdelay $0x1  }
0x175: {  	v9 =	vld.idx.msk [tilespmem:v7+s24+$0x0], $0xffff;
	v4 =	vshll.u32 v4, $0x7  }
0x176: {  	v5 =	vshll.u32 v5, $0x7;
	v4 =	vshra.s32 v4, $0x2  }
0x177: {  	v6 =	vshra.s32 v5, $0x2;
	(v2sf) =	vpush v4, $0x0  }
0x178: {  	v5 =	vshll.u32 v8, $0x7;
	(v2sf) =	vpush v6, $0x0  }
0x179: {  	v7 =	vshra.s32 v5, $0x2  }
0x17a: {  	v5 =	vshll.u32 v9, $0x7;
	(v2sf) =	vpush v7, $0x0  }
0x17b: {  	v5 =	vshra.s32 v5, $0x2  }
0x17c: {  	(v2sf) =	vpush v5, $0x0;
	_ =	sdelay $0x9  }
0x17d: {  	s30 =	spop (v2sf)  }
0x17e: {  	s2 =	spop (v2sf)  }
0x17f: {  	(v2sf) =	vpush v4, $0x1;
	v55 =	vld [tilespmem:s2+$0x4000]  }
0x180: {  	(v2sf) =	vpush v6, $0x1;
	s23 =	spop (v2sf);
	v10 =	vld [tilespmem:s2+$0x4010]  }
0x181: {  	v56 =	vld [tilespmem:s23+$0x4000]  }
0x182: {  	(v2sf) =	vpush v7, $0x1;
	s31 =	spop (v2sf);
	v11 =	vld [tilespmem:s23+$0x4010]  }
0x183: {  	v12 =	vld [tilespmem:s31+$0x4000]  }
0x184: {  	(v2sf) =	vpush v5, $0x1;
	v13 =	vld [tilespmem:s31+$0x4010];
	_ =	sdelay $0x1  }
0x185: {  	v8 =	vadd.f32 v56, v55  }
0x186: {  	v57 =	vld [tilespmem:s30+$0x0];
	v10 =	vadd.f32 v11, v10  }
0x187: {  	v58 =	vld [tilespmem:s30+$0x10];
	v8 =	vadd.f32 v12, v8  }
0x188: {  	v10 =	vadd.f32 v13, v10  }
0x189: {  	v8 =	vmul.f32 $3.333333430e-01, v8  }
0x18a: {  	v10 =	vmul.f32 $3.333333430e-01, v10  }
0x18b: {  	v8 =	vadd.f32 v8, v57  }
0x18c: {  	v59 =	vadd.f32 v10, v58  }
0x18d: {  	s0 =	spop (v2sf);
	[tilespmem:s29+$0xFFFFFE10] =	vst v8  }
0x18e: {  	[tilespmem:s29+$0xFFFFFE20] =	vst v59;
	s23 =	spop (v2sf)  }
0x18f: {  	(v2sf) =	vpush v4, $0x2;
	v8 =	vld [tilespmem:s23+$0x4000]  }
0x190: {  	(v2sf) =	vpush v6, $0x2;
	s30 =	spop (v2sf);
	v60 =	vld [tilespmem:s23+$0x4010]  }
0x191: {  	v9 =	vld [tilespmem:s30+$0x4000]  }
0x192: {  	(v2sf) =	vpush v7, $0x2;
	s31 =	spop (v2sf);
	v61 =	vld [tilespmem:s30+$0x4010]  }
0x193: {  	v62 =	vld [tilespmem:s31+$0x4000]  }
0x194: {  	(v2sf) =	vpush v5, $0x2;
	v63 =	vld [tilespmem:s31+$0x4010];
	_ =	sdelay $0x1  }
0x195: {  	v8 =	vadd.f32 v9, v8  }
0x196: {  	v16 =	vld [tilespmem:s0+$0x0];
	v10 =	vadd.f32 v61, v60  }
0x197: {  	v17 =	vld [tilespmem:s0+$0x10];
	v8 =	vadd.f32 v62, v8  }
0x198: {  	v10 =	vadd.f32 v63, v10  }
0x199: {  	v8 =	vmul.f32 $3.333333430e-01, v8  }
0x19a: {  	v10 =	vmul.f32 $3.333333430e-01, v10  }
0x19b: {  	v8 =	vadd.f32 v8, v16  }
0x19c: {  	v18 =	vadd.f32 v10, v17  }
0x19d: {  	s0 =	spop (v2sf);
	[tilespmem:s29+$0xFFFFFE30] =	vst v8  }
0x19e: {  	[tilespmem:s29+$0xFFFFFE40] =	vst v18;
	s23 =	spop (v2sf)  }
0x19f: {  	(v2sf) =	vpush v4, $0x3;
	v8 =	vld [tilespmem:s23+$0x4000]  }
0x1a0: {  	(v2sf) =	vpush v6, $0x3;
	s30 =	spop (v2sf);
	v19 =	vld [tilespmem:s23+$0x4010]  }
0x1a1: {  	v9 =	vld [tilespmem:s30+$0x4000]  }
0x1a2: {  	(v2sf) =	vpush v7, $0x3;
	s31 =	spop (v2sf);
	v20 =	vld [tilespmem:s30+$0x4010]  }
0x1a3: {  	v21 =	vld [tilespmem:s31+$0x4000]  }
0x1a4: {  	(v2sf) =	vpush v5, $0x3;
	v22 =	vld [tilespmem:s31+$0x4010];
	_ =	sdelay $0x1  }
0x1a5: {  	v8 =	vadd.f32 v9, v8  }
0x1a6: {  	v23 =	vld [tilespmem:s0+$0x0];
	v10 =	vadd.f32 v20, v19  }
0x1a7: {  	v24 =	vld [tilespmem:s0+$0x10];
	v8 =	vadd.f32 v21, v8  }
0x1a8: {  	v10 =	vadd.f32 v22, v10  }
0x1a9: {  	v8 =	vmul.f32 $3.333333430e-01, v8  }
0x1aa: {  	v10 =	vmul.f32 $3.333333430e-01, v10  }
0x1ab: {  	v8 =	vadd.f32 v8, v23  }
0x1ac: {  	v25 =	vadd.f32 v10, v24  }
0x1ad: {  	s0 =	spop (v2sf);
	[tilespmem:s29+$0xFFFFFE50] =	vst v8  }
0x1ae: {  	[tilespmem:s29+$0xFFFFFE60] =	vst v25;
	s23 =	spop (v2sf)  }
0x1af: {  	(v2sf) =	vpush v4, $0x4;
	v8 =	vld [tilespmem:s23+$0x4000]  }
0x1b0: {  	(v2sf) =	vpush v6, $0x4;
	s30 =	spop (v2sf);
	v26 =	vld [tilespmem:s23+$0x4010]  }
0x1b1: {  	v9 =	vld [tilespmem:s30+$0x4000]  }
0x1b2: {  	(v2sf) =	vpush v7, $0x4;
	s31 =	spop (v2sf);
	v27 =	vld [tilespmem:s30+$0x4010]  }
0x1b3: {  	v28 =	vld [tilespmem:s31+$0x4000]  }
0x1b4: {  	(v2sf) =	vpush v5, $0x4;
	v29 =	vld [tilespmem:s31+$0x4010];
	_ =	sdelay $0x1  }
0x1b5: {  	v8 =	vadd.f32 v9, v8  }
0x1b6: {  	v30 =	vld [tilespmem:s0+$0x0];
	v10 =	vadd.f32 v27, v26  }
0x1b7: {  	v31 =	vld [tilespmem:s0+$0x10];
	v8 =	vadd.f32 v28, v8  }
0x1b8: {  	v10 =	vadd.f32 v29, v10  }
0x1b9: {  	v8 =	vmul.f32 $3.333333430e-01, v8  }
0x1ba: {  	v10 =	vmul.f32 $3.333333430e-01, v10  }
0x1bb: {  	v8 =	vadd.f32 v8, v30  }
0x1bc: {  	v32 =	vadd.f32 v10, v31  }
0x1bd: {  	s0 =	spop (v2sf);
	[tilespmem:s29+$0xFFFFFE70] =	vst v8  }
0x1be: {  	[tilespmem:s29+$0xFFFFFE80] =	vst v32;
	s23 =	spop (v2sf)  }
0x1bf: {  	(v2sf) =	vpush v4, $0x5;
	v8 =	vld [tilespmem:s23+$0x4000]  }
0x1c0: {  	(v2sf) =	vpush v6, $0x5;
	s30 =	spop (v2sf);
	v33 =	vld [tilespmem:s23+$0x4010]  }
0x1c1: {  	v9 =	vld [tilespmem:s30+$0x4000]  }
0x1c2: {  	(v2sf) =	vpush v7, $0x5;
	s31 =	spop (v2sf);
	v34 =	vld [tilespmem:s30+$0x4010]  }
0x1c3: {  	v35 =	vld [tilespmem:s31+$0x4000]  }
0x1c4: {  	(v2sf) =	vpush v5, $0x5;
	v36 =	vld [tilespmem:s31+$0x4010];
	_ =	sdelay $0x1  }
0x1c5: {  	v8 =	vadd.f32 v9, v8  }
0x1c6: {  	v37 =	vld [tilespmem:s0+$0x0];
	v10 =	vadd.f32 v34, v33  }
0x1c7: {  	v38 =	vld [tilespmem:s0+$0x10];
	v8 =	vadd.f32 v35, v8  }
0x1c8: {  	v10 =	vadd.f32 v36, v10  }
0x1c9: {  	v8 =	vmul.f32 $3.333333430e-01, v8  }
0x1ca: {  	v10 =	vmul.f32 $3.333333430e-01, v10  }
0x1cb: {  	v8 =	vadd.f32 v8, v37  }
0x1cc: {  	v39 =	vadd.f32 v10, v38  }
0x1cd: {  	s0 =	spop (v2sf);
	[tilespmem:s29+$0xFFFFFE90] =	vst v8  }
0x1ce: {  	[tilespmem:s29+$0xFFFFFEA0] =	vst v39;
	s23 =	spop (v2sf)  }
0x1cf: {  	(v2sf) =	vpush v4, $0x6;
	v8 =	vld [tilespmem:s23+$0x4000]  }
0x1d0: {  	(v2sf) =	vpush v6, $0x6;
	s30 =	spop (v2sf);
	v40 =	vld [tilespmem:s23+$0x4010]  }
0x1d1: {  	v9 =	vld [tilespmem:s30+$0x4000]  }
0x1d2: {  	(v2sf) =	vpush v7, $0x6;
	s31 =	spop (v2sf);
	v41 =	vld [tilespmem:s30+$0x4010]  }
0x1d3: {  	v42 =	vld [tilespmem:s31+$0x4000]  }
0x1d4: {  	(v2sf) =	vpush v5, $0x6;
	v43 =	vld [tilespmem:s31+$0x4010];
	_ =	sdelay $0x1  }
0x1d5: {  	v8 =	vadd.f32 v9, v8  }
0x1d6: {  	v44 =	vld [tilespmem:s0+$0x0];
	v10 =	vadd.f32 v41, v40  }
0x1d7: {  	v45 =	vld [tilespmem:s0+$0x10];
	v8 =	vadd.f32 v42, v8  }
0x1d8: {  	v10 =	vadd.f32 v43, v10  }
0x1d9: {  	v8 =	vmul.f32 $3.333333430e-01, v8  }
0x1da: {  	v10 =	vmul.f32 $3.333333430e-01, v10  }
0x1db: {  	v8 =	vadd.f32 v8, v44  }
0x1dc: {  	v46 =	vadd.f32 v10, v45  }
0x1dd: {  	s0 =	spop (v2sf);
	[tilespmem:s29+$0xFFFFFEB0] =	vst v8  }
0x1de: {  	[tilespmem:s29+$0xFFFFFEC0] =	vst v46;
	s23 =	spop (v2sf)  }
0x1df: {  	(v2sf) =	vpush v4, $0x7;
	v8 =	vld [tilespmem:s23+$0x4000]  }
0x1e0: {  	(v2sf) =	vpush v6, $0x7;
	s30 =	spop (v2sf);
	v47 =	vld [tilespmem:s23+$0x4010]  }
0x1e1: {  	v9 =	vld [tilespmem:s30+$0x4000]  }
0x1e2: {  	(v2sf) =	vpush v7, $0x7;
	s31 =	spop (v2sf);
	v48 =	vld [tilespmem:s30+$0x4010]  }
0x1e3: {  	v49 =	vld [tilespmem:s31+$0x4000]  }
0x1e4: {  	(v2sf) =	vpush v5, $0x7;
	v50 =	vld [tilespmem:s31+$0x4010];
	_ =	sdelay $0x1  }
0x1e5: {  	v8 =	vadd.f32 v9, v8  }
0x1e6: {  	v51 =	vld [tilespmem:s0+$0x0];
	v10 =	vadd.f32 v48, v47  }
0x1e7: {  	v52 =	vld [tilespmem:s0+$0x10];
	v8 =	vadd.f32 v49, v8  }
0x1e8: {  	v10 =	vadd.f32 v50, v10  }
0x1e9: {  	v8 =	vmul.f32 $3.333333430e-01, v8  }
0x1ea: {  	v10 =	vmul.f32 $3.333333430e-01, v10  }
0x1eb: {  	v8 =	vadd.f32 v8, v51  }
0x1ec: {  	v53 =	vadd.f32 v10, v52  }
0x1ed: {  	s0 =	spop (v2sf);
	[tilespmem:s29+$0xFFFFFED0] =	vst v8  }
0x1ee: {  	[tilespmem:s29+$0xFFFFFEE0] =	vst v53;
	s23 =	spop (v2sf)  }
0x1ef: {  	(v2sf) =	vpush v4, $0x8;
	v8 =	vld [tilespmem:s23+$0x4000]  }
0x1f0: {  	(v2sf) =	vpush v6, $0x8;
	s30 =	spop (v2sf);
	v54 =	vld [tilespmem:s23+$0x4010]  }
0x1f1: {  	v9 =	vld [tilespmem:s30+$0x4000]  }
0x1f2: {  	(v2sf) =	vpush v7, $0x8;
	s31 =	spop (v2sf);
	v55 =	vld [tilespmem:s30+$0x4010]  }
0x1f3: {  	v56 =	vld [tilespmem:s31+$0x4000]  }
0x1f4: {  	(v2sf) =	vpush v5, $0x8;
	v57 =	vld [tilespmem:s31+$0x4010];
	_ =	sdelay $0x1  }
0x1f5: {  	v8 =	vadd.f32 v9, v8  }
0x1f6: {  	v58 =	vld [tilespmem:s0+$0x0];
	v10 =	vadd.f32 v55, v54  }
0x1f7: {  	v59 =	vld [tilespmem:s0+$0x10];
	v8 =	vadd.f32 v56, v8  }
0x1f8: {  	v10 =	vadd.f32 v57, v10  }
0x1f9: {  	v8 =	vmul.f32 $3.333333430e-01, v8  }
0x1fa: {  	v10 =	vmul.f32 $3.333333430e-01, v10  }
0x1fb: {  	v8 =	vadd.f32 v8, v58  }
0x1fc: {  	v60 =	vadd.f32 v10, v59  }
0x1fd: {  	s0 =	spop (v2sf);
	[tilespmem:s29+$0xFFFFFEF0] =	vst v8  }
0x1fe: {  	[tilespmem:s29+$0xFFFFFF00] =	vst v60;
	s23 =	spop (v2sf)  }
0x1ff: {  	(v2sf) =	vpush v4, $0x9;
	v8 =	vld [tilespmem:s23+$0x4000]  }
0x200: {  	(v2sf) =	vpush v6, $0x9;
	s30 =	spop (v2sf);
	v61 =	vld [tilespmem:s23+$0x4010]  }
0x201: {  	v9 =	vld [tilespmem:s30+$0x4000]  }
0x202: {  	(v2sf) =	vpush v7, $0x9;
	s31 =	spop (v2sf);
	v62 =	vld [tilespmem:s30+$0x4010]  }
0x203: {  	v63 =	vld [tilespmem:s31+$0x4000]  }
0x204: {  	(v2sf) =	vpush v5, $0x9;
	v16 =	vld [tilespmem:s31+$0x4010];
	_ =	sdelay $0x1  }
0x205: {  	v8 =	vadd.f32 v9, v8  }
0x206: {  	v17 =	vld [tilespmem:s0+$0x0];
	v10 =	vadd.f32 v62, v61  }
0x207: {  	v18 =	vld [tilespmem:s0+$0x10];
	v8 =	vadd.f32 v63, v8  }
0x208: {  	v10 =	vadd.f32 v16, v10  }
0x209: {  	v8 =	vmul.f32 $3.333333430e-01, v8  }
0x20a: {  	v10 =	vmul.f32 $3.333333430e-01, v10  }
0x20b: {  	v8 =	vadd.f32 v8, v17  }
0x20c: {  	v19 =	vadd.f32 v10, v18  }
0x20d: {  	s0 =	spop (v2sf);
	[tilespmem:s29+$0xFFFFFF10] =	vst v8  }
0x20e: {  	[tilespmem:s29+$0xFFFFFF20] =	vst v19;
	s23 =	spop (v2sf)  }
0x20f: {  	(v2sf) =	vpush v4, $0xA;
	v8 =	vld [tilespmem:s23+$0x4000]  }
0x210: {  	(v2sf) =	vpush v6, $0xA;
	s30 =	spop (v2sf);
	v20 =	vld [tilespmem:s23+$0x4010]  }
0x211: {  	v9 =	vld [tilespmem:s30+$0x4000]  }
0x212: {  	(v2sf) =	vpush v7, $0xA;
	s31 =	spop (v2sf);
	v21 =	vld [tilespmem:s30+$0x4010]  }
0x213: {  	v22 =	vld [tilespmem:s31+$0x4000]  }
0x214: {  	(v2sf) =	vpush v5, $0xA;
	v23 =	vld [tilespmem:s31+$0x4010];
	_ =	sdelay $0x1  }
0x215: {  	v8 =	vadd.f32 v9, v8  }
0x216: {  	v24 =	vld [tilespmem:s0+$0x0];
	v10 =	vadd.f32 v21, v20  }
0x217: {  	v25 =	vld [tilespmem:s0+$0x10];
	v8 =	vadd.f32 v22, v8  }
0x218: {  	v10 =	vadd.f32 v23, v10  }
0x219: {  	v8 =	vmul.f32 $3.333333430e-01, v8  }
0x21a: {  	v10 =	vmul.f32 $3.333333430e-01, v10  }
0x21b: {  	v8 =	vadd.f32 v8, v24  }
0x21c: {  	v26 =	vadd.f32 v10, v25  }
0x21d: {  	s0 =	spop (v2sf);
	[tilespmem:s29+$0xFFFFFF30] =	vst v8  }
0x21e: {  	[tilespmem:s29+$0xFFFFFF40] =	vst v26;
	s23 =	spop (v2sf)  }
0x21f: {  	(v2sf) =	vpush v4, $0xB;
	v8 =	vld [tilespmem:s23+$0x4000]  }
0x220: {  	(v2sf) =	vpush v6, $0xB;
	s30 =	spop (v2sf);
	v27 =	vld [tilespmem:s23+$0x4010]  }
0x221: {  	v9 =	vld [tilespmem:s30+$0x4000]  }
0x222: {  	(v2sf) =	vpush v7, $0xB;
	s31 =	spop (v2sf);
	v28 =	vld [tilespmem:s30+$0x4010]  }
0x223: {  	v29 =	vld [tilespmem:s31+$0x4000]  }
0x224: {  	(v2sf) =	vpush v5, $0xB;
	v30 =	vld [tilespmem:s31+$0x4010];
	_ =	sdelay $0x1  }
0x225: {  	v8 =	vadd.f32 v9, v8  }
0x226: {  	v31 =	vld [tilespmem:s0+$0x0];
	v10 =	vadd.f32 v28, v27  }
0x227: {  	v32 =	vld [tilespmem:s0+$0x10];
	v8 =	vadd.f32 v29, v8  }
0x228: {  	v10 =	vadd.f32 v30, v10  }
0x229: {  	v8 =	vmul.f32 $3.333333430e-01, v8  }
0x22a: {  	v10 =	vmul.f32 $3.333333430e-01, v10  }
0x22b: {  	v8 =	vadd.f32 v8, v31  }
0x22c: {  	v33 =	vadd.f32 v10, v32  }
0x22d: {  	s0 =	spop (v2sf);
	[tilespmem:s29+$0xFFFFFF50] =	vst v8  }
0x22e: {  	[tilespmem:s29+$0xFFFFFF60] =	vst v33;
	s23 =	spop (v2sf)  }
0x22f: {  	(v2sf) =	vpush v4, $0xC;
	v8 =	vld [tilespmem:s23+$0x4000]  }
0x230: {  	(v2sf) =	vpush v6, $0xC;
	s30 =	spop (v2sf);
	v34 =	vld [tilespmem:s23+$0x4010]  }
0x231: {  	v9 =	vld [tilespmem:s30+$0x4000]  }
0x232: {  	(v2sf) =	vpush v7, $0xC;
	s31 =	spop (v2sf);
	v35 =	vld [tilespmem:s30+$0x4010]  }
0x233: {  	v36 =	vld [tilespmem:s31+$0x4000]  }
0x234: {  	(v2sf) =	vpush v5, $0xC;
	v37 =	vld [tilespmem:s31+$0x4010];
	_ =	sdelay $0x1  }
0x235: {  	v8 =	vadd.f32 v9, v8  }
0x236: {  	v38 =	vld [tilespmem:s0+$0x0];
	v10 =	vadd.f32 v35, v34  }
0x237: {  	v39 =	vld [tilespmem:s0+$0x10];
	v8 =	vadd.f32 v36, v8  }
0x238: {  	v10 =	vadd.f32 v37, v10  }
0x239: {  	v8 =	vmul.f32 $3.333333430e-01, v8  }
0x23a: {  	v10 =	vmul.f32 $3.333333430e-01, v10  }
0x23b: {  	v8 =	vadd.f32 v8, v38  }
0x23c: {  	v40 =	vadd.f32 v10, v39  }
0x23d: {  	s0 =	spop (v2sf);
	[tilespmem:s29+$0xFFFFFF70] =	vst v8  }
0x23e: {  	[tilespmem:s29+$0xFFFFFF80] =	vst v40;
	s23 =	spop (v2sf)  }
0x23f: {  	(v2sf) =	vpush v4, $0xD;
	v8 =	vld [tilespmem:s23+$0x4000]  }
0x240: {  	(v2sf) =	vpush v6, $0xD;
	s30 =	spop (v2sf);
	v41 =	vld [tilespmem:s23+$0x4010]  }
0x241: {  	v9 =	vld [tilespmem:s30+$0x4000]  }
0x242: {  	(v2sf) =	vpush v7, $0xD;
	s31 =	spop (v2sf);
	v42 =	vld [tilespmem:s30+$0x4010]  }
0x243: {  	v43 =	vld [tilespmem:s31+$0x4000]  }
0x244: {  	(v2sf) =	vpush v5, $0xD;
	v44 =	vld [tilespmem:s31+$0x4010];
	_ =	sdelay $0x1  }
0x245: {  	v8 =	vadd.f32 v9, v8  }
0x246: {  	v45 =	vld [tilespmem:s0+$0x0];
	v10 =	vadd.f32 v42, v41  }
0x247: {  	v46 =	vld [tilespmem:s0+$0x10];
	v8 =	vadd.f32 v43, v8  }
0x248: {  	v10 =	vadd.f32 v44, v10  }
0x249: {  	v8 =	vmul.f32 $3.333333430e-01, v8  }
0x24a: {  	v10 =	vmul.f32 $3.333333430e-01, v10  }
0x24b: {  	v8 =	vadd.f32 v8, v45  }
0x24c: {  	v47 =	vadd.f32 v10, v46  }
0x24d: {  	s0 =	spop (v2sf);
	[tilespmem:s29+$0xFFFFFF90] =	vst v8  }
0x24e: {  	[tilespmem:s29+$0xFFFFFFA0] =	vst v47;
	s23 =	spop (v2sf)  }
0x24f: {  	(v2sf) =	vpush v4, $0xE;
	v8 =	vld [tilespmem:s23+$0x4000]  }
0x250: {  	(v2sf) =	vpush v6, $0xE;
	s30 =	spop (v2sf);
	v48 =	vld [tilespmem:s23+$0x4010]  }
0x251: {  	v9 =	vld [tilespmem:s30+$0x4000]  }
0x252: {  	(v2sf) =	vpush v7, $0xE;
	s31 =	spop (v2sf);
	v49 =	vld [tilespmem:s30+$0x4010]  }
0x253: {  	v50 =	vld [tilespmem:s31+$0x4000]  }
0x254: {  	(v2sf) =	vpush v5, $0xE;
	v51 =	vld [tilespmem:s31+$0x4010];
	_ =	sdelay $0x1  }
0x255: {  	v8 =	vadd.f32 v9, v8  }
0x256: {  	v53 =	vld [tilespmem:s0+$0x0];
	v52 =	vadd.f32 v49, v48  }
0x257: {  	v54 =	vld [tilespmem:s0+$0x10];
	v8 =	vadd.f32 v50, v8  }
0x258: {  	v9 =	vadd.f32 v51, v52  }
0x259: {  	v8 =	vmul.f32 $3.333333430e-01, v8  }
0x25a: {  	v9 =	vmul.f32 $3.333333430e-01, v9  }
0x25b: {  	v8 =	vadd.f32 v8, v53  }
0x25c: {  	v9 =	vadd.f32 v9, v54  }
0x25d: {  	s0 =	spop (v2sf);
	[tilespmem:s29+$0xFFFFFFB0] =	vst v8  }
0x25e: {  	[tilespmem:s29+$0xFFFFFFC0] =	vst v9;
	s23 =	spop (v2sf)  }
0x25f: {  	(v2sf) =	vpush v4, $0xF;
	v8 =	vld [tilespmem:s23+$0x4000]  }
0x260: {  	(v2sf) =	vpush v6, $0xF;
	s30 =	spop (v2sf);
	v55 =	vld [tilespmem:s23+$0x4010]  }
0x261: {  	v4 =	vld [tilespmem:s30+$0x4000]  }
0x262: {  	(v2sf) =	vpush v7, $0xF;
	s31 =	spop (v2sf);
	v56 =	vld [tilespmem:s30+$0x4010]  }
0x263: {  	v9 =	vld [tilespmem:s31+$0x4000]  }
0x264: {  	(v2sf) =	vpush v5, $0xF;
	v57 =	vld [tilespmem:s31+$0x4010];
	_ =	sdelay $0x1  }
0x265: {  	v4 =	vadd.f32 v4, v8  }
0x266: {  	v5 =	vld [tilespmem:s0+$0x0];
	v6 =	vadd.f32 v56, v55  }
0x267: {  	v58 =	vld [tilespmem:s0+$0x10];
	v4 =	vadd.f32 v9, v4  }
0x268: {  	v6 =	vadd.f32 v57, v6  }
0x269: {  	v4 =	vmul.f32 $3.333333430e-01, v4  }
0x26a: {  	v6 =	vmul.f32 $3.333333430e-01, v6  }
0x26b: {  	v4 =	vadd.f32 v4, v5  }
0x26c: {  	v5 =	vadd.f32 v6, v58  }
0x26d: {  	s0 =	spop (v2sf);
	[tilespmem:s29+$0xFFFFFFD0] =	vst v4  }
0x26e: {  	s23 =	spop (v2sf);
	[tilespmem:s29+$0xFFFFFFE0] =	vst v5  }
0x26f: {  	v4 =	vld [tilespmem:s23+$0x4000]  }
0x270: {  	s30 =	spop (v2sf);
	v59 =	vld [tilespmem:s23+$0x4010]  }
0x271: {  	v5 =	vld [tilespmem:s30+$0x4000]  }
0x272: {  	s31 =	spop (v2sf);
	v60 =	vld [tilespmem:s30+$0x4010]  }
0x273: {  	v61 =	vld [tilespmem:s31+$0x4000]  }
0x274: {  	v62 =	vld [tilespmem:s31+$0x4010];
	_ =	sdelay $0x1  }
0x275: {  	v4 =	vadd.f32 v5, v4  }
0x276: {  	v5 =	vld [tilespmem:s0+$0x0];
	v6 =	vadd.f32 v60, v59  }
0x277: {  	v63 =	vld [tilespmem:s0+$0x10];
	v4 =	vadd.f32 v61, v4  }
0x278: {  	v6 =	vadd.f32 v62, v6  }
0x279: {  	p1 =	sne.s32 s26, $0xF0;
	v4 =	vmul.f32 $3.333333430e-01, v4  }
.Ltmp2:
0x27a: {  	v6 =	vmul.f32 $3.333333430e-01, v6;
	(pc) =	sbr.rel @p1 .LBB2_7-.Ltmp2, $4  }
0x27b: {  	v4 =	vadd.f32 v4, v5  }
0x27c: {  	v5 =	vadd.f32 v6, v63  }
0x27d: {  	[tilespmem:s29+$0xFFFFFFF0] =	vst v4  }
0x27e: {  	s3 =	sadd.s32 $0x30, s3;
	s26 =	sadd.s32 $0x10, s26;
	[tilespmem:s29+$0x0] =	vst v5;
	s29 =	sadd.s32 $0x200, s29  }
0x27f: {  	[tilespmem:s28+$0xF860] =	vst v2  }
0x280: {  	[tilespmem:s28+$0xF870] =	vst v3;
	s3 =	simm.s32 $0x0;
	v4 =	vmov s1  }
.LBB2_9:
0x281: {  	v5 =	vadd.s32 s11, v0  }
0x282: {  	v6 =	vadd.s32 s14, v1;
	vm0 =	vgt.s32 v5, $0x0  }
0x283: {  	vm15 =	vgt.s32 v6, $0x0;
	v5 =	vnsel vm0, $0x0, v5  }
0x284: {  	v6 =	vnsel vm15, $0x0, v6;
	_ =	sdelay $0x1  }
0x285: {  	v7 =	vadd.s32 $0x1, v6;
	_ =	sdelay $0x1  }
0x286: {  	v8 =	vadd.s32 $0x2, v6;
	v5 =	vld.idx.msk [tilespmem:v5+s25+$0x0], $0xffff  }
0x287: {  	v6 =	vld.idx.msk [tilespmem:v6+s24+$0x0], $0xffff;
	_ =	sdelay $0x1  }
0x288: {  	v9 =	vld.idx.msk [tilespmem:v7+s24+$0x0], $0xffff;
	_ =	sdelay $0x1  }
0x289: {  	v10 =	vld.idx.msk [tilespmem:v8+s24+$0x0], $0xffff;
	v5 =	vshll.u32 v5, $0x7  }
0x28a: {  	v6 =	vshll.u32 v6, $0x7;
	v5 =	vshra.s32 v5, $0x2  }
0x28b: {  	v7 =	vshra.s32 v6, $0x2;
	(v2sf) =	vpush v5, $0x0  }
0x28c: {  	v6 =	vshll.u32 v9, $0x7;
	(v2sf) =	vpush v7, $0x0  }
0x28d: {  	v8 =	vshra.s32 v6, $0x2  }
0x28e: {  	v6 =	vshll.u32 v10, $0x7;
	(v2sf) =	vpush v8, $0x0  }
0x28f: {  	v6 =	vshra.s32 v6, $0x2  }
0x290: {  	(v2sf) =	vpush v6, $0x0;
	_ =	sdelay $0x9  }
0x291: {  	s0 =	spop (v2sf)  }
0x292: {  	s1 =	spop (v2sf)  }
0x293: {  	(v2sf) =	vpush v5, $0x1;
	v57 =	vld [tilespmem:s1+$0x4000]  }
0x294: {  	(v2sf) =	vpush v7, $0x1;
	s2 =	spop (v2sf);
	v11 =	vld [tilespmem:s1+$0x4010]  }
0x295: {  	(v2sf) =	vpush v8, $0x1;
	v58 =	vld [tilespmem:s2+$0x4000]  }
0x296: {  	s26 =	spop (v2sf);
	v12 =	vld [tilespmem:s2+$0x4010]  }
0x297: {  	v13 =	vld [tilespmem:s26+$0x4000]  }
0x298: {  	(v2sf) =	vpush v6, $0x1;
	v14 =	vld [tilespmem:s26+$0x4010];
	_ =	sdelay $0x1  }
0x299: {  	v9 =	vadd.f32 v58, v57  }
0x29a: {  	v59 =	vld [tilespmem:s0+$0x0];
	v11 =	vadd.f32 v12, v11  }
0x29b: {  	v60 =	vld [tilespmem:s0+$0x10];
	v9 =	vadd.f32 v13, v9  }
0x29c: {  	v11 =	vadd.f32 v14, v11  }
0x29d: {  	v9 =	vmul.f32 $3.333333430e-01, v9  }
0x29e: {  	v11 =	vmul.f32 $3.333333430e-01, v11  }
0x29f: {  	v9 =	vadd.f32 v9, v59  }
0x2a0: {  	s1 =	sshra.s32 s3, $0x2;
	v61 =	vadd.f32 v11, v60  }
0x2a1: {  	s29 =	spop (v2sf);
	[tilespmem:v4+s1+$0x4000 ss:$0x1] =	vst.idx.msk $0xffff, v9  }
0x2a2: {  	s30 =	spop (v2sf);
	[tilespmem:v4+s1+$0x4010 ss:$0x1] =	vst.idx.msk $0xffff, v61  }
0x2a3: {  	(v2sf) =	vpush v5, $0x2;
	s23 =	spop (v2sf);
	v9 =	vld [tilespmem:s30+$0x4000]  }
0x2a4: {  	(v2sf) =	vpush v7, $0x2;
	v10 =	vld [tilespmem:s23+$0x4000]  }
0x2a5: {  	(v2sf) =	vpush v8, $0x2;
	v62 =	vld [tilespmem:s30+$0x4010]  }
0x2a6: {  	s31 =	spop (v2sf);
	v63 =	vld [tilespmem:s23+$0x4010]  }
0x2a7: {  	v16 =	vld [tilespmem:s31+$0x4000]  }
0x2a8: {  	(v2sf) =	vpush v6, $0x2;
	v17 =	vld [tilespmem:s31+$0x4010];
	_ =	sdelay $0x1  }
0x2a9: {  	v9 =	vadd.f32 v10, v9  }
0x2aa: {  	v18 =	vld [tilespmem:s29+$0x0];
	v11 =	vadd.f32 v63, v62  }
0x2ab: {  	v19 =	vld [tilespmem:s29+$0x10];
	v9 =	vadd.f32 v16, v9  }
0x2ac: {  	v11 =	vadd.f32 v17, v11  }
0x2ad: {  	v9 =	vmul.f32 $3.333333430e-01, v9  }
0x2ae: {  	v11 =	vmul.f32 $3.333333430e-01, v11  }
0x2af: {  	v9 =	vadd.f32 v9, v18  }
0x2b0: {  	v20 =	vadd.f32 v11, v19  }
0x2b1: {  	s26 =	spop (v2sf);
	[tilespmem:v4+s1+$0x4020 ss:$0x1] =	vst.idx.msk $0xffff, v9  }
0x2b2: {  	s29 =	spop (v2sf);
	[tilespmem:v4+s1+$0x4030 ss:$0x1] =	vst.idx.msk $0xffff, v20  }
0x2b3: {  	(v2sf) =	vpush v5, $0x3;
	s30 =	spop (v2sf);
	v9 =	vld [tilespmem:s29+$0x4000]  }
0x2b4: {  	(v2sf) =	vpush v7, $0x3;
	v10 =	vld [tilespmem:s30+$0x4000]  }
0x2b5: {  	(v2sf) =	vpush v8, $0x3;
	v21 =	vld [tilespmem:s29+$0x4010]  }
0x2b6: {  	s31 =	spop (v2sf);
	v22 =	vld [tilespmem:s30+$0x4010]  }
0x2b7: {  	v23 =	vld [tilespmem:s31+$0x4000]  }
0x2b8: {  	(v2sf) =	vpush v6, $0x3;
	v24 =	vld [tilespmem:s31+$0x4010];
	_ =	sdelay $0x1  }
0x2b9: {  	v9 =	vadd.f32 v10, v9  }
0x2ba: {  	v25 =	vld [tilespmem:s26+$0x0];
	v11 =	vadd.f32 v22, v21  }
0x2bb: {  	v26 =	vld [tilespmem:s26+$0x10];
	v9 =	vadd.f32 v23, v9  }
0x2bc: {  	v11 =	vadd.f32 v24, v11  }
0x2bd: {  	v9 =	vmul.f32 $3.333333430e-01, v9  }
0x2be: {  	v11 =	vmul.f32 $3.333333430e-01, v11  }
0x2bf: {  	v9 =	vadd.f32 v9, v25  }
0x2c0: {  	v27 =	vadd.f32 v11, v26  }
0x2c1: {  	s26 =	spop (v2sf);
	[tilespmem:v4+s1+$0x4040 ss:$0x1] =	vst.idx.msk $0xffff, v9  }
0x2c2: {  	s29 =	spop (v2sf);
	[tilespmem:v4+s1+$0x4050 ss:$0x1] =	vst.idx.msk $0xffff, v27  }
0x2c3: {  	(v2sf) =	vpush v5, $0x4;
	s30 =	spop (v2sf);
	v9 =	vld [tilespmem:s29+$0x4000]  }
0x2c4: {  	(v2sf) =	vpush v7, $0x4;
	v10 =	vld [tilespmem:s30+$0x4000]  }
0x2c5: {  	(v2sf) =	vpush v8, $0x4;
	v28 =	vld [tilespmem:s29+$0x4010]  }
0x2c6: {  	s31 =	spop (v2sf);
	v29 =	vld [tilespmem:s30+$0x4010]  }
0x2c7: {  	v30 =	vld [tilespmem:s31+$0x4000]  }
0x2c8: {  	(v2sf) =	vpush v6, $0x4;
	v31 =	vld [tilespmem:s31+$0x4010];
	_ =	sdelay $0x1  }
0x2c9: {  	v9 =	vadd.f32 v10, v9  }
0x2ca: {  	v32 =	vld [tilespmem:s26+$0x0];
	v11 =	vadd.f32 v29, v28  }
0x2cb: {  	v33 =	vld [tilespmem:s26+$0x10];
	v9 =	vadd.f32 v30, v9  }
0x2cc: {  	v11 =	vadd.f32 v31, v11  }
0x2cd: {  	v9 =	vmul.f32 $3.333333430e-01, v9  }
0x2ce: {  	v11 =	vmul.f32 $3.333333430e-01, v11  }
0x2cf: {  	v9 =	vadd.f32 v9, v32  }
0x2d0: {  	v34 =	vadd.f32 v11, v33  }
0x2d1: {  	s26 =	spop (v2sf);
	[tilespmem:v4+s1+$0x4060 ss:$0x1] =	vst.idx.msk $0xffff, v9  }
0x2d2: {  	s29 =	spop (v2sf);
	[tilespmem:v4+s1+$0x4070 ss:$0x1] =	vst.idx.msk $0xffff, v34  }
0x2d3: {  	(v2sf) =	vpush v5, $0x5;
	s30 =	spop (v2sf);
	v9 =	vld [tilespmem:s29+$0x4000]  }
0x2d4: {  	(v2sf) =	vpush v7, $0x5;
	v10 =	vld [tilespmem:s30+$0x4000]  }
0x2d5: {  	(v2sf) =	vpush v8, $0x5;
	v35 =	vld [tilespmem:s29+$0x4010]  }
0x2d6: {  	s31 =	spop (v2sf);
	v36 =	vld [tilespmem:s30+$0x4010]  }
0x2d7: {  	v37 =	vld [tilespmem:s31+$0x4000]  }
0x2d8: {  	(v2sf) =	vpush v6, $0x5;
	v38 =	vld [tilespmem:s31+$0x4010];
	_ =	sdelay $0x1  }
0x2d9: {  	v9 =	vadd.f32 v10, v9  }
0x2da: {  	v39 =	vld [tilespmem:s26+$0x0];
	v11 =	vadd.f32 v36, v35  }
0x2db: {  	v40 =	vld [tilespmem:s26+$0x10];
	v9 =	vadd.f32 v37, v9  }
0x2dc: {  	v11 =	vadd.f32 v38, v11  }
0x2dd: {  	v9 =	vmul.f32 $3.333333430e-01, v9  }
0x2de: {  	v11 =	vmul.f32 $3.333333430e-01, v11  }
0x2df: {  	v9 =	vadd.f32 v9, v39  }
0x2e0: {  	v41 =	vadd.f32 v11, v40  }
0x2e1: {  	s26 =	spop (v2sf);
	[tilespmem:v4+s1+$0x4080 ss:$0x1] =	vst.idx.msk $0xffff, v9  }
0x2e2: {  	s29 =	spop (v2sf);
	[tilespmem:v4+s1+$0x4090 ss:$0x1] =	vst.idx.msk $0xffff, v41  }
0x2e3: {  	(v2sf) =	vpush v5, $0x6;
	s30 =	spop (v2sf);
	v9 =	vld [tilespmem:s29+$0x4000]  }
0x2e4: {  	(v2sf) =	vpush v7, $0x6;
	v10 =	vld [tilespmem:s30+$0x4000]  }
0x2e5: {  	(v2sf) =	vpush v8, $0x6;
	v42 =	vld [tilespmem:s29+$0x4010]  }
0x2e6: {  	s31 =	spop (v2sf);
	v43 =	vld [tilespmem:s30+$0x4010]  }
0x2e7: {  	v44 =	vld [tilespmem:s31+$0x4000]  }
0x2e8: {  	(v2sf) =	vpush v6, $0x6;
	v45 =	vld [tilespmem:s31+$0x4010];
	_ =	sdelay $0x1  }
0x2e9: {  	v9 =	vadd.f32 v10, v9  }
0x2ea: {  	v46 =	vld [tilespmem:s26+$0x0];
	v11 =	vadd.f32 v43, v42  }
0x2eb: {  	v47 =	vld [tilespmem:s26+$0x10];
	v9 =	vadd.f32 v44, v9  }
0x2ec: {  	v11 =	vadd.f32 v45, v11  }
0x2ed: {  	v9 =	vmul.f32 $3.333333430e-01, v9  }
0x2ee: {  	v11 =	vmul.f32 $3.333333430e-01, v11  }
0x2ef: {  	v9 =	vadd.f32 v9, v46  }
0x2f0: {  	v48 =	vadd.f32 v11, v47  }
0x2f1: {  	s26 =	spop (v2sf);
	[tilespmem:v4+s1+$0x40A0 ss:$0x1] =	vst.idx.msk $0xffff, v9  }
0x2f2: {  	s29 =	spop (v2sf);
	[tilespmem:v4+s1+$0x40B0 ss:$0x1] =	vst.idx.msk $0xffff, v48  }
0x2f3: {  	(v2sf) =	vpush v5, $0x7;
	s30 =	spop (v2sf);
	v9 =	vld [tilespmem:s29+$0x4000]  }
0x2f4: {  	(v2sf) =	vpush v7, $0x7;
	v10 =	vld [tilespmem:s30+$0x4000]  }
0x2f5: {  	(v2sf) =	vpush v8, $0x7;
	v49 =	vld [tilespmem:s29+$0x4010]  }
0x2f6: {  	s31 =	spop (v2sf);
	v50 =	vld [tilespmem:s30+$0x4010]  }
0x2f7: {  	v51 =	vld [tilespmem:s31+$0x4000]  }
0x2f8: {  	(v2sf) =	vpush v6, $0x7;
	v52 =	vld [tilespmem:s31+$0x4010];
	_ =	sdelay $0x1  }
0x2f9: {  	v9 =	vadd.f32 v10, v9  }
0x2fa: {  	v53 =	vld [tilespmem:s26+$0x0];
	v11 =	vadd.f32 v50, v49  }
0x2fb: {  	v54 =	vld [tilespmem:s26+$0x10];
	v9 =	vadd.f32 v51, v9  }
0x2fc: {  	v11 =	vadd.f32 v52, v11  }
0x2fd: {  	v9 =	vmul.f32 $3.333333430e-01, v9  }
0x2fe: {  	v11 =	vmul.f32 $3.333333430e-01, v11  }
0x2ff: {  	v9 =	vadd.f32 v9, v53  }
0x300: {  	v55 =	vadd.f32 v11, v54  }
0x301: {  	s26 =	spop (v2sf);
	[tilespmem:v4+s1+$0x40C0 ss:$0x1] =	vst.idx.msk $0xffff, v9  }
0x302: {  	s29 =	spop (v2sf);
	[tilespmem:v4+s1+$0x40D0 ss:$0x1] =	vst.idx.msk $0xffff, v55  }
0x303: {  	(v2sf) =	vpush v5, $0x8;
	s30 =	spop (v2sf);
	v9 =	vld [tilespmem:s29+$0x4000]  }
0x304: {  	(v2sf) =	vpush v7, $0x8;
	v10 =	vld [tilespmem:s30+$0x4000]  }
0x305: {  	(v2sf) =	vpush v8, $0x8;
	v56 =	vld [tilespmem:s29+$0x4010]  }
0x306: {  	s31 =	spop (v2sf);
	v57 =	vld [tilespmem:s30+$0x4010]  }
0x307: {  	v58 =	vld [tilespmem:s31+$0x4000]  }
0x308: {  	(v2sf) =	vpush v6, $0x8;
	v59 =	vld [tilespmem:s31+$0x4010];
	_ =	sdelay $0x1  }
0x309: {  	v9 =	vadd.f32 v10, v9  }
0x30a: {  	v60 =	vld [tilespmem:s26+$0x0];
	v11 =	vadd.f32 v57, v56  }
0x30b: {  	v61 =	vld [tilespmem:s26+$0x10];
	v9 =	vadd.f32 v58, v9  }
0x30c: {  	v11 =	vadd.f32 v59, v11  }
0x30d: {  	v9 =	vmul.f32 $3.333333430e-01, v9  }
0x30e: {  	v11 =	vmul.f32 $3.333333430e-01, v11  }
0x30f: {  	v9 =	vadd.f32 v9, v60  }
0x310: {  	v62 =	vadd.f32 v11, v61  }
0x311: {  	s26 =	spop (v2sf);
	[tilespmem:v4+s1+$0x40E0 ss:$0x1] =	vst.idx.msk $0xffff, v9  }
0x312: {  	s29 =	spop (v2sf);
	[tilespmem:v4+s1+$0x40F0 ss:$0x1] =	vst.idx.msk $0xffff, v62  }
0x313: {  	(v2sf) =	vpush v5, $0x9;
	s30 =	spop (v2sf);
	v9 =	vld [tilespmem:s29+$0x4000]  }
0x314: {  	(v2sf) =	vpush v7, $0x9;
	v10 =	vld [tilespmem:s30+$0x4000]  }
0x315: {  	(v2sf) =	vpush v8, $0x9;
	v63 =	vld [tilespmem:s29+$0x4010]  }
0x316: {  	s31 =	spop (v2sf);
	v16 =	vld [tilespmem:s30+$0x4010]  }
0x317: {  	v17 =	vld [tilespmem:s31+$0x4000]  }
0x318: {  	(v2sf) =	vpush v6, $0x9;
	v18 =	vld [tilespmem:s31+$0x4010];
	_ =	sdelay $0x1  }
0x319: {  	v9 =	vadd.f32 v10, v9  }
0x31a: {  	v19 =	vld [tilespmem:s26+$0x0];
	v11 =	vadd.f32 v16, v63  }
0x31b: {  	v20 =	vld [tilespmem:s26+$0x10];
	v9 =	vadd.f32 v17, v9  }
0x31c: {  	v11 =	vadd.f32 v18, v11  }
0x31d: {  	v9 =	vmul.f32 $3.333333430e-01, v9  }
0x31e: {  	v11 =	vmul.f32 $3.333333430e-01, v11  }
0x31f: {  	v9 =	vadd.f32 v9, v19  }
0x320: {  	v21 =	vadd.f32 v11, v20  }
0x321: {  	s26 =	spop (v2sf);
	[tilespmem:v4+s1+$0x4100 ss:$0x1] =	vst.idx.msk $0xffff, v9  }
0x322: {  	s29 =	spop (v2sf);
	[tilespmem:v4+s1+$0x4110 ss:$0x1] =	vst.idx.msk $0xffff, v21  }
0x323: {  	(v2sf) =	vpush v5, $0xA;
	s30 =	spop (v2sf);
	v9 =	vld [tilespmem:s29+$0x4000]  }
0x324: {  	(v2sf) =	vpush v7, $0xA;
	v10 =	vld [tilespmem:s30+$0x4000]  }
0x325: {  	(v2sf) =	vpush v8, $0xA;
	v22 =	vld [tilespmem:s29+$0x4010]  }
0x326: {  	s31 =	spop (v2sf);
	v23 =	vld [tilespmem:s30+$0x4010]  }
0x327: {  	v24 =	vld [tilespmem:s31+$0x4000]  }
0x328: {  	(v2sf) =	vpush v6, $0xA;
	v25 =	vld [tilespmem:s31+$0x4010];
	_ =	sdelay $0x1  }
0x329: {  	v9 =	vadd.f32 v10, v9  }
0x32a: {  	v26 =	vld [tilespmem:s26+$0x0];
	v11 =	vadd.f32 v23, v22  }
0x32b: {  	v27 =	vld [tilespmem:s26+$0x10];
	v9 =	vadd.f32 v24, v9  }
0x32c: {  	v11 =	vadd.f32 v25, v11  }
0x32d: {  	v9 =	vmul.f32 $3.333333430e-01, v9  }
0x32e: {  	v11 =	vmul.f32 $3.333333430e-01, v11  }
0x32f: {  	v9 =	vadd.f32 v9, v26  }
0x330: {  	v28 =	vadd.f32 v11, v27  }
0x331: {  	s26 =	spop (v2sf);
	[tilespmem:v4+s1+$0x4120 ss:$0x1] =	vst.idx.msk $0xffff, v9  }
0x332: {  	s29 =	spop (v2sf);
	[tilespmem:v4+s1+$0x4130 ss:$0x1] =	vst.idx.msk $0xffff, v28  }
0x333: {  	(v2sf) =	vpush v5, $0xB;
	s30 =	spop (v2sf);
	v9 =	vld [tilespmem:s29+$0x4000]  }
0x334: {  	(v2sf) =	vpush v7, $0xB;
	v10 =	vld [tilespmem:s30+$0x4000]  }
0x335: {  	(v2sf) =	vpush v8, $0xB;
	v29 =	vld [tilespmem:s29+$0x4010]  }
0x336: {  	s31 =	spop (v2sf);
	v30 =	vld [tilespmem:s30+$0x4010]  }
0x337: {  	v31 =	vld [tilespmem:s31+$0x4000]  }
0x338: {  	(v2sf) =	vpush v6, $0xB;
	v32 =	vld [tilespmem:s31+$0x4010];
	_ =	sdelay $0x1  }
0x339: {  	v9 =	vadd.f32 v10, v9  }
0x33a: {  	v33 =	vld [tilespmem:s26+$0x0];
	v11 =	vadd.f32 v30, v29  }
0x33b: {  	v34 =	vld [tilespmem:s26+$0x10];
	v9 =	vadd.f32 v31, v9  }
0x33c: {  	v11 =	vadd.f32 v32, v11  }
0x33d: {  	v9 =	vmul.f32 $3.333333430e-01, v9  }
0x33e: {  	v11 =	vmul.f32 $3.333333430e-01, v11  }
0x33f: {  	v9 =	vadd.f32 v9, v33  }
0x340: {  	v35 =	vadd.f32 v11, v34  }
0x341: {  	s26 =	spop (v2sf);
	[tilespmem:v4+s1+$0x4140 ss:$0x1] =	vst.idx.msk $0xffff, v9  }
0x342: {  	s29 =	spop (v2sf);
	[tilespmem:v4+s1+$0x4150 ss:$0x1] =	vst.idx.msk $0xffff, v35  }
0x343: {  	(v2sf) =	vpush v5, $0xC;
	s30 =	spop (v2sf);
	v9 =	vld [tilespmem:s29+$0x4000]  }
0x344: {  	(v2sf) =	vpush v7, $0xC;
	v10 =	vld [tilespmem:s30+$0x4000]  }
0x345: {  	(v2sf) =	vpush v8, $0xC;
	v36 =	vld [tilespmem:s29+$0x4010]  }
0x346: {  	s31 =	spop (v2sf);
	v37 =	vld [tilespmem:s30+$0x4010]  }
0x347: {  	v38 =	vld [tilespmem:s31+$0x4000]  }
0x348: {  	(v2sf) =	vpush v6, $0xC;
	v39 =	vld [tilespmem:s31+$0x4010];
	_ =	sdelay $0x1  }
0x349: {  	v9 =	vadd.f32 v10, v9  }
0x34a: {  	v40 =	vld [tilespmem:s26+$0x0];
	v11 =	vadd.f32 v37, v36  }
0x34b: {  	v41 =	vld [tilespmem:s26+$0x10];
	v9 =	vadd.f32 v38, v9  }
0x34c: {  	v11 =	vadd.f32 v39, v11  }
0x34d: {  	v9 =	vmul.f32 $3.333333430e-01, v9  }
0x34e: {  	v11 =	vmul.f32 $3.333333430e-01, v11  }
0x34f: {  	v9 =	vadd.f32 v9, v40  }
0x350: {  	v42 =	vadd.f32 v11, v41  }
0x351: {  	s26 =	spop (v2sf);
	[tilespmem:v4+s1+$0x4160 ss:$0x1] =	vst.idx.msk $0xffff, v9  }
0x352: {  	s29 =	spop (v2sf);
	[tilespmem:v4+s1+$0x4170 ss:$0x1] =	vst.idx.msk $0xffff, v42  }
0x353: {  	(v2sf) =	vpush v5, $0xD;
	s30 =	spop (v2sf);
	v9 =	vld [tilespmem:s29+$0x4000]  }
0x354: {  	(v2sf) =	vpush v7, $0xD;
	v10 =	vld [tilespmem:s30+$0x4000]  }
0x355: {  	(v2sf) =	vpush v8, $0xD;
	v43 =	vld [tilespmem:s29+$0x4010]  }
0x356: {  	s31 =	spop (v2sf);
	v44 =	vld [tilespmem:s30+$0x4010]  }
0x357: {  	v45 =	vld [tilespmem:s31+$0x4000]  }
0x358: {  	(v2sf) =	vpush v6, $0xD;
	v46 =	vld [tilespmem:s31+$0x4010];
	_ =	sdelay $0x1  }
0x359: {  	v9 =	vadd.f32 v10, v9  }
0x35a: {  	v47 =	vld [tilespmem:s26+$0x0];
	v11 =	vadd.f32 v44, v43  }
0x35b: {  	v48 =	vld [tilespmem:s26+$0x10];
	v9 =	vadd.f32 v45, v9  }
0x35c: {  	v11 =	vadd.f32 v46, v11  }
0x35d: {  	v9 =	vmul.f32 $3.333333430e-01, v9  }
0x35e: {  	v11 =	vmul.f32 $3.333333430e-01, v11  }
0x35f: {  	v9 =	vadd.f32 v9, v47  }
0x360: {  	v49 =	vadd.f32 v11, v48  }
0x361: {  	s26 =	spop (v2sf);
	[tilespmem:v4+s1+$0x4180 ss:$0x1] =	vst.idx.msk $0xffff, v9  }
0x362: {  	s29 =	spop (v2sf);
	[tilespmem:v4+s1+$0x4190 ss:$0x1] =	vst.idx.msk $0xffff, v49  }
0x363: {  	(v2sf) =	vpush v5, $0xE;
	s30 =	spop (v2sf);
	v9 =	vld [tilespmem:s29+$0x4000]  }
0x364: {  	(v2sf) =	vpush v7, $0xE;
	v10 =	vld [tilespmem:s30+$0x4000]  }
0x365: {  	(v2sf) =	vpush v8, $0xE;
	v50 =	vld [tilespmem:s29+$0x4010]  }
0x366: {  	s31 =	spop (v2sf);
	v51 =	vld [tilespmem:s30+$0x4010]  }
0x367: {  	v52 =	vld [tilespmem:s31+$0x4000]  }
0x368: {  	(v2sf) =	vpush v6, $0xE;
	v53 =	vld [tilespmem:s31+$0x4010];
	_ =	sdelay $0x1  }
0x369: {  	v9 =	vadd.f32 v10, v9  }
0x36a: {  	v55 =	vld [tilespmem:s26+$0x0];
	v54 =	vadd.f32 v51, v50  }
0x36b: {  	v56 =	vld [tilespmem:s26+$0x10];
	v9 =	vadd.f32 v52, v9  }
0x36c: {  	v10 =	vadd.f32 v53, v54  }
0x36d: {  	v9 =	vmul.f32 $3.333333430e-01, v9  }
0x36e: {  	v10 =	vmul.f32 $3.333333430e-01, v10  }
0x36f: {  	v9 =	vadd.f32 v9, v55  }
0x370: {  	v10 =	vadd.f32 v10, v56  }
0x371: {  	s26 =	spop (v2sf);
	[tilespmem:v4+s1+$0x41A0 ss:$0x1] =	vst.idx.msk $0xffff, v9  }
0x372: {  	s29 =	spop (v2sf);
	[tilespmem:v4+s1+$0x41B0 ss:$0x1] =	vst.idx.msk $0xffff, v10  }
0x373: {  	(v2sf) =	vpush v5, $0xF;
	s30 =	spop (v2sf);
	v9 =	vld [tilespmem:s29+$0x4000]  }
0x374: {  	(v2sf) =	vpush v7, $0xF;
	v5 =	vld [tilespmem:s30+$0x4000]  }
0x375: {  	(v2sf) =	vpush v8, $0xF;
	v7 =	vld [tilespmem:s29+$0x4010]  }
0x376: {  	s31 =	spop (v2sf);
	v57 =	vld [tilespmem:s30+$0x4010]  }
0x377: {  	v10 =	vld [tilespmem:s31+$0x4000]  }
0x378: {  	(v2sf) =	vpush v6, $0xF;
	v58 =	vld [tilespmem:s31+$0x4010];
	_ =	sdelay $0x1  }
0x379: {  	v5 =	vadd.f32 v5, v9  }
0x37a: {  	v6 =	vld [tilespmem:s26+$0x0];
	v7 =	vadd.f32 v57, v7  }
0x37b: {  	v59 =	vld [tilespmem:s26+$0x10];
	v5 =	vadd.f32 v10, v5  }
0x37c: {  	v7 =	vadd.f32 v58, v7  }
0x37d: {  	v5 =	vmul.f32 $3.333333430e-01, v5  }
0x37e: {  	v7 =	vmul.f32 $3.333333430e-01, v7  }
0x37f: {  	v5 =	vadd.f32 v5, v6  }
0x380: {  	v6 =	vadd.f32 v7, v59  }
0x381: {  	s26 =	spop (v2sf);
	[tilespmem:v4+s1+$0x41C0 ss:$0x1] =	vst.idx.msk $0xffff, v5  }
0x382: {  	s29 =	spop (v2sf);
	[tilespmem:v4+s1+$0x41D0 ss:$0x1] =	vst.idx.msk $0xffff, v6  }
0x383: {  	s30 =	spop (v2sf);
	v5 =	vld [tilespmem:s29+$0x4000]  }
0x384: {  	v6 =	vld [tilespmem:s30+$0x4000]  }
0x385: {  	v7 =	vld [tilespmem:s29+$0x4010]  }
0x386: {  	s31 =	spop (v2sf);
	v60 =	vld [tilespmem:s30+$0x4010]  }
0x387: {  	v61 =	vld [tilespmem:s31+$0x4000]  }
0x388: {  	v62 =	vld [tilespmem:s31+$0x4010];
	_ =	sdelay $0x1  }
0x389: {  	v5 =	vadd.f32 v6, v5  }
0x38a: {  	v6 =	vld [tilespmem:s26+$0x0];
	v7 =	vadd.f32 v60, v7  }
0x38b: {  	v63 =	vld [tilespmem:s26+$0x10];
	v5 =	vadd.f32 v61, v5  }
0x38c: {  	v7 =	vadd.f32 v62, v7  }
0x38d: {  	p1 =	sne.s32 s3, $0x7800;
	v5 =	vmul.f32 $3.333333430e-01, v5  }
.Ltmp3:
0x38e: {  	v7 =	vmul.f32 $3.333333430e-01, v7;
	(pc) =	sbr.rel @p1 .LBB2_9-.Ltmp3, $4  }
0x38f: {  	v5 =	vadd.f32 v5, v6  }
0x390: {  	v6 =	vadd.f32 v7, v63  }
0x391: {  	[tilespmem:v4+s1+$0x41E0 ss:$0x1] =	vst.idx.msk $0xffff, v5  }
0x392: {  	s11 =	sadd.s32 $0x10, s11;
	s14 =	sadd.s32 $0x30, s14;
	s3 =	sadd.s32 $0x800, s3;
	[tilespmem:v4+s1+$0x41F0 ss:$0x1] =	vst.idx.msk $0xffff, v6  }
0x393: {  	s0 =	smul.u32 $0x6000, s8;
	s1 =	sadd.s32 $0x5, s10;
	s2 =	rddreg [dreg:$0x2]  }
0x394: {  	s17 =	sadd.s32 $0x8F7, s17;
	s15 =	sadd.s32 $0x8F7, s15;
	p1 =	sne.s32 s9, $0x55  }
.Ltmp4:
0x395: {  	s18 =	sadd.s32 $0x2FD, s18;
	s16 =	sadd.s32 $0x2FD, s16;
	(pc) =	sbr.rel @p1 .LBB2_4-.Ltmp4, $4  }
0x396: {  	p0 =	por !p0, !p0;
	s19 =	sadd.s32 $0x8F7, s19;
	s0 =	sadd.s32 s0, s13  }
0x397: {  	[tilespmem:s28+$0x11860] =	vst v2;
	s20 =	sadd.s32 $0x2FD, s20;
	s21 =	sadd.s32 $0x2FD, s21;
	s0 =	sshrl.u32 s0, $0x3  }
0x398: {  	[tilespmem:s28+$0x11870] =	vst v3;
	s22 =	sadd.s32 $0x8F7, s22;
	s8 =	smov.u32 s9;
	s0 =	sadd.s32 s2, s0  }
0x399: {  	[hbm4b:s0+s4] =	stream.linear.scatter [tilespmem:s7], [sflag:s1], $0x6000, $0x38;
	[tilespmem:$0x19860] =	vst v63  }
0x39a: {  	s0 =	simm.s32 $0x6  }
0x39b: {  	_ =	swait.ge [sflag:s0], $0x6000  }
0x39c: {  	[sflag:s0] =	ssyncset.done $0x0  }
0x39d: {  	s1 =	simm.s32 $0x5;
	[sflag:s0] =	ssyncadd.s32 $0xFFFFA000  }
0x39e: {  	_ =	swait.ge [sflag:s1], $0x6000  }
0x39f: {  	s3 =	rddreg [dreg:$0x14]  }
0x3a0: {  	s31 =	rddreg [dreg:$0xb];
	s3 =	sadd.s32 $0x1, s3  }
0x3a1: {  	p0 =	sne.s32 s3, s31  }
.Ltmp5:
0x3a2: {  	_ = 	snop;
	(pc) =	sbr.rel @p0 .LBB2_1-.Ltmp5, $3  }
0x3a3: {  	_ =	sdelay $0x1  }
0x3a4: {  	[sflag:s1] =	ssyncset.done $0x0  }
0x3a5: {  	s2 =	simm.s32 $0x7;
	[sflag:s1] =	ssyncadd.s32 $0xFFFFA000  }
0x3a6: {  	_ =	sfence.sel $0x180000  }
0x3a7: {  	[bflag:$0x0] =	sbarrier.arrive $0xFFFF  }
0x3a8: {  	_ =	strace $0x90000047  }
0x3a9: {  	s0 =	stileid.u32;
	[bflag:$0x2] =	sbarrier.arrive $0xFFFF  }
0x3aa: {  	p0 =	sne.s32 s0, $0x0;
	s0 =	rddreg [dreg:$0x3]  }
0x3ab: {  	s0 =	sadd.s32 @!p0 $0x100000, s0  }
0x3ac: {  	[sflag:s0] =	ssyncadd.tile.s32 @!p0 $0x1;
	_ =	shalt  }
.Lfunc_end2:
_tile_overlayer_lowered:
.L_overlay_start_2:
0x3ad: {  	(tag) =	ssettag $0x2  }
0x3ae: {  	s0 =	rddreg [dreg:$0x0];
	s2 =	stileid.u32  }
0x3af: {  	s1 =	rddreg [dreg:$0x1];
	p0 =	sne.s32 s2, $0x0  }
0x3b0: {  	s3 =	rddreg [dreg:$0x2];
	[bflag:$0x3] =	sbarrier.arrive $0xFFFF;
	s2 =	simm.s32 @!p0 $0x1C07  }
0x3b1: {  	[timem:s3], [sflag:s2] =	dma.local @!p0 [hbm:s0], s1  }
0x3b2: {  	s0 =	simm.s32 @!p0 $0x7  }
0x3b3: {  	_ =	swait.ge @!p0 [sflag:s0], s1  }
0x3b4: {  	s1 =	ssub.s32 @!p0 $0x0, s1;
	[sflag:s0] =	ssyncset.done @!p0 $0x0  }
0x3b5: {  	[sflag:s0] =	ssyncadd.s32 @!p0 s1  }
0x3b6: {  	[bflag:$0x3] =	sbarrier.arrive $0xFFFF  }
0x3b7: {  	_ =	shalt  }

// kernel: sparse-core-data-format-call.cloned.1.call-start
scs
called_computation_lowered:
.L_overlay_start_0:
0x0: {  	s2 =	sld [smem:$0x3FD9]  }
0x1: {  	s3 =	sld [smem:$0x3FFE];
	_ =	sdelay $0x1  }
0x2: {  	s1 =	srdreg.scid  }
0x3: {  	s0 =	sand.u32 $0x1, s1  }
0x4: {  	s18 =	sshll.u32 s0, $0xA;
	s2 =	sadd.s32 s3, s2  }
0x5: {  	s2 =	sadd.s32 s2, s18  }
0x6: {  	[smem:$0x3FC3] =	sst s2  }
0x7: {  	_ = 	snop  }
0x8: {  	s2 =	sld [smem:$0x3FD0];
	(tm) =	ssettm $0x1  }
0x9: {  	s19 =	sld [smem:$0x3FFB];
	_ =	sdelay $0x3  }
0xa: {  	_ =	strace s19  }
0xb: {  	s3 =	sld [smem:$0x3FFC];
	_ =	sdelay $0x3  }
0xc: {  	_ =	strace s3  }
0xd: {  	s3 =	sld [smem:$0x3FFD];
	_ =	sdelay $0x3  }
0xe: {  	_ =	strace s3  }
0xf: {  	_ =	strace $0x8FFFFFFF  }
0x10: {  	s20 =	sld [smem:$0x3FDB];
	_ =	sdelay $0x1  }
0x11: {  	s4 =	simm.s32 $_scs_section_size  }
0x12: {  	s5 =	simm.s32 $_size__tile_overlayer_lowered;
	s6 =	simm.s32 $_tile_overlayer_lowered  }
0x13: {  	s23 =	simm.s32 $0x1BFF;
	s22 =	sshll.u32 s6, $0x1;
	s3 =	sadd.s32 s4, s20  }
0x14: {  	s7 =	simm.s32 $0x0;
	s21 =	sshll.u32 s5, $0x1;
	s5 =	sadd.s32 s22, s3  }
0x15: {  	[timem:s7], [sflag:s23] =	dma.local [hbm:s5], s21  }
0x16: {  	_ =	swait.ge [sflag:s23], s21  }
0x17: {  	s4 =	ssub.s32 $0x0, s21;
	[sflag:s23] =	ssyncset.done $0x0  }
0x18: {  	[sflag:s23] =	ssyncadd.s32 s4;
	_ =	sdelay $0x1  }
0x19: {  	s24 =	simm.s32 $0x1B8B  }
0x1a: {  	_ =	swait.ge [sflag:s24], $0x1  }
0x1b: {  	[sflag:s24] =	ssyncset.done $0x0  }
0x1c: {  	s26 =	simm.s32 $0x1B8E;
	s25 =	sld [smem:$0x3FFE];
	[sflag:s24] =	ssyncadd.s32 $0xFFFFFFFF  }
0x1d: {  	s27 =	simm.s32 $execute0_lowered;
	[smem:$0x3FD2] =	sst s26  }
0x1e: {  	s5 =	sshll.u32 s27, $0x1;
	_ =	strace $0x80000049;
	[dreg:$0x1] =	wrdreg $0xFFFFFFFF  }
0x1f: {  	s28 =	simm.s32 $_size_execute0_lowered;
	s3 =	sadd.s32 s3, s5;
	[dreg:$0x0] =	wrdreg $0x0  }
0x20: {  	s5 =	sshll.u32 s28, $0x1;
	[dreg:$0x2] =	wrdreg s3  }
0x21: {  	[dreg:$0x3] =	wrdreg s5  }
0x22: {  	[dreg:$0x4] =	wrdreg $0xC0  }
0x23: {  	_ =	task [dreg:s7], $0x5FFFF  }
0x24: {  	[dreg:$0x1] =	wrdreg $0xFFFFFFFF  }
0x25: {  	[dreg:$0x0] =	wrdreg $0x60  }
0x26: {  	[dreg:$0x2] =	wrdreg s25  }
0x27: {  	[dreg:$0x3] =	wrdreg s2  }
0x28: {  	[dreg:$0x4] =	wrdreg $0x9  }
0x29: {  	_ =	task.clear_ibuf [dreg:s7], $0x5FFFF;
	_ =	strace $0x90000049  }
0x2a: {  	s29 =	simm.s32 $0x9;
	_ =	strace $0x8000004B  }
0x2b: {  	_ =	swait.ge [sflag:s29], $0x1  }
0x2c: {  	[sflag:s29] =	ssyncadd.s32 $0xFFFFFFFF  }
0x2d: {  	_ =	strace $0x9000004B  }
0x2e: {  	_ =	sfence  }
0x2f: {  	s30 =	sld [smem:$0x0];
	_ =	sdelay $0x2  }
0x30: {  	s31 =	sshll.u32 s1, $0xD;
	s1 =	sshrl.u32 s1, $0x2  }
0x31: {  	s3 =	sand.u32 $0x4000, s31;
	s1 =	sadd.s32 s1, s30  }
0x32: {  	s0 =	sor.u32 s3, s0;
	s1 =	sshll.u32 s1, $0x11  }
0x33: {  	s0 =	sor.u32 s1, s0  }
0x34: {  	s0 =	sadd.s32 $0x8F2B, s0  }
0x35: {  	[sflag:s0] =	ssyncadd.remote.s32 $0x1  }
0x36: {  	_ =	sfence.sel $0xFFFF  }
0x37: {  	[dreg:$0x0] =	wrdreg $0xFFFFFFFF;
	(pc) =	sbr.abs _section_cstart, $3  }
0x38: {  	[dreg:$0x1] =	wrdreg $0xFFFFFFFF  }
0x39: {  	_ =	task.clear_ibuf [dreg:s7], $0x2FFFF;
	_ =	strace $0x9FFFFFFF  }
0x3a: {  	(tm) =	ssettm $0x7FFFFFFF  }
0x3b: {  	_ =	shalt  }
tec
execute0_lowered:
.L_overlay_start_1:
0x0: {  	(tag) =	ssettag $0x1  }
0x1: {  	s8 =	rddreg [dreg:$0x0]  }
0x2: {  	s2 =	rddreg [dreg:$0x1]  }
0x3: {  	s0 =	rddreg [dreg:$0x2]  }
0x4: {  	s1 =	srdreg.scid;
	_ =	strace $0x8000004A;
	s6 =	simm.s32 $0x2  }
0x5: {  	s14 =	simm.s32 $0x0;
	p0 =	por $0x0, $0x0;
	s9 =	simm.s32 $0x800  }
0x6: {  	s15 =	simm.s32 $0x0;
	s16 =	simm.s32 $0x0;
	s11 =	simm.s32 $0x0  }
.Ltmp0:
0x7: {  	s12 =	simm.s32 $0x0;
	s4 =	sshll.u32 s1, $0x4;
	(pc) =	sbr.rel .LBB1_1-.Ltmp0, $4  }
0x8: {  	s10 =	simm.s32 $0x0;
	s5 =	sand.u32 $0x10, s4;
	s4 =	simm.s32 $0x1  }
0x9: {  	s3 =	sadd.s32 $0xA00, s8;
	s1 =	stileid.u32;
	[sflag:s4] =	ssyncpa.u1 $0x0  }
0xa: {  	s7 =	sadd.s32 $0x2A00, s8;
	s5 =	sor.u32 s1, s5;
	[sflag:s6] =	ssyncpa.u1 $0x0  }
0xb: {  	s6 =	sadd.s32 $0x1A00, s8;
	s8 =	sadd.s32 $0x3A00, s8;
	s13 =	smov.u32 s5  }
.LBB1_7:
0xc: {  	s17 =	sadd.s32 $0x80, s11  }
0xd: {  	s14 =	sadd.s32 $0x4, s12;
	s18 =	smov.u32 s12;
	p2 =	sgt.s32 s17, $0xFF  }
0xe: {  	s18 =	smov.u32 @p2 s14  }
0xf: {  	s20 =	smov.u32 s13;
	s14 =	sadd.s32 $0x20, s13;
	p3 =	sgt.s32 s18, $0xFF  }
0x10: {  	p1 =	slt.u32 s10, $0x2;
	s20 =	smov.u32 @p3 s14  }
0x11: {  	s10 =	sadd.s32 $0x1, s10;
	s17 =	simm.s32 @p2 $0x0;
	p2 =	sgt.s32 s20, $0x1F  }
0x12: {  	s20 =	smov.u32 @p2 s5;
	p2 =	sne.s32 s10, $0x82  }
.Ltmp1:
0x13: {  	s19 =	simm.s32 @!p1 $0x2;
	(pc) =	sbr.rel @!p2 .LBB1_8-.Ltmp1, $4  }
0x14: {  	s15 =	smov.u32 s12;
	_ =	swait.ge @!p1 [sflag:s19], $0x4000  }
0x15: {  	s16 =	smov.u32 s13;
	p0 =	por !p0, !p0;
	[sflag:s19] =	ssyncset.done @!p1 $0x0  }
0x16: {  	s18 =	simm.s32 @p3 $0x0;
	s14 =	smov.u32 s11;
	[sflag:s19] =	ssyncadd.s32 @!p1 $0xFFFFC000  }
0x17: {  	s11 =	smov.u32 s17;
	s12 =	smov.u32 s18;
	s13 =	smov.u32 s20  }
.LBB1_1:
0x18: {  	p1 =	sgt.u32 s10, $0x7F  }
0x19: {  	s17 =	sxor.u32 @!p1 $0xFFFFFFFF, s10;
	s18 =	sshll.u32 @!p1 s13, $0x14;
	s19 =	sshll.u32 @!p1 s12, $0xC  }
0x1a: {  	s21 =	sshll.u32 @!p1 s11, $0x4;
	s22 =	simm.s32 @!p1 $0x20;
	s20 =	sadd.s32 @!p1 s18, s19  }
0x1b: {  	s17 =	sshll.u32 @!p1 s17, $0xE;
	s21 =	sand.u32 @!p1 $0xFF0, s21;
	s20 =	sadd.s32 @!p1 s3, s20  }
0x1c: {  	s23 =	simm.s32 @!p1 $0x80;
	s17 =	sand.u32 @!p1 $0x4000, s17;
	s20 =	sadd.s32 @!p1 s21, s20  }
0x1d: {  	[tilespmem:s17], [sflag:$0x1] =	stream.strided.gather @!p1 [hbm4b:s20+s22], $0x1000, s23, s22, $0x38;
	[tilespmem:$0x10100] =	vst v63  }
0x1e: {  	s20 =	sadd.s32 @!p1 s18, s6  }
0x1f: {  	s20 =	sadd.s32 @!p1 s19, s20  }
0x20: {  	s24 =	sor.u32 @!p1 $0x1000, s17;
	s20 =	sadd.s32 @!p1 s21, s20  }
0x21: {  	[tilespmem:s24], [sflag:$0x1] =	stream.strided.gather @!p1 [hbm4b:s20+s22], $0x1000, s23, s22, $0x38;
	[tilespmem:$0x10100] =	vst v63  }
0x22: {  	s20 =	sadd.s32 @!p1 s18, s7  }
0x23: {  	s18 =	sadd.s32 @!p1 s18, s8;
	s20 =	sadd.s32 @!p1 s19, s20  }
0x24: {  	s24 =	sor.u32 @!p1 $0x2000, s17;
	s18 =	sadd.s32 @!p1 s19, s18;
	s20 =	sadd.s32 @!p1 s21, s20  }
0x25: {  	[tilespmem:s24], [sflag:$0x1] =	stream.strided.gather @!p1 [hbm4b:s20+s22], $0x1000, s23, s22, $0x38;
	[tilespmem:$0x10100] =	vst v63  }
0x26: {  	s17 =	sor.u32 @!p1 $0x3000, s17;
	s18 =	sadd.s32 @!p1 s21, s18  }
0x27: {  	[tilespmem:s17], [sflag:$0x1] =	stream.strided.gather @!p1 [hbm4b:s18+s22], $0x1000, s23, s22, $0x38;
	[tilespmem:$0x10100] =	vst v63  }
0x28: {  	p1 =	seq.s32 s10, $0x0  }
0x29: {  	p2 =	seq.s32 @!p1 s10, $0x81  }
0x2a: {  	p1 =	por p1, p2  }
.Ltmp2:
0x2b: {  	_ = 	snop;
	(pc) =	sbr.rel @p1 .LBB1_7-.Ltmp2, $1  }
0x2c: {  	_ =	sdelay $0x3  }
0x2d: {  	s17 =	simm.s32 $0x1;
	s19 =	sand.u32 $0x1, s10  }
0x2e: {  	_ =	swait.ge [sflag:s4], $0x4000;
	s17 =	simm.s32 @!p0 $0x0;
	s20 =	smul.u32 $0x10200, s19  }
0x2f: {  	[sflag:s4] =	ssyncset.done $0x0;
	s18 =	smul.u32 $0x10200, s17  }
0x30: {  	s17 =	sshll.u32 s17, $0xE;
	[sflag:s4] =	ssyncadd.s32 $0xFFFFC000  }
0x31: {  	s19 =	sor.u32 $0x10, s17;
	s31 =	sshrl.u32 s20, $0x2;
	s18 =	sshrl.u32 s18, $0x2  }
0x32: {  	s20 =	simm.s32 $0x0;
	s17 =	sor.u32 $0x8000, s31;
	s18 =	sor.u32 $0x8000, s18  }
.LBB1_3:
0x33: {  	v1 =	vld [tilespmem:s19+$0x0]  }
0x34: {  	v0 =	vld [tilespmem:s19+$0xFFFFFFF0];
	_ =	sdelay $0x2  }
0x35: {  	s23 =	sadd.s32 $0x0, s18  }
0x36: {  	s21 =	simm.s32 $0x4;
	s22 =	sadd.s32 $0x20, s19;
	[tilespmem:s23+$0x810 ss:$0x81] =	vst.msk $0xffff, v1  }
.LBB1_4:
0x37: {  	v1 =	vld [tilespmem:s22+$0x0];
	p1 =	sne.s32 s21, $0x1FC;
	[tilespmem:s23+$0x0 ss:$0x81] =	vst.msk $0xffff, v0;
	s23 =	smov.u32 s21;
	s21 =	sadd.s32 $0x4, s21  }
.Ltmp3:
0x38: {  	v0 =	vld [tilespmem:s22+$0xFFFFFFF0];
	(pc) =	sbr.rel @p1 .LBB1_4-.Ltmp3, $4  }
0x39: {  	_ = 	snop  }
0x3a: {  	s23 =	sshra.s32 s23, $0x2  }
0x3b: {  	s23 =	sadd.s32 s23, s18  }
0x3c: {  	s22 =	sadd.s32 $0x20, s22;
	[tilespmem:s23+$0x810 ss:$0x81] =	vst.msk $0xffff, v1  }
0x3d: {  	s20 =	sadd.s32 $0x1, s20  }
0x3e: {  	p1 =	sne.s32 s20, $0x4  }
.Ltmp4:
0x3f: {  	_ = 	snop;
	(pc) =	sbr.rel @p1 .LBB1_3-.Ltmp4, $2  }
0x40: {  	_ =	sdelay $0x2  }
0x41: {  	[tilespmem:s23+$0x0 ss:$0x81] =	vst.msk $0xffff, v0;
	s18 =	sadd.s32 $0x1020, s18;
	s19 =	sadd.s32 $0x1000, s19  }
0x42: {  	s16 =	sshll.u32 s16, $0x12;
	s18 =	sand.u32 $0x380, s14  }
.Ltmp5:
0x43: {  	s15 =	sshll.u32 s15, $0xA;
	s16 =	sadd.s32 s2, s16;
	(pc) =	sbr.rel .LBB1_7-.Ltmp5, $4  }
0x44: {  	s19 =	sshrl.u32 s14, $0x3;
	s30 =	sand.u32 $0x7, s14;
	s15 =	sadd.s32 s15, s16  }
0x45: {  	s31 =	sand.u32 $0xF, s19;
	s14 =	sshll.u32 s30, $0x12;
	s15 =	sadd.s32 s18, s15  }
0x46: {  	s14 =	sor.u32 $0x400, s14;
	s15 =	sadd.s32 s31, s15  }
0x47: {  	[hbm4b:s15+s14] =	stream.strided.scatter [tilespmem:s17], [sflag:$0x2], $0x4000, s9, s14, $0x20;
	[tilespmem:$0x10100] =	vst v63  }
.LBB1_8:
0x48: {  	_ =	sfence.sel $0x180000  }
0x49: {  	s2 =	simm.s32 $0x1;
	[bflag:$0x0] =	sbarrier.arrive $0xFFFF  }
0x4a: {  	s31 =	simm.s32 $0x2;
	[sflag:s2] =	ssyncpa.u1 $0x1  }
0x4b: {  	[sflag:s31] =	ssyncpa.u1 $0x1  }
0x4c: {  	p0 =	sne.s32 s1, $0x0;
	_ =	strace $0x9000004A  }
0x4d: {  	s0 =	sadd.s32 @!p0 $0x100000, s0;
	[bflag:$0x2] =	sbarrier.arrive $0xFFFF  }
0x4e: {  	[sflag:s0] =	ssyncadd.tile.s32 @!p0 $0x1;
	_ =	shalt  }
.Lfunc_end1:
_tile_overlayer_lowered:
.L_overlay_start_2:
0x4f: {  	(tag) =	ssettag $0x2  }
0x50: {  	s0 =	rddreg [dreg:$0x0];
	s2 =	stileid.u32  }
0x51: {  	s1 =	rddreg [dreg:$0x1];
	p0 =	sne.s32 s2, $0x0  }
0x52: {  	s3 =	rddreg [dreg:$0x2];
	[bflag:$0x3] =	sbarrier.arrive $0xFFFF;
	s2 =	simm.s32 @!p0 $0x1C01  }
0x53: {  	[timem:s3], [sflag:s2] =	dma.local @!p0 [hbm:s0], s1  }
0x54: {  	s0 =	simm.s32 @!p0 $0x1  }
0x55: {  	_ =	swait.ge @!p0 [sflag:s0], s1  }
0x56: {  	s1 =	ssub.s32 @!p0 $0x0, s1;
	[sflag:s0] =	ssyncset.done @!p0 $0x0  }
0x57: {  	[sflag:s0] =	ssyncadd.s32 @!p0 s1  }
0x58: {  	[bflag:$0x3] =	sbarrier.arrive $0xFFFF  }
0x59: {  	_ =	shalt  }

</sc_bundles>
